<compile_context>
chip_gen: v7x
topology: tpu7x:2x2x1
jax: 0.10.2.dev20260603
libtpu: 0.0.44.dev20260713+nightly
codegen_flags: <defaults>
</compile_context>

<pallas_src>
import functools

import jax
import jax.numpy as jnp
from jax import lax
from jax.experimental import pallas as pl
from jax.experimental.pallas import tpu as pltpu
from jax.experimental.pallas import tpu_sc as plsc

NW = 32
LANES = 16
R = 8


def kernel(input, position_embeddings):
    B, S, D = input.shape
    seq_per_w = S // NW
    nchunk = seq_per_w // R
    vecs_per_row = D // LANES
    vecs = R * vecs_per_row

    mesh = plsc.VectorSubcoreMesh(
        core_axis_name="c", subcore_axis_name="s", num_cores=2, num_subcores=16
    )

    @functools.partial(
        pl.kernel,
        out_type=jax.ShapeDtypeStruct((B, S, D), jnp.float32),
        mesh=mesh,
        scratch_types=(
            [pltpu.VMEM((B, R, D), jnp.float32)] * 3
            + [pltpu.VMEM((R, D), jnp.float32)] * 2
            + [pltpu.SemaphoreType.DMA] * 8
        ),
    )
    def run(x_hbm, pos_hbm, out_hbm, xb0, xb1, xb2, pb0, pb1,
            xs0, xs1, xs2, os0, os1, os2, ps0, ps1):
        xbufs, pbufs = [xb0, xb1, xb2], [pb0, pb1]
        xsems, osems, psems = [xs0, xs1, xs2], [os0, os1, os2], [ps0, ps1]

        wid = lax.axis_index("s") * 2 + lax.axis_index("c")
        seq0 = wid * seq_per_w

        def start_fills(ci):
            row0 = seq0 + ci * R
            pd = pltpu.async_copy(
                pos_hbm.at[pl.ds(row0, R), :], pbufs[ci % 2], psems[ci % 2])
            xd = pltpu.async_copy(
                x_hbm.at[:, pl.ds(row0, R), :], xbufs[ci % 3], xsems[ci % 3])
            return pd, xd

        fills = {0: start_fills(0)}
        outs = {}
        for ci in range(nchunk):
            k = ci % 3
            pd, xd = fills.pop(ci)
            pd.wait()
            xd.wait()
            if ci + 1 < nchunk:
                if ci >= 2 and (ci - 2) in outs:
                    for od in outs.pop(ci - 2):
                        od.wait()
                fills[ci + 1] = start_fills(ci + 1)

            xbuf, pbuf = xbufs[k], pbufs[ci % 2]

            @plsc.parallel_loop(0, vecs, unroll=4)
            def vec_loop(j):
                r = lax.shift_right_logical(j, 6)
                off = pl.multiple_of(
                    lax.bitwise_and(j, vecs_per_row - 1) * LANES, LANES)
                p = pbuf[r, pl.ds(off, LANES)]
                for b in range(B):
                    xbuf[b, r, pl.ds(off, LANES)] = (
                        xbuf[b, r, pl.ds(off, LANES)] + p)

            row0 = seq0 + ci * R
            outs[ci] = [pltpu.async_copy(
                xbuf, out_hbm.at[:, pl.ds(row0, R), :], osems[k])]

        for ci in sorted(outs):
            for od in outs.pop(ci):
                od.wait()

    return run(input, position_embeddings)

# --- scband reference (transcript-rebuilt; emitter-appended) ---
"""Pipeline reference for scband-learned-positional-embedding-12902081757330 (READ-ONLY COPY).

The authoritative reference and input builder live on the scoring server;
editing this copy changes nothing except your own understanding.
"""

import jax, jax.numpy as jnp
import numpy as np

MAX_LEN = 8192
D_MODEL = 1024

def setup_inputs(seed: int = 0) -> dict:
    key = jax.random.key(seed)
    k1, k2 = jax.random.split(key)
    x = jax.random.normal(k1, (4, 4096, D_MODEL), dtype=jnp.float32)
    # learned position embedding table, N(0,1) like nn.Embedding default init
    position_embeddings = jax.random.normal(k2, (MAX_LEN, D_MODEL), dtype=jnp.float32)
    return {"input": x, "position_embeddings": position_embeddings}

def reference(input, position_embeddings):
    seq_len = input.shape[-2]
    positions = jnp.arange(seq_len, dtype=jnp.int32)
    pos_emb = jnp.take(position_embeddings, positions, axis=0)  # [seq_len, d_model]
    return input + pos_emb[None, :, :]

if __name__ == "__main__":
    import jax
    _d = setup_inputs()
    print(jax.jit(kernel)(*tuple(_d.values())))

</pallas_src>

<mosaic_0001>
#map = affine_map<(d0, d1) -> (0, 0, 0)>
#map1 = affine_map<(d0, d1) -> (0, 0)>
module attributes {stable_mosaic.version = 14 : i64} {
  func.func @run(%arg0: i32, %arg1: i32, %arg2: memref<4x4096x1024xf32, #tpu.memory_space<hbm>>, %arg3: memref<8192x1024xf32, #tpu.memory_space<hbm>>, %arg4: memref<4x4096x1024xf32, #tpu.memory_space<hbm>>, %arg5: memref<4x8x1024xf32, #tpu.memory_space<vmem>>, %arg6: memref<4x8x1024xf32, #tpu.memory_space<vmem>>, %arg7: memref<4x8x1024xf32, #tpu.memory_space<vmem>>, %arg8: memref<8x1024xf32, #tpu.memory_space<vmem>>, %arg9: memref<8x1024xf32, #tpu.memory_space<vmem>>, %arg10: memref<!tpu.dma_semaphore, #tpu.memory_space<semaphore_mem>>, %arg11: memref<!tpu.dma_semaphore, #tpu.memory_space<semaphore_mem>>, %arg12: memref<!tpu.dma_semaphore, #tpu.memory_space<semaphore_mem>>, %arg13: memref<!tpu.dma_semaphore, #tpu.memory_space<semaphore_mem>>, %arg14: memref<!tpu.dma_semaphore, #tpu.memory_space<semaphore_mem>>, %arg15: memref<!tpu.dma_semaphore, #tpu.memory_space<semaphore_mem>>, %arg16: memref<!tpu.dma_semaphore, #tpu.memory_space<semaphore_mem>>, %arg17: memref<!tpu.dma_semaphore, #tpu.memory_space<semaphore_mem>>) attributes {dimension_semantics = [#tpu.dimension_semantics<core_parallel>, #tpu.dimension_semantics<subcore_parallel>], iteration_bounds = array<i64: 2, 16>, scalar_prefetch = 0 : i64, scratch_operands = 13 : i64, tpu.core_type = #tpu.core_type<sc_vector_subcore>, window_params = [{transform_indices = #map}, {transform_indices = #map1}, {transform_indices = #map}]} {
    %mul3A = arith.constant 2 : i32
    %mul3A_0 = arith.muli %arg1, %mul3A : i32
    %add3A = arith.addi %mul3A_0, %arg0 : i32
    %mul3A_1 = arith.constant 128 : i32
    %mul3A_2 = arith.muli %add3A, %mul3A_1 : i32
    %add3A_3 = arith.constant 0 : i32
    %add3A_4 = arith.addi %mul3A_2, %add3A_3 : i32
    %dma_start3A = arith.constant 0 : i32
    %dma_start3A_5 = tpu.memref_slice %arg3[%add3A_4, %dma_start3A] : memref<8192x1024xf32, #tpu.memory_space<hbm>> -> memref<8x1024xf32, #tpu.memory_space<hbm>>
    %dma_start3A_6 = arith.constant 0 : i32
    %dma_start3A_7 = tpu.memref_slice %arg3[%add3A_4, %dma_start3A_6] : memref<8192x1024xf32, #tpu.memory_space<hbm>> -> memref<8x1024xf32, #tpu.memory_space<hbm>>
    tpu.enqueue_dma source(%dma_start3A_7 : memref<8x1024xf32, #tpu.memory_space<hbm>>) target(%arg8 : memref<8x1024xf32, #tpu.memory_space<vmem>>) target_semaphore(%arg16 : memref<!tpu.dma_semaphore, #tpu.memory_space<semaphore_mem>>)
    %dma_start3A_8 = arith.constant 0 : i32
    %dma_start3A_9 = arith.constant 0 : i32
    %dma_start3A_10 = tpu.memref_slice %arg2[%dma_start3A_8, %add3A_4, %dma_start3A_9] : memref<4x4096x1024xf32, #tpu.memory_space<hbm>> -> memref<4x8x1024xf32, #tpu.memory_space<hbm>>
    %dma_start3A_11 = arith.constant 0 : i32
    %dma_start3A_12 = arith.constant 0 : i32
    %dma_start3A_13 = tpu.memref_slice %arg2[%dma_start3A_11, %add3A_4, %dma_start3A_12] : memref<4x4096x1024xf32, #tpu.memory_space<hbm>> -> memref<4x8x1024xf32, #tpu.memory_space<hbm>>
    tpu.enqueue_dma source(%dma_start3A_13 : memref<4x8x1024xf32, #tpu.memory_space<hbm>>) target(%arg5 : memref<4x8x1024xf32, #tpu.memory_space<vmem>>) target_semaphore(%arg10 : memref<!tpu.dma_semaphore, #tpu.memory_space<semaphore_mem>>)
    %dma_wait3A = arith.constant 0 : i32
    %dma_wait3A_14 = tpu.memref_slice %arg3[%add3A_4, %dma_wait3A] : memref<8192x1024xf32, #tpu.memory_space<hbm>> -> memref<8x1024xf32, #tpu.memory_space<hbm>>
    %dma_wait3A_15 = arith.constant 0 : i32
    %dma_wait3A_16 = tpu.memref_slice %arg3[%add3A_4, %dma_wait3A_15] : memref<8192x1024xf32, #tpu.memory_space<hbm>> -> memref<8x1024xf32, #tpu.memory_space<hbm>>
    tpu.wait_dma2 semaphore(%arg16 : memref<!tpu.dma_semaphore, #tpu.memory_space<semaphore_mem>>) src(%dma_wait3A_16 : memref<8x1024xf32, #tpu.memory_space<hbm>>) dst(%arg8 : memref<8x1024xf32, #tpu.memory_space<vmem>>)
    %dma_wait3A_17 = arith.constant 0 : i32
    %dma_wait3A_18 = arith.constant 0 : i32
    %dma_wait3A_19 = tpu.memref_slice %arg2[%dma_wait3A_17, %add3A_4, %dma_wait3A_18] : memref<4x4096x1024xf32, #tpu.memory_space<hbm>> -> memref<4x8x1024xf32, #tpu.memory_space<hbm>>
    %dma_wait3A_20 = arith.constant 0 : i32
    %dma_wait3A_21 = arith.constant 0 : i32
    %dma_wait3A_22 = tpu.memref_slice %arg2[%dma_wait3A_20, %add3A_4, %dma_wait3A_21] : memref<4x4096x1024xf32, #tpu.memory_space<hbm>> -> memref<4x8x1024xf32, #tpu.memory_space<hbm>>
    tpu.wait_dma2 semaphore(%arg10 : memref<!tpu.dma_semaphore, #tpu.memory_space<semaphore_mem>>) src(%dma_wait3A_22 : memref<4x8x1024xf32, #tpu.memory_space<hbm>>) dst(%arg5 : memref<4x8x1024xf32, #tpu.memory_space<vmem>>)
    %add3A_23 = arith.constant 8 : i32
    %add3A_24 = arith.addi %mul3A_2, %add3A_23 : i32
    %dma_start3A_25 = arith.constant 0 : i32
    %dma_start3A_26 = tpu.memref_slice %arg3[%add3A_24, %dma_start3A_25] : memref<8192x1024xf32, #tpu.memory_space<hbm>> -> memref<8x1024xf32, #tpu.memory_space<hbm>>
    %dma_start3A_27 = arith.constant 0 : i32
    %dma_start3A_28 = tpu.memref_slice %arg3[%add3A_24, %dma_start3A_27] : memref<8192x1024xf32, #tpu.memory_space<hbm>> -> memref<8x1024xf32, #tpu.memory_space<hbm>>
    tpu.enqueue_dma source(%dma_start3A_28 : memref<8x1024xf32, #tpu.memory_space<hbm>>) target(%arg9 : memref<8x1024xf32, #tpu.memory_space<vmem>>) target_semaphore(%arg17 : memref<!tpu.dma_semaphore, #tpu.memory_space<semaphore_mem>>)
    %dma_start3A_29 = arith.constant 0 : i32
    %dma_start3A_30 = arith.constant 0 : i32
    %dma_start3A_31 = tpu.memref_slice %arg2[%dma_start3A_29, %add3A_24, %dma_start3A_30] : memref<4x4096x1024xf32, #tpu.memory_space<hbm>> -> memref<4x8x1024xf32, #tpu.memory_space<hbm>>
    %dma_start3A_32 = arith.constant 0 : i32
    %dma_start3A_33 = arith.constant 0 : i32
    %dma_start3A_34 = tpu.memref_slice %arg2[%dma_start3A_32, %add3A_24, %dma_start3A_33] : memref<4x4096x1024xf32, #tpu.memory_space<hbm>> -> memref<4x8x1024xf32, #tpu.memory_space<hbm>>
    tpu.enqueue_dma source(%dma_start3A_34 : memref<4x8x1024xf32, #tpu.memory_space<hbm>>) target(%arg6 : memref<4x8x1024xf32, #tpu.memory_space<vmem>>) target_semaphore(%arg11 : memref<!tpu.dma_semaphore, #tpu.memory_space<semaphore_mem>>)
    %parallel_loop3A = arith.constant 0 : i32
    %parallel_loop3A_35 = arith.constant 512 : i32
    %parallel_loop3A_36 = arith.constant 1 : i32
    scf.for %parallel_loop3A_624 = %parallel_loop3A to %parallel_loop3A_35 step %parallel_loop3A_36  : i32 {
      %parallel_loop3A_625 = arith.constant 6 : i32
      %parallel_loop3A_626 = arith.shrui %parallel_loop3A_624, %parallel_loop3A_625 : i32
      %parallel_loop3A_627 = arith.constant 63 : i32
      %parallel_loop3A_628 = arith.andi %parallel_loop3A_624, %parallel_loop3A_627 : i32
      %parallel_loop3A_629 = arith.constant 16 : i32
      %parallel_loop3A_630 = arith.muli %parallel_loop3A_628, %parallel_loop3A_629 : i32
      %parallel_loop3A_631 = tpu.assume_multiple %parallel_loop3A_630, 16 : i32
      %parallel_loop3A_632 = arith.index_cast %parallel_loop3A_626 : i32 to index
      %parallel_loop3A_633 = arith.index_cast %parallel_loop3A_631 : i32 to index
      %parallel_loop3A_634 = tpu.vector_load %arg8[%parallel_loop3A_632, %parallel_loop3A_633] {strides = array<i32>} : memref<8x1024xf32, #tpu.memory_space<vmem>>, vector<1x16xf32>,
      %parallel_loop3A_635 = vector.shape_cast %parallel_loop3A_634 : vector<1x16xf32> to vector<16xf32>
      %parallel_loop3A_636 = arith.constant 0 : i32
      %parallel_loop3A_637 = arith.index_cast %parallel_loop3A_636 : i32 to index
      %parallel_loop3A_638 = arith.index_cast %parallel_loop3A_626 : i32 to index
      %parallel_loop3A_639 = arith.index_cast %parallel_loop3A_631 : i32 to index
      %parallel_loop3A_640 = tpu.vector_load %arg5[%parallel_loop3A_637, %parallel_loop3A_638, %parallel_loop3A_639] {strides = array<i32>} : memref<4x8x1024xf32, #tpu.memory_space<vmem>>, vector<1x1x16xf32>,
      %parallel_loop3A_641 = vector.shape_cast %parallel_loop3A_640 : vector<1x1x16xf32> to vector<16xf32>
      %parallel_loop3A_642 = arith.addf %parallel_loop3A_641, %parallel_loop3A_635 : vector<16xf32>
      %parallel_loop3A_643 = arith.constant 0 : i32
      %parallel_loop3A_644 = arith.index_cast %parallel_loop3A_643 : i32 to index
      %parallel_loop3A_645 = arith.index_cast %parallel_loop3A_626 : i32 to index
      %parallel_loop3A_646 = arith.index_cast %parallel_loop3A_631 : i32 to index
      %parallel_loop3A_647 = tpu.vector_load %arg5[%parallel_loop3A_644, %parallel_loop3A_645, %parallel_loop3A_646] {strides = array<i32>} : memref<4x8x1024xf32, #tpu.memory_space<vmem>>, vector<1x1x16xf32>,
      %parallel_loop3A_648 = vector.shape_cast %parallel_loop3A_647 : vector<1x1x16xf32> to vector<16xf32>
      %parallel_loop3A_649 = vector.shape_cast %parallel_loop3A_642 : vector<16xf32> to vector<1x1x16xf32>
      tpu.vector_store %arg5[%parallel_loop3A_644, %parallel_loop3A_645, %parallel_loop3A_646], %parallel_loop3A_649 {strides = array<i32>} : memref<4x8x1024xf32, #tpu.memory_space<vmem>>, vector<1x1x16xf32>,
      %parallel_loop3A_650 = arith.constant 1 : i32
      %parallel_loop3A_651 = arith.index_cast %parallel_loop3A_650 : i32 to index
      %parallel_loop3A_652 = arith.index_cast %parallel_loop3A_626 : i32 to index
      %parallel_loop3A_653 = arith.index_cast %parallel_loop3A_631 : i32 to index
      %parallel_loop3A_654 = tpu.vector_load %arg5[%parallel_loop3A_651, %parallel_loop3A_652, %parallel_loop3A_653] {strides = array<i32>} : memref<4x8x1024xf32, #tpu.memory_space<vmem>>, vector<1x1x16xf32>,
      %parallel_loop3A_655 = vector.shape_cast %parallel_loop3A_654 : vector<1x1x16xf32> to vector<16xf32>
      %parallel_loop3A_656 = arith.addf %parallel_loop3A_655, %parallel_loop3A_635 : vector<16xf32>
      %parallel_loop3A_657 = arith.constant 1 : i32
      %parallel_loop3A_658 = arith.index_cast %parallel_loop3A_657 : i32 to index
      %parallel_loop3A_659 = arith.index_cast %parallel_loop3A_626 : i32 to index
      %parallel_loop3A_660 = arith.index_cast %parallel_loop3A_631 : i32 to index
      %parallel_loop3A_661 = tpu.vector_load %arg5[%parallel_loop3A_658, %parallel_loop3A_659, %parallel_loop3A_660] {strides = array<i32>} : memref<4x8x1024xf32, #tpu.memory_space<vmem>>, vector<1x1x16xf32>,
      %parallel_loop3A_662 = vector.shape_cast %parallel_loop3A_661 : vector<1x1x16xf32> to vector<16xf32>
      %parallel_loop3A_663 = vector.shape_cast %parallel_loop3A_656 : vector<16xf32> to vector<1x1x16xf32>
      tpu.vector_store %arg5[%parallel_loop3A_658, %parallel_loop3A_659, %parallel_loop3A_660], %parallel_loop3A_663 {strides = array<i32>} : memref<4x8x1024xf32, #tpu.memory_space<vmem>>, vector<1x1x16xf32>,
      %parallel_loop3A_664 = arith.constant 2 : i32
      %parallel_loop3A_665 = arith.index_cast %parallel_loop3A_664 : i32 to index
      %parallel_loop3A_666 = arith.index_cast %parallel_loop3A_626 : i32 to index
      %parallel_loop3A_667 = arith.index_cast %parallel_loop3A_631 : i32 to index
      %parallel_loop3A_668 = tpu.vector_load %arg5[%parallel_loop3A_665, %parallel_loop3A_666, %parallel_loop3A_667] {strides = array<i32>} : memref<4x8x1024xf32, #tpu.memory_space<vmem>>, vector<1x1x16xf32>,
      %parallel_loop3A_669 = vector.shape_cast %parallel_loop3A_668 : vector<1x1x16xf32> to vector<16xf32>
      %parallel_loop3A_670 = arith.addf %parallel_loop3A_669, %parallel_loop3A_635 : vector<16xf32>
      %parallel_loop3A_671 = arith.constant 2 : i32
      %parallel_loop3A_672 = arith.index_cast %parallel_loop3A_671 : i32 to index
      %parallel_loop3A_673 = arith.index_cast %parallel_loop3A_626 : i32 to index
      %parallel_loop3A_674 = arith.index_cast %parallel_loop3A_631 : i32 to index
      %parallel_loop3A_675 = tpu.vector_load %arg5[%parallel_loop3A_672, %parallel_loop3A_673, %parallel_loop3A_674] {strides = array<i32>} : memref<4x8x1024xf32, #tpu.memory_space<vmem>>, vector<1x1x16xf32>,
      %parallel_loop3A_676 = vector.shape_cast %parallel_loop3A_675 : vector<1x1x16xf32> to vector<16xf32>
      %parallel_loop3A_677 = vector.shape_cast %parallel_loop3A_670 : vector<16xf32> to vector<1x1x16xf32>
      tpu.vector_store %arg5[%parallel_loop3A_672, %parallel_loop3A_673, %parallel_loop3A_674], %parallel_loop3A_677 {strides = array<i32>} : memref<4x8x1024xf32, #tpu.memory_space<vmem>>, vector<1x1x16xf32>,
      %parallel_loop3A_678 = arith.constant 3 : i32
      %parallel_loop3A_679 = arith.index_cast %parallel_loop3A_678 : i32 to index
      %parallel_loop3A_680 = arith.index_cast %parallel_loop3A_626 : i32 to index
      %parallel_loop3A_681 = arith.index_cast %parallel_loop3A_631 : i32 to index
      %parallel_loop3A_682 = tpu.vector_load %arg5[%parallel_loop3A_679, %parallel_loop3A_680, %parallel_loop3A_681] {strides = array<i32>} : memref<4x8x1024xf32, #tpu.memory_space<vmem>>, vector<1x1x16xf32>,
      %parallel_loop3A_683 = vector.shape_cast %parallel_loop3A_682 : vector<1x1x16xf32> to vector<16xf32>
      %parallel_loop3A_684 = arith.addf %parallel_loop3A_683, %parallel_loop3A_635 : vector<16xf32>
      %parallel_loop3A_685 = arith.constant 3 : i32
      %parallel_loop3A_686 = arith.index_cast %parallel_loop3A_685 : i32 to index
      %parallel_loop3A_687 = arith.index_cast %parallel_loop3A_626 : i32 to index
      %parallel_loop3A_688 = arith.index_cast %parallel_loop3A_631 : i32 to index
      %parallel_loop3A_689 = tpu.vector_load %arg5[%parallel_loop3A_686, %parallel_loop3A_687, %parallel_loop3A_688] {strides = array<i32>} : memref<4x8x1024xf32, #tpu.memory_space<vmem>>, vector<1x1x16xf32>,
      %parallel_loop3A_690 = vector.shape_cast %parallel_loop3A_689 : vector<1x1x16xf32> to vector<16xf32>
      %parallel_loop3A_691 = vector.shape_cast %parallel_loop3A_684 : vector<16xf32> to vector<1x1x16xf32>
      tpu.vector_store %arg5[%parallel_loop3A_686, %parallel_loop3A_687, %parallel_loop3A_688], %parallel_loop3A_691 {strides = array<i32>} : memref<4x8x1024xf32, #tpu.memory_space<vmem>>, vector<1x1x16xf32>,
    } {sc.loop_unroll_factor = 4 : i64, sc.parallel_access}
    %add3A_37 = arith.constant 0 : i32
    %add3A_38 = arith.addi %mul3A_2, %add3A_37 : i32
    %dma_start3A_39 = arith.constant 0 : i32
    %dma_start3A_40 = arith.constant 0 : i32
    %dma_start3A_41 = tpu.memref_slice %arg4[%dma_start3A_39, %add3A_38, %dma_start3A_40] : memref<4x4096x1024xf32, #tpu.memory_space<hbm>> -> memref<4x8x1024xf32, #tpu.memory_space<hbm>>
    %dma_start3A_42 = arith.constant 0 : i32
    %dma_start3A_43 = arith.constant 0 : i32
    %dma_start3A_44 = tpu.memref_slice %arg4[%dma_start3A_42, %add3A_38, %dma_start3A_43] : memref<4x4096x1024xf32, #tpu.memory_space<hbm>> -> memref<4x8x1024xf32, #tpu.memory_space<hbm>>
    tpu.enqueue_dma source(%arg5 : memref<4x8x1024xf32, #tpu.memory_space<vmem>>) target(%dma_start3A_44 : memref<4x8x1024xf32, #tpu.memory_space<hbm>>) target_semaphore(%arg13 : memref<!tpu.dma_semaphore, #tpu.memory_space<semaphore_mem>>)
    %dma_wait3A_45 = arith.constant 0 : i32
    %dma_wait3A_46 = tpu.memref_slice %arg3[%add3A_24, %dma_wait3A_45] : memref<8192x1024xf32, #tpu.memory_space<hbm>> -> memref<8x1024xf32, #tpu.memory_space<hbm>>
    %dma_wait3A_47 = arith.constant 0 : i32
    %dma_wait3A_48 = tpu.memref_slice %arg3[%add3A_24, %dma_wait3A_47] : memref<8192x1024xf32, #tpu.memory_space<hbm>> -> memref<8x1024xf32, #tpu.memory_space<hbm>>
    tpu.wait_dma2 semaphore(%arg17 : memref<!tpu.dma_semaphore, #tpu.memory_space<semaphore_mem>>) src(%dma_wait3A_48 : memref<8x1024xf32, #tpu.memory_space<hbm>>) dst(%arg9 : memref<8x1024xf32, #tpu.memory_space<vmem>>)
    %dma_wait3A_49 = arith.constant 0 : i32
    %dma_wait3A_50 = arith.constant 0 : i32
    %dma_wait3A_51 = tpu.memref_slice %arg2[%dma_wait3A_49, %add3A_24, %dma_wait3A_50] : memref<4x4096x1024xf32, #tpu.memory_space<hbm>> -> memref<4x8x1024xf32, #tpu.memory_space<hbm>>
    %dma_wait3A_52 = arith.constant 0 : i32
    %dma_wait3A_53 = arith.constant 0 : i32
    %dma_wait3A_54 = tpu.memref_slice %arg2[%dma_wait3A_52, %add3A_24, %dma_wait3A_53] : memref<4x4096x1024xf32, #tpu.memory_space<hbm>> -> memref<4x8x1024xf32, #tpu.memory_space<hbm>>
    tpu.wait_dma2 semaphore(%arg11 : memref<!tpu.dma_semaphore, #tpu.memory_space<semaphore_mem>>) src(%dma_wait3A_54 : memref<4x8x1024xf32, #tpu.memory_space<hbm>>) dst(%arg6 : memref<4x8x1024xf32, #tpu.memory_space<vmem>>)
    %add3A_55 = arith.constant 16 : i32
    %add3A_56 = arith.addi %mul3A_2, %add3A_55 : i32
    %dma_start3A_57 = arith.constant 0 : i32
    %dma_start3A_58 = tpu.memref_slice %arg3[%add3A_56, %dma_start3A_57] : memref<8192x1024xf32, #tpu.memory_space<hbm>> -> memref<8x1024xf32, #tpu.memory_space<hbm>>
    %dma_start3A_59 = arith.constant 0 : i32
    %dma_start3A_60 = tpu.memref_slice %arg3[%add3A_56, %dma_start3A_59] : memref<8192x1024xf32, #tpu.memory_space<hbm>> -> memref<8x1024xf32, #tpu.memory_space<hbm>>
    tpu.enqueue_dma source(%dma_start3A_60 : memref<8x1024xf32, #tpu.memory_space<hbm>>) target(%arg8 : memref<8x1024xf32, #tpu.memory_space<vmem>>) target_semaphore(%arg16 : memref<!tpu.dma_semaphore, #tpu.memory_space<semaphore_mem>>)
    %dma_start3A_61 = arith.constant 0 : i32
    %dma_start3A_62 = arith.constant 0 : i32
    %dma_start3A_63 = tpu.memref_slice %arg2[%dma_start3A_61, %add3A_56, %dma_start3A_62] : memref<4x4096x1024xf32, #tpu.memory_space<hbm>> -> memref<4x8x1024xf32, #tpu.memory_space<hbm>>
    %dma_start3A_64 = arith.constant 0 : i32
    %dma_start3A_65 = arith.constant 0 : i32
    %dma_start3A_66 = tpu.memref_slice %arg2[%dma_start3A_64, %add3A_56, %dma_start3A_65] : memref<4x4096x1024xf32, #tpu.memory_space<hbm>> -> memref<4x8x1024xf32, #tpu.memory_space<hbm>>
    tpu.enqueue_dma source(%dma_start3A_66 : memref<4x8x1024xf32, #tpu.memory_space<hbm>>) target(%arg7 : memref<4x8x1024xf32, #tpu.memory_space<vmem>>) target_semaphore(%arg12 : memref<!tpu.dma_semaphore, #tpu.memory_space<semaphore_mem>>)
    %parallel_loop3A_67 = arith.constant 0 : i32
    %parallel_loop3A_68 = arith.constant 512 : i32
    %parallel_loop3A_69 = arith.constant 1 : i32
    scf.for %parallel_loop3A_624 = %parallel_loop3A_67 to %parallel_loop3A_68 step %parallel_loop3A_69  : i32 {
      %parallel_loop3A_625 = arith.constant 6 : i32
      %parallel_loop3A_626 = arith.shrui %parallel_loop3A_624, %parallel_loop3A_625 : i32
      %parallel_loop3A_627 = arith.constant 63 : i32
      %parallel_loop3A_628 = arith.andi %parallel_loop3A_624, %parallel_loop3A_627 : i32
      %parallel_loop3A_629 = arith.constant 16 : i32
      %parallel_loop3A_630 = arith.muli %parallel_loop3A_628, %parallel_loop3A_629 : i32
      %parallel_loop3A_631 = tpu.assume_multiple %parallel_loop3A_630, 16 : i32
      %parallel_loop3A_632 = arith.index_cast %parallel_loop3A_626 : i32 to index
      %parallel_loop3A_633 = arith.index_cast %parallel_loop3A_631 : i32 to index
      %parallel_loop3A_634 = tpu.vector_load %arg9[%parallel_loop3A_632, %parallel_loop3A_633] {strides = array<i32>} : memref<8x1024xf32, #tpu.memory_space<vmem>>, vector<1x16xf32>,
      %parallel_loop3A_635 = vector.shape_cast %parallel_loop3A_634 : vector<1x16xf32> to vector<16xf32>
      %parallel_loop3A_636 = arith.constant 0 : i32
      %parallel_loop3A_637 = arith.index_cast %parallel_loop3A_636 : i32 to index
      %parallel_loop3A_638 = arith.index_cast %parallel_loop3A_626 : i32 to index
      %parallel_loop3A_639 = arith.index_cast %parallel_loop3A_631 : i32 to index
      %parallel_loop3A_640 = tpu.vector_load %arg6[%parallel_loop3A_637, %parallel_loop3A_638, %parallel_loop3A_639] {strides = array<i32>} : memref<4x8x1024xf32, #tpu.memory_space<vmem>>, vector<1x1x16xf32>,
      %parallel_loop3A_641 = vector.shape_cast %parallel_loop3A_640 : vector<1x1x16xf32> to vector<16xf32>
      %parallel_loop3A_642 = arith.addf %parallel_loop3A_641, %parallel_loop3A_635 : vector<16xf32>
      %parallel_loop3A_643 = arith.constant 0 : i32
      %parallel_loop3A_644 = arith.index_cast %parallel_loop3A_643 : i32 to index
      %parallel_loop3A_645 = arith.index_cast %parallel_loop3A_626 : i32 to index
      %parallel_loop3A_646 = arith.index_cast %parallel_loop3A_631 : i32 to index
      %parallel_loop3A_647 = tpu.vector_load %arg6[%parallel_loop3A_644, %parallel_loop3A_645, %parallel_loop3A_646] {strides = array<i32>} : memref<4x8x1024xf32, #tpu.memory_space<vmem>>, vector<1x1x16xf32>,
      %parallel_loop3A_648 = vector.shape_cast %parallel_loop3A_647 : vector<1x1x16xf32> to vector<16xf32>
      %parallel_loop3A_649 = vector.shape_cast %parallel_loop3A_642 : vector<16xf32> to vector<1x1x16xf32>
      tpu.vector_store %arg6[%parallel_loop3A_644, %parallel_loop3A_645, %parallel_loop3A_646], %parallel_loop3A_649 {strides = array<i32>} : memref<4x8x1024xf32, #tpu.memory_space<vmem>>, vector<1x1x16xf32>,
      %parallel_loop3A_650 = arith.constant 1 : i32
      %parallel_loop3A_651 = arith.index_cast %parallel_loop3A_650 : i32 to index
      %parallel_loop3A_652 = arith.index_cast %parallel_loop3A_626 : i32 to index
      %parallel_loop3A_653 = arith.index_cast %parallel_loop3A_631 : i32 to index
      %parallel_loop3A_654 = tpu.vector_load %arg6[%parallel_loop3A_651, %parallel_loop3A_652, %parallel_loop3A_653] {strides = array<i32>} : memref<4x8x1024xf32, #tpu.memory_space<vmem>>, vector<1x1x16xf32>,
      %parallel_loop3A_655 = vector.shape_cast %parallel_loop3A_654 : vector<1x1x16xf32> to vector<16xf32>
      %parallel_loop3A_656 = arith.addf %parallel_loop3A_655, %parallel_loop3A_635 : vector<16xf32>
      %parallel_loop3A_657 = arith.constant 1 : i32
      %parallel_loop3A_658 = arith.index_cast %parallel_loop3A_657 : i32 to index
      %parallel_loop3A_659 = arith.index_cast %parallel_loop3A_626 : i32 to index
      %parallel_loop3A_660 = arith.index_cast %parallel_loop3A_631 : i32 to index
      %parallel_loop3A_661 = tpu.vector_load %arg6[%parallel_loop3A_658, %parallel_loop3A_659, %parallel_loop3A_660] {strides = array<i32>} : memref<4x8x1024xf32, #tpu.memory_space<vmem>>, vector<1x1x16xf32>,
      %parallel_loop3A_662 = vector.shape_cast %parallel_loop3A_661 : vector<1x1x16xf32> to vector<16xf32>
      %parallel_loop3A_663 = vector.shape_cast %parallel_loop3A_656 : vector<16xf32> to vector<1x1x16xf32>
      tpu.vector_store %arg6[%parallel_loop3A_658, %parallel_loop3A_659, %parallel_loop3A_660], %parallel_loop3A_663 {strides = array<i32>} : memref<4x8x1024xf32, #tpu.memory_space<vmem>>, vector<1x1x16xf32>,
      %parallel_loop3A_664 = arith.constant 2 : i32
      %parallel_loop3A_665 = arith.index_cast %parallel_loop3A_664 : i32 to index
      %parallel_loop3A_666 = arith.index_cast %parallel_loop3A_626 : i32 to index
      %parallel_loop3A_667 = arith.index_cast %parallel_loop3A_631 : i32 to index
      %parallel_loop3A_668 = tpu.vector_load %arg6[%parallel_loop3A_665, %parallel_loop3A_666, %parallel_loop3A_667] {strides = array<i32>} : memref<4x8x1024xf32, #tpu.memory_space<vmem>>, vector<1x1x16xf32>,
      %parallel_loop3A_669 = vector.shape_cast %parallel_loop3A_668 : vector<1x1x16xf32> to vector<16xf32>
      %parallel_loop3A_670 = arith.addf %parallel_loop3A_669, %parallel_loop3A_635 : vector<16xf32>
      %parallel_loop3A_671 = arith.constant 2 : i32
      %parallel_loop3A_672 = arith.index_cast %parallel_loop3A_671 : i32 to index
      %parallel_loop3A_673 = arith.index_cast %parallel_loop3A_626 : i32 to index
      %parallel_loop3A_674 = arith.index_cast %parallel_loop3A_631 : i32 to index
      %parallel_loop3A_675 = tpu.vector_load %arg6[%parallel_loop3A_672, %parallel_loop3A_673, %parallel_loop3A_674] {strides = array<i32>} : memref<4x8x1024xf32, #tpu.memory_space<vmem>>, vector<1x1x16xf32>,
      %parallel_loop3A_676 = vector.shape_cast %parallel_loop3A_675 : vector<1x1x16xf32> to vector<16xf32>
      %parallel_loop3A_677 = vector.shape_cast %parallel_loop3A_670 : vector<16xf32> to vector<1x1x16xf32>
      tpu.vector_store %arg6[%parallel_loop3A_672, %parallel_loop3A_673, %parallel_loop3A_674], %parallel_loop3A_677 {strides = array<i32>} : memref<4x8x1024xf32, #tpu.memory_space<vmem>>, vector<1x1x16xf32>,
      %parallel_loop3A_678 = arith.constant 3 : i32
      %parallel_loop3A_679 = arith.index_cast %parallel_loop3A_678 : i32 to index
      %parallel_loop3A_680 = arith.index_cast %parallel_loop3A_626 : i32 to index
      %parallel_loop3A_681 = arith.index_cast %parallel_loop3A_631 : i32 to index
      %parallel_loop3A_682 = tpu.vector_load %arg6[%parallel_loop3A_679, %parallel_loop3A_680, %parallel_loop3A_681] {strides = array<i32>} : memref<4x8x1024xf32, #tpu.memory_space<vmem>>, vector<1x1x16xf32>,
      %parallel_loop3A_683 = vector.shape_cast %parallel_loop3A_682 : vector<1x1x16xf32> to vector<16xf32>
      %parallel_loop3A_684 = arith.addf %parallel_loop3A_683, %parallel_loop3A_635 : vector<16xf32>
      %parallel_loop3A_685 = arith.constant 3 : i32
      %parallel_loop3A_686 = arith.index_cast %parallel_loop3A_685 : i32 to index
      %parallel_loop3A_687 = arith.index_cast %parallel_loop3A_626 : i32 to index
      %parallel_loop3A_688 = arith.index_cast %parallel_loop3A_631 : i32 to index
      %parallel_loop3A_689 = tpu.vector_load %arg6[%parallel_loop3A_686, %parallel_loop3A_687, %parallel_loop3A_688] {strides = array<i32>} : memref<4x8x1024xf32, #tpu.memory_space<vmem>>, vector<1x1x16xf32>,
      %parallel_loop3A_690 = vector.shape_cast %parallel_loop3A_689 : vector<1x1x16xf32> to vector<16xf32>
      %parallel_loop3A_691 = vector.shape_cast %parallel_loop3A_684 : vector<16xf32> to vector<1x1x16xf32>
      tpu.vector_store %arg6[%parallel_loop3A_686, %parallel_loop3A_687, %parallel_loop3A_688], %parallel_loop3A_691 {strides = array<i32>} : memref<4x8x1024xf32, #tpu.memory_space<vmem>>, vector<1x1x16xf32>,
    } {sc.loop_unroll_factor = 4 : i64, sc.parallel_access}
    %add3A_70 = arith.constant 8 : i32
    %add3A_71 = arith.addi %mul3A_2, %add3A_70 : i32
    %dma_start3A_72 = arith.constant 0 : i32
    %dma_start3A_73 = arith.constant 0 : i32
    %dma_start3A_74 = tpu.memref_slice %arg4[%dma_start3A_72, %add3A_71, %dma_start3A_73] : memref<4x4096x1024xf32, #tpu.memory_space<hbm>> -> memref<4x8x1024xf32, #tpu.memory_space<hbm>>
    %dma_start3A_75 = arith.constant 0 : i32
    %dma_start3A_76 = arith.constant 0 : i32
    %dma_start3A_77 = tpu.memref_slice %arg4[%dma_start3A_75, %add3A_71, %dma_start3A_76] : memref<4x4096x1024xf32, #tpu.memory_space<hbm>> -> memref<4x8x1024xf32, #tpu.memory_space<hbm>>
    tpu.enqueue_dma source(%arg6 : memref<4x8x1024xf32, #tpu.memory_space<vmem>>) target(%dma_start3A_77 : memref<4x8x1024xf32, #tpu.memory_space<hbm>>) target_semaphore(%arg14 : memref<!tpu.dma_semaphore, #tpu.memory_space<semaphore_mem>>)
    %dma_wait3A_78 = arith.constant 0 : i32
    %dma_wait3A_79 = tpu.memref_slice %arg3[%add3A_56, %dma_wait3A_78] : memref<8192x1024xf32, #tpu.memory_space<hbm>> -> memref<8x1024xf32, #tpu.memory_space<hbm>>
    %dma_wait3A_80 = arith.constant 0 : i32
    %dma_wait3A_81 = tpu.memref_slice %arg3[%add3A_56, %dma_wait3A_80] : memref<8192x1024xf32, #tpu.memory_space<hbm>> -> memref<8x1024xf32, #tpu.memory_space<hbm>>
    tpu.wait_dma2 semaphore(%arg16 : memref<!tpu.dma_semaphore, #tpu.memory_space<semaphore_mem>>) src(%dma_wait3A_81 : memref<8x1024xf32, #tpu.memory_space<hbm>>) dst(%arg8 : memref<8x1024xf32, #tpu.memory_space<vmem>>)
    %dma_wait3A_82 = arith.constant 0 : i32
    %dma_wait3A_83 = arith.constant 0 : i32
    %dma_wait3A_84 = tpu.memref_slice %arg2[%dma_wait3A_82, %add3A_56, %dma_wait3A_83] : memref<4x4096x1024xf32, #tpu.memory_space<hbm>> -> memref<4x8x1024xf32, #tpu.memory_space<hbm>>
    %dma_wait3A_85 = arith.constant 0 : i32
    %dma_wait3A_86 = arith.constant 0 : i32
    %dma_wait3A_87 = tpu.memref_slice %arg2[%dma_wait3A_85, %add3A_56, %dma_wait3A_86] : memref<4x4096x1024xf32, #tpu.memory_space<hbm>> -> memref<4x8x1024xf32, #tpu.memory_space<hbm>>
    tpu.wait_dma2 semaphore(%arg12 : memref<!tpu.dma_semaphore, #tpu.memory_space<semaphore_mem>>) src(%dma_wait3A_87 : memref<4x8x1024xf32, #tpu.memory_space<hbm>>) dst(%arg7 : memref<4x8x1024xf32, #tpu.memory_space<vmem>>)
    %dma_wait3A_88 = arith.constant 0 : i32
    %dma_wait3A_89 = arith.constant 0 : i32
    %dma_wait3A_90 = tpu.memref_slice %arg4[%dma_wait3A_88, %add3A_38, %dma_wait3A_89] : memref<4x4096x1024xf32, #tpu.memory_space<hbm>> -> memref<4x8x1024xf32, #tpu.memory_space<hbm>>
    %dma_wait3A_91 = arith.constant 0 : i32
    %dma_wait3A_92 = arith.constant 0 : i32
    %dma_wait3A_93 = tpu.memref_slice %arg4[%dma_wait3A_91, %add3A_38, %dma_wait3A_92] : memref<4x4096x1024xf32, #tpu.memory_space<hbm>> -> memref<4x8x1024xf32, #tpu.memory_space<hbm>>
    tpu.wait_dma2 semaphore(%arg13 : memref<!tpu.dma_semaphore, #tpu.memory_space<semaphore_mem>>) src(%arg5 : memref<4x8x1024xf32, #tpu.memory_space<vmem>>) dst(%dma_wait3A_93 : memref<4x8x1024xf32, #tpu.memory_space<hbm>>)
    %add3A_94 = arith.constant 24 : i32
    %add3A_95 = arith.addi %mul3A_2, %add3A_94 : i32
    %dma_start3A_96 = arith.constant 0 : i32
    %dma_start3A_97 = tpu.memref_slice %arg3[%add3A_95, %dma_start3A_96] : memref<8192x1024xf32, #tpu.memory_space<hbm>> -> memref<8x1024xf32, #tpu.memory_space<hbm>>
    %dma_start3A_98 = arith.constant 0 : i32
    %dma_start3A_99 = tpu.memref_slice %arg3[%add3A_95, %dma_start3A_98] : memref<8192x1024xf32, #tpu.memory_space<hbm>> -> memref<8x1024xf32, #tpu.memory_space<hbm>>
    tpu.enqueue_dma source(%dma_start3A_99 : memref<8x1024xf32, #tpu.memory_space<hbm>>) target(%arg9 : memref<8x1024xf32, #tpu.memory_space<vmem>>) target_semaphore(%arg17 : memref<!tpu.dma_semaphore, #tpu.memory_space<semaphore_mem>>)
    %dma_start3A_100 = arith.constant 0 : i32
    %dma_start3A_101 = arith.constant 0 : i32
    %dma_start3A_102 = tpu.memref_slice %arg2[%dma_start3A_100, %add3A_95, %dma_start3A_101] : memref<4x4096x1024xf32, #tpu.memory_space<hbm>> -> memref<4x8x1024xf32, #tpu.memory_space<hbm>>
    %dma_start3A_103 = arith.constant 0 : i32
    %dma_start3A_104 = arith.constant 0 : i32
    %dma_start3A_105 = tpu.memref_slice %arg2[%dma_start3A_103, %add3A_95, %dma_start3A_104] : memref<4x4096x1024xf32, #tpu.memory_space<hbm>> -> memref<4x8x1024xf32, #tpu.memory_space<hbm>>
    tpu.enqueue_dma source(%dma_start3A_105 : memref<4x8x1024xf32, #tpu.memory_space<hbm>>) target(%arg5 : memref<4x8x1024xf32, #tpu.memory_space<vmem>>) target_semaphore(%arg10 : memref<!tpu.dma_semaphore, #tpu.memory_space<semaphore_mem>>)
    %parallel_loop3A_106 = arith.constant 0 : i32
    %parallel_loop3A_107 = arith.constant 512 : i32
    %parallel_loop3A_108 = arith.constant 1 : i32
    scf.for %parallel_loop3A_624 = %parallel_loop3A_106 to %parallel_loop3A_107 step %parallel_loop3A_108  : i32 {
      %parallel_loop3A_625 = arith.constant 6 : i32
      %parallel_loop3A_626 = arith.shrui %parallel_loop3A_624, %parallel_loop3A_625 : i32
      %parallel_loop3A_627 = arith.constant 63 : i32
      %parallel_loop3A_628 = arith.andi %parallel_loop3A_624, %parallel_loop3A_627 : i32
      %parallel_loop3A_629 = arith.constant 16 : i32
      %parallel_loop3A_630 = arith.muli %parallel_loop3A_628, %parallel_loop3A_629 : i32
      %parallel_loop3A_631 = tpu.assume_multiple %parallel_loop3A_630, 16 : i32
      %parallel_loop3A_632 = arith.index_cast %parallel_loop3A_626 : i32 to index
      %parallel_loop3A_633 = arith.index_cast %parallel_loop3A_631 : i32 to index
      %parallel_loop3A_634 = tpu.vector_load %arg8[%parallel_loop3A_632, %parallel_loop3A_633] {strides = array<i32>} : memref<8x1024xf32, #tpu.memory_space<vmem>>, vector<1x16xf32>,
      %parallel_loop3A_635 = vector.shape_cast %parallel_loop3A_634 : vector<1x16xf32> to vector<16xf32>
      %parallel_loop3A_636 = arith.constant 0 : i32
      %parallel_loop3A_637 = arith.index_cast %parallel_loop3A_636 : i32 to index
      %parallel_loop3A_638 = arith.index_cast %parallel_loop3A_626 : i32 to index
      %parallel_loop3A_639 = arith.index_cast %parallel_loop3A_631 : i32 to index
      %parallel_loop3A_640 = tpu.vector_load %arg7[%parallel_loop3A_637, %parallel_loop3A_638, %parallel_loop3A_639] {strides = array<i32>} : memref<4x8x1024xf32, #tpu.memory_space<vmem>>, vector<1x1x16xf32>,
      %parallel_loop3A_641 = vector.shape_cast %parallel_loop3A_640 : vector<1x1x16xf32> to vector<16xf32>
      %parallel_loop3A_642 = arith.addf %parallel_loop3A_641, %parallel_loop3A_635 : vector<16xf32>
      %parallel_loop3A_643 = arith.constant 0 : i32
      %parallel_loop3A_644 = arith.index_cast %parallel_loop3A_643 : i32 to index
      %parallel_loop3A_645 = arith.index_cast %parallel_loop3A_626 : i32 to index
      %parallel_loop3A_646 = arith.index_cast %parallel_loop3A_631 : i32 to index
      %parallel_loop3A_647 = tpu.vector_load %arg7[%parallel_loop3A_644, %parallel_loop3A_645, %parallel_loop3A_646] {strides = array<i32>} : memref<4x8x1024xf32, #tpu.memory_space<vmem>>, vector<1x1x16xf32>,
      %parallel_loop3A_648 = vector.shape_cast %parallel_loop3A_647 : vector<1x1x16xf32> to vector<16xf32>
      %parallel_loop3A_649 = vector.shape_cast %parallel_loop3A_642 : vector<16xf32> to vector<1x1x16xf32>
      tpu.vector_store %arg7[%parallel_loop3A_644, %parallel_loop3A_645, %parallel_loop3A_646], %parallel_loop3A_649 {strides = array<i32>} : memref<4x8x1024xf32, #tpu.memory_space<vmem>>, vector<1x1x16xf32>,
      %parallel_loop3A_650 = arith.constant 1 : i32
      %parallel_loop3A_651 = arith.index_cast %parallel_loop3A_650 : i32 to index
      %parallel_loop3A_652 = arith.index_cast %parallel_loop3A_626 : i32 to index
      %parallel_loop3A_653 = arith.index_cast %parallel_loop3A_631 : i32 to index
      %parallel_loop3A_654 = tpu.vector_load %arg7[%parallel_loop3A_651, %parallel_loop3A_652, %parallel_loop3A_653] {strides = array<i32>} : memref<4x8x1024xf32, #tpu.memory_space<vmem>>, vector<1x1x16xf32>,
      %parallel_loop3A_655 = vector.shape_cast %parallel_loop3A_654 : vector<1x1x16xf32> to vector<16xf32>
      %parallel_loop3A_656 = arith.addf %parallel_loop3A_655, %parallel_loop3A_635 : vector<16xf32>
      %parallel_loop3A_657 = arith.constant 1 : i32
      %parallel_loop3A_658 = arith.index_cast %parallel_loop3A_657 : i32 to index
      %parallel_loop3A_659 = arith.index_cast %parallel_loop3A_626 : i32 to index
      %parallel_loop3A_660 = arith.index_cast %parallel_loop3A_631 : i32 to index
      %parallel_loop3A_661 = tpu.vector_load %arg7[%parallel_loop3A_658, %parallel_loop3A_659, %parallel_loop3A_660] {strides = array<i32>} : memref<4x8x1024xf32, #tpu.memory_space<vmem>>, vector<1x1x16xf32>,
      %parallel_loop3A_662 = vector.shape_cast %parallel_loop3A_661 : vector<1x1x16xf32> to vector<16xf32>
      %parallel_loop3A_663 = vector.shape_cast %parallel_loop3A_656 : vector<16xf32> to vector<1x1x16xf32>
      tpu.vector_store %arg7[%parallel_loop3A_658, %parallel_loop3A_659, %parallel_loop3A_660], %parallel_loop3A_663 {strides = array<i32>} : memref<4x8x1024xf32, #tpu.memory_space<vmem>>, vector<1x1x16xf32>,
      %parallel_loop3A_664 = arith.constant 2 : i32
      %parallel_loop3A_665 = arith.index_cast %parallel_loop3A_664 : i32 to index
      %parallel_loop3A_666 = arith.index_cast %parallel_loop3A_626 : i32 to index
      %parallel_loop3A_667 = arith.index_cast %parallel_loop3A_631 : i32 to index
      %parallel_loop3A_668 = tpu.vector_load %arg7[%parallel_loop3A_665, %parallel_loop3A_666, %parallel_loop3A_667] {strides = array<i32>} : memref<4x8x1024xf32, #tpu.memory_space<vmem>>, vector<1x1x16xf32>,
      %parallel_loop3A_669 = vector.shape_cast %parallel_loop3A_668 : vector<1x1x16xf32> to vector<16xf32>
      %parallel_loop3A_670 = arith.addf %parallel_loop3A_669, %parallel_loop3A_635 : vector<16xf32>
      %parallel_loop3A_671 = arith.constant 2 : i32
      %parallel_loop3A_672 = arith.index_cast %parallel_loop3A_671 : i32 to index
      %parallel_loop3A_673 = arith.index_cast %parallel_loop3A_626 : i32 to index
      %parallel_loop3A_674 = arith.index_cast %parallel_loop3A_631 : i32 to index
      %parallel_loop3A_675 = tpu.vector_load %arg7[%parallel_loop3A_672, %parallel_loop3A_673, %parallel_loop3A_674] {strides = array<i32>} : memref<4x8x1024xf32, #tpu.memory_space<vmem>>, vector<1x1x16xf32>,
      %parallel_loop3A_676 = vector.shape_cast %parallel_loop3A_675 : vector<1x1x16xf32> to vector<16xf32>
      %parallel_loop3A_677 = vector.shape_cast %parallel_loop3A_670 : vector<16xf32> to vector<1x1x16xf32>
      tpu.vector_store %arg7[%parallel_loop3A_672, %parallel_loop3A_673, %parallel_loop3A_674], %parallel_loop3A_677 {strides = array<i32>} : memref<4x8x1024xf32, #tpu.memory_space<vmem>>, vector<1x1x16xf32>,
      %parallel_loop3A_678 = arith.constant 3 : i32
      %parallel_loop3A_679 = arith.index_cast %parallel_loop3A_678 : i32 to index
      %parallel_loop3A_680 = arith.index_cast %parallel_loop3A_626 : i32 to index
      %parallel_loop3A_681 = arith.index_cast %parallel_loop3A_631 : i32 to index
      %parallel_loop3A_682 = tpu.vector_load %arg7[%parallel_loop3A_679, %parallel_loop3A_680, %parallel_loop3A_681] {strides = array<i32>} : memref<4x8x1024xf32, #tpu.memory_space<vmem>>, vector<1x1x16xf32>,
      %parallel_loop3A_683 = vector.shape_cast %parallel_loop3A_682 : vector<1x1x16xf32> to vector<16xf32>
      %parallel_loop3A_684 = arith.addf %parallel_loop3A_683, %parallel_loop3A_635 : vector<16xf32>
      %parallel_loop3A_685 = arith.constant 3 : i32
      %parallel_loop3A_686 = arith.index_cast %parallel_loop3A_685 : i32 to index
      %parallel_loop3A_687 = arith.index_cast %parallel_loop3A_626 : i32 to index
      %parallel_loop3A_688 = arith.index_cast %parallel_loop3A_631 : i32 to index
      %parallel_loop3A_689 = tpu.vector_load %arg7[%parallel_loop3A_686, %parallel_loop3A_687, %parallel_loop3A_688] {strides = array<i32>} : memref<4x8x1024xf32, #tpu.memory_space<vmem>>, vector<1x1x16xf32>,
      %parallel_loop3A_690 = vector.shape_cast %parallel_loop3A_689 : vector<1x1x16xf32> to vector<16xf32>
      %parallel_loop3A_691 = vector.shape_cast %parallel_loop3A_684 : vector<16xf32> to vector<1x1x16xf32>
      tpu.vector_store %arg7[%parallel_loop3A_686, %parallel_loop3A_687, %parallel_loop3A_688], %parallel_loop3A_691 {strides = array<i32>} : memref<4x8x1024xf32, #tpu.memory_space<vmem>>, vector<1x1x16xf32>,
    } {sc.loop_unroll_factor = 4 : i64, sc.parallel_access}
    %add3A_109 = arith.constant 16 : i32
    %add3A_110 = arith.addi %mul3A_2, %add3A_109 : i32
    %dma_start3A_111 = arith.constant 0 : i32
    %dma_start3A_112 = arith.constant 0 : i32
    %dma_start3A_113 = tpu.memref_slice %arg4[%dma_start3A_111, %add3A_110, %dma_start3A_112] : memref<4x4096x1024xf32, #tpu.memory_space<hbm>> -> memref<4x8x1024xf32, #tpu.memory_space<hbm>>
    %dma_start3A_114 = arith.constant 0 : i32
    %dma_start3A_115 = arith.constant 0 : i32
    %dma_start3A_116 = tpu.memref_slice %arg4[%dma_start3A_114, %add3A_110, %dma_start3A_115] : memref<4x4096x1024xf32, #tpu.memory_space<hbm>> -> memref<4x8x1024xf32, #tpu.memory_space<hbm>>
    tpu.enqueue_dma source(%arg7 : memref<4x8x1024xf32, #tpu.memory_space<vmem>>) target(%dma_start3A_116 : memref<4x8x1024xf32, #tpu.memory_space<hbm>>) target_semaphore(%arg15 : memref<!tpu.dma_semaphore, #tpu.memory_space<semaphore_mem>>)
    %dma_wait3A_117 = arith.constant 0 : i32
    %dma_wait3A_118 = tpu.memref_slice %arg3[%add3A_95, %dma_wait3A_117] : memref<8192x1024xf32, #tpu.memory_space<hbm>> -> memref<8x1024xf32, #tpu.memory_space<hbm>>
    %dma_wait3A_119 = arith.constant 0 : i32
    %dma_wait3A_120 = tpu.memref_slice %arg3[%add3A_95, %dma_wait3A_119] : memref<8192x1024xf32, #tpu.memory_space<hbm>> -> memref<8x1024xf32, #tpu.memory_space<hbm>>
    tpu.wait_dma2 semaphore(%arg17 : memref<!tpu.dma_semaphore, #tpu.memory_space<semaphore_mem>>) src(%dma_wait3A_120 : memref<8x1024xf32, #tpu.memory_space<hbm>>) dst(%arg9 : memref<8x1024xf32, #tpu.memory_space<vmem>>)
    %dma_wait3A_121 = arith.constant 0 : i32
    %dma_wait3A_122 = arith.constant 0 : i32
    %dma_wait3A_123 = tpu.memref_slice %arg2[%dma_wait3A_121, %add3A_95, %dma_wait3A_122] : memref<4x4096x1024xf32, #tpu.memory_space<hbm>> -> memref<4x8x1024xf32, #tpu.memory_space<hbm>>
    %dma_wait3A_124 = arith.constant 0 : i32
    %dma_wait3A_125 = arith.constant 0 : i32
    %dma_wait3A_126 = tpu.memref_slice %arg2[%dma_wait3A_124, %add3A_95, %dma_wait3A_125] : memref<4x4096x1024xf32, #tpu.memory_space<hbm>> -> memref<4x8x1024xf32, #tpu.memory_space<hbm>>
    tpu.wait_dma2 semaphore(%arg10 : memref<!tpu.dma_semaphore, #tpu.memory_space<semaphore_mem>>) src(%dma_wait3A_126 : memref<4x8x1024xf32, #tpu.memory_space<hbm>>) dst(%arg5 : memref<4x8x1024xf32, #tpu.memory_space<vmem>>)
    %dma_wait3A_127 = arith.constant 0 : i32
    %dma_wait3A_128 = arith.constant 0 : i32
    %dma_wait3A_129 = tpu.memref_slice %arg4[%dma_wait3A_127, %add3A_71, %dma_wait3A_128] : memref<4x4096x1024xf32, #tpu.memory_space<hbm>> -> memref<4x8x1024xf32, #tpu.memory_space<hbm>>
    %dma_wait3A_130 = arith.constant 0 : i32
    %dma_wait3A_131 = arith.constant 0 : i32
    %dma_wait3A_132 = tpu.memref_slice %arg4[%dma_wait3A_130, %add3A_71, %dma_wait3A_131] : memref<4x4096x1024xf32, #tpu.memory_space<hbm>> -> memref<4x8x1024xf32, #tpu.memory_space<hbm>>
    tpu.wait_dma2 semaphore(%arg14 : memref<!tpu.dma_semaphore, #tpu.memory_space<semaphore_mem>>) src(%arg6 : memref<4x8x1024xf32, #tpu.memory_space<vmem>>) dst(%dma_wait3A_132 : memref<4x8x1024xf32, #tpu.memory_space<hbm>>)
    %add3A_133 = arith.constant 32 : i32
    %add3A_134 = arith.addi %mul3A_2, %add3A_133 : i32
    %dma_start3A_135 = arith.constant 0 : i32
    %dma_start3A_136 = tpu.memref_slice %arg3[%add3A_134, %dma_start3A_135] : memref<8192x1024xf32, #tpu.memory_space<hbm>> -> memref<8x1024xf32, #tpu.memory_space<hbm>>
    %dma_start3A_137 = arith.constant 0 : i32
    %dma_start3A_138 = tpu.memref_slice %arg3[%add3A_134, %dma_start3A_137] : memref<8192x1024xf32, #tpu.memory_space<hbm>> -> memref<8x1024xf32, #tpu.memory_space<hbm>>
    tpu.enqueue_dma source(%dma_start3A_138 : memref<8x1024xf32, #tpu.memory_space<hbm>>) target(%arg8 : memref<8x1024xf32, #tpu.memory_space<vmem>>) target_semaphore(%arg16 : memref<!tpu.dma_semaphore, #tpu.memory_space<semaphore_mem>>)
    %dma_start3A_139 = arith.constant 0 : i32
    %dma_start3A_140 = arith.constant 0 : i32
    %dma_start3A_141 = tpu.memref_slice %arg2[%dma_start3A_139, %add3A_134, %dma_start3A_140] : memref<4x4096x1024xf32, #tpu.memory_space<hbm>> -> memref<4x8x1024xf32, #tpu.memory_space<hbm>>
    %dma_start3A_142 = arith.constant 0 : i32
    %dma_start3A_143 = arith.constant 0 : i32
    %dma_start3A_144 = tpu.memref_slice %arg2[%dma_start3A_142, %add3A_134, %dma_start3A_143] : memref<4x4096x1024xf32, #tpu.memory_space<hbm>> -> memref<4x8x1024xf32, #tpu.memory_space<hbm>>
    tpu.enqueue_dma source(%dma_start3A_144 : memref<4x8x1024xf32, #tpu.memory_space<hbm>>) target(%arg6 : memref<4x8x1024xf32, #tpu.memory_space<vmem>>) target_semaphore(%arg11 : memref<!tpu.dma_semaphore, #tpu.memory_space<semaphore_mem>>)
    %parallel_loop3A_145 = arith.constant 0 : i32
    %parallel_loop3A_146 = arith.constant 512 : i32
    %parallel_loop3A_147 = arith.constant 1 : i32
    scf.for %parallel_loop3A_624 = %parallel_loop3A_145 to %parallel_loop3A_146 step %parallel_loop3A_147  : i32 {
      %parallel_loop3A_625 = arith.constant 6 : i32
      %parallel_loop3A_626 = arith.shrui %parallel_loop3A_624, %parallel_loop3A_625 : i32
      %parallel_loop3A_627 = arith.constant 63 : i32
      %parallel_loop3A_628 = arith.andi %parallel_loop3A_624, %parallel_loop3A_627 : i32
      %parallel_loop3A_629 = arith.constant 16 : i32
      %parallel_loop3A_630 = arith.muli %parallel_loop3A_628, %parallel_loop3A_629 : i32
      %parallel_loop3A_631 = tpu.assume_multiple %parallel_loop3A_630, 16 : i32
      %parallel_loop3A_632 = arith.index_cast %parallel_loop3A_626 : i32 to index
      %parallel_loop3A_633 = arith.index_cast %parallel_loop3A_631 : i32 to index
      %parallel_loop3A_634 = tpu.vector_load %arg9[%parallel_loop3A_632, %parallel_loop3A_633] {strides = array<i32>} : memref<8x1024xf32, #tpu.memory_space<vmem>>, vector<1x16xf32>,
      %parallel_loop3A_635 = vector.shape_cast %parallel_loop3A_634 : vector<1x16xf32> to vector<16xf32>
      %parallel_loop3A_636 = arith.constant 0 : i32
      %parallel_loop3A_637 = arith.index_cast %parallel_loop3A_636 : i32 to index
      %parallel_loop3A_638 = arith.index_cast %parallel_loop3A_626 : i32 to index
      %parallel_loop3A_639 = arith.index_cast %parallel_loop3A_631 : i32 to index
      %parallel_loop3A_640 = tpu.vector_load %arg5[%parallel_loop3A_637, %parallel_loop3A_638, %parallel_loop3A_639] {strides = array<i32>} : memref<4x8x1024xf32, #tpu.memory_space<vmem>>, vector<1x1x16xf32>,
      %parallel_loop3A_641 = vector.shape_cast %parallel_loop3A_640 : vector<1x1x16xf32> to vector<16xf32>
      %parallel_loop3A_642 = arith.addf %parallel_loop3A_641, %parallel_loop3A_635 : vector<16xf32>
      %parallel_loop3A_643 = arith.constant 0 : i32
      %parallel_loop3A_644 = arith.index_cast %parallel_loop3A_643 : i32 to index
      %parallel_loop3A_645 = arith.index_cast %parallel_loop3A_626 : i32 to index
      %parallel_loop3A_646 = arith.index_cast %parallel_loop3A_631 : i32 to index
      %parallel_loop3A_647 = tpu.vector_load %arg5[%parallel_loop3A_644, %parallel_loop3A_645, %parallel_loop3A_646] {strides = array<i32>} : memref<4x8x1024xf32, #tpu.memory_space<vmem>>, vector<1x1x16xf32>,
      %parallel_loop3A_648 = vector.shape_cast %parallel_loop3A_647 : vector<1x1x16xf32> to vector<16xf32>
      %parallel_loop3A_649 = vector.shape_cast %parallel_loop3A_642 : vector<16xf32> to vector<1x1x16xf32>
      tpu.vector_store %arg5[%parallel_loop3A_644, %parallel_loop3A_645, %parallel_loop3A_646], %parallel_loop3A_649 {strides = array<i32>} : memref<4x8x1024xf32, #tpu.memory_space<vmem>>, vector<1x1x16xf32>,
      %parallel_loop3A_650 = arith.constant 1 : i32
      %parallel_loop3A_651 = arith.index_cast %parallel_loop3A_650 : i32 to index
      %parallel_loop3A_652 = arith.index_cast %parallel_loop3A_626 : i32 to index
      %parallel_loop3A_653 = arith.index_cast %parallel_loop3A_631 : i32 to index
      %parallel_loop3A_654 = tpu.vector_load %arg5[%parallel_loop3A_651, %parallel_loop3A_652, %parallel_loop3A_653] {strides = array<i32>} : memref<4x8x1024xf32, #tpu.memory_space<vmem>>, vector<1x1x16xf32>,
      %parallel_loop3A_655 = vector.shape_cast %parallel_loop3A_654 : vector<1x1x16xf32> to vector<16xf32>
      %parallel_loop3A_656 = arith.addf %parallel_loop3A_655, %parallel_loop3A_635 : vector<16xf32>
      %parallel_loop3A_657 = arith.constant 1 : i32
      %parallel_loop3A_658 = arith.index_cast %parallel_loop3A_657 : i32 to index
      %parallel_loop3A_659 = arith.index_cast %parallel_loop3A_626 : i32 to index
      %parallel_loop3A_660 = arith.index_cast %parallel_loop3A_631 : i32 to index
      %parallel_loop3A_661 = tpu.vector_load %arg5[%parallel_loop3A_658, %parallel_loop3A_659, %parallel_loop3A_660] {strides = array<i32>} : memref<4x8x1024xf32, #tpu.memory_space<vmem>>, vector<1x1x16xf32>,
      %parallel_loop3A_662 = vector.shape_cast %parallel_loop3A_661 : vector<1x1x16xf32> to vector<16xf32>
      %parallel_loop3A_663 = vector.shape_cast %parallel_loop3A_656 : vector<16xf32> to vector<1x1x16xf32>
      tpu.vector_store %arg5[%parallel_loop3A_658, %parallel_loop3A_659, %parallel_loop3A_660], %parallel_loop3A_663 {strides = array<i32>} : memref<4x8x1024xf32, #tpu.memory_space<vmem>>, vector<1x1x16xf32>,
      %parallel_loop3A_664 = arith.constant 2 : i32
      %parallel_loop3A_665 = arith.index_cast %parallel_loop3A_664 : i32 to index
      %parallel_loop3A_666 = arith.index_cast %parallel_loop3A_626 : i32 to index
      %parallel_loop3A_667 = arith.index_cast %parallel_loop3A_631 : i32 to index
      %parallel_loop3A_668 = tpu.vector_load %arg5[%parallel_loop3A_665, %parallel_loop3A_666, %parallel_loop3A_667] {strides = array<i32>} : memref<4x8x1024xf32, #tpu.memory_space<vmem>>, vector<1x1x16xf32>,
      %parallel_loop3A_669 = vector.shape_cast %parallel_loop3A_668 : vector<1x1x16xf32> to vector<16xf32>
      %parallel_loop3A_670 = arith.addf %parallel_loop3A_669, %parallel_loop3A_635 : vector<16xf32>
      %parallel_loop3A_671 = arith.constant 2 : i32
      %parallel_loop3A_672 = arith.index_cast %parallel_loop3A_671 : i32 to index
      %parallel_loop3A_673 = arith.index_cast %parallel_loop3A_626 : i32 to index
      %parallel_loop3A_674 = arith.index_cast %parallel_loop3A_631 : i32 to index
      %parallel_loop3A_675 = tpu.vector_load %arg5[%parallel_loop3A_672, %parallel_loop3A_673, %parallel_loop3A_674] {strides = array<i32>} : memref<4x8x1024xf32, #tpu.memory_space<vmem>>, vector<1x1x16xf32>,
      %parallel_loop3A_676 = vector.shape_cast %parallel_loop3A_675 : vector<1x1x16xf32> to vector<16xf32>
      %parallel_loop3A_677 = vector.shape_cast %parallel_loop3A_670 : vector<16xf32> to vector<1x1x16xf32>
      tpu.vector_store %arg5[%parallel_loop3A_672, %parallel_loop3A_673, %parallel_loop3A_674], %parallel_loop3A_677 {strides = array<i32>} : memref<4x8x1024xf32, #tpu.memory_space<vmem>>, vector<1x1x16xf32>,
      %parallel_loop3A_678 = arith.constant 3 : i32
      %parallel_loop3A_679 = arith.index_cast %parallel_loop3A_678 : i32 to index
      %parallel_loop3A_680 = arith.index_cast %parallel_loop3A_626 : i32 to index
      %parallel_loop3A_681 = arith.index_cast %parallel_loop3A_631 : i32 to index
      %parallel_loop3A_682 = tpu.vector_load %arg5[%parallel_loop3A_679, %parallel_loop3A_680, %parallel_loop3A_681] {strides = array<i32>} : memref<4x8x1024xf32, #tpu.memory_space<vmem>>, vector<1x1x16xf32>,
      %parallel_loop3A_683 = vector.shape_cast %parallel_loop3A_682 : vector<1x1x16xf32> to vector<16xf32>
      %parallel_loop3A_684 = arith.addf %parallel_loop3A_683, %parallel_loop3A_635 : vector<16xf32>
      %parallel_loop3A_685 = arith.constant 3 : i32
      %parallel_loop3A_686 = arith.index_cast %parallel_loop3A_685 : i32 to index
      %parallel_loop3A_687 = arith.index_cast %parallel_loop3A_626 : i32 to index
      %parallel_loop3A_688 = arith.index_cast %parallel_loop3A_631 : i32 to index
      %parallel_loop3A_689 = tpu.vector_load %arg5[%parallel_loop3A_686, %parallel_loop3A_687, %parallel_loop3A_688] {strides = array<i32>} : memref<4x8x1024xf32, #tpu.memory_space<vmem>>, vector<1x1x16xf32>,
      %parallel_loop3A_690 = vector.shape_cast %parallel_loop3A_689 : vector<1x1x16xf32> to vector<16xf32>
      %parallel_loop3A_691 = vector.shape_cast %parallel_loop3A_684 : vector<16xf32> to vector<1x1x16xf32>
      tpu.vector_store %arg5[%parallel_loop3A_686, %parallel_loop3A_687, %parallel_loop3A_688], %parallel_loop3A_691 {strides = array<i32>} : memref<4x8x1024xf32, #tpu.memory_space<vmem>>, vector<1x1x16xf32>,
    } {sc.loop_unroll_factor = 4 : i64, sc.parallel_access}
    %add3A_148 = arith.constant 24 : i32
    %add3A_149 = arith.addi %mul3A_2, %add3A_148 : i32
    %dma_start3A_150 = arith.constant 0 : i32
    %dma_start3A_151 = arith.constant 0 : i32
    %dma_start3A_152 = tpu.memref_slice %arg4[%dma_start3A_150, %add3A_149, %dma_start3A_151] : memref<4x4096x1024xf32, #tpu.memory_space<hbm>> -> memref<4x8x1024xf32, #tpu.memory_space<hbm>>
    %dma_start3A_153 = arith.constant 0 : i32
    %dma_start3A_154 = arith.constant 0 : i32
    %dma_start3A_155 = tpu.memref_slice %arg4[%dma_start3A_153, %add3A_149, %dma_start3A_154] : memref<4x4096x1024xf32, #tpu.memory_space<hbm>> -> memref<4x8x1024xf32, #tpu.memory_space<hbm>>
    tpu.enqueue_dma source(%arg5 : memref<4x8x1024xf32, #tpu.memory_space<vmem>>) target(%dma_start3A_155 : memref<4x8x1024xf32, #tpu.memory_space<hbm>>) target_semaphore(%arg13 : memref<!tpu.dma_semaphore, #tpu.memory_space<semaphore_mem>>)
    %dma_wait3A_156 = arith.constant 0 : i32
    %dma_wait3A_157 = tpu.memref_slice %arg3[%add3A_134, %dma_wait3A_156] : memref<8192x1024xf32, #tpu.memory_space<hbm>> -> memref<8x1024xf32, #tpu.memory_space<hbm>>
    %dma_wait3A_158 = arith.constant 0 : i32
    %dma_wait3A_159 = tpu.memref_slice %arg3[%add3A_134, %dma_wait3A_158] : memref<8192x1024xf32, #tpu.memory_space<hbm>> -> memref<8x1024xf32, #tpu.memory_space<hbm>>
    tpu.wait_dma2 semaphore(%arg16 : memref<!tpu.dma_semaphore, #tpu.memory_space<semaphore_mem>>) src(%dma_wait3A_159 : memref<8x1024xf32, #tpu.memory_space<hbm>>) dst(%arg8 : memref<8x1024xf32, #tpu.memory_space<vmem>>)
    %dma_wait3A_160 = arith.constant 0 : i32
    %dma_wait3A_161 = arith.constant 0 : i32
    %dma_wait3A_162 = tpu.memref_slice %arg2[%dma_wait3A_160, %add3A_134, %dma_wait3A_161] : memref<4x4096x1024xf32, #tpu.memory_space<hbm>> -> memref<4x8x1024xf32, #tpu.memory_space<hbm>>
    %dma_wait3A_163 = arith.constant 0 : i32
    %dma_wait3A_164 = arith.constant 0 : i32
    %dma_wait3A_165 = tpu.memref_slice %arg2[%dma_wait3A_163, %add3A_134, %dma_wait3A_164] : memref<4x4096x1024xf32, #tpu.memory_space<hbm>> -> memref<4x8x1024xf32, #tpu.memory_space<hbm>>
    tpu.wait_dma2 semaphore(%arg11 : memref<!tpu.dma_semaphore, #tpu.memory_space<semaphore_mem>>) src(%dma_wait3A_165 : memref<4x8x1024xf32, #tpu.memory_space<hbm>>) dst(%arg6 : memref<4x8x1024xf32, #tpu.memory_space<vmem>>)
    %dma_wait3A_166 = arith.constant 0 : i32
    %dma_wait3A_167 = arith.constant 0 : i32
    %dma_wait3A_168 = tpu.memref_slice %arg4[%dma_wait3A_166, %add3A_110, %dma_wait3A_167] : memref<4x4096x1024xf32, #tpu.memory_space<hbm>> -> memref<4x8x1024xf32, #tpu.memory_space<hbm>>
    %dma_wait3A_169 = arith.constant 0 : i32
    %dma_wait3A_170 = arith.constant 0 : i32
    %dma_wait3A_171 = tpu.memref_slice %arg4[%dma_wait3A_169, %add3A_110, %dma_wait3A_170] : memref<4x4096x1024xf32, #tpu.memory_space<hbm>> -> memref<4x8x1024xf32, #tpu.memory_space<hbm>>
    tpu.wait_dma2 semaphore(%arg15 : memref<!tpu.dma_semaphore, #tpu.memory_space<semaphore_mem>>) src(%arg7 : memref<4x8x1024xf32, #tpu.memory_space<vmem>>) dst(%dma_wait3A_171 : memref<4x8x1024xf32, #tpu.memory_space<hbm>>)
    %add3A_172 = arith.constant 40 : i32
    %add3A_173 = arith.addi %mul3A_2, %add3A_172 : i32
    %dma_start3A_174 = arith.constant 0 : i32
    %dma_start3A_175 = tpu.memref_slice %arg3[%add3A_173, %dma_start3A_174] : memref<8192x1024xf32, #tpu.memory_space<hbm>> -> memref<8x1024xf32, #tpu.memory_space<hbm>>
    %dma_start3A_176 = arith.constant 0 : i32
    %dma_start3A_177 = tpu.memref_slice %arg3[%add3A_173, %dma_start3A_176] : memref<8192x1024xf32, #tpu.memory_space<hbm>> -> memref<8x1024xf32, #tpu.memory_space<hbm>>
    tpu.enqueue_dma source(%dma_start3A_177 : memref<8x1024xf32, #tpu.memory_space<hbm>>) target(%arg9 : memref<8x1024xf32, #tpu.memory_space<vmem>>) target_semaphore(%arg17 : memref<!tpu.dma_semaphore, #tpu.memory_space<semaphore_mem>>)
    %dma_start3A_178 = arith.constant 0 : i32
    %dma_start3A_179 = arith.constant 0 : i32
    %dma_start3A_180 = tpu.memref_slice %arg2[%dma_start3A_178, %add3A_173, %dma_start3A_179] : memref<4x4096x1024xf32, #tpu.memory_space<hbm>> -> memref<4x8x1024xf32, #tpu.memory_space<hbm>>
    %dma_start3A_181 = arith.constant 0 : i32
    %dma_start3A_182 = arith.constant 0 : i32
    %dma_start3A_183 = tpu.memref_slice %arg2[%dma_start3A_181, %add3A_173, %dma_start3A_182] : memref<4x4096x1024xf32, #tpu.memory_space<hbm>> -> memref<4x8x1024xf32, #tpu.memory_space<hbm>>
    tpu.enqueue_dma source(%dma_start3A_183 : memref<4x8x1024xf32, #tpu.memory_space<hbm>>) target(%arg7 : memref<4x8x1024xf32, #tpu.memory_space<vmem>>) target_semaphore(%arg12 : memref<!tpu.dma_semaphore, #tpu.memory_space<semaphore_mem>>)
    %parallel_loop3A_184 = arith.constant 0 : i32
    %parallel_loop3A_185 = arith.constant 512 : i32
    %parallel_loop3A_186 = arith.constant 1 : i32
    scf.for %parallel_loop3A_624 = %parallel_loop3A_184 to %parallel_loop3A_185 step %parallel_loop3A_186  : i32 {
      %parallel_loop3A_625 = arith.constant 6 : i32
      %parallel_loop3A_626 = arith.shrui %parallel_loop3A_624, %parallel_loop3A_625 : i32
      %parallel_loop3A_627 = arith.constant 63 : i32
      %parallel_loop3A_628 = arith.andi %parallel_loop3A_624, %parallel_loop3A_627 : i32
      %parallel_loop3A_629 = arith.constant 16 : i32
      %parallel_loop3A_630 = arith.muli %parallel_loop3A_628, %parallel_loop3A_629 : i32
      %parallel_loop3A_631 = tpu.assume_multiple %parallel_loop3A_630, 16 : i32
      %parallel_loop3A_632 = arith.index_cast %parallel_loop3A_626 : i32 to index
      %parallel_loop3A_633 = arith.index_cast %parallel_loop3A_631 : i32 to index
      %parallel_loop3A_634 = tpu.vector_load %arg8[%parallel_loop3A_632, %parallel_loop3A_633] {strides = array<i32>} : memref<8x1024xf32, #tpu.memory_space<vmem>>, vector<1x16xf32>,
      %parallel_loop3A_635 = vector.shape_cast %parallel_loop3A_634 : vector<1x16xf32> to vector<16xf32>
      %parallel_loop3A_636 = arith.constant 0 : i32
      %parallel_loop3A_637 = arith.index_cast %parallel_loop3A_636 : i32 to index
      %parallel_loop3A_638 = arith.index_cast %parallel_loop3A_626 : i32 to index
      %parallel_loop3A_639 = arith.index_cast %parallel_loop3A_631 : i32 to index
      %parallel_loop3A_640 = tpu.vector_load %arg6[%parallel_loop3A_637, %parallel_loop3A_638, %parallel_loop3A_639] {strides = array<i32>} : memref<4x8x1024xf32, #tpu.memory_space<vmem>>, vector<1x1x16xf32>,
      %parallel_loop3A_641 = vector.shape_cast %parallel_loop3A_640 : vector<1x1x16xf32> to vector<16xf32>
      %parallel_loop3A_642 = arith.addf %parallel_loop3A_641, %parallel_loop3A_635 : vector<16xf32>
      %parallel_loop3A_643 = arith.constant 0 : i32
      %parallel_loop3A_644 = arith.index_cast %parallel_loop3A_643 : i32 to index
      %parallel_loop3A_645 = arith.index_cast %parallel_loop3A_626 : i32 to index
      %parallel_loop3A_646 = arith.index_cast %parallel_loop3A_631 : i32 to index
      %parallel_loop3A_647 = tpu.vector_load %arg6[%parallel_loop3A_644, %parallel_loop3A_645, %parallel_loop3A_646] {strides = array<i32>} : memref<4x8x1024xf32, #tpu.memory_space<vmem>>, vector<1x1x16xf32>,
      %parallel_loop3A_648 = vector.shape_cast %parallel_loop3A_647 : vector<1x1x16xf32> to vector<16xf32>
      %parallel_loop3A_649 = vector.shape_cast %parallel_loop3A_642 : vector<16xf32> to vector<1x1x16xf32>
      tpu.vector_store %arg6[%parallel_loop3A_644, %parallel_loop3A_645, %parallel_loop3A_646], %parallel_loop3A_649 {strides = array<i32>} : memref<4x8x1024xf32, #tpu.memory_space<vmem>>, vector<1x1x16xf32>,
      %parallel_loop3A_650 = arith.constant 1 : i32
      %parallel_loop3A_651 = arith.index_cast %parallel_loop3A_650 : i32 to index
      %parallel_loop3A_652 = arith.index_cast %parallel_loop3A_626 : i32 to index
      %parallel_loop3A_653 = arith.index_cast %parallel_loop3A_631 : i32 to index
      %parallel_loop3A_654 = tpu.vector_load %arg6[%parallel_loop3A_651, %parallel_loop3A_652, %parallel_loop3A_653] {strides = array<i32>} : memref<4x8x1024xf32, #tpu.memory_space<vmem>>, vector<1x1x16xf32>,
      %parallel_loop3A_655 = vector.shape_cast %parallel_loop3A_654 : vector<1x1x16xf32> to vector<16xf32>
      %parallel_loop3A_656 = arith.addf %parallel_loop3A_655, %parallel_loop3A_635 : vector<16xf32>
      %parallel_loop3A_657 = arith.constant 1 : i32
      %parallel_loop3A_658 = arith.index_cast %parallel_loop3A_657 : i32 to index
      %parallel_loop3A_659 = arith.index_cast %parallel_loop3A_626 : i32 to index
      %parallel_loop3A_660 = arith.index_cast %parallel_loop3A_631 : i32 to index
      %parallel_loop3A_661 = tpu.vector_load %arg6[%parallel_loop3A_658, %parallel_loop3A_659, %parallel_loop3A_660] {strides = array<i32>} : memref<4x8x1024xf32, #tpu.memory_space<vmem>>, vector<1x1x16xf32>,
      %parallel_loop3A_662 = vector.shape_cast %parallel_loop3A_661 : vector<1x1x16xf32> to vector<16xf32>
      %parallel_loop3A_663 = vector.shape_cast %parallel_loop3A_656 : vector<16xf32> to vector<1x1x16xf32>
      tpu.vector_store %arg6[%parallel_loop3A_658, %parallel_loop3A_659, %parallel_loop3A_660], %parallel_loop3A_663 {strides = array<i32>} : memref<4x8x1024xf32, #tpu.memory_space<vmem>>, vector<1x1x16xf32>,
      %parallel_loop3A_664 = arith.constant 2 : i32
      %parallel_loop3A_665 = arith.index_cast %parallel_loop3A_664 : i32 to index
      %parallel_loop3A_666 = arith.index_cast %parallel_loop3A_626 : i32 to index
      %parallel_loop3A_667 = arith.index_cast %parallel_loop3A_631 : i32 to index
      %parallel_loop3A_668 = tpu.vector_load %arg6[%parallel_loop3A_665, %parallel_loop3A_666, %parallel_loop3A_667] {strides = array<i32>} : memref<4x8x1024xf32, #tpu.memory_space<vmem>>, vector<1x1x16xf32>,
      %parallel_loop3A_669 = vector.shape_cast %parallel_loop3A_668 : vector<1x1x16xf32> to vector<16xf32>
      %parallel_loop3A_670 = arith.addf %parallel_loop3A_669, %parallel_loop3A_635 : vector<16xf32>
      %parallel_loop3A_671 = arith.constant 2 : i32
      %parallel_loop3A_672 = arith.index_cast %parallel_loop3A_671 : i32 to index
      %parallel_loop3A_673 = arith.index_cast %parallel_loop3A_626 : i32 to index
      %parallel_loop3A_674 = arith.index_cast %parallel_loop3A_631 : i32 to index
      %parallel_loop3A_675 = tpu.vector_load %arg6[%parallel_loop3A_672, %parallel_loop3A_673, %parallel_loop3A_674] {strides = array<i32>} : memref<4x8x1024xf32, #tpu.memory_space<vmem>>, vector<1x1x16xf32>,
      %parallel_loop3A_676 = vector.shape_cast %parallel_loop3A_675 : vector<1x1x16xf32> to vector<16xf32>
      %parallel_loop3A_677 = vector.shape_cast %parallel_loop3A_670 : vector<16xf32> to vector<1x1x16xf32>
      tpu.vector_store %arg6[%parallel_loop3A_672, %parallel_loop3A_673, %parallel_loop3A_674], %parallel_loop3A_677 {strides = array<i32>} : memref<4x8x1024xf32, #tpu.memory_space<vmem>>, vector<1x1x16xf32>,
      %parallel_loop3A_678 = arith.constant 3 : i32
      %parallel_loop3A_679 = arith.index_cast %parallel_loop3A_678 : i32 to index
      %parallel_loop3A_680 = arith.index_cast %parallel_loop3A_626 : i32 to index
      %parallel_loop3A_681 = arith.index_cast %parallel_loop3A_631 : i32 to index
      %parallel_loop3A_682 = tpu.vector_load %arg6[%parallel_loop3A_679, %parallel_loop3A_680, %parallel_loop3A_681] {strides = array<i32>} : memref<4x8x1024xf32, #tpu.memory_space<vmem>>, vector<1x1x16xf32>,
      %parallel_loop3A_683 = vector.shape_cast %parallel_loop3A_682 : vector<1x1x16xf32> to vector<16xf32>
      %parallel_loop3A_684 = arith.addf %parallel_loop3A_683, %parallel_loop3A_635 : vector<16xf32>
      %parallel_loop3A_685 = arith.constant 3 : i32
      %parallel_loop3A_686 = arith.index_cast %parallel_loop3A_685 : i32 to index
      %parallel_loop3A_687 = arith.index_cast %parallel_loop3A_626 : i32 to index
      %parallel_loop3A_688 = arith.index_cast %parallel_loop3A_631 : i32 to index
      %parallel_loop3A_689 = tpu.vector_load %arg6[%parallel_loop3A_686, %parallel_loop3A_687, %parallel_loop3A_688] {strides = array<i32>} : memref<4x8x1024xf32, #tpu.memory_space<vmem>>, vector<1x1x16xf32>,
      %parallel_loop3A_690 = vector.shape_cast %parallel_loop3A_689 : vector<1x1x16xf32> to vector<16xf32>
      %parallel_loop3A_691 = vector.shape_cast %parallel_loop3A_684 : vector<16xf32> to vector<1x1x16xf32>
      tpu.vector_store %arg6[%parallel_loop3A_686, %parallel_loop3A_687, %parallel_loop3A_688], %parallel_loop3A_691 {strides = array<i32>} : memref<4x8x1024xf32, #tpu.memory_space<vmem>>, vector<1x1x16xf32>,
    } {sc.loop_unroll_factor = 4 : i64, sc.parallel_access}
    %add3A_187 = arith.constant 32 : i32
    %add3A_188 = arith.addi %mul3A_2, %add3A_187 : i32
    %dma_start3A_189 = arith.constant 0 : i32
    %dma_start3A_190 = arith.constant 0 : i32
    %dma_start3A_191 = tpu.memref_slice %arg4[%dma_start3A_189, %add3A_188, %dma_start3A_190] : memref<4x4096x1024xf32, #tpu.memory_space<hbm>> -> memref<4x8x1024xf32, #tpu.memory_space<hbm>>
    %dma_start3A_192 = arith.constant 0 : i32
    %dma_start3A_193 = arith.constant 0 : i32
    %dma_start3A_194 = tpu.memref_slice %arg4[%dma_start3A_192, %add3A_188, %dma_start3A_193] : memref<4x4096x1024xf32, #tpu.memory_space<hbm>> -> memref<4x8x1024xf32, #tpu.memory_space<hbm>>
    tpu.enqueue_dma source(%arg6 : memref<4x8x1024xf32, #tpu.memory_space<vmem>>) target(%dma_start3A_194 : memref<4x8x1024xf32, #tpu.memory_space<hbm>>) target_semaphore(%arg14 : memref<!tpu.dma_semaphore, #tpu.memory_space<semaphore_mem>>)
    %dma_wait3A_195 = arith.constant 0 : i32
    %dma_wait3A_196 = tpu.memref_slice %arg3[%add3A_173, %dma_wait3A_195] : memref<8192x1024xf32, #tpu.memory_space<hbm>> -> memref<8x1024xf32, #tpu.memory_space<hbm>>
    %dma_wait3A_197 = arith.constant 0 : i32
    %dma_wait3A_198 = tpu.memref_slice %arg3[%add3A_173, %dma_wait3A_197] : memref<8192x1024xf32, #tpu.memory_space<hbm>> -> memref<8x1024xf32, #tpu.memory_space<hbm>>
    tpu.wait_dma2 semaphore(%arg17 : memref<!tpu.dma_semaphore, #tpu.memory_space<semaphore_mem>>) src(%dma_wait3A_198 : memref<8x1024xf32, #tpu.memory_space<hbm>>) dst(%arg9 : memref<8x1024xf32, #tpu.memory_space<vmem>>)
    %dma_wait3A_199 = arith.constant 0 : i32
    %dma_wait3A_200 = arith.constant 0 : i32
    %dma_wait3A_201 = tpu.memref_slice %arg2[%dma_wait3A_199, %add3A_173, %dma_wait3A_200] : memref<4x4096x1024xf32, #tpu.memory_space<hbm>> -> memref<4x8x1024xf32, #tpu.memory_space<hbm>>
    %dma_wait3A_202 = arith.constant 0 : i32
    %dma_wait3A_203 = arith.constant 0 : i32
    %dma_wait3A_204 = tpu.memref_slice %arg2[%dma_wait3A_202, %add3A_173, %dma_wait3A_203] : memref<4x4096x1024xf32, #tpu.memory_space<hbm>> -> memref<4x8x1024xf32, #tpu.memory_space<hbm>>
    tpu.wait_dma2 semaphore(%arg12 : memref<!tpu.dma_semaphore, #tpu.memory_space<semaphore_mem>>) src(%dma_wait3A_204 : memref<4x8x1024xf32, #tpu.memory_space<hbm>>) dst(%arg7 : memref<4x8x1024xf32, #tpu.memory_space<vmem>>)
    %dma_wait3A_205 = arith.constant 0 : i32
    %dma_wait3A_206 = arith.constant 0 : i32
    %dma_wait3A_207 = tpu.memref_slice %arg4[%dma_wait3A_205, %add3A_149, %dma_wait3A_206] : memref<4x4096x1024xf32, #tpu.memory_space<hbm>> -> memref<4x8x1024xf32, #tpu.memory_space<hbm>>
    %dma_wait3A_208 = arith.constant 0 : i32
    %dma_wait3A_209 = arith.constant 0 : i32
    %dma_wait3A_210 = tpu.memref_slice %arg4[%dma_wait3A_208, %add3A_149, %dma_wait3A_209] : memref<4x4096x1024xf32, #tpu.memory_space<hbm>> -> memref<4x8x1024xf32, #tpu.memory_space<hbm>>
    tpu.wait_dma2 semaphore(%arg13 : memref<!tpu.dma_semaphore, #tpu.memory_space<semaphore_mem>>) src(%arg5 : memref<4x8x1024xf32, #tpu.memory_space<vmem>>) dst(%dma_wait3A_210 : memref<4x8x1024xf32, #tpu.memory_space<hbm>>)
    %add3A_211 = arith.constant 48 : i32
    %add3A_212 = arith.addi %mul3A_2, %add3A_211 : i32
    %dma_start3A_213 = arith.constant 0 : i32
    %dma_start3A_214 = tpu.memref_slice %arg3[%add3A_212, %dma_start3A_213] : memref<8192x1024xf32, #tpu.memory_space<hbm>> -> memref<8x1024xf32, #tpu.memory_space<hbm>>
    %dma_start3A_215 = arith.constant 0 : i32
    %dma_start3A_216 = tpu.memref_slice %arg3[%add3A_212, %dma_start3A_215] : memref<8192x1024xf32, #tpu.memory_space<hbm>> -> memref<8x1024xf32, #tpu.memory_space<hbm>>
    tpu.enqueue_dma source(%dma_start3A_216 : memref<8x1024xf32, #tpu.memory_space<hbm>>) target(%arg8 : memref<8x1024xf32, #tpu.memory_space<vmem>>) target_semaphore(%arg16 : memref<!tpu.dma_semaphore, #tpu.memory_space<semaphore_mem>>)
    %dma_start3A_217 = arith.constant 0 : i32
    %dma_start3A_218 = arith.constant 0 : i32
    %dma_start3A_219 = tpu.memref_slice %arg2[%dma_start3A_217, %add3A_212, %dma_start3A_218] : memref<4x4096x1024xf32, #tpu.memory_space<hbm>> -> memref<4x8x1024xf32, #tpu.memory_space<hbm>>
    %dma_start3A_220 = arith.constant 0 : i32
    %dma_start3A_221 = arith.constant 0 : i32
    %dma_start3A_222 = tpu.memref_slice %arg2[%dma_start3A_220, %add3A_212, %dma_start3A_221] : memref<4x4096x1024xf32, #tpu.memory_space<hbm>> -> memref<4x8x1024xf32, #tpu.memory_space<hbm>>
    tpu.enqueue_dma source(%dma_start3A_222 : memref<4x8x1024xf32, #tpu.memory_space<hbm>>) target(%arg5 : memref<4x8x1024xf32, #tpu.memory_space<vmem>>) target_semaphore(%arg10 : memref<!tpu.dma_semaphore, #tpu.memory_space<semaphore_mem>>)
    %parallel_loop3A_223 = arith.constant 0 : i32
    %parallel_loop3A_224 = arith.constant 512 : i32
    %parallel_loop3A_225 = arith.constant 1 : i32
    scf.for %parallel_loop3A_624 = %parallel_loop3A_223 to %parallel_loop3A_224 step %parallel_loop3A_225  : i32 {
      %parallel_loop3A_625 = arith.constant 6 : i32
      %parallel_loop3A_626 = arith.shrui %parallel_loop3A_624, %parallel_loop3A_625 : i32
      %parallel_loop3A_627 = arith.constant 63 : i32
      %parallel_loop3A_628 = arith.andi %parallel_loop3A_624, %parallel_loop3A_627 : i32
      %parallel_loop3A_629 = arith.constant 16 : i32
      %parallel_loop3A_630 = arith.muli %parallel_loop3A_628, %parallel_loop3A_629 : i32
      %parallel_loop3A_631 = tpu.assume_multiple %parallel_loop3A_630, 16 : i32
      %parallel_loop3A_632 = arith.index_cast %parallel_loop3A_626 : i32 to index
      %parallel_loop3A_633 = arith.index_cast %parallel_loop3A_631 : i32 to index
      %parallel_loop3A_634 = tpu.vector_load %arg9[%parallel_loop3A_632, %parallel_loop3A_633] {strides = array<i32>} : memref<8x1024xf32, #tpu.memory_space<vmem>>, vector<1x16xf32>,
      %parallel_loop3A_635 = vector.shape_cast %parallel_loop3A_634 : vector<1x16xf32> to vector<16xf32>
      %parallel_loop3A_636 = arith.constant 0 : i32
      %parallel_loop3A_637 = arith.index_cast %parallel_loop3A_636 : i32 to index
      %parallel_loop3A_638 = arith.index_cast %parallel_loop3A_626 : i32 to index
      %parallel_loop3A_639 = arith.index_cast %parallel_loop3A_631 : i32 to index
      %parallel_loop3A_640 = tpu.vector_load %arg7[%parallel_loop3A_637, %parallel_loop3A_638, %parallel_loop3A_639] {strides = array<i32>} : memref<4x8x1024xf32, #tpu.memory_space<vmem>>, vector<1x1x16xf32>,
      %parallel_loop3A_641 = vector.shape_cast %parallel_loop3A_640 : vector<1x1x16xf32> to vector<16xf32>
      %parallel_loop3A_642 = arith.addf %parallel_loop3A_641, %parallel_loop3A_635 : vector<16xf32>
      %parallel_loop3A_643 = arith.constant 0 : i32
      %parallel_loop3A_644 = arith.index_cast %parallel_loop3A_643 : i32 to index
      %parallel_loop3A_645 = arith.index_cast %parallel_loop3A_626 : i32 to index
      %parallel_loop3A_646 = arith.index_cast %parallel_loop3A_631 : i32 to index
      %parallel_loop3A_647 = tpu.vector_load %arg7[%parallel_loop3A_644, %parallel_loop3A_645, %parallel_loop3A_646] {strides = array<i32>} : memref<4x8x1024xf32, #tpu.memory_space<vmem>>, vector<1x1x16xf32>,
      %parallel_loop3A_648 = vector.shape_cast %parallel_loop3A_647 : vector<1x1x16xf32> to vector<16xf32>
      %parallel_loop3A_649 = vector.shape_cast %parallel_loop3A_642 : vector<16xf32> to vector<1x1x16xf32>
      tpu.vector_store %arg7[%parallel_loop3A_644, %parallel_loop3A_645, %parallel_loop3A_646], %parallel_loop3A_649 {strides = array<i32>} : memref<4x8x1024xf32, #tpu.memory_space<vmem>>, vector<1x1x16xf32>,
      %parallel_loop3A_650 = arith.constant 1 : i32
      %parallel_loop3A_651 = arith.index_cast %parallel_loop3A_650 : i32 to index
      %parallel_loop3A_652 = arith.index_cast %parallel_loop3A_626 : i32 to index
      %parallel_loop3A_653 = arith.index_cast %parallel_loop3A_631 : i32 to index
      %parallel_loop3A_654 = tpu.vector_load %arg7[%parallel_loop3A_651, %parallel_loop3A_652, %parallel_loop3A_653] {strides = array<i32>} : memref<4x8x1024xf32, #tpu.memory_space<vmem>>, vector<1x1x16xf32>,
      %parallel_loop3A_655 = vector.shape_cast %parallel_loop3A_654 : vector<1x1x16xf32> to vector<16xf32>
      %parallel_loop3A_656 = arith.addf %parallel_loop3A_655, %parallel_loop3A_635 : vector<16xf32>
      %parallel_loop3A_657 = arith.constant 1 : i32
      %parallel_loop3A_658 = arith.index_cast %parallel_loop3A_657 : i32 to index
      %parallel_loop3A_659 = arith.index_cast %parallel_loop3A_626 : i32 to index
      %parallel_loop3A_660 = arith.index_cast %parallel_loop3A_631 : i32 to index
      %parallel_loop3A_661 = tpu.vector_load %arg7[%parallel_loop3A_658, %parallel_loop3A_659, %parallel_loop3A_660] {strides = array<i32>} : memref<4x8x1024xf32, #tpu.memory_space<vmem>>, vector<1x1x16xf32>,
      %parallel_loop3A_662 = vector.shape_cast %parallel_loop3A_661 : vector<1x1x16xf32> to vector<16xf32>
      %parallel_loop3A_663 = vector.shape_cast %parallel_loop3A_656 : vector<16xf32> to vector<1x1x16xf32>
      tpu.vector_store %arg7[%parallel_loop3A_658, %parallel_loop3A_659, %parallel_loop3A_660], %parallel_loop3A_663 {strides = array<i32>} : memref<4x8x1024xf32, #tpu.memory_space<vmem>>, vector<1x1x16xf32>,
      %parallel_loop3A_664 = arith.constant 2 : i32
      %parallel_loop3A_665 = arith.index_cast %parallel_loop3A_664 : i32 to index
      %parallel_loop3A_666 = arith.index_cast %parallel_loop3A_626 : i32 to index
      %parallel_loop3A_667 = arith.index_cast %parallel_loop3A_631 : i32 to index
      %parallel_loop3A_668 = tpu.vector_load %arg7[%parallel_loop3A_665, %parallel_loop3A_666, %parallel_loop3A_667] {strides = array<i32>} : memref<4x8x1024xf32, #tpu.memory_space<vmem>>, vector<1x1x16xf32>,
      %parallel_loop3A_669 = vector.shape_cast %parallel_loop3A_668 : vector<1x1x16xf32> to vector<16xf32>
      %parallel_loop3A_670 = arith.addf %parallel_loop3A_669, %parallel_loop3A_635 : vector<16xf32>
      %parallel_loop3A_671 = arith.constant 2 : i32
      %parallel_loop3A_672 = arith.index_cast %parallel_loop3A_671 : i32 to index
      %parallel_loop3A_673 = arith.index_cast %parallel_loop3A_626 : i32 to index
      %parallel_loop3A_674 = arith.index_cast %parallel_loop3A_631 : i32 to index
      %parallel_loop3A_675 = tpu.vector_load %arg7[%parallel_loop3A_672, %parallel_loop3A_673, %parallel_loop3A_674] {strides = array<i32>} : memref<4x8x1024xf32, #tpu.memory_space<vmem>>, vector<1x1x16xf32>,
      %parallel_loop3A_676 = vector.shape_cast %parallel_loop3A_675 : vector<1x1x16xf32> to vector<16xf32>
      %parallel_loop3A_677 = vector.shape_cast %parallel_loop3A_670 : vector<16xf32> to vector<1x1x16xf32>
      tpu.vector_store %arg7[%parallel_loop3A_672, %parallel_loop3A_673, %parallel_loop3A_674], %parallel_loop3A_677 {strides = array<i32>} : memref<4x8x1024xf32, #tpu.memory_space<vmem>>, vector<1x1x16xf32>,
      %parallel_loop3A_678 = arith.constant 3 : i32
      %parallel_loop3A_679 = arith.index_cast %parallel_loop3A_678 : i32 to index
      %parallel_loop3A_680 = arith.index_cast %parallel_loop3A_626 : i32 to index
      %parallel_loop3A_681 = arith.index_cast %parallel_loop3A_631 : i32 to index
      %parallel_loop3A_682 = tpu.vector_load %arg7[%parallel_loop3A_679, %parallel_loop3A_680, %parallel_loop3A_681] {strides = array<i32>} : memref<4x8x1024xf32, #tpu.memory_space<vmem>>, vector<1x1x16xf32>,
      %parallel_loop3A_683 = vector.shape_cast %parallel_loop3A_682 : vector<1x1x16xf32> to vector<16xf32>
      %parallel_loop3A_684 = arith.addf %parallel_loop3A_683, %parallel_loop3A_635 : vector<16xf32>
      %parallel_loop3A_685 = arith.constant 3 : i32
      %parallel_loop3A_686 = arith.index_cast %parallel_loop3A_685 : i32 to index
      %parallel_loop3A_687 = arith.index_cast %parallel_loop3A_626 : i32 to index
      %parallel_loop3A_688 = arith.index_cast %parallel_loop3A_631 : i32 to index
      %parallel_loop3A_689 = tpu.vector_load %arg7[%parallel_loop3A_686, %parallel_loop3A_687, %parallel_loop3A_688] {strides = array<i32>} : memref<4x8x1024xf32, #tpu.memory_space<vmem>>, vector<1x1x16xf32>,
      %parallel_loop3A_690 = vector.shape_cast %parallel_loop3A_689 : vector<1x1x16xf32> to vector<16xf32>
      %parallel_loop3A_691 = vector.shape_cast %parallel_loop3A_684 : vector<16xf32> to vector<1x1x16xf32>
      tpu.vector_store %arg7[%parallel_loop3A_686, %parallel_loop3A_687, %parallel_loop3A_688], %parallel_loop3A_691 {strides = array<i32>} : memref<4x8x1024xf32, #tpu.memory_space<vmem>>, vector<1x1x16xf32>,
    } {sc.loop_unroll_factor = 4 : i64, sc.parallel_access}
    %add3A_226 = arith.constant 40 : i32
    %add3A_227 = arith.addi %mul3A_2, %add3A_226 : i32
    %dma_start3A_228 = arith.constant 0 : i32
    %dma_start3A_229 = arith.constant 0 : i32
    %dma_start3A_230 = tpu.memref_slice %arg4[%dma_start3A_228, %add3A_227, %dma_start3A_229] : memref<4x4096x1024xf32, #tpu.memory_space<hbm>> -> memref<4x8x1024xf32, #tpu.memory_space<hbm>>
    %dma_start3A_231 = arith.constant 0 : i32
    %dma_start3A_232 = arith.constant 0 : i32
    %dma_start3A_233 = tpu.memref_slice %arg4[%dma_start3A_231, %add3A_227, %dma_start3A_232] : memref<4x4096x1024xf32, #tpu.memory_space<hbm>> -> memref<4x8x1024xf32, #tpu.memory_space<hbm>>
    tpu.enqueue_dma source(%arg7 : memref<4x8x1024xf32, #tpu.memory_space<vmem>>) target(%dma_start3A_233 : memref<4x8x1024xf32, #tpu.memory_space<hbm>>) target_semaphore(%arg15 : memref<!tpu.dma_semaphore, #tpu.memory_space<semaphore_mem>>)
    %dma_wait3A_234 = arith.constant 0 : i32
    %dma_wait3A_235 = tpu.memref_slice %arg3[%add3A_212, %dma_wait3A_234] : memref<8192x1024xf32, #tpu.memory_space<hbm>> -> memref<8x1024xf32, #tpu.memory_space<hbm>>
    %dma_wait3A_236 = arith.constant 0 : i32
    %dma_wait3A_237 = tpu.memref_slice %arg3[%add3A_212, %dma_wait3A_236] : memref<8192x1024xf32, #tpu.memory_space<hbm>> -> memref<8x1024xf32, #tpu.memory_space<hbm>>
    tpu.wait_dma2 semaphore(%arg16 : memref<!tpu.dma_semaphore, #tpu.memory_space<semaphore_mem>>) src(%dma_wait3A_237 : memref<8x1024xf32, #tpu.memory_space<hbm>>) dst(%arg8 : memref<8x1024xf32, #tpu.memory_space<vmem>>)
    %dma_wait3A_238 = arith.constant 0 : i32
    %dma_wait3A_239 = arith.constant 0 : i32
    %dma_wait3A_240 = tpu.memref_slice %arg2[%dma_wait3A_238, %add3A_212, %dma_wait3A_239] : memref<4x4096x1024xf32, #tpu.memory_space<hbm>> -> memref<4x8x1024xf32, #tpu.memory_space<hbm>>
    %dma_wait3A_241 = arith.constant 0 : i32
    %dma_wait3A_242 = arith.constant 0 : i32
    %dma_wait3A_243 = tpu.memref_slice %arg2[%dma_wait3A_241, %add3A_212, %dma_wait3A_242] : memref<4x4096x1024xf32, #tpu.memory_space<hbm>> -> memref<4x8x1024xf32, #tpu.memory_space<hbm>>
    tpu.wait_dma2 semaphore(%arg10 : memref<!tpu.dma_semaphore, #tpu.memory_space<semaphore_mem>>) src(%dma_wait3A_243 : memref<4x8x1024xf32, #tpu.memory_space<hbm>>) dst(%arg5 : memref<4x8x1024xf32, #tpu.memory_space<vmem>>)
    %dma_wait3A_244 = arith.constant 0 : i32
    %dma_wait3A_245 = arith.constant 0 : i32
    %dma_wait3A_246 = tpu.memref_slice %arg4[%dma_wait3A_244, %add3A_188, %dma_wait3A_245] : memref<4x4096x1024xf32, #tpu.memory_space<hbm>> -> memref<4x8x1024xf32, #tpu.memory_space<hbm>>
    %dma_wait3A_247 = arith.constant 0 : i32
    %dma_wait3A_248 = arith.constant 0 : i32
    %dma_wait3A_249 = tpu.memref_slice %arg4[%dma_wait3A_247, %add3A_188, %dma_wait3A_248] : memref<4x4096x1024xf32, #tpu.memory_space<hbm>> -> memref<4x8x1024xf32, #tpu.memory_space<hbm>>
    tpu.wait_dma2 semaphore(%arg14 : memref<!tpu.dma_semaphore, #tpu.memory_space<semaphore_mem>>) src(%arg6 : memref<4x8x1024xf32, #tpu.memory_space<vmem>>) dst(%dma_wait3A_249 : memref<4x8x1024xf32, #tpu.memory_space<hbm>>)
    %add3A_250 = arith.constant 56 : i32
    %add3A_251 = arith.addi %mul3A_2, %add3A_250 : i32
    %dma_start3A_252 = arith.constant 0 : i32
    %dma_start3A_253 = tpu.memref_slice %arg3[%add3A_251, %dma_start3A_252] : memref<8192x1024xf32, #tpu.memory_space<hbm>> -> memref<8x1024xf32, #tpu.memory_space<hbm>>
    %dma_start3A_254 = arith.constant 0 : i32
    %dma_start3A_255 = tpu.memref_slice %arg3[%add3A_251, %dma_start3A_254] : memref<8192x1024xf32, #tpu.memory_space<hbm>> -> memref<8x1024xf32, #tpu.memory_space<hbm>>
    tpu.enqueue_dma source(%dma_start3A_255 : memref<8x1024xf32, #tpu.memory_space<hbm>>) target(%arg9 : memref<8x1024xf32, #tpu.memory_space<vmem>>) target_semaphore(%arg17 : memref<!tpu.dma_semaphore, #tpu.memory_space<semaphore_mem>>)
    %dma_start3A_256 = arith.constant 0 : i32
    %dma_start3A_257 = arith.constant 0 : i32
    %dma_start3A_258 = tpu.memref_slice %arg2[%dma_start3A_256, %add3A_251, %dma_start3A_257] : memref<4x4096x1024xf32, #tpu.memory_space<hbm>> -> memref<4x8x1024xf32, #tpu.memory_space<hbm>>
    %dma_start3A_259 = arith.constant 0 : i32
    %dma_start3A_260 = arith.constant 0 : i32
    %dma_start3A_261 = tpu.memref_slice %arg2[%dma_start3A_259, %add3A_251, %dma_start3A_260] : memref<4x4096x1024xf32, #tpu.memory_space<hbm>> -> memref<4x8x1024xf32, #tpu.memory_space<hbm>>
    tpu.enqueue_dma source(%dma_start3A_261 : memref<4x8x1024xf32, #tpu.memory_space<hbm>>) target(%arg6 : memref<4x8x1024xf32, #tpu.memory_space<vmem>>) target_semaphore(%arg11 : memref<!tpu.dma_semaphore, #tpu.memory_space<semaphore_mem>>)
    %parallel_loop3A_262 = arith.constant 0 : i32
    %parallel_loop3A_263 = arith.constant 512 : i32
    %parallel_loop3A_264 = arith.constant 1 : i32
    scf.for %parallel_loop3A_624 = %parallel_loop3A_262 to %parallel_loop3A_263 step %parallel_loop3A_264  : i32 {
      %parallel_loop3A_625 = arith.constant 6 : i32
      %parallel_loop3A_626 = arith.shrui %parallel_loop3A_624, %parallel_loop3A_625 : i32
      %parallel_loop3A_627 = arith.constant 63 : i32
      %parallel_loop3A_628 = arith.andi %parallel_loop3A_624, %parallel_loop3A_627 : i32
      %parallel_loop3A_629 = arith.constant 16 : i32
      %parallel_loop3A_630 = arith.muli %parallel_loop3A_628, %parallel_loop3A_629 : i32
      %parallel_loop3A_631 = tpu.assume_multiple %parallel_loop3A_630, 16 : i32
      %parallel_loop3A_632 = arith.index_cast %parallel_loop3A_626 : i32 to index
      %parallel_loop3A_633 = arith.index_cast %parallel_loop3A_631 : i32 to index
      %parallel_loop3A_634 = tpu.vector_load %arg8[%parallel_loop3A_632, %parallel_loop3A_633] {strides = array<i32>} : memref<8x1024xf32, #tpu.memory_space<vmem>>, vector<1x16xf32>,
      %parallel_loop3A_635 = vector.shape_cast %parallel_loop3A_634 : vector<1x16xf32> to vector<16xf32>
      %parallel_loop3A_636 = arith.constant 0 : i32
      %parallel_loop3A_637 = arith.index_cast %parallel_loop3A_636 : i32 to index
      %parallel_loop3A_638 = arith.index_cast %parallel_loop3A_626 : i32 to index
      %parallel_loop3A_639 = arith.index_cast %parallel_loop3A_631 : i32 to index
      %parallel_loop3A_640 = tpu.vector_load %arg5[%parallel_loop3A_637, %parallel_loop3A_638, %parallel_loop3A_639] {strides = array<i32>} : memref<4x8x1024xf32, #tpu.memory_space<vmem>>, vector<1x1x16xf32>,
      %parallel_loop3A_641 = vector.shape_cast %parallel_loop3A_640 : vector<1x1x16xf32> to vector<16xf32>
      %parallel_loop3A_642 = arith.addf %parallel_loop3A_641, %parallel_loop3A_635 : vector<16xf32>
      %parallel_loop3A_643 = arith.constant 0 : i32
      %parallel_loop3A_644 = arith.index_cast %parallel_loop3A_643 : i32 to index
      %parallel_loop3A_645 = arith.index_cast %parallel_loop3A_626 : i32 to index
      %parallel_loop3A_646 = arith.index_cast %parallel_loop3A_631 : i32 to index
      %parallel_loop3A_647 = tpu.vector_load %arg5[%parallel_loop3A_644, %parallel_loop3A_645, %parallel_loop3A_646] {strides = array<i32>} : memref<4x8x1024xf32, #tpu.memory_space<vmem>>, vector<1x1x16xf32>,
      %parallel_loop3A_648 = vector.shape_cast %parallel_loop3A_647 : vector<1x1x16xf32> to vector<16xf32>
      %parallel_loop3A_649 = vector.shape_cast %parallel_loop3A_642 : vector<16xf32> to vector<1x1x16xf32>
      tpu.vector_store %arg5[%parallel_loop3A_644, %parallel_loop3A_645, %parallel_loop3A_646], %parallel_loop3A_649 {strides = array<i32>} : memref<4x8x1024xf32, #tpu.memory_space<vmem>>, vector<1x1x16xf32>,
      %parallel_loop3A_650 = arith.constant 1 : i32
      %parallel_loop3A_651 = arith.index_cast %parallel_loop3A_650 : i32 to index
      %parallel_loop3A_652 = arith.index_cast %parallel_loop3A_626 : i32 to index
      %parallel_loop3A_653 = arith.index_cast %parallel_loop3A_631 : i32 to index
      %parallel_loop3A_654 = tpu.vector_load %arg5[%parallel_loop3A_651, %parallel_loop3A_652, %parallel_loop3A_653] {strides = array<i32>} : memref<4x8x1024xf32, #tpu.memory_space<vmem>>, vector<1x1x16xf32>,
      %parallel_loop3A_655 = vector.shape_cast %parallel_loop3A_654 : vector<1x1x16xf32> to vector<16xf32>
      %parallel_loop3A_656 = arith.addf %parallel_loop3A_655, %parallel_loop3A_635 : vector<16xf32>
      %parallel_loop3A_657 = arith.constant 1 : i32
      %parallel_loop3A_658 = arith.index_cast %parallel_loop3A_657 : i32 to index
      %parallel_loop3A_659 = arith.index_cast %parallel_loop3A_626 : i32 to index
      %parallel_loop3A_660 = arith.index_cast %parallel_loop3A_631 : i32 to index
      %parallel_loop3A_661 = tpu.vector_load %arg5[%parallel_loop3A_658, %parallel_loop3A_659, %parallel_loop3A_660] {strides = array<i32>} : memref<4x8x1024xf32, #tpu.memory_space<vmem>>, vector<1x1x16xf32>,
      %parallel_loop3A_662 = vector.shape_cast %parallel_loop3A_661 : vector<1x1x16xf32> to vector<16xf32>
      %parallel_loop3A_663 = vector.shape_cast %parallel_loop3A_656 : vector<16xf32> to vector<1x1x16xf32>
      tpu.vector_store %arg5[%parallel_loop3A_658, %parallel_loop3A_659, %parallel_loop3A_660], %parallel_loop3A_663 {strides = array<i32>} : memref<4x8x1024xf32, #tpu.memory_space<vmem>>, vector<1x1x16xf32>,
      %parallel_loop3A_664 = arith.constant 2 : i32
      %parallel_loop3A_665 = arith.index_cast %parallel_loop3A_664 : i32 to index
      %parallel_loop3A_666 = arith.index_cast %parallel_loop3A_626 : i32 to index
      %parallel_loop3A_667 = arith.index_cast %parallel_loop3A_631 : i32 to index
      %parallel_loop3A_668 = tpu.vector_load %arg5[%parallel_loop3A_665, %parallel_loop3A_666, %parallel_loop3A_667] {strides = array<i32>} : memref<4x8x1024xf32, #tpu.memory_space<vmem>>, vector<1x1x16xf32>,
      %parallel_loop3A_669 = vector.shape_cast %parallel_loop3A_668 : vector<1x1x16xf32> to vector<16xf32>
      %parallel_loop3A_670 = arith.addf %parallel_loop3A_669, %parallel_loop3A_635 : vector<16xf32>
      %parallel_loop3A_671 = arith.constant 2 : i32
      %parallel_loop3A_672 = arith.index_cast %parallel_loop3A_671 : i32 to index
      %parallel_loop3A_673 = arith.index_cast %parallel_loop3A_626 : i32 to index
      %parallel_loop3A_674 = arith.index_cast %parallel_loop3A_631 : i32 to index
      %parallel_loop3A_675 = tpu.vector_load %arg5[%parallel_loop3A_672, %parallel_loop3A_673, %parallel_loop3A_674] {strides = array<i32>} : memref<4x8x1024xf32, #tpu.memory_space<vmem>>, vector<1x1x16xf32>,
      %parallel_loop3A_676 = vector.shape_cast %parallel_loop3A_675 : vector<1x1x16xf32> to vector<16xf32>
      %parallel_loop3A_677 = vector.shape_cast %parallel_loop3A_670 : vector<16xf32> to vector<1x1x16xf32>
      tpu.vector_store %arg5[%parallel_loop3A_672, %parallel_loop3A_673, %parallel_loop3A_674], %parallel_loop3A_677 {strides = array<i32>} : memref<4x8x1024xf32, #tpu.memory_space<vmem>>, vector<1x1x16xf32>,
      %parallel_loop3A_678 = arith.constant 3 : i32
      %parallel_loop3A_679 = arith.index_cast %parallel_loop3A_678 : i32 to index
      %parallel_loop3A_680 = arith.index_cast %parallel_loop3A_626 : i32 to index
      %parallel_loop3A_681 = arith.index_cast %parallel_loop3A_631 : i32 to index
      %parallel_loop3A_682 = tpu.vector_load %arg5[%parallel_loop3A_679, %parallel_loop3A_680, %parallel_loop3A_681] {strides = array<i32>} : memref<4x8x1024xf32, #tpu.memory_space<vmem>>, vector<1x1x16xf32>,
      %parallel_loop3A_683 = vector.shape_cast %parallel_loop3A_682 : vector<1x1x16xf32> to vector<16xf32>
      %parallel_loop3A_684 = arith.addf %parallel_loop3A_683, %parallel_loop3A_635 : vector<16xf32>
      %parallel_loop3A_685 = arith.constant 3 : i32
      %parallel_loop3A_686 = arith.index_cast %parallel_loop3A_685 : i32 to index
      %parallel_loop3A_687 = arith.index_cast %parallel_loop3A_626 : i32 to index
      %parallel_loop3A_688 = arith.index_cast %parallel_loop3A_631 : i32 to index
      %parallel_loop3A_689 = tpu.vector_load %arg5[%parallel_loop3A_686, %parallel_loop3A_687, %parallel_loop3A_688] {strides = array<i32>} : memref<4x8x1024xf32, #tpu.memory_space<vmem>>, vector<1x1x16xf32>,
      %parallel_loop3A_690 = vector.shape_cast %parallel_loop3A_689 : vector<1x1x16xf32> to vector<16xf32>
      %parallel_loop3A_691 = vector.shape_cast %parallel_loop3A_684 : vector<16xf32> to vector<1x1x16xf32>
      tpu.vector_store %arg5[%parallel_loop3A_686, %parallel_loop3A_687, %parallel_loop3A_688], %parallel_loop3A_691 {strides = array<i32>} : memref<4x8x1024xf32, #tpu.memory_space<vmem>>, vector<1x1x16xf32>,
    } {sc.loop_unroll_factor = 4 : i64, sc.parallel_access}
    %add3A_265 = arith.constant 48 : i32
    %add3A_266 = arith.addi %mul3A_2, %add3A_265 : i32
    %dma_start3A_267 = arith.constant 0 : i32
    %dma_start3A_268 = arith.constant 0 : i32
    %dma_start3A_269 = tpu.memref_slice %arg4[%dma_start3A_267, %add3A_266, %dma_start3A_268] : memref<4x4096x1024xf32, #tpu.memory_space<hbm>> -> memref<4x8x1024xf32, #tpu.memory_space<hbm>>
    %dma_start3A_270 = arith.constant 0 : i32
    %dma_start3A_271 = arith.constant 0 : i32
    %dma_start3A_272 = tpu.memref_slice %arg4[%dma_start3A_270, %add3A_266, %dma_start3A_271] : memref<4x4096x1024xf32, #tpu.memory_space<hbm>> -> memref<4x8x1024xf32, #tpu.memory_space<hbm>>
    tpu.enqueue_dma source(%arg5 : memref<4x8x1024xf32, #tpu.memory_space<vmem>>) target(%dma_start3A_272 : memref<4x8x1024xf32, #tpu.memory_space<hbm>>) target_semaphore(%arg13 : memref<!tpu.dma_semaphore, #tpu.memory_space<semaphore_mem>>)
    %dma_wait3A_273 = arith.constant 0 : i32
    %dma_wait3A_274 = tpu.memref_slice %arg3[%add3A_251, %dma_wait3A_273] : memref<8192x1024xf32, #tpu.memory_space<hbm>> -> memref<8x1024xf32, #tpu.memory_space<hbm>>
    %dma_wait3A_275 = arith.constant 0 : i32
    %dma_wait3A_276 = tpu.memref_slice %arg3[%add3A_251, %dma_wait3A_275] : memref<8192x1024xf32, #tpu.memory_space<hbm>> -> memref<8x1024xf32, #tpu.memory_space<hbm>>
    tpu.wait_dma2 semaphore(%arg17 : memref<!tpu.dma_semaphore, #tpu.memory_space<semaphore_mem>>) src(%dma_wait3A_276 : memref<8x1024xf32, #tpu.memory_space<hbm>>) dst(%arg9 : memref<8x1024xf32, #tpu.memory_space<vmem>>)
    %dma_wait3A_277 = arith.constant 0 : i32
    %dma_wait3A_278 = arith.constant 0 : i32
    %dma_wait3A_279 = tpu.memref_slice %arg2[%dma_wait3A_277, %add3A_251, %dma_wait3A_278] : memref<4x4096x1024xf32, #tpu.memory_space<hbm>> -> memref<4x8x1024xf32, #tpu.memory_space<hbm>>
    %dma_wait3A_280 = arith.constant 0 : i32
    %dma_wait3A_281 = arith.constant 0 : i32
    %dma_wait3A_282 = tpu.memref_slice %arg2[%dma_wait3A_280, %add3A_251, %dma_wait3A_281] : memref<4x4096x1024xf32, #tpu.memory_space<hbm>> -> memref<4x8x1024xf32, #tpu.memory_space<hbm>>
    tpu.wait_dma2 semaphore(%arg11 : memref<!tpu.dma_semaphore, #tpu.memory_space<semaphore_mem>>) src(%dma_wait3A_282 : memref<4x8x1024xf32, #tpu.memory_space<hbm>>) dst(%arg6 : memref<4x8x1024xf32, #tpu.memory_space<vmem>>)
    %dma_wait3A_283 = arith.constant 0 : i32
    %dma_wait3A_284 = arith.constant 0 : i32
    %dma_wait3A_285 = tpu.memref_slice %arg4[%dma_wait3A_283, %add3A_227, %dma_wait3A_284] : memref<4x4096x1024xf32, #tpu.memory_space<hbm>> -> memref<4x8x1024xf32, #tpu.memory_space<hbm>>
    %dma_wait3A_286 = arith.constant 0 : i32
    %dma_wait3A_287 = arith.constant 0 : i32
    %dma_wait3A_288 = tpu.memref_slice %arg4[%dma_wait3A_286, %add3A_227, %dma_wait3A_287] : memref<4x4096x1024xf32, #tpu.memory_space<hbm>> -> memref<4x8x1024xf32, #tpu.memory_space<hbm>>
    tpu.wait_dma2 semaphore(%arg15 : memref<!tpu.dma_semaphore, #tpu.memory_space<semaphore_mem>>) src(%arg7 : memref<4x8x1024xf32, #tpu.memory_space<vmem>>) dst(%dma_wait3A_288 : memref<4x8x1024xf32, #tpu.memory_space<hbm>>)
    %add3A_289 = arith.constant 64 : i32
    %add3A_290 = arith.addi %mul3A_2, %add3A_289 : i32
    %dma_start3A_291 = arith.constant 0 : i32
    %dma_start3A_292 = tpu.memref_slice %arg3[%add3A_290, %dma_start3A_291] : memref<8192x1024xf32, #tpu.memory_space<hbm>> -> memref<8x1024xf32, #tpu.memory_space<hbm>>
    %dma_start3A_293 = arith.constant 0 : i32
    %dma_start3A_294 = tpu.memref_slice %arg3[%add3A_290, %dma_start3A_293] : memref<8192x1024xf32, #tpu.memory_space<hbm>> -> memref<8x1024xf32, #tpu.memory_space<hbm>>
    tpu.enqueue_dma source(%dma_start3A_294 : memref<8x1024xf32, #tpu.memory_space<hbm>>) target(%arg8 : memref<8x1024xf32, #tpu.memory_space<vmem>>) target_semaphore(%arg16 : memref<!tpu.dma_semaphore, #tpu.memory_space<semaphore_mem>>)
    %dma_start3A_295 = arith.constant 0 : i32
    %dma_start3A_296 = arith.constant 0 : i32
    %dma_start3A_297 = tpu.memref_slice %arg2[%dma_start3A_295, %add3A_290, %dma_start3A_296] : memref<4x4096x1024xf32, #tpu.memory_space<hbm>> -> memref<4x8x1024xf32, #tpu.memory_space<hbm>>
    %dma_start3A_298 = arith.constant 0 : i32
    %dma_start3A_299 = arith.constant 0 : i32
    %dma_start3A_300 = tpu.memref_slice %arg2[%dma_start3A_298, %add3A_290, %dma_start3A_299] : memref<4x4096x1024xf32, #tpu.memory_space<hbm>> -> memref<4x8x1024xf32, #tpu.memory_space<hbm>>
    tpu.enqueue_dma source(%dma_start3A_300 : memref<4x8x1024xf32, #tpu.memory_space<hbm>>) target(%arg7 : memref<4x8x1024xf32, #tpu.memory_space<vmem>>) target_semaphore(%arg12 : memref<!tpu.dma_semaphore, #tpu.memory_space<semaphore_mem>>)
    %parallel_loop3A_301 = arith.constant 0 : i32
    %parallel_loop3A_302 = arith.constant 512 : i32
    %parallel_loop3A_303 = arith.constant 1 : i32
    scf.for %parallel_loop3A_624 = %parallel_loop3A_301 to %parallel_loop3A_302 step %parallel_loop3A_303  : i32 {
      %parallel_loop3A_625 = arith.constant 6 : i32
      %parallel_loop3A_626 = arith.shrui %parallel_loop3A_624, %parallel_loop3A_625 : i32
      %parallel_loop3A_627 = arith.constant 63 : i32
      %parallel_loop3A_628 = arith.andi %parallel_loop3A_624, %parallel_loop3A_627 : i32
      %parallel_loop3A_629 = arith.constant 16 : i32
      %parallel_loop3A_630 = arith.muli %parallel_loop3A_628, %parallel_loop3A_629 : i32
      %parallel_loop3A_631 = tpu.assume_multiple %parallel_loop3A_630, 16 : i32
      %parallel_loop3A_632 = arith.index_cast %parallel_loop3A_626 : i32 to index
      %parallel_loop3A_633 = arith.index_cast %parallel_loop3A_631 : i32 to index
      %parallel_loop3A_634 = tpu.vector_load %arg9[%parallel_loop3A_632, %parallel_loop3A_633] {strides = array<i32>} : memref<8x1024xf32, #tpu.memory_space<vmem>>, vector<1x16xf32>,
      %parallel_loop3A_635 = vector.shape_cast %parallel_loop3A_634 : vector<1x16xf32> to vector<16xf32>
      %parallel_loop3A_636 = arith.constant 0 : i32
      %parallel_loop3A_637 = arith.index_cast %parallel_loop3A_636 : i32 to index
      %parallel_loop3A_638 = arith.index_cast %parallel_loop3A_626 : i32 to index
      %parallel_loop3A_639 = arith.index_cast %parallel_loop3A_631 : i32 to index
      %parallel_loop3A_640 = tpu.vector_load %arg6[%parallel_loop3A_637, %parallel_loop3A_638, %parallel_loop3A_639] {strides = array<i32>} : memref<4x8x1024xf32, #tpu.memory_space<vmem>>, vector<1x1x16xf32>,
      %parallel_loop3A_641 = vector.shape_cast %parallel_loop3A_640 : vector<1x1x16xf32> to vector<16xf32>
      %parallel_loop3A_642 = arith.addf %parallel_loop3A_641, %parallel_loop3A_635 : vector<16xf32>
      %parallel_loop3A_643 = arith.constant 0 : i32
      %parallel_loop3A_644 = arith.index_cast %parallel_loop3A_643 : i32 to index
      %parallel_loop3A_645 = arith.index_cast %parallel_loop3A_626 : i32 to index
      %parallel_loop3A_646 = arith.index_cast %parallel_loop3A_631 : i32 to index
      %parallel_loop3A_647 = tpu.vector_load %arg6[%parallel_loop3A_644, %parallel_loop3A_645, %parallel_loop3A_646] {strides = array<i32>} : memref<4x8x1024xf32, #tpu.memory_space<vmem>>, vector<1x1x16xf32>,
      %parallel_loop3A_648 = vector.shape_cast %parallel_loop3A_647 : vector<1x1x16xf32> to vector<16xf32>
      %parallel_loop3A_649 = vector.shape_cast %parallel_loop3A_642 : vector<16xf32> to vector<1x1x16xf32>
      tpu.vector_store %arg6[%parallel_loop3A_644, %parallel_loop3A_645, %parallel_loop3A_646], %parallel_loop3A_649 {strides = array<i32>} : memref<4x8x1024xf32, #tpu.memory_space<vmem>>, vector<1x1x16xf32>,
      %parallel_loop3A_650 = arith.constant 1 : i32
      %parallel_loop3A_651 = arith.index_cast %parallel_loop3A_650 : i32 to index
      %parallel_loop3A_652 = arith.index_cast %parallel_loop3A_626 : i32 to index
      %parallel_loop3A_653 = arith.index_cast %parallel_loop3A_631 : i32 to index
      %parallel_loop3A_654 = tpu.vector_load %arg6[%parallel_loop3A_651, %parallel_loop3A_652, %parallel_loop3A_653] {strides = array<i32>} : memref<4x8x1024xf32, #tpu.memory_space<vmem>>, vector<1x1x16xf32>,
      %parallel_loop3A_655 = vector.shape_cast %parallel_loop3A_654 : vector<1x1x16xf32> to vector<16xf32>
      %parallel_loop3A_656 = arith.addf %parallel_loop3A_655, %parallel_loop3A_635 : vector<16xf32>
      %parallel_loop3A_657 = arith.constant 1 : i32
      %parallel_loop3A_658 = arith.index_cast %parallel_loop3A_657 : i32 to index
      %parallel_loop3A_659 = arith.index_cast %parallel_loop3A_626 : i32 to index
      %parallel_loop3A_660 = arith.index_cast %parallel_loop3A_631 : i32 to index
      %parallel_loop3A_661 = tpu.vector_load %arg6[%parallel_loop3A_658, %parallel_loop3A_659, %parallel_loop3A_660] {strides = array<i32>} : memref<4x8x1024xf32, #tpu.memory_space<vmem>>, vector<1x1x16xf32>,
      %parallel_loop3A_662 = vector.shape_cast %parallel_loop3A_661 : vector<1x1x16xf32> to vector<16xf32>
      %parallel_loop3A_663 = vector.shape_cast %parallel_loop3A_656 : vector<16xf32> to vector<1x1x16xf32>
      tpu.vector_store %arg6[%parallel_loop3A_658, %parallel_loop3A_659, %parallel_loop3A_660], %parallel_loop3A_663 {strides = array<i32>} : memref<4x8x1024xf32, #tpu.memory_space<vmem>>, vector<1x1x16xf32>,
      %parallel_loop3A_664 = arith.constant 2 : i32
      %parallel_loop3A_665 = arith.index_cast %parallel_loop3A_664 : i32 to index
      %parallel_loop3A_666 = arith.index_cast %parallel_loop3A_626 : i32 to index
      %parallel_loop3A_667 = arith.index_cast %parallel_loop3A_631 : i32 to index
      %parallel_loop3A_668 = tpu.vector_load %arg6[%parallel_loop3A_665, %parallel_loop3A_666, %parallel_loop3A_667] {strides = array<i32>} : memref<4x8x1024xf32, #tpu.memory_space<vmem>>, vector<1x1x16xf32>,
      %parallel_loop3A_669 = vector.shape_cast %parallel_loop3A_668 : vector<1x1x16xf32> to vector<16xf32>
      %parallel_loop3A_670 = arith.addf %parallel_loop3A_669, %parallel_loop3A_635 : vector<16xf32>
      %parallel_loop3A_671 = arith.constant 2 : i32
      %parallel_loop3A_672 = arith.index_cast %parallel_loop3A_671 : i32 to index
      %parallel_loop3A_673 = arith.index_cast %parallel_loop3A_626 : i32 to index
      %parallel_loop3A_674 = arith.index_cast %parallel_loop3A_631 : i32 to index
      %parallel_loop3A_675 = tpu.vector_load %arg6[%parallel_loop3A_672, %parallel_loop3A_673, %parallel_loop3A_674] {strides = array<i32>} : memref<4x8x1024xf32, #tpu.memory_space<vmem>>, vector<1x1x16xf32>,
      %parallel_loop3A_676 = vector.shape_cast %parallel_loop3A_675 : vector<1x1x16xf32> to vector<16xf32>
      %parallel_loop3A_677 = vector.shape_cast %parallel_loop3A_670 : vector<16xf32> to vector<1x1x16xf32>
      tpu.vector_store %arg6[%parallel_loop3A_672, %parallel_loop3A_673, %parallel_loop3A_674], %parallel_loop3A_677 {strides = array<i32>} : memref<4x8x1024xf32, #tpu.memory_space<vmem>>, vector<1x1x16xf32>,
      %parallel_loop3A_678 = arith.constant 3 : i32
      %parallel_loop3A_679 = arith.index_cast %parallel_loop3A_678 : i32 to index
      %parallel_loop3A_680 = arith.index_cast %parallel_loop3A_626 : i32 to index
      %parallel_loop3A_681 = arith.index_cast %parallel_loop3A_631 : i32 to index
      %parallel_loop3A_682 = tpu.vector_load %arg6[%parallel_loop3A_679, %parallel_loop3A_680, %parallel_loop3A_681] {strides = array<i32>} : memref<4x8x1024xf32, #tpu.memory_space<vmem>>, vector<1x1x16xf32>,
      %parallel_loop3A_683 = vector.shape_cast %parallel_loop3A_682 : vector<1x1x16xf32> to vector<16xf32>
      %parallel_loop3A_684 = arith.addf %parallel_loop3A_683, %parallel_loop3A_635 : vector<16xf32>
      %parallel_loop3A_685 = arith.constant 3 : i32
      %parallel_loop3A_686 = arith.index_cast %parallel_loop3A_685 : i32 to index
      %parallel_loop3A_687 = arith.index_cast %parallel_loop3A_626 : i32 to index
      %parallel_loop3A_688 = arith.index_cast %parallel_loop3A_631 : i32 to index
      %parallel_loop3A_689 = tpu.vector_load %arg6[%parallel_loop3A_686, %parallel_loop3A_687, %parallel_loop3A_688] {strides = array<i32>} : memref<4x8x1024xf32, #tpu.memory_space<vmem>>, vector<1x1x16xf32>,
      %parallel_loop3A_690 = vector.shape_cast %parallel_loop3A_689 : vector<1x1x16xf32> to vector<16xf32>
      %parallel_loop3A_691 = vector.shape_cast %parallel_loop3A_684 : vector<16xf32> to vector<1x1x16xf32>
      tpu.vector_store %arg6[%parallel_loop3A_686, %parallel_loop3A_687, %parallel_loop3A_688], %parallel_loop3A_691 {strides = array<i32>} : memref<4x8x1024xf32, #tpu.memory_space<vmem>>, vector<1x1x16xf32>,
    } {sc.loop_unroll_factor = 4 : i64, sc.parallel_access}
    %add3A_304 = arith.constant 56 : i32
    %add3A_305 = arith.addi %mul3A_2, %add3A_304 : i32
    %dma_start3A_306 = arith.constant 0 : i32
    %dma_start3A_307 = arith.constant 0 : i32
    %dma_start3A_308 = tpu.memref_slice %arg4[%dma_start3A_306, %add3A_305, %dma_start3A_307] : memref<4x4096x1024xf32, #tpu.memory_space<hbm>> -> memref<4x8x1024xf32, #tpu.memory_space<hbm>>
    %dma_start3A_309 = arith.constant 0 : i32
    %dma_start3A_310 = arith.constant 0 : i32
    %dma_start3A_311 = tpu.memref_slice %arg4[%dma_start3A_309, %add3A_305, %dma_start3A_310] : memref<4x4096x1024xf32, #tpu.memory_space<hbm>> -> memref<4x8x1024xf32, #tpu.memory_space<hbm>>
    tpu.enqueue_dma source(%arg6 : memref<4x8x1024xf32, #tpu.memory_space<vmem>>) target(%dma_start3A_311 : memref<4x8x1024xf32, #tpu.memory_space<hbm>>) target_semaphore(%arg14 : memref<!tpu.dma_semaphore, #tpu.memory_space<semaphore_mem>>)
    %dma_wait3A_312 = arith.constant 0 : i32
    %dma_wait3A_313 = tpu.memref_slice %arg3[%add3A_290, %dma_wait3A_312] : memref<8192x1024xf32, #tpu.memory_space<hbm>> -> memref<8x1024xf32, #tpu.memory_space<hbm>>
    %dma_wait3A_314 = arith.constant 0 : i32
    %dma_wait3A_315 = tpu.memref_slice %arg3[%add3A_290, %dma_wait3A_314] : memref<8192x1024xf32, #tpu.memory_space<hbm>> -> memref<8x1024xf32, #tpu.memory_space<hbm>>
    tpu.wait_dma2 semaphore(%arg16 : memref<!tpu.dma_semaphore, #tpu.memory_space<semaphore_mem>>) src(%dma_wait3A_315 : memref<8x1024xf32, #tpu.memory_space<hbm>>) dst(%arg8 : memref<8x1024xf32, #tpu.memory_space<vmem>>)
    %dma_wait3A_316 = arith.constant 0 : i32
    %dma_wait3A_317 = arith.constant 0 : i32
    %dma_wait3A_318 = tpu.memref_slice %arg2[%dma_wait3A_316, %add3A_290, %dma_wait3A_317] : memref<4x4096x1024xf32, #tpu.memory_space<hbm>> -> memref<4x8x1024xf32, #tpu.memory_space<hbm>>
    %dma_wait3A_319 = arith.constant 0 : i32
    %dma_wait3A_320 = arith.constant 0 : i32
    %dma_wait3A_321 = tpu.memref_slice %arg2[%dma_wait3A_319, %add3A_290, %dma_wait3A_320] : memref<4x4096x1024xf32, #tpu.memory_space<hbm>> -> memref<4x8x1024xf32, #tpu.memory_space<hbm>>
    tpu.wait_dma2 semaphore(%arg12 : memref<!tpu.dma_semaphore, #tpu.memory_space<semaphore_mem>>) src(%dma_wait3A_321 : memref<4x8x1024xf32, #tpu.memory_space<hbm>>) dst(%arg7 : memref<4x8x1024xf32, #tpu.memory_space<vmem>>)
    %dma_wait3A_322 = arith.constant 0 : i32
    %dma_wait3A_323 = arith.constant 0 : i32
    %dma_wait3A_324 = tpu.memref_slice %arg4[%dma_wait3A_322, %add3A_266, %dma_wait3A_323] : memref<4x4096x1024xf32, #tpu.memory_space<hbm>> -> memref<4x8x1024xf32, #tpu.memory_space<hbm>>
    %dma_wait3A_325 = arith.constant 0 : i32
    %dma_wait3A_326 = arith.constant 0 : i32
    %dma_wait3A_327 = tpu.memref_slice %arg4[%dma_wait3A_325, %add3A_266, %dma_wait3A_326] : memref<4x4096x1024xf32, #tpu.memory_space<hbm>> -> memref<4x8x1024xf32, #tpu.memory_space<hbm>>
    tpu.wait_dma2 semaphore(%arg13 : memref<!tpu.dma_semaphore, #tpu.memory_space<semaphore_mem>>) src(%arg5 : memref<4x8x1024xf32, #tpu.memory_space<vmem>>) dst(%dma_wait3A_327 : memref<4x8x1024xf32, #tpu.memory_space<hbm>>)
    %add3A_328 = arith.constant 72 : i32
    %add3A_329 = arith.addi %mul3A_2, %add3A_328 : i32
    %dma_start3A_330 = arith.constant 0 : i32
    %dma_start3A_331 = tpu.memref_slice %arg3[%add3A_329, %dma_start3A_330] : memref<8192x1024xf32, #tpu.memory_space<hbm>> -> memref<8x1024xf32, #tpu.memory_space<hbm>>
    %dma_start3A_332 = arith.constant 0 : i32
    %dma_start3A_333 = tpu.memref_slice %arg3[%add3A_329, %dma_start3A_332] : memref<8192x1024xf32, #tpu.memory_space<hbm>> -> memref<8x1024xf32, #tpu.memory_space<hbm>>
    tpu.enqueue_dma source(%dma_start3A_333 : memref<8x1024xf32, #tpu.memory_space<hbm>>) target(%arg9 : memref<8x1024xf32, #tpu.memory_space<vmem>>) target_semaphore(%arg17 : memref<!tpu.dma_semaphore, #tpu.memory_space<semaphore_mem>>)
    %dma_start3A_334 = arith.constant 0 : i32
    %dma_start3A_335 = arith.constant 0 : i32
    %dma_start3A_336 = tpu.memref_slice %arg2[%dma_start3A_334, %add3A_329, %dma_start3A_335] : memref<4x4096x1024xf32, #tpu.memory_space<hbm>> -> memref<4x8x1024xf32, #tpu.memory_space<hbm>>
    %dma_start3A_337 = arith.constant 0 : i32
    %dma_start3A_338 = arith.constant 0 : i32
    %dma_start3A_339 = tpu.memref_slice %arg2[%dma_start3A_337, %add3A_329, %dma_start3A_338] : memref<4x4096x1024xf32, #tpu.memory_space<hbm>> -> memref<4x8x1024xf32, #tpu.memory_space<hbm>>
    tpu.enqueue_dma source(%dma_start3A_339 : memref<4x8x1024xf32, #tpu.memory_space<hbm>>) target(%arg5 : memref<4x8x1024xf32, #tpu.memory_space<vmem>>) target_semaphore(%arg10 : memref<!tpu.dma_semaphore, #tpu.memory_space<semaphore_mem>>)
    %parallel_loop3A_340 = arith.constant 0 : i32
    %parallel_loop3A_341 = arith.constant 512 : i32
    %parallel_loop3A_342 = arith.constant 1 : i32
    scf.for %parallel_loop3A_624 = %parallel_loop3A_340 to %parallel_loop3A_341 step %parallel_loop3A_342  : i32 {
      %parallel_loop3A_625 = arith.constant 6 : i32
      %parallel_loop3A_626 = arith.shrui %parallel_loop3A_624, %parallel_loop3A_625 : i32
      %parallel_loop3A_627 = arith.constant 63 : i32
      %parallel_loop3A_628 = arith.andi %parallel_loop3A_624, %parallel_loop3A_627 : i32
      %parallel_loop3A_629 = arith.constant 16 : i32
      %parallel_loop3A_630 = arith.muli %parallel_loop3A_628, %parallel_loop3A_629 : i32
      %parallel_loop3A_631 = tpu.assume_multiple %parallel_loop3A_630, 16 : i32
      %parallel_loop3A_632 = arith.index_cast %parallel_loop3A_626 : i32 to index
      %parallel_loop3A_633 = arith.index_cast %parallel_loop3A_631 : i32 to index
      %parallel_loop3A_634 = tpu.vector_load %arg8[%parallel_loop3A_632, %parallel_loop3A_633] {strides = array<i32>} : memref<8x1024xf32, #tpu.memory_space<vmem>>, vector<1x16xf32>,
      %parallel_loop3A_635 = vector.shape_cast %parallel_loop3A_634 : vector<1x16xf32> to vector<16xf32>
      %parallel_loop3A_636 = arith.constant 0 : i32
      %parallel_loop3A_637 = arith.index_cast %parallel_loop3A_636 : i32 to index
      %parallel_loop3A_638 = arith.index_cast %parallel_loop3A_626 : i32 to index
      %parallel_loop3A_639 = arith.index_cast %parallel_loop3A_631 : i32 to index
      %parallel_loop3A_640 = tpu.vector_load %arg7[%parallel_loop3A_637, %parallel_loop3A_638, %parallel_loop3A_639] {strides = array<i32>} : memref<4x8x1024xf32, #tpu.memory_space<vmem>>, vector<1x1x16xf32>,
      %parallel_loop3A_641 = vector.shape_cast %parallel_loop3A_640 : vector<1x1x16xf32> to vector<16xf32>
      %parallel_loop3A_642 = arith.addf %parallel_loop3A_641, %parallel_loop3A_635 : vector<16xf32>
      %parallel_loop3A_643 = arith.constant 0 : i32
      %parallel_loop3A_644 = arith.index_cast %parallel_loop3A_643 : i32 to index
      %parallel_loop3A_645 = arith.index_cast %parallel_loop3A_626 : i32 to index
      %parallel_loop3A_646 = arith.index_cast %parallel_loop3A_631 : i32 to index
      %parallel_loop3A_647 = tpu.vector_load %arg7[%parallel_loop3A_644, %parallel_loop3A_645, %parallel_loop3A_646] {strides = array<i32>} : memref<4x8x1024xf32, #tpu.memory_space<vmem>>, vector<1x1x16xf32>,
      %parallel_loop3A_648 = vector.shape_cast %parallel_loop3A_647 : vector<1x1x16xf32> to vector<16xf32>
      %parallel_loop3A_649 = vector.shape_cast %parallel_loop3A_642 : vector<16xf32> to vector<1x1x16xf32>
      tpu.vector_store %arg7[%parallel_loop3A_644, %parallel_loop3A_645, %parallel_loop3A_646], %parallel_loop3A_649 {strides = array<i32>} : memref<4x8x1024xf32, #tpu.memory_space<vmem>>, vector<1x1x16xf32>,
      %parallel_loop3A_650 = arith.constant 1 : i32
      %parallel_loop3A_651 = arith.index_cast %parallel_loop3A_650 : i32 to index
      %parallel_loop3A_652 = arith.index_cast %parallel_loop3A_626 : i32 to index
      %parallel_loop3A_653 = arith.index_cast %parallel_loop3A_631 : i32 to index
      %parallel_loop3A_654 = tpu.vector_load %arg7[%parallel_loop3A_651, %parallel_loop3A_652, %parallel_loop3A_653] {strides = array<i32>} : memref<4x8x1024xf32, #tpu.memory_space<vmem>>, vector<1x1x16xf32>,
      %parallel_loop3A_655 = vector.shape_cast %parallel_loop3A_654 : vector<1x1x16xf32> to vector<16xf32>
      %parallel_loop3A_656 = arith.addf %parallel_loop3A_655, %parallel_loop3A_635 : vector<16xf32>
      %parallel_loop3A_657 = arith.constant 1 : i32
      %parallel_loop3A_658 = arith.index_cast %parallel_loop3A_657 : i32 to index
      %parallel_loop3A_659 = arith.index_cast %parallel_loop3A_626 : i32 to index
      %parallel_loop3A_660 = arith.index_cast %parallel_loop3A_631 : i32 to index
      %parallel_loop3A_661 = tpu.vector_load %arg7[%parallel_loop3A_658, %parallel_loop3A_659, %parallel_loop3A_660] {strides = array<i32>} : memref<4x8x1024xf32, #tpu.memory_space<vmem>>, vector<1x1x16xf32>,
      %parallel_loop3A_662 = vector.shape_cast %parallel_loop3A_661 : vector<1x1x16xf32> to vector<16xf32>
      %parallel_loop3A_663 = vector.shape_cast %parallel_loop3A_656 : vector<16xf32> to vector<1x1x16xf32>
      tpu.vector_store %arg7[%parallel_loop3A_658, %parallel_loop3A_659, %parallel_loop3A_660], %parallel_loop3A_663 {strides = array<i32>} : memref<4x8x1024xf32, #tpu.memory_space<vmem>>, vector<1x1x16xf32>,
      %parallel_loop3A_664 = arith.constant 2 : i32
      %parallel_loop3A_665 = arith.index_cast %parallel_loop3A_664 : i32 to index
      %parallel_loop3A_666 = arith.index_cast %parallel_loop3A_626 : i32 to index
      %parallel_loop3A_667 = arith.index_cast %parallel_loop3A_631 : i32 to index
      %parallel_loop3A_668 = tpu.vector_load %arg7[%parallel_loop3A_665, %parallel_loop3A_666, %parallel_loop3A_667] {strides = array<i32>} : memref<4x8x1024xf32, #tpu.memory_space<vmem>>, vector<1x1x16xf32>,
      %parallel_loop3A_669 = vector.shape_cast %parallel_loop3A_668 : vector<1x1x16xf32> to vector<16xf32>
      %parallel_loop3A_670 = arith.addf %parallel_loop3A_669, %parallel_loop3A_635 : vector<16xf32>
      %parallel_loop3A_671 = arith.constant 2 : i32
      %parallel_loop3A_672 = arith.index_cast %parallel_loop3A_671 : i32 to index
      %parallel_loop3A_673 = arith.index_cast %parallel_loop3A_626 : i32 to index
      %parallel_loop3A_674 = arith.index_cast %parallel_loop3A_631 : i32 to index
      %parallel_loop3A_675 = tpu.vector_load %arg7[%parallel_loop3A_672, %parallel_loop3A_673, %parallel_loop3A_674] {strides = array<i32>} : memref<4x8x1024xf32, #tpu.memory_space<vmem>>, vector<1x1x16xf32>,
      %parallel_loop3A_676 = vector.shape_cast %parallel_loop3A_675 : vector<1x1x16xf32> to vector<16xf32>
      %parallel_loop3A_677 = vector.shape_cast %parallel_loop3A_670 : vector<16xf32> to vector<1x1x16xf32>
      tpu.vector_store %arg7[%parallel_loop3A_672, %parallel_loop3A_673, %parallel_loop3A_674], %parallel_loop3A_677 {strides = array<i32>} : memref<4x8x1024xf32, #tpu.memory_space<vmem>>, vector<1x1x16xf32>,
      %parallel_loop3A_678 = arith.constant 3 : i32
      %parallel_loop3A_679 = arith.index_cast %parallel_loop3A_678 : i32 to index
      %parallel_loop3A_680 = arith.index_cast %parallel_loop3A_626 : i32 to index
      %parallel_loop3A_681 = arith.index_cast %parallel_loop3A_631 : i32 to index
      %parallel_loop3A_682 = tpu.vector_load %arg7[%parallel_loop3A_679, %parallel_loop3A_680, %parallel_loop3A_681] {strides = array<i32>} : memref<4x8x1024xf32, #tpu.memory_space<vmem>>, vector<1x1x16xf32>,
      %parallel_loop3A_683 = vector.shape_cast %parallel_loop3A_682 : vector<1x1x16xf32> to vector<16xf32>
      %parallel_loop3A_684 = arith.addf %parallel_loop3A_683, %parallel_loop3A_635 : vector<16xf32>
      %parallel_loop3A_685 = arith.constant 3 : i32
      %parallel_loop3A_686 = arith.index_cast %parallel_loop3A_685 : i32 to index
      %parallel_loop3A_687 = arith.index_cast %parallel_loop3A_626 : i32 to index
      %parallel_loop3A_688 = arith.index_cast %parallel_loop3A_631 : i32 to index
      %parallel_loop3A_689 = tpu.vector_load %arg7[%parallel_loop3A_686, %parallel_loop3A_687, %parallel_loop3A_688] {strides = array<i32>} : memref<4x8x1024xf32, #tpu.memory_space<vmem>>, vector<1x1x16xf32>,
      %parallel_loop3A_690 = vector.shape_cast %parallel_loop3A_689 : vector<1x1x16xf32> to vector<16xf32>
      %parallel_loop3A_691 = vector.shape_cast %parallel_loop3A_684 : vector<16xf32> to vector<1x1x16xf32>
      tpu.vector_store %arg7[%parallel_loop3A_686, %parallel_loop3A_687, %parallel_loop3A_688], %parallel_loop3A_691 {strides = array<i32>} : memref<4x8x1024xf32, #tpu.memory_space<vmem>>, vector<1x1x16xf32>,
    } {sc.loop_unroll_factor = 4 : i64, sc.parallel_access}
    %add3A_343 = arith.constant 64 : i32
    %add3A_344 = arith.addi %mul3A_2, %add3A_343 : i32
    %dma_start3A_345 = arith.constant 0 : i32
    %dma_start3A_346 = arith.constant 0 : i32
    %dma_start3A_347 = tpu.memref_slice %arg4[%dma_start3A_345, %add3A_344, %dma_start3A_346] : memref<4x4096x1024xf32, #tpu.memory_space<hbm>> -> memref<4x8x1024xf32, #tpu.memory_space<hbm>>
    %dma_start3A_348 = arith.constant 0 : i32
    %dma_start3A_349 = arith.constant 0 : i32
    %dma_start3A_350 = tpu.memref_slice %arg4[%dma_start3A_348, %add3A_344, %dma_start3A_349] : memref<4x4096x1024xf32, #tpu.memory_space<hbm>> -> memref<4x8x1024xf32, #tpu.memory_space<hbm>>
    tpu.enqueue_dma source(%arg7 : memref<4x8x1024xf32, #tpu.memory_space<vmem>>) target(%dma_start3A_350 : memref<4x8x1024xf32, #tpu.memory_space<hbm>>) target_semaphore(%arg15 : memref<!tpu.dma_semaphore, #tpu.memory_space<semaphore_mem>>)
    %dma_wait3A_351 = arith.constant 0 : i32
    %dma_wait3A_352 = tpu.memref_slice %arg3[%add3A_329, %dma_wait3A_351] : memref<8192x1024xf32, #tpu.memory_space<hbm>> -> memref<8x1024xf32, #tpu.memory_space<hbm>>
    %dma_wait3A_353 = arith.constant 0 : i32
    %dma_wait3A_354 = tpu.memref_slice %arg3[%add3A_329, %dma_wait3A_353] : memref<8192x1024xf32, #tpu.memory_space<hbm>> -> memref<8x1024xf32, #tpu.memory_space<hbm>>
    tpu.wait_dma2 semaphore(%arg17 : memref<!tpu.dma_semaphore, #tpu.memory_space<semaphore_mem>>) src(%dma_wait3A_354 : memref<8x1024xf32, #tpu.memory_space<hbm>>) dst(%arg9 : memref<8x1024xf32, #tpu.memory_space<vmem>>)
    %dma_wait3A_355 = arith.constant 0 : i32
    %dma_wait3A_356 = arith.constant 0 : i32
    %dma_wait3A_357 = tpu.memref_slice %arg2[%dma_wait3A_355, %add3A_329, %dma_wait3A_356] : memref<4x4096x1024xf32, #tpu.memory_space<hbm>> -> memref<4x8x1024xf32, #tpu.memory_space<hbm>>
    %dma_wait3A_358 = arith.constant 0 : i32
    %dma_wait3A_359 = arith.constant 0 : i32
    %dma_wait3A_360 = tpu.memref_slice %arg2[%dma_wait3A_358, %add3A_329, %dma_wait3A_359] : memref<4x4096x1024xf32, #tpu.memory_space<hbm>> -> memref<4x8x1024xf32, #tpu.memory_space<hbm>>
    tpu.wait_dma2 semaphore(%arg10 : memref<!tpu.dma_semaphore, #tpu.memory_space<semaphore_mem>>) src(%dma_wait3A_360 : memref<4x8x1024xf32, #tpu.memory_space<hbm>>) dst(%arg5 : memref<4x8x1024xf32, #tpu.memory_space<vmem>>)
    %dma_wait3A_361 = arith.constant 0 : i32
    %dma_wait3A_362 = arith.constant 0 : i32
    %dma_wait3A_363 = tpu.memref_slice %arg4[%dma_wait3A_361, %add3A_305, %dma_wait3A_362] : memref<4x4096x1024xf32, #tpu.memory_space<hbm>> -> memref<4x8x1024xf32, #tpu.memory_space<hbm>>
    %dma_wait3A_364 = arith.constant 0 : i32
    %dma_wait3A_365 = arith.constant 0 : i32
    %dma_wait3A_366 = tpu.memref_slice %arg4[%dma_wait3A_364, %add3A_305, %dma_wait3A_365] : memref<4x4096x1024xf32, #tpu.memory_space<hbm>> -> memref<4x8x1024xf32, #tpu.memory_space<hbm>>
    tpu.wait_dma2 semaphore(%arg14 : memref<!tpu.dma_semaphore, #tpu.memory_space<semaphore_mem>>) src(%arg6 : memref<4x8x1024xf32, #tpu.memory_space<vmem>>) dst(%dma_wait3A_366 : memref<4x8x1024xf32, #tpu.memory_space<hbm>>)
    %add3A_367 = arith.constant 80 : i32
    %add3A_368 = arith.addi %mul3A_2, %add3A_367 : i32
    %dma_start3A_369 = arith.constant 0 : i32
    %dma_start3A_370 = tpu.memref_slice %arg3[%add3A_368, %dma_start3A_369] : memref<8192x1024xf32, #tpu.memory_space<hbm>> -> memref<8x1024xf32, #tpu.memory_space<hbm>>
    %dma_start3A_371 = arith.constant 0 : i32
    %dma_start3A_372 = tpu.memref_slice %arg3[%add3A_368, %dma_start3A_371] : memref<8192x1024xf32, #tpu.memory_space<hbm>> -> memref<8x1024xf32, #tpu.memory_space<hbm>>
    tpu.enqueue_dma source(%dma_start3A_372 : memref<8x1024xf32, #tpu.memory_space<hbm>>) target(%arg8 : memref<8x1024xf32, #tpu.memory_space<vmem>>) target_semaphore(%arg16 : memref<!tpu.dma_semaphore, #tpu.memory_space<semaphore_mem>>)
    %dma_start3A_373 = arith.constant 0 : i32
    %dma_start3A_374 = arith.constant 0 : i32
    %dma_start3A_375 = tpu.memref_slice %arg2[%dma_start3A_373, %add3A_368, %dma_start3A_374] : memref<4x4096x1024xf32, #tpu.memory_space<hbm>> -> memref<4x8x1024xf32, #tpu.memory_space<hbm>>
    %dma_start3A_376 = arith.constant 0 : i32
    %dma_start3A_377 = arith.constant 0 : i32
    %dma_start3A_378 = tpu.memref_slice %arg2[%dma_start3A_376, %add3A_368, %dma_start3A_377] : memref<4x4096x1024xf32, #tpu.memory_space<hbm>> -> memref<4x8x1024xf32, #tpu.memory_space<hbm>>
    tpu.enqueue_dma source(%dma_start3A_378 : memref<4x8x1024xf32, #tpu.memory_space<hbm>>) target(%arg6 : memref<4x8x1024xf32, #tpu.memory_space<vmem>>) target_semaphore(%arg11 : memref<!tpu.dma_semaphore, #tpu.memory_space<semaphore_mem>>)
    %parallel_loop3A_379 = arith.constant 0 : i32
    %parallel_loop3A_380 = arith.constant 512 : i32
    %parallel_loop3A_381 = arith.constant 1 : i32
    scf.for %parallel_loop3A_624 = %parallel_loop3A_379 to %parallel_loop3A_380 step %parallel_loop3A_381  : i32 {
      %parallel_loop3A_625 = arith.constant 6 : i32
      %parallel_loop3A_626 = arith.shrui %parallel_loop3A_624, %parallel_loop3A_625 : i32
      %parallel_loop3A_627 = arith.constant 63 : i32
      %parallel_loop3A_628 = arith.andi %parallel_loop3A_624, %parallel_loop3A_627 : i32
      %parallel_loop3A_629 = arith.constant 16 : i32
      %parallel_loop3A_630 = arith.muli %parallel_loop3A_628, %parallel_loop3A_629 : i32
      %parallel_loop3A_631 = tpu.assume_multiple %parallel_loop3A_630, 16 : i32
      %parallel_loop3A_632 = arith.index_cast %parallel_loop3A_626 : i32 to index
      %parallel_loop3A_633 = arith.index_cast %parallel_loop3A_631 : i32 to index
      %parallel_loop3A_634 = tpu.vector_load %arg9[%parallel_loop3A_632, %parallel_loop3A_633] {strides = array<i32>} : memref<8x1024xf32, #tpu.memory_space<vmem>>, vector<1x16xf32>,
      %parallel_loop3A_635 = vector.shape_cast %parallel_loop3A_634 : vector<1x16xf32> to vector<16xf32>
      %parallel_loop3A_636 = arith.constant 0 : i32
      %parallel_loop3A_637 = arith.index_cast %parallel_loop3A_636 : i32 to index
      %parallel_loop3A_638 = arith.index_cast %parallel_loop3A_626 : i32 to index
      %parallel_loop3A_639 = arith.index_cast %parallel_loop3A_631 : i32 to index
      %parallel_loop3A_640 = tpu.vector_load %arg5[%parallel_loop3A_637, %parallel_loop3A_638, %parallel_loop3A_639] {strides = array<i32>} : memref<4x8x1024xf32, #tpu.memory_space<vmem>>, vector<1x1x16xf32>,
      %parallel_loop3A_641 = vector.shape_cast %parallel_loop3A_640 : vector<1x1x16xf32> to vector<16xf32>
      %parallel_loop3A_642 = arith.addf %parallel_loop3A_641, %parallel_loop3A_635 : vector<16xf32>
      %parallel_loop3A_643 = arith.constant 0 : i32
      %parallel_loop3A_644 = arith.index_cast %parallel_loop3A_643 : i32 to index
      %parallel_loop3A_645 = arith.index_cast %parallel_loop3A_626 : i32 to index
      %parallel_loop3A_646 = arith.index_cast %parallel_loop3A_631 : i32 to index
      %parallel_loop3A_647 = tpu.vector_load %arg5[%parallel_loop3A_644, %parallel_loop3A_645, %parallel_loop3A_646] {strides = array<i32>} : memref<4x8x1024xf32, #tpu.memory_space<vmem>>, vector<1x1x16xf32>,
      %parallel_loop3A_648 = vector.shape_cast %parallel_loop3A_647 : vector<1x1x16xf32> to vector<16xf32>
      %parallel_loop3A_649 = vector.shape_cast %parallel_loop3A_642 : vector<16xf32> to vector<1x1x16xf32>
      tpu.vector_store %arg5[%parallel_loop3A_644, %parallel_loop3A_645, %parallel_loop3A_646], %parallel_loop3A_649 {strides = array<i32>} : memref<4x8x1024xf32, #tpu.memory_space<vmem>>, vector<1x1x16xf32>,
      %parallel_loop3A_650 = arith.constant 1 : i32
      %parallel_loop3A_651 = arith.index_cast %parallel_loop3A_650 : i32 to index
      %parallel_loop3A_652 = arith.index_cast %parallel_loop3A_626 : i32 to index
      %parallel_loop3A_653 = arith.index_cast %parallel_loop3A_631 : i32 to index
      %parallel_loop3A_654 = tpu.vector_load %arg5[%parallel_loop3A_651, %parallel_loop3A_652, %parallel_loop3A_653] {strides = array<i32>} : memref<4x8x1024xf32, #tpu.memory_space<vmem>>, vector<1x1x16xf32>,
      %parallel_loop3A_655 = vector.shape_cast %parallel_loop3A_654 : vector<1x1x16xf32> to vector<16xf32>
      %parallel_loop3A_656 = arith.addf %parallel_loop3A_655, %parallel_loop3A_635 : vector<16xf32>
      %parallel_loop3A_657 = arith.constant 1 : i32
      %parallel_loop3A_658 = arith.index_cast %parallel_loop3A_657 : i32 to index
      %parallel_loop3A_659 = arith.index_cast %parallel_loop3A_626 : i32 to index
      %parallel_loop3A_660 = arith.index_cast %parallel_loop3A_631 : i32 to index
      %parallel_loop3A_661 = tpu.vector_load %arg5[%parallel_loop3A_658, %parallel_loop3A_659, %parallel_loop3A_660] {strides = array<i32>} : memref<4x8x1024xf32, #tpu.memory_space<vmem>>, vector<1x1x16xf32>,
      %parallel_loop3A_662 = vector.shape_cast %parallel_loop3A_661 : vector<1x1x16xf32> to vector<16xf32>
      %parallel_loop3A_663 = vector.shape_cast %parallel_loop3A_656 : vector<16xf32> to vector<1x1x16xf32>
      tpu.vector_store %arg5[%parallel_loop3A_658, %parallel_loop3A_659, %parallel_loop3A_660], %parallel_loop3A_663 {strides = array<i32>} : memref<4x8x1024xf32, #tpu.memory_space<vmem>>, vector<1x1x16xf32>,
      %parallel_loop3A_664 = arith.constant 2 : i32
      %parallel_loop3A_665 = arith.index_cast %parallel_loop3A_664 : i32 to index
      %parallel_loop3A_666 = arith.index_cast %parallel_loop3A_626 : i32 to index
      %parallel_loop3A_667 = arith.index_cast %parallel_loop3A_631 : i32 to index
      %parallel_loop3A_668 = tpu.vector_load %arg5[%parallel_loop3A_665, %parallel_loop3A_666, %parallel_loop3A_667] {strides = array<i32>} : memref<4x8x1024xf32, #tpu.memory_space<vmem>>, vector<1x1x16xf32>,
      %parallel_loop3A_669 = vector.shape_cast %parallel_loop3A_668 : vector<1x1x16xf32> to vector<16xf32>
      %parallel_loop3A_670 = arith.addf %parallel_loop3A_669, %parallel_loop3A_635 : vector<16xf32>
      %parallel_loop3A_671 = arith.constant 2 : i32
      %parallel_loop3A_672 = arith.index_cast %parallel_loop3A_671 : i32 to index
      %parallel_loop3A_673 = arith.index_cast %parallel_loop3A_626 : i32 to index
      %parallel_loop3A_674 = arith.index_cast %parallel_loop3A_631 : i32 to index
      %parallel_loop3A_675 = tpu.vector_load %arg5[%parallel_loop3A_672, %parallel_loop3A_673, %parallel_loop3A_674] {strides = array<i32>} : memref<4x8x1024xf32, #tpu.memory_space<vmem>>, vector<1x1x16xf32>,
      %parallel_loop3A_676 = vector.shape_cast %parallel_loop3A_675 : vector<1x1x16xf32> to vector<16xf32>
      %parallel_loop3A_677 = vector.shape_cast %parallel_loop3A_670 : vector<16xf32> to vector<1x1x16xf32>
      tpu.vector_store %arg5[%parallel_loop3A_672, %parallel_loop3A_673, %parallel_loop3A_674], %parallel_loop3A_677 {strides = array<i32>} : memref<4x8x1024xf32, #tpu.memory_space<vmem>>, vector<1x1x16xf32>,
      %parallel_loop3A_678 = arith.constant 3 : i32
      %parallel_loop3A_679 = arith.index_cast %parallel_loop3A_678 : i32 to index
      %parallel_loop3A_680 = arith.index_cast %parallel_loop3A_626 : i32 to index
      %parallel_loop3A_681 = arith.index_cast %parallel_loop3A_631 : i32 to index
      %parallel_loop3A_682 = tpu.vector_load %arg5[%parallel_loop3A_679, %parallel_loop3A_680, %parallel_loop3A_681] {strides = array<i32>} : memref<4x8x1024xf32, #tpu.memory_space<vmem>>, vector<1x1x16xf32>,
      %parallel_loop3A_683 = vector.shape_cast %parallel_loop3A_682 : vector<1x1x16xf32> to vector<16xf32>
      %parallel_loop3A_684 = arith.addf %parallel_loop3A_683, %parallel_loop3A_635 : vector<16xf32>
      %parallel_loop3A_685 = arith.constant 3 : i32
      %parallel_loop3A_686 = arith.index_cast %parallel_loop3A_685 : i32 to index
      %parallel_loop3A_687 = arith.index_cast %parallel_loop3A_626 : i32 to index
      %parallel_loop3A_688 = arith.index_cast %parallel_loop3A_631 : i32 to index
      %parallel_loop3A_689 = tpu.vector_load %arg5[%parallel_loop3A_686, %parallel_loop3A_687, %parallel_loop3A_688] {strides = array<i32>} : memref<4x8x1024xf32, #tpu.memory_space<vmem>>, vector<1x1x16xf32>,
      %parallel_loop3A_690 = vector.shape_cast %parallel_loop3A_689 : vector<1x1x16xf32> to vector<16xf32>
      %parallel_loop3A_691 = vector.shape_cast %parallel_loop3A_684 : vector<16xf32> to vector<1x1x16xf32>
      tpu.vector_store %arg5[%parallel_loop3A_686, %parallel_loop3A_687, %parallel_loop3A_688], %parallel_loop3A_691 {strides = array<i32>} : memref<4x8x1024xf32, #tpu.memory_space<vmem>>, vector<1x1x16xf32>,
    } {sc.loop_unroll_factor = 4 : i64, sc.parallel_access}
    %add3A_382 = arith.constant 72 : i32
    %add3A_383 = arith.addi %mul3A_2, %add3A_382 : i32
    %dma_start3A_384 = arith.constant 0 : i32
    %dma_start3A_385 = arith.constant 0 : i32
    %dma_start3A_386 = tpu.memref_slice %arg4[%dma_start3A_384, %add3A_383, %dma_start3A_385] : memref<4x4096x1024xf32, #tpu.memory_space<hbm>> -> memref<4x8x1024xf32, #tpu.memory_space<hbm>>
    %dma_start3A_387 = arith.constant 0 : i32
    %dma_start3A_388 = arith.constant 0 : i32
    %dma_start3A_389 = tpu.memref_slice %arg4[%dma_start3A_387, %add3A_383, %dma_start3A_388] : memref<4x4096x1024xf32, #tpu.memory_space<hbm>> -> memref<4x8x1024xf32, #tpu.memory_space<hbm>>
    tpu.enqueue_dma source(%arg5 : memref<4x8x1024xf32, #tpu.memory_space<vmem>>) target(%dma_start3A_389 : memref<4x8x1024xf32, #tpu.memory_space<hbm>>) target_semaphore(%arg13 : memref<!tpu.dma_semaphore, #tpu.memory_space<semaphore_mem>>)
    %dma_wait3A_390 = arith.constant 0 : i32
    %dma_wait3A_391 = tpu.memref_slice %arg3[%add3A_368, %dma_wait3A_390] : memref<8192x1024xf32, #tpu.memory_space<hbm>> -> memref<8x1024xf32, #tpu.memory_space<hbm>>
    %dma_wait3A_392 = arith.constant 0 : i32
    %dma_wait3A_393 = tpu.memref_slice %arg3[%add3A_368, %dma_wait3A_392] : memref<8192x1024xf32, #tpu.memory_space<hbm>> -> memref<8x1024xf32, #tpu.memory_space<hbm>>
    tpu.wait_dma2 semaphore(%arg16 : memref<!tpu.dma_semaphore, #tpu.memory_space<semaphore_mem>>) src(%dma_wait3A_393 : memref<8x1024xf32, #tpu.memory_space<hbm>>) dst(%arg8 : memref<8x1024xf32, #tpu.memory_space<vmem>>)
    %dma_wait3A_394 = arith.constant 0 : i32
    %dma_wait3A_395 = arith.constant 0 : i32
    %dma_wait3A_396 = tpu.memref_slice %arg2[%dma_wait3A_394, %add3A_368, %dma_wait3A_395] : memref<4x4096x1024xf32, #tpu.memory_space<hbm>> -> memref<4x8x1024xf32, #tpu.memory_space<hbm>>
    %dma_wait3A_397 = arith.constant 0 : i32
    %dma_wait3A_398 = arith.constant 0 : i32
    %dma_wait3A_399 = tpu.memref_slice %arg2[%dma_wait3A_397, %add3A_368, %dma_wait3A_398] : memref<4x4096x1024xf32, #tpu.memory_space<hbm>> -> memref<4x8x1024xf32, #tpu.memory_space<hbm>>
    tpu.wait_dma2 semaphore(%arg11 : memref<!tpu.dma_semaphore, #tpu.memory_space<semaphore_mem>>) src(%dma_wait3A_399 : memref<4x8x1024xf32, #tpu.memory_space<hbm>>) dst(%arg6 : memref<4x8x1024xf32, #tpu.memory_space<vmem>>)
    %dma_wait3A_400 = arith.constant 0 : i32
    %dma_wait3A_401 = arith.constant 0 : i32
    %dma_wait3A_402 = tpu.memref_slice %arg4[%dma_wait3A_400, %add3A_344, %dma_wait3A_401] : memref<4x4096x1024xf32, #tpu.memory_space<hbm>> -> memref<4x8x1024xf32, #tpu.memory_space<hbm>>
    %dma_wait3A_403 = arith.constant 0 : i32
    %dma_wait3A_404 = arith.constant 0 : i32
    %dma_wait3A_405 = tpu.memref_slice %arg4[%dma_wait3A_403, %add3A_344, %dma_wait3A_404] : memref<4x4096x1024xf32, #tpu.memory_space<hbm>> -> memref<4x8x1024xf32, #tpu.memory_space<hbm>>
    tpu.wait_dma2 semaphore(%arg15 : memref<!tpu.dma_semaphore, #tpu.memory_space<semaphore_mem>>) src(%arg7 : memref<4x8x1024xf32, #tpu.memory_space<vmem>>) dst(%dma_wait3A_405 : memref<4x8x1024xf32, #tpu.memory_space<hbm>>)
    %add3A_406 = arith.constant 88 : i32
    %add3A_407 = arith.addi %mul3A_2, %add3A_406 : i32
    %dma_start3A_408 = arith.constant 0 : i32
    %dma_start3A_409 = tpu.memref_slice %arg3[%add3A_407, %dma_start3A_408] : memref<8192x1024xf32, #tpu.memory_space<hbm>> -> memref<8x1024xf32, #tpu.memory_space<hbm>>
    %dma_start3A_410 = arith.constant 0 : i32
    %dma_start3A_411 = tpu.memref_slice %arg3[%add3A_407, %dma_start3A_410] : memref<8192x1024xf32, #tpu.memory_space<hbm>> -> memref<8x1024xf32, #tpu.memory_space<hbm>>
    tpu.enqueue_dma source(%dma_start3A_411 : memref<8x1024xf32, #tpu.memory_space<hbm>>) target(%arg9 : memref<8x1024xf32, #tpu.memory_space<vmem>>) target_semaphore(%arg17 : memref<!tpu.dma_semaphore, #tpu.memory_space<semaphore_mem>>)
    %dma_start3A_412 = arith.constant 0 : i32
    %dma_start3A_413 = arith.constant 0 : i32
    %dma_start3A_414 = tpu.memref_slice %arg2[%dma_start3A_412, %add3A_407, %dma_start3A_413] : memref<4x4096x1024xf32, #tpu.memory_space<hbm>> -> memref<4x8x1024xf32, #tpu.memory_space<hbm>>
    %dma_start3A_415 = arith.constant 0 : i32
    %dma_start3A_416 = arith.constant 0 : i32
    %dma_start3A_417 = tpu.memref_slice %arg2[%dma_start3A_415, %add3A_407, %dma_start3A_416] : memref<4x4096x1024xf32, #tpu.memory_space<hbm>> -> memref<4x8x1024xf32, #tpu.memory_space<hbm>>
    tpu.enqueue_dma source(%dma_start3A_417 : memref<4x8x1024xf32, #tpu.memory_space<hbm>>) target(%arg7 : memref<4x8x1024xf32, #tpu.memory_space<vmem>>) target_semaphore(%arg12 : memref<!tpu.dma_semaphore, #tpu.memory_space<semaphore_mem>>)
    %parallel_loop3A_418 = arith.constant 0 : i32
    %parallel_loop3A_419 = arith.constant 512 : i32
    %parallel_loop3A_420 = arith.constant 1 : i32
    scf.for %parallel_loop3A_624 = %parallel_loop3A_418 to %parallel_loop3A_419 step %parallel_loop3A_420  : i32 {
      %parallel_loop3A_625 = arith.constant 6 : i32
      %parallel_loop3A_626 = arith.shrui %parallel_loop3A_624, %parallel_loop3A_625 : i32
      %parallel_loop3A_627 = arith.constant 63 : i32
      %parallel_loop3A_628 = arith.andi %parallel_loop3A_624, %parallel_loop3A_627 : i32
      %parallel_loop3A_629 = arith.constant 16 : i32
      %parallel_loop3A_630 = arith.muli %parallel_loop3A_628, %parallel_loop3A_629 : i32
      %parallel_loop3A_631 = tpu.assume_multiple %parallel_loop3A_630, 16 : i32
      %parallel_loop3A_632 = arith.index_cast %parallel_loop3A_626 : i32 to index
      %parallel_loop3A_633 = arith.index_cast %parallel_loop3A_631 : i32 to index
      %parallel_loop3A_634 = tpu.vector_load %arg8[%parallel_loop3A_632, %parallel_loop3A_633] {strides = array<i32>} : memref<8x1024xf32, #tpu.memory_space<vmem>>, vector<1x16xf32>,
      %parallel_loop3A_635 = vector.shape_cast %parallel_loop3A_634 : vector<1x16xf32> to vector<16xf32>
      %parallel_loop3A_636 = arith.constant 0 : i32
      %parallel_loop3A_637 = arith.index_cast %parallel_loop3A_636 : i32 to index
      %parallel_loop3A_638 = arith.index_cast %parallel_loop3A_626 : i32 to index
      %parallel_loop3A_639 = arith.index_cast %parallel_loop3A_631 : i32 to index
      %parallel_loop3A_640 = tpu.vector_load %arg6[%parallel_loop3A_637, %parallel_loop3A_638, %parallel_loop3A_639] {strides = array<i32>} : memref<4x8x1024xf32, #tpu.memory_space<vmem>>, vector<1x1x16xf32>,
      %parallel_loop3A_641 = vector.shape_cast %parallel_loop3A_640 : vector<1x1x16xf32> to vector<16xf32>
      %parallel_loop3A_642 = arith.addf %parallel_loop3A_641, %parallel_loop3A_635 : vector<16xf32>
      %parallel_loop3A_643 = arith.constant 0 : i32
      %parallel_loop3A_644 = arith.index_cast %parallel_loop3A_643 : i32 to index
      %parallel_loop3A_645 = arith.index_cast %parallel_loop3A_626 : i32 to index
      %parallel_loop3A_646 = arith.index_cast %parallel_loop3A_631 : i32 to index
      %parallel_loop3A_647 = tpu.vector_load %arg6[%parallel_loop3A_644, %parallel_loop3A_645, %parallel_loop3A_646] {strides = array<i32>} : memref<4x8x1024xf32, #tpu.memory_space<vmem>>, vector<1x1x16xf32>,
      %parallel_loop3A_648 = vector.shape_cast %parallel_loop3A_647 : vector<1x1x16xf32> to vector<16xf32>
      %parallel_loop3A_649 = vector.shape_cast %parallel_loop3A_642 : vector<16xf32> to vector<1x1x16xf32>
      tpu.vector_store %arg6[%parallel_loop3A_644, %parallel_loop3A_645, %parallel_loop3A_646], %parallel_loop3A_649 {strides = array<i32>} : memref<4x8x1024xf32, #tpu.memory_space<vmem>>, vector<1x1x16xf32>,
      %parallel_loop3A_650 = arith.constant 1 : i32
      %parallel_loop3A_651 = arith.index_cast %parallel_loop3A_650 : i32 to index
      %parallel_loop3A_652 = arith.index_cast %parallel_loop3A_626 : i32 to index
      %parallel_loop3A_653 = arith.index_cast %parallel_loop3A_631 : i32 to index
      %parallel_loop3A_654 = tpu.vector_load %arg6[%parallel_loop3A_651, %parallel_loop3A_652, %parallel_loop3A_653] {strides = array<i32>} : memref<4x8x1024xf32, #tpu.memory_space<vmem>>, vector<1x1x16xf32>,
      %parallel_loop3A_655 = vector.shape_cast %parallel_loop3A_654 : vector<1x1x16xf32> to vector<16xf32>
      %parallel_loop3A_656 = arith.addf %parallel_loop3A_655, %parallel_loop3A_635 : vector<16xf32>
      %parallel_loop3A_657 = arith.constant 1 : i32
      %parallel_loop3A_658 = arith.index_cast %parallel_loop3A_657 : i32 to index
      %parallel_loop3A_659 = arith.index_cast %parallel_loop3A_626 : i32 to index
      %parallel_loop3A_660 = arith.index_cast %parallel_loop3A_631 : i32 to index
      %parallel_loop3A_661 = tpu.vector_load %arg6[%parallel_loop3A_658, %parallel_loop3A_659, %parallel_loop3A_660] {strides = array<i32>} : memref<4x8x1024xf32, #tpu.memory_space<vmem>>, vector<1x1x16xf32>,
      %parallel_loop3A_662 = vector.shape_cast %parallel_loop3A_661 : vector<1x1x16xf32> to vector<16xf32>
      %parallel_loop3A_663 = vector.shape_cast %parallel_loop3A_656 : vector<16xf32> to vector<1x1x16xf32>
      tpu.vector_store %arg6[%parallel_loop3A_658, %parallel_loop3A_659, %parallel_loop3A_660], %parallel_loop3A_663 {strides = array<i32>} : memref<4x8x1024xf32, #tpu.memory_space<vmem>>, vector<1x1x16xf32>,
      %parallel_loop3A_664 = arith.constant 2 : i32
      %parallel_loop3A_665 = arith.index_cast %parallel_loop3A_664 : i32 to index
      %parallel_loop3A_666 = arith.index_cast %parallel_loop3A_626 : i32 to index
      %parallel_loop3A_667 = arith.index_cast %parallel_loop3A_631 : i32 to index
      %parallel_loop3A_668 = tpu.vector_load %arg6[%parallel_loop3A_665, %parallel_loop3A_666, %parallel_loop3A_667] {strides = array<i32>} : memref<4x8x1024xf32, #tpu.memory_space<vmem>>, vector<1x1x16xf32>,
      %parallel_loop3A_669 = vector.shape_cast %parallel_loop3A_668 : vector<1x1x16xf32> to vector<16xf32>
      %parallel_loop3A_670 = arith.addf %parallel_loop3A_669, %parallel_loop3A_635 : vector<16xf32>
      %parallel_loop3A_671 = arith.constant 2 : i32
      %parallel_loop3A_672 = arith.index_cast %parallel_loop3A_671 : i32 to index
      %parallel_loop3A_673 = arith.index_cast %parallel_loop3A_626 : i32 to index
      %parallel_loop3A_674 = arith.index_cast %parallel_loop3A_631 : i32 to index
      %parallel_loop3A_675 = tpu.vector_load %arg6[%parallel_loop3A_672, %parallel_loop3A_673, %parallel_loop3A_674] {strides = array<i32>} : memref<4x8x1024xf32, #tpu.memory_space<vmem>>, vector<1x1x16xf32>,
      %parallel_loop3A_676 = vector.shape_cast %parallel_loop3A_675 : vector<1x1x16xf32> to vector<16xf32>
      %parallel_loop3A_677 = vector.shape_cast %parallel_loop3A_670 : vector<16xf32> to vector<1x1x16xf32>
      tpu.vector_store %arg6[%parallel_loop3A_672, %parallel_loop3A_673, %parallel_loop3A_674], %parallel_loop3A_677 {strides = array<i32>} : memref<4x8x1024xf32, #tpu.memory_space<vmem>>, vector<1x1x16xf32>,
      %parallel_loop3A_678 = arith.constant 3 : i32
      %parallel_loop3A_679 = arith.index_cast %parallel_loop3A_678 : i32 to index
      %parallel_loop3A_680 = arith.index_cast %parallel_loop3A_626 : i32 to index
      %parallel_loop3A_681 = arith.index_cast %parallel_loop3A_631 : i32 to index
      %parallel_loop3A_682 = tpu.vector_load %arg6[%parallel_loop3A_679, %parallel_loop3A_680, %parallel_loop3A_681] {strides = array<i32>} : memref<4x8x1024xf32, #tpu.memory_space<vmem>>, vector<1x1x16xf32>,
      %parallel_loop3A_683 = vector.shape_cast %parallel_loop3A_682 : vector<1x1x16xf32> to vector<16xf32>
      %parallel_loop3A_684 = arith.addf %parallel_loop3A_683, %parallel_loop3A_635 : vector<16xf32>
      %parallel_loop3A_685 = arith.constant 3 : i32
      %parallel_loop3A_686 = arith.index_cast %parallel_loop3A_685 : i32 to index
      %parallel_loop3A_687 = arith.index_cast %parallel_loop3A_626 : i32 to index
      %parallel_loop3A_688 = arith.index_cast %parallel_loop3A_631 : i32 to index
      %parallel_loop3A_689 = tpu.vector_load %arg6[%parallel_loop3A_686, %parallel_loop3A_687, %parallel_loop3A_688] {strides = array<i32>} : memref<4x8x1024xf32, #tpu.memory_space<vmem>>, vector<1x1x16xf32>,
      %parallel_loop3A_690 = vector.shape_cast %parallel_loop3A_689 : vector<1x1x16xf32> to vector<16xf32>
      %parallel_loop3A_691 = vector.shape_cast %parallel_loop3A_684 : vector<16xf32> to vector<1x1x16xf32>
      tpu.vector_store %arg6[%parallel_loop3A_686, %parallel_loop3A_687, %parallel_loop3A_688], %parallel_loop3A_691 {strides = array<i32>} : memref<4x8x1024xf32, #tpu.memory_space<vmem>>, vector<1x1x16xf32>,
    } {sc.loop_unroll_factor = 4 : i64, sc.parallel_access}
    %add3A_421 = arith.constant 80 : i32
    %add3A_422 = arith.addi %mul3A_2, %add3A_421 : i32
    %dma_start3A_423 = arith.constant 0 : i32
    %dma_start3A_424 = arith.constant 0 : i32
    %dma_start3A_425 = tpu.memref_slice %arg4[%dma_start3A_423, %add3A_422, %dma_start3A_424] : memref<4x4096x1024xf32, #tpu.memory_space<hbm>> -> memref<4x8x1024xf32, #tpu.memory_space<hbm>>
    %dma_start3A_426 = arith.constant 0 : i32
    %dma_start3A_427 = arith.constant 0 : i32
    %dma_start3A_428 = tpu.memref_slice %arg4[%dma_start3A_426, %add3A_422, %dma_start3A_427] : memref<4x4096x1024xf32, #tpu.memory_space<hbm>> -> memref<4x8x1024xf32, #tpu.memory_space<hbm>>
    tpu.enqueue_dma source(%arg6 : memref<4x8x1024xf32, #tpu.memory_space<vmem>>) target(%dma_start3A_428 : memref<4x8x1024xf32, #tpu.memory_space<hbm>>) target_semaphore(%arg14 : memref<!tpu.dma_semaphore, #tpu.memory_space<semaphore_mem>>)
    %dma_wait3A_429 = arith.constant 0 : i32
    %dma_wait3A_430 = tpu.memref_slice %arg3[%add3A_407, %dma_wait3A_429] : memref<8192x1024xf32, #tpu.memory_space<hbm>> -> memref<8x1024xf32, #tpu.memory_space<hbm>>
    %dma_wait3A_431 = arith.constant 0 : i32
    %dma_wait3A_432 = tpu.memref_slice %arg3[%add3A_407, %dma_wait3A_431] : memref<8192x1024xf32, #tpu.memory_space<hbm>> -> memref<8x1024xf32, #tpu.memory_space<hbm>>
    tpu.wait_dma2 semaphore(%arg17 : memref<!tpu.dma_semaphore, #tpu.memory_space<semaphore_mem>>) src(%dma_wait3A_432 : memref<8x1024xf32, #tpu.memory_space<hbm>>) dst(%arg9 : memref<8x1024xf32, #tpu.memory_space<vmem>>)
    %dma_wait3A_433 = arith.constant 0 : i32
    %dma_wait3A_434 = arith.constant 0 : i32
    %dma_wait3A_435 = tpu.memref_slice %arg2[%dma_wait3A_433, %add3A_407, %dma_wait3A_434] : memref<4x4096x1024xf32, #tpu.memory_space<hbm>> -> memref<4x8x1024xf32, #tpu.memory_space<hbm>>
    %dma_wait3A_436 = arith.constant 0 : i32
    %dma_wait3A_437 = arith.constant 0 : i32
    %dma_wait3A_438 = tpu.memref_slice %arg2[%dma_wait3A_436, %add3A_407, %dma_wait3A_437] : memref<4x4096x1024xf32, #tpu.memory_space<hbm>> -> memref<4x8x1024xf32, #tpu.memory_space<hbm>>
    tpu.wait_dma2 semaphore(%arg12 : memref<!tpu.dma_semaphore, #tpu.memory_space<semaphore_mem>>) src(%dma_wait3A_438 : memref<4x8x1024xf32, #tpu.memory_space<hbm>>) dst(%arg7 : memref<4x8x1024xf32, #tpu.memory_space<vmem>>)
    %dma_wait3A_439 = arith.constant 0 : i32
    %dma_wait3A_440 = arith.constant 0 : i32
    %dma_wait3A_441 = tpu.memref_slice %arg4[%dma_wait3A_439, %add3A_383, %dma_wait3A_440] : memref<4x4096x1024xf32, #tpu.memory_space<hbm>> -> memref<4x8x1024xf32, #tpu.memory_space<hbm>>
    %dma_wait3A_442 = arith.constant 0 : i32
    %dma_wait3A_443 = arith.constant 0 : i32
    %dma_wait3A_444 = tpu.memref_slice %arg4[%dma_wait3A_442, %add3A_383, %dma_wait3A_443] : memref<4x4096x1024xf32, #tpu.memory_space<hbm>> -> memref<4x8x1024xf32, #tpu.memory_space<hbm>>
    tpu.wait_dma2 semaphore(%arg13 : memref<!tpu.dma_semaphore, #tpu.memory_space<semaphore_mem>>) src(%arg5 : memref<4x8x1024xf32, #tpu.memory_space<vmem>>) dst(%dma_wait3A_444 : memref<4x8x1024xf32, #tpu.memory_space<hbm>>)
    %add3A_445 = arith.constant 96 : i32
    %add3A_446 = arith.addi %mul3A_2, %add3A_445 : i32
    %dma_start3A_447 = arith.constant 0 : i32
    %dma_start3A_448 = tpu.memref_slice %arg3[%add3A_446, %dma_start3A_447] : memref<8192x1024xf32, #tpu.memory_space<hbm>> -> memref<8x1024xf32, #tpu.memory_space<hbm>>
    %dma_start3A_449 = arith.constant 0 : i32
    %dma_start3A_450 = tpu.memref_slice %arg3[%add3A_446, %dma_start3A_449] : memref<8192x1024xf32, #tpu.memory_space<hbm>> -> memref<8x1024xf32, #tpu.memory_space<hbm>>
    tpu.enqueue_dma source(%dma_start3A_450 : memref<8x1024xf32, #tpu.memory_space<hbm>>) target(%arg8 : memref<8x1024xf32, #tpu.memory_space<vmem>>) target_semaphore(%arg16 : memref<!tpu.dma_semaphore, #tpu.memory_space<semaphore_mem>>)
    %dma_start3A_451 = arith.constant 0 : i32
    %dma_start3A_452 = arith.constant 0 : i32
    %dma_start3A_453 = tpu.memref_slice %arg2[%dma_start3A_451, %add3A_446, %dma_start3A_452] : memref<4x4096x1024xf32, #tpu.memory_space<hbm>> -> memref<4x8x1024xf32, #tpu.memory_space<hbm>>
    %dma_start3A_454 = arith.constant 0 : i32
    %dma_start3A_455 = arith.constant 0 : i32
    %dma_start3A_456 = tpu.memref_slice %arg2[%dma_start3A_454, %add3A_446, %dma_start3A_455] : memref<4x4096x1024xf32, #tpu.memory_space<hbm>> -> memref<4x8x1024xf32, #tpu.memory_space<hbm>>
    tpu.enqueue_dma source(%dma_start3A_456 : memref<4x8x1024xf32, #tpu.memory_space<hbm>>) target(%arg5 : memref<4x8x1024xf32, #tpu.memory_space<vmem>>) target_semaphore(%arg10 : memref<!tpu.dma_semaphore, #tpu.memory_space<semaphore_mem>>)
    %parallel_loop3A_457 = arith.constant 0 : i32
    %parallel_loop3A_458 = arith.constant 512 : i32
    %parallel_loop3A_459 = arith.constant 1 : i32
    scf.for %parallel_loop3A_624 = %parallel_loop3A_457 to %parallel_loop3A_458 step %parallel_loop3A_459  : i32 {
      %parallel_loop3A_625 = arith.constant 6 : i32
      %parallel_loop3A_626 = arith.shrui %parallel_loop3A_624, %parallel_loop3A_625 : i32
      %parallel_loop3A_627 = arith.constant 63 : i32
      %parallel_loop3A_628 = arith.andi %parallel_loop3A_624, %parallel_loop3A_627 : i32
      %parallel_loop3A_629 = arith.constant 16 : i32
      %parallel_loop3A_630 = arith.muli %parallel_loop3A_628, %parallel_loop3A_629 : i32
      %parallel_loop3A_631 = tpu.assume_multiple %parallel_loop3A_630, 16 : i32
      %parallel_loop3A_632 = arith.index_cast %parallel_loop3A_626 : i32 to index
      %parallel_loop3A_633 = arith.index_cast %parallel_loop3A_631 : i32 to index
      %parallel_loop3A_634 = tpu.vector_load %arg9[%parallel_loop3A_632, %parallel_loop3A_633] {strides = array<i32>} : memref<8x1024xf32, #tpu.memory_space<vmem>>, vector<1x16xf32>,
      %parallel_loop3A_635 = vector.shape_cast %parallel_loop3A_634 : vector<1x16xf32> to vector<16xf32>
      %parallel_loop3A_636 = arith.constant 0 : i32
      %parallel_loop3A_637 = arith.index_cast %parallel_loop3A_636 : i32 to index
      %parallel_loop3A_638 = arith.index_cast %parallel_loop3A_626 : i32 to index
      %parallel_loop3A_639 = arith.index_cast %parallel_loop3A_631 : i32 to index
      %parallel_loop3A_640 = tpu.vector_load %arg7[%parallel_loop3A_637, %parallel_loop3A_638, %parallel_loop3A_639] {strides = array<i32>} : memref<4x8x1024xf32, #tpu.memory_space<vmem>>, vector<1x1x16xf32>,
      %parallel_loop3A_641 = vector.shape_cast %parallel_loop3A_640 : vector<1x1x16xf32> to vector<16xf32>
      %parallel_loop3A_642 = arith.addf %parallel_loop3A_641, %parallel_loop3A_635 : vector<16xf32>
      %parallel_loop3A_643 = arith.constant 0 : i32
      %parallel_loop3A_644 = arith.index_cast %parallel_loop3A_643 : i32 to index
      %parallel_loop3A_645 = arith.index_cast %parallel_loop3A_626 : i32 to index
      %parallel_loop3A_646 = arith.index_cast %parallel_loop3A_631 : i32 to index
      %parallel_loop3A_647 = tpu.vector_load %arg7[%parallel_loop3A_644, %parallel_loop3A_645, %parallel_loop3A_646] {strides = array<i32>} : memref<4x8x1024xf32, #tpu.memory_space<vmem>>, vector<1x1x16xf32>,
      %parallel_loop3A_648 = vector.shape_cast %parallel_loop3A_647 : vector<1x1x16xf32> to vector<16xf32>
      %parallel_loop3A_649 = vector.shape_cast %parallel_loop3A_642 : vector<16xf32> to vector<1x1x16xf32>
      tpu.vector_store %arg7[%parallel_loop3A_644, %parallel_loop3A_645, %parallel_loop3A_646], %parallel_loop3A_649 {strides = array<i32>} : memref<4x8x1024xf32, #tpu.memory_space<vmem>>, vector<1x1x16xf32>,
      %parallel_loop3A_650 = arith.constant 1 : i32
      %parallel_loop3A_651 = arith.index_cast %parallel_loop3A_650 : i32 to index
      %parallel_loop3A_652 = arith.index_cast %parallel_loop3A_626 : i32 to index
      %parallel_loop3A_653 = arith.index_cast %parallel_loop3A_631 : i32 to index
      %parallel_loop3A_654 = tpu.vector_load %arg7[%parallel_loop3A_651, %parallel_loop3A_652, %parallel_loop3A_653] {strides = array<i32>} : memref<4x8x1024xf32, #tpu.memory_space<vmem>>, vector<1x1x16xf32>,
      %parallel_loop3A_655 = vector.shape_cast %parallel_loop3A_654 : vector<1x1x16xf32> to vector<16xf32>
      %parallel_loop3A_656 = arith.addf %parallel_loop3A_655, %parallel_loop3A_635 : vector<16xf32>
      %parallel_loop3A_657 = arith.constant 1 : i32
      %parallel_loop3A_658 = arith.index_cast %parallel_loop3A_657 : i32 to index
      %parallel_loop3A_659 = arith.index_cast %parallel_loop3A_626 : i32 to index
      %parallel_loop3A_660 = arith.index_cast %parallel_loop3A_631 : i32 to index
      %parallel_loop3A_661 = tpu.vector_load %arg7[%parallel_loop3A_658, %parallel_loop3A_659, %parallel_loop3A_660] {strides = array<i32>} : memref<4x8x1024xf32, #tpu.memory_space<vmem>>, vector<1x1x16xf32>,
      %parallel_loop3A_662 = vector.shape_cast %parallel_loop3A_661 : vector<1x1x16xf32> to vector<16xf32>
      %parallel_loop3A_663 = vector.shape_cast %parallel_loop3A_656 : vector<16xf32> to vector<1x1x16xf32>
      tpu.vector_store %arg7[%parallel_loop3A_658, %parallel_loop3A_659, %parallel_loop3A_660], %parallel_loop3A_663 {strides = array<i32>} : memref<4x8x1024xf32, #tpu.memory_space<vmem>>, vector<1x1x16xf32>,
      %parallel_loop3A_664 = arith.constant 2 : i32
      %parallel_loop3A_665 = arith.index_cast %parallel_loop3A_664 : i32 to index
      %parallel_loop3A_666 = arith.index_cast %parallel_loop3A_626 : i32 to index
      %parallel_loop3A_667 = arith.index_cast %parallel_loop3A_631 : i32 to index
      %parallel_loop3A_668 = tpu.vector_load %arg7[%parallel_loop3A_665, %parallel_loop3A_666, %parallel_loop3A_667] {strides = array<i32>} : memref<4x8x1024xf32, #tpu.memory_space<vmem>>, vector<1x1x16xf32>,
      %parallel_loop3A_669 = vector.shape_cast %parallel_loop3A_668 : vector<1x1x16xf32> to vector<16xf32>
      %parallel_loop3A_670 = arith.addf %parallel_loop3A_669, %parallel_loop3A_635 : vector<16xf32>
      %parallel_loop3A_671 = arith.constant 2 : i32
      %parallel_loop3A_672 = arith.index_cast %parallel_loop3A_671 : i32 to index
      %parallel_loop3A_673 = arith.index_cast %parallel_loop3A_626 : i32 to index
      %parallel_loop3A_674 = arith.index_cast %parallel_loop3A_631 : i32 to index
      %parallel_loop3A_675 = tpu.vector_load %arg7[%parallel_loop3A_672, %parallel_loop3A_673, %parallel_loop3A_674] {strides = array<i32>} : memref<4x8x1024xf32, #tpu.memory_space<vmem>>, vector<1x1x16xf32>,
      %parallel_loop3A_676 = vector.shape_cast %parallel_loop3A_675 : vector<1x1x16xf32> to vector<16xf32>
      %parallel_loop3A_677 = vector.shape_cast %parallel_loop3A_670 : vector<16xf32> to vector<1x1x16xf32>
      tpu.vector_store %arg7[%parallel_loop3A_672, %parallel_loop3A_673, %parallel_loop3A_674], %parallel_loop3A_677 {strides = array<i32>} : memref<4x8x1024xf32, #tpu.memory_space<vmem>>, vector<1x1x16xf32>,
      %parallel_loop3A_678 = arith.constant 3 : i32
      %parallel_loop3A_679 = arith.index_cast %parallel_loop3A_678 : i32 to index
      %parallel_loop3A_680 = arith.index_cast %parallel_loop3A_626 : i32 to index
      %parallel_loop3A_681 = arith.index_cast %parallel_loop3A_631 : i32 to index
      %parallel_loop3A_682 = tpu.vector_load %arg7[%parallel_loop3A_679, %parallel_loop3A_680, %parallel_loop3A_681] {strides = array<i32>} : memref<4x8x1024xf32, #tpu.memory_space<vmem>>, vector<1x1x16xf32>,
      %parallel_loop3A_683 = vector.shape_cast %parallel_loop3A_682 : vector<1x1x16xf32> to vector<16xf32>
      %parallel_loop3A_684 = arith.addf %parallel_loop3A_683, %parallel_loop3A_635 : vector<16xf32>
      %parallel_loop3A_685 = arith.constant 3 : i32
      %parallel_loop3A_686 = arith.index_cast %parallel_loop3A_685 : i32 to index
      %parallel_loop3A_687 = arith.index_cast %parallel_loop3A_626 : i32 to index
      %parallel_loop3A_688 = arith.index_cast %parallel_loop3A_631 : i32 to index
      %parallel_loop3A_689 = tpu.vector_load %arg7[%parallel_loop3A_686, %parallel_loop3A_687, %parallel_loop3A_688] {strides = array<i32>} : memref<4x8x1024xf32, #tpu.memory_space<vmem>>, vector<1x1x16xf32>,
      %parallel_loop3A_690 = vector.shape_cast %parallel_loop3A_689 : vector<1x1x16xf32> to vector<16xf32>
      %parallel_loop3A_691 = vector.shape_cast %parallel_loop3A_684 : vector<16xf32> to vector<1x1x16xf32>
      tpu.vector_store %arg7[%parallel_loop3A_686, %parallel_loop3A_687, %parallel_loop3A_688], %parallel_loop3A_691 {strides = array<i32>} : memref<4x8x1024xf32, #tpu.memory_space<vmem>>, vector<1x1x16xf32>,
    } {sc.loop_unroll_factor = 4 : i64, sc.parallel_access}
    %add3A_460 = arith.constant 88 : i32
    %add3A_461 = arith.addi %mul3A_2, %add3A_460 : i32
    %dma_start3A_462 = arith.constant 0 : i32
    %dma_start3A_463 = arith.constant 0 : i32
    %dma_start3A_464 = tpu.memref_slice %arg4[%dma_start3A_462, %add3A_461, %dma_start3A_463] : memref<4x4096x1024xf32, #tpu.memory_space<hbm>> -> memref<4x8x1024xf32, #tpu.memory_space<hbm>>
    %dma_start3A_465 = arith.constant 0 : i32
    %dma_start3A_466 = arith.constant 0 : i32
    %dma_start3A_467 = tpu.memref_slice %arg4[%dma_start3A_465, %add3A_461, %dma_start3A_466] : memref<4x4096x1024xf32, #tpu.memory_space<hbm>> -> memref<4x8x1024xf32, #tpu.memory_space<hbm>>
    tpu.enqueue_dma source(%arg7 : memref<4x8x1024xf32, #tpu.memory_space<vmem>>) target(%dma_start3A_467 : memref<4x8x1024xf32, #tpu.memory_space<hbm>>) target_semaphore(%arg15 : memref<!tpu.dma_semaphore, #tpu.memory_space<semaphore_mem>>)
    %dma_wait3A_468 = arith.constant 0 : i32
    %dma_wait3A_469 = tpu.memref_slice %arg3[%add3A_446, %dma_wait3A_468] : memref<8192x1024xf32, #tpu.memory_space<hbm>> -> memref<8x1024xf32, #tpu.memory_space<hbm>>
    %dma_wait3A_470 = arith.constant 0 : i32
    %dma_wait3A_471 = tpu.memref_slice %arg3[%add3A_446, %dma_wait3A_470] : memref<8192x1024xf32, #tpu.memory_space<hbm>> -> memref<8x1024xf32, #tpu.memory_space<hbm>>
    tpu.wait_dma2 semaphore(%arg16 : memref<!tpu.dma_semaphore, #tpu.memory_space<semaphore_mem>>) src(%dma_wait3A_471 : memref<8x1024xf32, #tpu.memory_space<hbm>>) dst(%arg8 : memref<8x1024xf32, #tpu.memory_space<vmem>>)
    %dma_wait3A_472 = arith.constant 0 : i32
    %dma_wait3A_473 = arith.constant 0 : i32
    %dma_wait3A_474 = tpu.memref_slice %arg2[%dma_wait3A_472, %add3A_446, %dma_wait3A_473] : memref<4x4096x1024xf32, #tpu.memory_space<hbm>> -> memref<4x8x1024xf32, #tpu.memory_space<hbm>>
    %dma_wait3A_475 = arith.constant 0 : i32
    %dma_wait3A_476 = arith.constant 0 : i32
    %dma_wait3A_477 = tpu.memref_slice %arg2[%dma_wait3A_475, %add3A_446, %dma_wait3A_476] : memref<4x4096x1024xf32, #tpu.memory_space<hbm>> -> memref<4x8x1024xf32, #tpu.memory_space<hbm>>
    tpu.wait_dma2 semaphore(%arg10 : memref<!tpu.dma_semaphore, #tpu.memory_space<semaphore_mem>>) src(%dma_wait3A_477 : memref<4x8x1024xf32, #tpu.memory_space<hbm>>) dst(%arg5 : memref<4x8x1024xf32, #tpu.memory_space<vmem>>)
    %dma_wait3A_478 = arith.constant 0 : i32
    %dma_wait3A_479 = arith.constant 0 : i32
    %dma_wait3A_480 = tpu.memref_slice %arg4[%dma_wait3A_478, %add3A_422, %dma_wait3A_479] : memref<4x4096x1024xf32, #tpu.memory_space<hbm>> -> memref<4x8x1024xf32, #tpu.memory_space<hbm>>
    %dma_wait3A_481 = arith.constant 0 : i32
    %dma_wait3A_482 = arith.constant 0 : i32
    %dma_wait3A_483 = tpu.memref_slice %arg4[%dma_wait3A_481, %add3A_422, %dma_wait3A_482] : memref<4x4096x1024xf32, #tpu.memory_space<hbm>> -> memref<4x8x1024xf32, #tpu.memory_space<hbm>>
    tpu.wait_dma2 semaphore(%arg14 : memref<!tpu.dma_semaphore, #tpu.memory_space<semaphore_mem>>) src(%arg6 : memref<4x8x1024xf32, #tpu.memory_space<vmem>>) dst(%dma_wait3A_483 : memref<4x8x1024xf32, #tpu.memory_space<hbm>>)
    %add3A_484 = arith.constant 104 : i32
    %add3A_485 = arith.addi %mul3A_2, %add3A_484 : i32
    %dma_start3A_486 = arith.constant 0 : i32
    %dma_start3A_487 = tpu.memref_slice %arg3[%add3A_485, %dma_start3A_486] : memref<8192x1024xf32, #tpu.memory_space<hbm>> -> memref<8x1024xf32, #tpu.memory_space<hbm>>
    %dma_start3A_488 = arith.constant 0 : i32
    %dma_start3A_489 = tpu.memref_slice %arg3[%add3A_485, %dma_start3A_488] : memref<8192x1024xf32, #tpu.memory_space<hbm>> -> memref<8x1024xf32, #tpu.memory_space<hbm>>
    tpu.enqueue_dma source(%dma_start3A_489 : memref<8x1024xf32, #tpu.memory_space<hbm>>) target(%arg9 : memref<8x1024xf32, #tpu.memory_space<vmem>>) target_semaphore(%arg17 : memref<!tpu.dma_semaphore, #tpu.memory_space<semaphore_mem>>)
    %dma_start3A_490 = arith.constant 0 : i32
    %dma_start3A_491 = arith.constant 0 : i32
    %dma_start3A_492 = tpu.memref_slice %arg2[%dma_start3A_490, %add3A_485, %dma_start3A_491] : memref<4x4096x1024xf32, #tpu.memory_space<hbm>> -> memref<4x8x1024xf32, #tpu.memory_space<hbm>>
    %dma_start3A_493 = arith.constant 0 : i32
    %dma_start3A_494 = arith.constant 0 : i32
    %dma_start3A_495 = tpu.memref_slice %arg2[%dma_start3A_493, %add3A_485, %dma_start3A_494] : memref<4x4096x1024xf32, #tpu.memory_space<hbm>> -> memref<4x8x1024xf32, #tpu.memory_space<hbm>>
    tpu.enqueue_dma source(%dma_start3A_495 : memref<4x8x1024xf32, #tpu.memory_space<hbm>>) target(%arg6 : memref<4x8x1024xf32, #tpu.memory_space<vmem>>) target_semaphore(%arg11 : memref<!tpu.dma_semaphore, #tpu.memory_space<semaphore_mem>>)
    %parallel_loop3A_496 = arith.constant 0 : i32
    %parallel_loop3A_497 = arith.constant 512 : i32
    %parallel_loop3A_498 = arith.constant 1 : i32
    scf.for %parallel_loop3A_624 = %parallel_loop3A_496 to %parallel_loop3A_497 step %parallel_loop3A_498  : i32 {
      %parallel_loop3A_625 = arith.constant 6 : i32
      %parallel_loop3A_626 = arith.shrui %parallel_loop3A_624, %parallel_loop3A_625 : i32
      %parallel_loop3A_627 = arith.constant 63 : i32
      %parallel_loop3A_628 = arith.andi %parallel_loop3A_624, %parallel_loop3A_627 : i32
      %parallel_loop3A_629 = arith.constant 16 : i32
      %parallel_loop3A_630 = arith.muli %parallel_loop3A_628, %parallel_loop3A_629 : i32
      %parallel_loop3A_631 = tpu.assume_multiple %parallel_loop3A_630, 16 : i32
      %parallel_loop3A_632 = arith.index_cast %parallel_loop3A_626 : i32 to index
      %parallel_loop3A_633 = arith.index_cast %parallel_loop3A_631 : i32 to index
      %parallel_loop3A_634 = tpu.vector_load %arg8[%parallel_loop3A_632, %parallel_loop3A_633] {strides = array<i32>} : memref<8x1024xf32, #tpu.memory_space<vmem>>, vector<1x16xf32>,
      %parallel_loop3A_635 = vector.shape_cast %parallel_loop3A_634 : vector<1x16xf32> to vector<16xf32>
      %parallel_loop3A_636 = arith.constant 0 : i32
      %parallel_loop3A_637 = arith.index_cast %parallel_loop3A_636 : i32 to index
      %parallel_loop3A_638 = arith.index_cast %parallel_loop3A_626 : i32 to index
      %parallel_loop3A_639 = arith.index_cast %parallel_loop3A_631 : i32 to index
      %parallel_loop3A_640 = tpu.vector_load %arg5[%parallel_loop3A_637, %parallel_loop3A_638, %parallel_loop3A_639] {strides = array<i32>} : memref<4x8x1024xf32, #tpu.memory_space<vmem>>, vector<1x1x16xf32>,
      %parallel_loop3A_641 = vector.shape_cast %parallel_loop3A_640 : vector<1x1x16xf32> to vector<16xf32>
      %parallel_loop3A_642 = arith.addf %parallel_loop3A_641, %parallel_loop3A_635 : vector<16xf32>
      %parallel_loop3A_643 = arith.constant 0 : i32
      %parallel_loop3A_644 = arith.index_cast %parallel_loop3A_643 : i32 to index
      %parallel_loop3A_645 = arith.index_cast %parallel_loop3A_626 : i32 to index
      %parallel_loop3A_646 = arith.index_cast %parallel_loop3A_631 : i32 to index
      %parallel_loop3A_647 = tpu.vector_load %arg5[%parallel_loop3A_644, %parallel_loop3A_645, %parallel_loop3A_646] {strides = array<i32>} : memref<4x8x1024xf32, #tpu.memory_space<vmem>>, vector<1x1x16xf32>,
      %parallel_loop3A_648 = vector.shape_cast %parallel_loop3A_647 : vector<1x1x16xf32> to vector<16xf32>
      %parallel_loop3A_649 = vector.shape_cast %parallel_loop3A_642 : vector<16xf32> to vector<1x1x16xf32>
      tpu.vector_store %arg5[%parallel_loop3A_644, %parallel_loop3A_645, %parallel_loop3A_646], %parallel_loop3A_649 {strides = array<i32>} : memref<4x8x1024xf32, #tpu.memory_space<vmem>>, vector<1x1x16xf32>,
      %parallel_loop3A_650 = arith.constant 1 : i32
      %parallel_loop3A_651 = arith.index_cast %parallel_loop3A_650 : i32 to index
      %parallel_loop3A_652 = arith.index_cast %parallel_loop3A_626 : i32 to index
      %parallel_loop3A_653 = arith.index_cast %parallel_loop3A_631 : i32 to index
      %parallel_loop3A_654 = tpu.vector_load %arg5[%parallel_loop3A_651, %parallel_loop3A_652, %parallel_loop3A_653] {strides = array<i32>} : memref<4x8x1024xf32, #tpu.memory_space<vmem>>, vector<1x1x16xf32>,
      %parallel_loop3A_655 = vector.shape_cast %parallel_loop3A_654 : vector<1x1x16xf32> to vector<16xf32>
      %parallel_loop3A_656 = arith.addf %parallel_loop3A_655, %parallel_loop3A_635 : vector<16xf32>
      %parallel_loop3A_657 = arith.constant 1 : i32
      %parallel_loop3A_658 = arith.index_cast %parallel_loop3A_657 : i32 to index
      %parallel_loop3A_659 = arith.index_cast %parallel_loop3A_626 : i32 to index
      %parallel_loop3A_660 = arith.index_cast %parallel_loop3A_631 : i32 to index
      %parallel_loop3A_661 = tpu.vector_load %arg5[%parallel_loop3A_658, %parallel_loop3A_659, %parallel_loop3A_660] {strides = array<i32>} : memref<4x8x1024xf32, #tpu.memory_space<vmem>>, vector<1x1x16xf32>,
      %parallel_loop3A_662 = vector.shape_cast %parallel_loop3A_661 : vector<1x1x16xf32> to vector<16xf32>
      %parallel_loop3A_663 = vector.shape_cast %parallel_loop3A_656 : vector<16xf32> to vector<1x1x16xf32>
      tpu.vector_store %arg5[%parallel_loop3A_658, %parallel_loop3A_659, %parallel_loop3A_660], %parallel_loop3A_663 {strides = array<i32>} : memref<4x8x1024xf32, #tpu.memory_space<vmem>>, vector<1x1x16xf32>,
      %parallel_loop3A_664 = arith.constant 2 : i32
      %parallel_loop3A_665 = arith.index_cast %parallel_loop3A_664 : i32 to index
      %parallel_loop3A_666 = arith.index_cast %parallel_loop3A_626 : i32 to index
      %parallel_loop3A_667 = arith.index_cast %parallel_loop3A_631 : i32 to index
      %parallel_loop3A_668 = tpu.vector_load %arg5[%parallel_loop3A_665, %parallel_loop3A_666, %parallel_loop3A_667] {strides = array<i32>} : memref<4x8x1024xf32, #tpu.memory_space<vmem>>, vector<1x1x16xf32>,
      %parallel_loop3A_669 = vector.shape_cast %parallel_loop3A_668 : vector<1x1x16xf32> to vector<16xf32>
      %parallel_loop3A_670 = arith.addf %parallel_loop3A_669, %parallel_loop3A_635 : vector<16xf32>
      %parallel_loop3A_671 = arith.constant 2 : i32
      %parallel_loop3A_672 = arith.index_cast %parallel_loop3A_671 : i32 to index
      %parallel_loop3A_673 = arith.index_cast %parallel_loop3A_626 : i32 to index
      %parallel_loop3A_674 = arith.index_cast %parallel_loop3A_631 : i32 to index
      %parallel_loop3A_675 = tpu.vector_load %arg5[%parallel_loop3A_672, %parallel_loop3A_673, %parallel_loop3A_674] {strides = array<i32>} : memref<4x8x1024xf32, #tpu.memory_space<vmem>>, vector<1x1x16xf32>,
      %parallel_loop3A_676 = vector.shape_cast %parallel_loop3A_675 : vector<1x1x16xf32> to vector<16xf32>
      %parallel_loop3A_677 = vector.shape_cast %parallel_loop3A_670 : vector<16xf32> to vector<1x1x16xf32>
      tpu.vector_store %arg5[%parallel_loop3A_672, %parallel_loop3A_673, %parallel_loop3A_674], %parallel_loop3A_677 {strides = array<i32>} : memref<4x8x1024xf32, #tpu.memory_space<vmem>>, vector<1x1x16xf32>,
      %parallel_loop3A_678 = arith.constant 3 : i32
      %parallel_loop3A_679 = arith.index_cast %parallel_loop3A_678 : i32 to index
      %parallel_loop3A_680 = arith.index_cast %parallel_loop3A_626 : i32 to index
      %parallel_loop3A_681 = arith.index_cast %parallel_loop3A_631 : i32 to index
      %parallel_loop3A_682 = tpu.vector_load %arg5[%parallel_loop3A_679, %parallel_loop3A_680, %parallel_loop3A_681] {strides = array<i32>} : memref<4x8x1024xf32, #tpu.memory_space<vmem>>, vector<1x1x16xf32>,
      %parallel_loop3A_683 = vector.shape_cast %parallel_loop3A_682 : vector<1x1x16xf32> to vector<16xf32>
      %parallel_loop3A_684 = arith.addf %parallel_loop3A_683, %parallel_loop3A_635 : vector<16xf32>
      %parallel_loop3A_685 = arith.constant 3 : i32
      %parallel_loop3A_686 = arith.index_cast %parallel_loop3A_685 : i32 to index
      %parallel_loop3A_687 = arith.index_cast %parallel_loop3A_626 : i32 to index
      %parallel_loop3A_688 = arith.index_cast %parallel_loop3A_631 : i32 to index
      %parallel_loop3A_689 = tpu.vector_load %arg5[%parallel_loop3A_686, %parallel_loop3A_687, %parallel_loop3A_688] {strides = array<i32>} : memref<4x8x1024xf32, #tpu.memory_space<vmem>>, vector<1x1x16xf32>,
      %parallel_loop3A_690 = vector.shape_cast %parallel_loop3A_689 : vector<1x1x16xf32> to vector<16xf32>
      %parallel_loop3A_691 = vector.shape_cast %parallel_loop3A_684 : vector<16xf32> to vector<1x1x16xf32>
      tpu.vector_store %arg5[%parallel_loop3A_686, %parallel_loop3A_687, %parallel_loop3A_688], %parallel_loop3A_691 {strides = array<i32>} : memref<4x8x1024xf32, #tpu.memory_space<vmem>>, vector<1x1x16xf32>,
    } {sc.loop_unroll_factor = 4 : i64, sc.parallel_access}
    %add3A_499 = arith.constant 96 : i32
    %add3A_500 = arith.addi %mul3A_2, %add3A_499 : i32
    %dma_start3A_501 = arith.constant 0 : i32
    %dma_start3A_502 = arith.constant 0 : i32
    %dma_start3A_503 = tpu.memref_slice %arg4[%dma_start3A_501, %add3A_500, %dma_start3A_502] : memref<4x4096x1024xf32, #tpu.memory_space<hbm>> -> memref<4x8x1024xf32, #tpu.memory_space<hbm>>
    %dma_start3A_504 = arith.constant 0 : i32
    %dma_start3A_505 = arith.constant 0 : i32
    %dma_start3A_506 = tpu.memref_slice %arg4[%dma_start3A_504, %add3A_500, %dma_start3A_505] : memref<4x4096x1024xf32, #tpu.memory_space<hbm>> -> memref<4x8x1024xf32, #tpu.memory_space<hbm>>
    tpu.enqueue_dma source(%arg5 : memref<4x8x1024xf32, #tpu.memory_space<vmem>>) target(%dma_start3A_506 : memref<4x8x1024xf32, #tpu.memory_space<hbm>>) target_semaphore(%arg13 : memref<!tpu.dma_semaphore, #tpu.memory_space<semaphore_mem>>)
    %dma_wait3A_507 = arith.constant 0 : i32
    %dma_wait3A_508 = tpu.memref_slice %arg3[%add3A_485, %dma_wait3A_507] : memref<8192x1024xf32, #tpu.memory_space<hbm>> -> memref<8x1024xf32, #tpu.memory_space<hbm>>
    %dma_wait3A_509 = arith.constant 0 : i32
    %dma_wait3A_510 = tpu.memref_slice %arg3[%add3A_485, %dma_wait3A_509] : memref<8192x1024xf32, #tpu.memory_space<hbm>> -> memref<8x1024xf32, #tpu.memory_space<hbm>>
    tpu.wait_dma2 semaphore(%arg17 : memref<!tpu.dma_semaphore, #tpu.memory_space<semaphore_mem>>) src(%dma_wait3A_510 : memref<8x1024xf32, #tpu.memory_space<hbm>>) dst(%arg9 : memref<8x1024xf32, #tpu.memory_space<vmem>>)
    %dma_wait3A_511 = arith.constant 0 : i32
    %dma_wait3A_512 = arith.constant 0 : i32
    %dma_wait3A_513 = tpu.memref_slice %arg2[%dma_wait3A_511, %add3A_485, %dma_wait3A_512] : memref<4x4096x1024xf32, #tpu.memory_space<hbm>> -> memref<4x8x1024xf32, #tpu.memory_space<hbm>>
    %dma_wait3A_514 = arith.constant 0 : i32
    %dma_wait3A_515 = arith.constant 0 : i32
    %dma_wait3A_516 = tpu.memref_slice %arg2[%dma_wait3A_514, %add3A_485, %dma_wait3A_515] : memref<4x4096x1024xf32, #tpu.memory_space<hbm>> -> memref<4x8x1024xf32, #tpu.memory_space<hbm>>
    tpu.wait_dma2 semaphore(%arg11 : memref<!tpu.dma_semaphore, #tpu.memory_space<semaphore_mem>>) src(%dma_wait3A_516 : memref<4x8x1024xf32, #tpu.memory_space<hbm>>) dst(%arg6 : memref<4x8x1024xf32, #tpu.memory_space<vmem>>)
    %dma_wait3A_517 = arith.constant 0 : i32
    %dma_wait3A_518 = arith.constant 0 : i32
    %dma_wait3A_519 = tpu.memref_slice %arg4[%dma_wait3A_517, %add3A_461, %dma_wait3A_518] : memref<4x4096x1024xf32, #tpu.memory_space<hbm>> -> memref<4x8x1024xf32, #tpu.memory_space<hbm>>
    %dma_wait3A_520 = arith.constant 0 : i32
    %dma_wait3A_521 = arith.constant 0 : i32
    %dma_wait3A_522 = tpu.memref_slice %arg4[%dma_wait3A_520, %add3A_461, %dma_wait3A_521] : memref<4x4096x1024xf32, #tpu.memory_space<hbm>> -> memref<4x8x1024xf32, #tpu.memory_space<hbm>>
    tpu.wait_dma2 semaphore(%arg15 : memref<!tpu.dma_semaphore, #tpu.memory_space<semaphore_mem>>) src(%arg7 : memref<4x8x1024xf32, #tpu.memory_space<vmem>>) dst(%dma_wait3A_522 : memref<4x8x1024xf32, #tpu.memory_space<hbm>>)
    %add3A_523 = arith.constant 112 : i32
    %add3A_524 = arith.addi %mul3A_2, %add3A_523 : i32
    %dma_start3A_525 = arith.constant 0 : i32
    %dma_start3A_526 = tpu.memref_slice %arg3[%add3A_524, %dma_start3A_525] : memref<8192x1024xf32, #tpu.memory_space<hbm>> -> memref<8x1024xf32, #tpu.memory_space<hbm>>
    %dma_start3A_527 = arith.constant 0 : i32
    %dma_start3A_528 = tpu.memref_slice %arg3[%add3A_524, %dma_start3A_527] : memref<8192x1024xf32, #tpu.memory_space<hbm>> -> memref<8x1024xf32, #tpu.memory_space<hbm>>
    tpu.enqueue_dma source(%dma_start3A_528 : memref<8x1024xf32, #tpu.memory_space<hbm>>) target(%arg8 : memref<8x1024xf32, #tpu.memory_space<vmem>>) target_semaphore(%arg16 : memref<!tpu.dma_semaphore, #tpu.memory_space<semaphore_mem>>)
    %dma_start3A_529 = arith.constant 0 : i32
    %dma_start3A_530 = arith.constant 0 : i32
    %dma_start3A_531 = tpu.memref_slice %arg2[%dma_start3A_529, %add3A_524, %dma_start3A_530] : memref<4x4096x1024xf32, #tpu.memory_space<hbm>> -> memref<4x8x1024xf32, #tpu.memory_space<hbm>>
    %dma_start3A_532 = arith.constant 0 : i32
    %dma_start3A_533 = arith.constant 0 : i32
    %dma_start3A_534 = tpu.memref_slice %arg2[%dma_start3A_532, %add3A_524, %dma_start3A_533] : memref<4x4096x1024xf32, #tpu.memory_space<hbm>> -> memref<4x8x1024xf32, #tpu.memory_space<hbm>>
    tpu.enqueue_dma source(%dma_start3A_534 : memref<4x8x1024xf32, #tpu.memory_space<hbm>>) target(%arg7 : memref<4x8x1024xf32, #tpu.memory_space<vmem>>) target_semaphore(%arg12 : memref<!tpu.dma_semaphore, #tpu.memory_space<semaphore_mem>>)
    %parallel_loop3A_535 = arith.constant 0 : i32
    %parallel_loop3A_536 = arith.constant 512 : i32
    %parallel_loop3A_537 = arith.constant 1 : i32
    scf.for %parallel_loop3A_624 = %parallel_loop3A_535 to %parallel_loop3A_536 step %parallel_loop3A_537  : i32 {
      %parallel_loop3A_625 = arith.constant 6 : i32
      %parallel_loop3A_626 = arith.shrui %parallel_loop3A_624, %parallel_loop3A_625 : i32
      %parallel_loop3A_627 = arith.constant 63 : i32
      %parallel_loop3A_628 = arith.andi %parallel_loop3A_624, %parallel_loop3A_627 : i32
      %parallel_loop3A_629 = arith.constant 16 : i32
      %parallel_loop3A_630 = arith.muli %parallel_loop3A_628, %parallel_loop3A_629 : i32
      %parallel_loop3A_631 = tpu.assume_multiple %parallel_loop3A_630, 16 : i32
      %parallel_loop3A_632 = arith.index_cast %parallel_loop3A_626 : i32 to index
      %parallel_loop3A_633 = arith.index_cast %parallel_loop3A_631 : i32 to index
      %parallel_loop3A_634 = tpu.vector_load %arg9[%parallel_loop3A_632, %parallel_loop3A_633] {strides = array<i32>} : memref<8x1024xf32, #tpu.memory_space<vmem>>, vector<1x16xf32>,
      %parallel_loop3A_635 = vector.shape_cast %parallel_loop3A_634 : vector<1x16xf32> to vector<16xf32>
      %parallel_loop3A_636 = arith.constant 0 : i32
      %parallel_loop3A_637 = arith.index_cast %parallel_loop3A_636 : i32 to index
      %parallel_loop3A_638 = arith.index_cast %parallel_loop3A_626 : i32 to index
      %parallel_loop3A_639 = arith.index_cast %parallel_loop3A_631 : i32 to index
      %parallel_loop3A_640 = tpu.vector_load %arg6[%parallel_loop3A_637, %parallel_loop3A_638, %parallel_loop3A_639] {strides = array<i32>} : memref<4x8x1024xf32, #tpu.memory_space<vmem>>, vector<1x1x16xf32>,
      %parallel_loop3A_641 = vector.shape_cast %parallel_loop3A_640 : vector<1x1x16xf32> to vector<16xf32>
      %parallel_loop3A_642 = arith.addf %parallel_loop3A_641, %parallel_loop3A_635 : vector<16xf32>
      %parallel_loop3A_643 = arith.constant 0 : i32
      %parallel_loop3A_644 = arith.index_cast %parallel_loop3A_643 : i32 to index
      %parallel_loop3A_645 = arith.index_cast %parallel_loop3A_626 : i32 to index
      %parallel_loop3A_646 = arith.index_cast %parallel_loop3A_631 : i32 to index
      %parallel_loop3A_647 = tpu.vector_load %arg6[%parallel_loop3A_644, %parallel_loop3A_645, %parallel_loop3A_646] {strides = array<i32>} : memref<4x8x1024xf32, #tpu.memory_space<vmem>>, vector<1x1x16xf32>,
      %parallel_loop3A_648 = vector.shape_cast %parallel_loop3A_647 : vector<1x1x16xf32> to vector<16xf32>
      %parallel_loop3A_649 = vector.shape_cast %parallel_loop3A_642 : vector<16xf32> to vector<1x1x16xf32>
      tpu.vector_store %arg6[%parallel_loop3A_644, %parallel_loop3A_645, %parallel_loop3A_646], %parallel_loop3A_649 {strides = array<i32>} : memref<4x8x1024xf32, #tpu.memory_space<vmem>>, vector<1x1x16xf32>,
      %parallel_loop3A_650 = arith.constant 1 : i32
      %parallel_loop3A_651 = arith.index_cast %parallel_loop3A_650 : i32 to index
      %parallel_loop3A_652 = arith.index_cast %parallel_loop3A_626 : i32 to index
      %parallel_loop3A_653 = arith.index_cast %parallel_loop3A_631 : i32 to index
      %parallel_loop3A_654 = tpu.vector_load %arg6[%parallel_loop3A_651, %parallel_loop3A_652, %parallel_loop3A_653] {strides = array<i32>} : memref<4x8x1024xf32, #tpu.memory_space<vmem>>, vector<1x1x16xf32>,
      %parallel_loop3A_655 = vector.shape_cast %parallel_loop3A_654 : vector<1x1x16xf32> to vector<16xf32>
      %parallel_loop3A_656 = arith.addf %parallel_loop3A_655, %parallel_loop3A_635 : vector<16xf32>
      %parallel_loop3A_657 = arith.constant 1 : i32
      %parallel_loop3A_658 = arith.index_cast %parallel_loop3A_657 : i32 to index
      %parallel_loop3A_659 = arith.index_cast %parallel_loop3A_626 : i32 to index
      %parallel_loop3A_660 = arith.index_cast %parallel_loop3A_631 : i32 to index
      %parallel_loop3A_661 = tpu.vector_load %arg6[%parallel_loop3A_658, %parallel_loop3A_659, %parallel_loop3A_660] {strides = array<i32>} : memref<4x8x1024xf32, #tpu.memory_space<vmem>>, vector<1x1x16xf32>,
      %parallel_loop3A_662 = vector.shape_cast %parallel_loop3A_661 : vector<1x1x16xf32> to vector<16xf32>
      %parallel_loop3A_663 = vector.shape_cast %parallel_loop3A_656 : vector<16xf32> to vector<1x1x16xf32>
      tpu.vector_store %arg6[%parallel_loop3A_658, %parallel_loop3A_659, %parallel_loop3A_660], %parallel_loop3A_663 {strides = array<i32>} : memref<4x8x1024xf32, #tpu.memory_space<vmem>>, vector<1x1x16xf32>,
      %parallel_loop3A_664 = arith.constant 2 : i32
      %parallel_loop3A_665 = arith.index_cast %parallel_loop3A_664 : i32 to index
      %parallel_loop3A_666 = arith.index_cast %parallel_loop3A_626 : i32 to index
      %parallel_loop3A_667 = arith.index_cast %parallel_loop3A_631 : i32 to index
      %parallel_loop3A_668 = tpu.vector_load %arg6[%parallel_loop3A_665, %parallel_loop3A_666, %parallel_loop3A_667] {strides = array<i32>} : memref<4x8x1024xf32, #tpu.memory_space<vmem>>, vector<1x1x16xf32>,
      %parallel_loop3A_669 = vector.shape_cast %parallel_loop3A_668 : vector<1x1x16xf32> to vector<16xf32>
      %parallel_loop3A_670 = arith.addf %parallel_loop3A_669, %parallel_loop3A_635 : vector<16xf32>
      %parallel_loop3A_671 = arith.constant 2 : i32
      %parallel_loop3A_672 = arith.index_cast %parallel_loop3A_671 : i32 to index
      %parallel_loop3A_673 = arith.index_cast %parallel_loop3A_626 : i32 to index
      %parallel_loop3A_674 = arith.index_cast %parallel_loop3A_631 : i32 to index
      %parallel_loop3A_675 = tpu.vector_load %arg6[%parallel_loop3A_672, %parallel_loop3A_673, %parallel_loop3A_674] {strides = array<i32>} : memref<4x8x1024xf32, #tpu.memory_space<vmem>>, vector<1x1x16xf32>,
      %parallel_loop3A_676 = vector.shape_cast %parallel_loop3A_675 : vector<1x1x16xf32> to vector<16xf32>
      %parallel_loop3A_677 = vector.shape_cast %parallel_loop3A_670 : vector<16xf32> to vector<1x1x16xf32>
      tpu.vector_store %arg6[%parallel_loop3A_672, %parallel_loop3A_673, %parallel_loop3A_674], %parallel_loop3A_677 {strides = array<i32>} : memref<4x8x1024xf32, #tpu.memory_space<vmem>>, vector<1x1x16xf32>,
      %parallel_loop3A_678 = arith.constant 3 : i32
      %parallel_loop3A_679 = arith.index_cast %parallel_loop3A_678 : i32 to index
      %parallel_loop3A_680 = arith.index_cast %parallel_loop3A_626 : i32 to index
      %parallel_loop3A_681 = arith.index_cast %parallel_loop3A_631 : i32 to index
      %parallel_loop3A_682 = tpu.vector_load %arg6[%parallel_loop3A_679, %parallel_loop3A_680, %parallel_loop3A_681] {strides = array<i32>} : memref<4x8x1024xf32, #tpu.memory_space<vmem>>, vector<1x1x16xf32>,
      %parallel_loop3A_683 = vector.shape_cast %parallel_loop3A_682 : vector<1x1x16xf32> to vector<16xf32>
      %parallel_loop3A_684 = arith.addf %parallel_loop3A_683, %parallel_loop3A_635 : vector<16xf32>
      %parallel_loop3A_685 = arith.constant 3 : i32
      %parallel_loop3A_686 = arith.index_cast %parallel_loop3A_685 : i32 to index
      %parallel_loop3A_687 = arith.index_cast %parallel_loop3A_626 : i32 to index
      %parallel_loop3A_688 = arith.index_cast %parallel_loop3A_631 : i32 to index
      %parallel_loop3A_689 = tpu.vector_load %arg6[%parallel_loop3A_686, %parallel_loop3A_687, %parallel_loop3A_688] {strides = array<i32>} : memref<4x8x1024xf32, #tpu.memory_space<vmem>>, vector<1x1x16xf32>,
      %parallel_loop3A_690 = vector.shape_cast %parallel_loop3A_689 : vector<1x1x16xf32> to vector<16xf32>
      %parallel_loop3A_691 = vector.shape_cast %parallel_loop3A_684 : vector<16xf32> to vector<1x1x16xf32>
      tpu.vector_store %arg6[%parallel_loop3A_686, %parallel_loop3A_687, %parallel_loop3A_688], %parallel_loop3A_691 {strides = array<i32>} : memref<4x8x1024xf32, #tpu.memory_space<vmem>>, vector<1x1x16xf32>,
    } {sc.loop_unroll_factor = 4 : i64, sc.parallel_access}
    %add3A_538 = arith.constant 104 : i32
    %add3A_539 = arith.addi %mul3A_2, %add3A_538 : i32
    %dma_start3A_540 = arith.constant 0 : i32
    %dma_start3A_541 = arith.constant 0 : i32
    %dma_start3A_542 = tpu.memref_slice %arg4[%dma_start3A_540, %add3A_539, %dma_start3A_541] : memref<4x4096x1024xf32, #tpu.memory_space<hbm>> -> memref<4x8x1024xf32, #tpu.memory_space<hbm>>
    %dma_start3A_543 = arith.constant 0 : i32
    %dma_start3A_544 = arith.constant 0 : i32
    %dma_start3A_545 = tpu.memref_slice %arg4[%dma_start3A_543, %add3A_539, %dma_start3A_544] : memref<4x4096x1024xf32, #tpu.memory_space<hbm>> -> memref<4x8x1024xf32, #tpu.memory_space<hbm>>
    tpu.enqueue_dma source(%arg6 : memref<4x8x1024xf32, #tpu.memory_space<vmem>>) target(%dma_start3A_545 : memref<4x8x1024xf32, #tpu.memory_space<hbm>>) target_semaphore(%arg14 : memref<!tpu.dma_semaphore, #tpu.memory_space<semaphore_mem>>)
    %dma_wait3A_546 = arith.constant 0 : i32
    %dma_wait3A_547 = tpu.memref_slice %arg3[%add3A_524, %dma_wait3A_546] : memref<8192x1024xf32, #tpu.memory_space<hbm>> -> memref<8x1024xf32, #tpu.memory_space<hbm>>
    %dma_wait3A_548 = arith.constant 0 : i32
    %dma_wait3A_549 = tpu.memref_slice %arg3[%add3A_524, %dma_wait3A_548] : memref<8192x1024xf32, #tpu.memory_space<hbm>> -> memref<8x1024xf32, #tpu.memory_space<hbm>>
    tpu.wait_dma2 semaphore(%arg16 : memref<!tpu.dma_semaphore, #tpu.memory_space<semaphore_mem>>) src(%dma_wait3A_549 : memref<8x1024xf32, #tpu.memory_space<hbm>>) dst(%arg8 : memref<8x1024xf32, #tpu.memory_space<vmem>>)
    %dma_wait3A_550 = arith.constant 0 : i32
    %dma_wait3A_551 = arith.constant 0 : i32
    %dma_wait3A_552 = tpu.memref_slice %arg2[%dma_wait3A_550, %add3A_524, %dma_wait3A_551] : memref<4x4096x1024xf32, #tpu.memory_space<hbm>> -> memref<4x8x1024xf32, #tpu.memory_space<hbm>>
    %dma_wait3A_553 = arith.constant 0 : i32
    %dma_wait3A_554 = arith.constant 0 : i32
    %dma_wait3A_555 = tpu.memref_slice %arg2[%dma_wait3A_553, %add3A_524, %dma_wait3A_554] : memref<4x4096x1024xf32, #tpu.memory_space<hbm>> -> memref<4x8x1024xf32, #tpu.memory_space<hbm>>
    tpu.wait_dma2 semaphore(%arg12 : memref<!tpu.dma_semaphore, #tpu.memory_space<semaphore_mem>>) src(%dma_wait3A_555 : memref<4x8x1024xf32, #tpu.memory_space<hbm>>) dst(%arg7 : memref<4x8x1024xf32, #tpu.memory_space<vmem>>)
    %dma_wait3A_556 = arith.constant 0 : i32
    %dma_wait3A_557 = arith.constant 0 : i32
    %dma_wait3A_558 = tpu.memref_slice %arg4[%dma_wait3A_556, %add3A_500, %dma_wait3A_557] : memref<4x4096x1024xf32, #tpu.memory_space<hbm>> -> memref<4x8x1024xf32, #tpu.memory_space<hbm>>
    %dma_wait3A_559 = arith.constant 0 : i32
    %dma_wait3A_560 = arith.constant 0 : i32
    %dma_wait3A_561 = tpu.memref_slice %arg4[%dma_wait3A_559, %add3A_500, %dma_wait3A_560] : memref<4x4096x1024xf32, #tpu.memory_space<hbm>> -> memref<4x8x1024xf32, #tpu.memory_space<hbm>>
    tpu.wait_dma2 semaphore(%arg13 : memref<!tpu.dma_semaphore, #tpu.memory_space<semaphore_mem>>) src(%arg5 : memref<4x8x1024xf32, #tpu.memory_space<vmem>>) dst(%dma_wait3A_561 : memref<4x8x1024xf32, #tpu.memory_space<hbm>>)
    %add3A_562 = arith.constant 120 : i32
    %add3A_563 = arith.addi %mul3A_2, %add3A_562 : i32
    %dma_start3A_564 = arith.constant 0 : i32
    %dma_start3A_565 = tpu.memref_slice %arg3[%add3A_563, %dma_start3A_564] : memref<8192x1024xf32, #tpu.memory_space<hbm>> -> memref<8x1024xf32, #tpu.memory_space<hbm>>
    %dma_start3A_566 = arith.constant 0 : i32
    %dma_start3A_567 = tpu.memref_slice %arg3[%add3A_563, %dma_start3A_566] : memref<8192x1024xf32, #tpu.memory_space<hbm>> -> memref<8x1024xf32, #tpu.memory_space<hbm>>
    tpu.enqueue_dma source(%dma_start3A_567 : memref<8x1024xf32, #tpu.memory_space<hbm>>) target(%arg9 : memref<8x1024xf32, #tpu.memory_space<vmem>>) target_semaphore(%arg17 : memref<!tpu.dma_semaphore, #tpu.memory_space<semaphore_mem>>)
    %dma_start3A_568 = arith.constant 0 : i32
    %dma_start3A_569 = arith.constant 0 : i32
    %dma_start3A_570 = tpu.memref_slice %arg2[%dma_start3A_568, %add3A_563, %dma_start3A_569] : memref<4x4096x1024xf32, #tpu.memory_space<hbm>> -> memref<4x8x1024xf32, #tpu.memory_space<hbm>>
    %dma_start3A_571 = arith.constant 0 : i32
    %dma_start3A_572 = arith.constant 0 : i32
    %dma_start3A_573 = tpu.memref_slice %arg2[%dma_start3A_571, %add3A_563, %dma_start3A_572] : memref<4x4096x1024xf32, #tpu.memory_space<hbm>> -> memref<4x8x1024xf32, #tpu.memory_space<hbm>>
    tpu.enqueue_dma source(%dma_start3A_573 : memref<4x8x1024xf32, #tpu.memory_space<hbm>>) target(%arg5 : memref<4x8x1024xf32, #tpu.memory_space<vmem>>) target_semaphore(%arg10 : memref<!tpu.dma_semaphore, #tpu.memory_space<semaphore_mem>>)
    %parallel_loop3A_574 = arith.constant 0 : i32
    %parallel_loop3A_575 = arith.constant 512 : i32
    %parallel_loop3A_576 = arith.constant 1 : i32
    scf.for %parallel_loop3A_624 = %parallel_loop3A_574 to %parallel_loop3A_575 step %parallel_loop3A_576  : i32 {
      %parallel_loop3A_625 = arith.constant 6 : i32
      %parallel_loop3A_626 = arith.shrui %parallel_loop3A_624, %parallel_loop3A_625 : i32
      %parallel_loop3A_627 = arith.constant 63 : i32
      %parallel_loop3A_628 = arith.andi %parallel_loop3A_624, %parallel_loop3A_627 : i32
      %parallel_loop3A_629 = arith.constant 16 : i32
      %parallel_loop3A_630 = arith.muli %parallel_loop3A_628, %parallel_loop3A_629 : i32
      %parallel_loop3A_631 = tpu.assume_multiple %parallel_loop3A_630, 16 : i32
      %parallel_loop3A_632 = arith.index_cast %parallel_loop3A_626 : i32 to index
      %parallel_loop3A_633 = arith.index_cast %parallel_loop3A_631 : i32 to index
      %parallel_loop3A_634 = tpu.vector_load %arg8[%parallel_loop3A_632, %parallel_loop3A_633] {strides = array<i32>} : memref<8x1024xf32, #tpu.memory_space<vmem>>, vector<1x16xf32>,
      %parallel_loop3A_635 = vector.shape_cast %parallel_loop3A_634 : vector<1x16xf32> to vector<16xf32>
      %parallel_loop3A_636 = arith.constant 0 : i32
      %parallel_loop3A_637 = arith.index_cast %parallel_loop3A_636 : i32 to index
      %parallel_loop3A_638 = arith.index_cast %parallel_loop3A_626 : i32 to index
      %parallel_loop3A_639 = arith.index_cast %parallel_loop3A_631 : i32 to index
      %parallel_loop3A_640 = tpu.vector_load %arg7[%parallel_loop3A_637, %parallel_loop3A_638, %parallel_loop3A_639] {strides = array<i32>} : memref<4x8x1024xf32, #tpu.memory_space<vmem>>, vector<1x1x16xf32>,
      %parallel_loop3A_641 = vector.shape_cast %parallel_loop3A_640 : vector<1x1x16xf32> to vector<16xf32>
      %parallel_loop3A_642 = arith.addf %parallel_loop3A_641, %parallel_loop3A_635 : vector<16xf32>
      %parallel_loop3A_643 = arith.constant 0 : i32
      %parallel_loop3A_644 = arith.index_cast %parallel_loop3A_643 : i32 to index
      %parallel_loop3A_645 = arith.index_cast %parallel_loop3A_626 : i32 to index
      %parallel_loop3A_646 = arith.index_cast %parallel_loop3A_631 : i32 to index
      %parallel_loop3A_647 = tpu.vector_load %arg7[%parallel_loop3A_644, %parallel_loop3A_645, %parallel_loop3A_646] {strides = array<i32>} : memref<4x8x1024xf32, #tpu.memory_space<vmem>>, vector<1x1x16xf32>,
      %parallel_loop3A_648 = vector.shape_cast %parallel_loop3A_647 : vector<1x1x16xf32> to vector<16xf32>
      %parallel_loop3A_649 = vector.shape_cast %parallel_loop3A_642 : vector<16xf32> to vector<1x1x16xf32>
      tpu.vector_store %arg7[%parallel_loop3A_644, %parallel_loop3A_645, %parallel_loop3A_646], %parallel_loop3A_649 {strides = array<i32>} : memref<4x8x1024xf32, #tpu.memory_space<vmem>>, vector<1x1x16xf32>,
      %parallel_loop3A_650 = arith.constant 1 : i32
      %parallel_loop3A_651 = arith.index_cast %parallel_loop3A_650 : i32 to index
      %parallel_loop3A_652 = arith.index_cast %parallel_loop3A_626 : i32 to index
      %parallel_loop3A_653 = arith.index_cast %parallel_loop3A_631 : i32 to index
      %parallel_loop3A_654 = tpu.vector_load %arg7[%parallel_loop3A_651, %parallel_loop3A_652, %parallel_loop3A_653] {strides = array<i32>} : memref<4x8x1024xf32, #tpu.memory_space<vmem>>, vector<1x1x16xf32>,
      %parallel_loop3A_655 = vector.shape_cast %parallel_loop3A_654 : vector<1x1x16xf32> to vector<16xf32>
      %parallel_loop3A_656 = arith.addf %parallel_loop3A_655, %parallel_loop3A_635 : vector<16xf32>
      %parallel_loop3A_657 = arith.constant 1 : i32
      %parallel_loop3A_658 = arith.index_cast %parallel_loop3A_657 : i32 to index
      %parallel_loop3A_659 = arith.index_cast %parallel_loop3A_626 : i32 to index
      %parallel_loop3A_660 = arith.index_cast %parallel_loop3A_631 : i32 to index
      %parallel_loop3A_661 = tpu.vector_load %arg7[%parallel_loop3A_658, %parallel_loop3A_659, %parallel_loop3A_660] {strides = array<i32>} : memref<4x8x1024xf32, #tpu.memory_space<vmem>>, vector<1x1x16xf32>,
      %parallel_loop3A_662 = vector.shape_cast %parallel_loop3A_661 : vector<1x1x16xf32> to vector<16xf32>
      %parallel_loop3A_663 = vector.shape_cast %parallel_loop3A_656 : vector<16xf32> to vector<1x1x16xf32>
      tpu.vector_store %arg7[%parallel_loop3A_658, %parallel_loop3A_659, %parallel_loop3A_660], %parallel_loop3A_663 {strides = array<i32>} : memref<4x8x1024xf32, #tpu.memory_space<vmem>>, vector<1x1x16xf32>,
      %parallel_loop3A_664 = arith.constant 2 : i32
      %parallel_loop3A_665 = arith.index_cast %parallel_loop3A_664 : i32 to index
      %parallel_loop3A_666 = arith.index_cast %parallel_loop3A_626 : i32 to index
      %parallel_loop3A_667 = arith.index_cast %parallel_loop3A_631 : i32 to index
      %parallel_loop3A_668 = tpu.vector_load %arg7[%parallel_loop3A_665, %parallel_loop3A_666, %parallel_loop3A_667] {strides = array<i32>} : memref<4x8x1024xf32, #tpu.memory_space<vmem>>, vector<1x1x16xf32>,
      %parallel_loop3A_669 = vector.shape_cast %parallel_loop3A_668 : vector<1x1x16xf32> to vector<16xf32>
      %parallel_loop3A_670 = arith.addf %parallel_loop3A_669, %parallel_loop3A_635 : vector<16xf32>
      %parallel_loop3A_671 = arith.constant 2 : i32
      %parallel_loop3A_672 = arith.index_cast %parallel_loop3A_671 : i32 to index
      %parallel_loop3A_673 = arith.index_cast %parallel_loop3A_626 : i32 to index
      %parallel_loop3A_674 = arith.index_cast %parallel_loop3A_631 : i32 to index
      %parallel_loop3A_675 = tpu.vector_load %arg7[%parallel_loop3A_672, %parallel_loop3A_673, %parallel_loop3A_674] {strides = array<i32>} : memref<4x8x1024xf32, #tpu.memory_space<vmem>>, vector<1x1x16xf32>,
      %parallel_loop3A_676 = vector.shape_cast %parallel_loop3A_675 : vector<1x1x16xf32> to vector<16xf32>
      %parallel_loop3A_677 = vector.shape_cast %parallel_loop3A_670 : vector<16xf32> to vector<1x1x16xf32>
      tpu.vector_store %arg7[%parallel_loop3A_672, %parallel_loop3A_673, %parallel_loop3A_674], %parallel_loop3A_677 {strides = array<i32>} : memref<4x8x1024xf32, #tpu.memory_space<vmem>>, vector<1x1x16xf32>,
      %parallel_loop3A_678 = arith.constant 3 : i32
      %parallel_loop3A_679 = arith.index_cast %parallel_loop3A_678 : i32 to index
      %parallel_loop3A_680 = arith.index_cast %parallel_loop3A_626 : i32 to index
      %parallel_loop3A_681 = arith.index_cast %parallel_loop3A_631 : i32 to index
      %parallel_loop3A_682 = tpu.vector_load %arg7[%parallel_loop3A_679, %parallel_loop3A_680, %parallel_loop3A_681] {strides = array<i32>} : memref<4x8x1024xf32, #tpu.memory_space<vmem>>, vector<1x1x16xf32>,
      %parallel_loop3A_683 = vector.shape_cast %parallel_loop3A_682 : vector<1x1x16xf32> to vector<16xf32>
      %parallel_loop3A_684 = arith.addf %parallel_loop3A_683, %parallel_loop3A_635 : vector<16xf32>
      %parallel_loop3A_685 = arith.constant 3 : i32
      %parallel_loop3A_686 = arith.index_cast %parallel_loop3A_685 : i32 to index
      %parallel_loop3A_687 = arith.index_cast %parallel_loop3A_626 : i32 to index
      %parallel_loop3A_688 = arith.index_cast %parallel_loop3A_631 : i32 to index
      %parallel_loop3A_689 = tpu.vector_load %arg7[%parallel_loop3A_686, %parallel_loop3A_687, %parallel_loop3A_688] {strides = array<i32>} : memref<4x8x1024xf32, #tpu.memory_space<vmem>>, vector<1x1x16xf32>,
      %parallel_loop3A_690 = vector.shape_cast %parallel_loop3A_689 : vector<1x1x16xf32> to vector<16xf32>
      %parallel_loop3A_691 = vector.shape_cast %parallel_loop3A_684 : vector<16xf32> to vector<1x1x16xf32>
      tpu.vector_store %arg7[%parallel_loop3A_686, %parallel_loop3A_687, %parallel_loop3A_688], %parallel_loop3A_691 {strides = array<i32>} : memref<4x8x1024xf32, #tpu.memory_space<vmem>>, vector<1x1x16xf32>,
    } {sc.loop_unroll_factor = 4 : i64, sc.parallel_access}
    %add3A_577 = arith.constant 112 : i32
    %add3A_578 = arith.addi %mul3A_2, %add3A_577 : i32
    %dma_start3A_579 = arith.constant 0 : i32
    %dma_start3A_580 = arith.constant 0 : i32
    %dma_start3A_581 = tpu.memref_slice %arg4[%dma_start3A_579, %add3A_578, %dma_start3A_580] : memref<4x4096x1024xf32, #tpu.memory_space<hbm>> -> memref<4x8x1024xf32, #tpu.memory_space<hbm>>
    %dma_start3A_582 = arith.constant 0 : i32
    %dma_start3A_583 = arith.constant 0 : i32
    %dma_start3A_584 = tpu.memref_slice %arg4[%dma_start3A_582, %add3A_578, %dma_start3A_583] : memref<4x4096x1024xf32, #tpu.memory_space<hbm>> -> memref<4x8x1024xf32, #tpu.memory_space<hbm>>
    tpu.enqueue_dma source(%arg7 : memref<4x8x1024xf32, #tpu.memory_space<vmem>>) target(%dma_start3A_584 : memref<4x8x1024xf32, #tpu.memory_space<hbm>>) target_semaphore(%arg15 : memref<!tpu.dma_semaphore, #tpu.memory_space<semaphore_mem>>)
    %dma_wait3A_585 = arith.constant 0 : i32
    %dma_wait3A_586 = tpu.memref_slice %arg3[%add3A_563, %dma_wait3A_585] : memref<8192x1024xf32, #tpu.memory_space<hbm>> -> memref<8x1024xf32, #tpu.memory_space<hbm>>
    %dma_wait3A_587 = arith.constant 0 : i32
    %dma_wait3A_588 = tpu.memref_slice %arg3[%add3A_563, %dma_wait3A_587] : memref<8192x1024xf32, #tpu.memory_space<hbm>> -> memref<8x1024xf32, #tpu.memory_space<hbm>>
    tpu.wait_dma2 semaphore(%arg17 : memref<!tpu.dma_semaphore, #tpu.memory_space<semaphore_mem>>) src(%dma_wait3A_588 : memref<8x1024xf32, #tpu.memory_space<hbm>>) dst(%arg9 : memref<8x1024xf32, #tpu.memory_space<vmem>>)
    %dma_wait3A_589 = arith.constant 0 : i32
    %dma_wait3A_590 = arith.constant 0 : i32
    %dma_wait3A_591 = tpu.memref_slice %arg2[%dma_wait3A_589, %add3A_563, %dma_wait3A_590] : memref<4x4096x1024xf32, #tpu.memory_space<hbm>> -> memref<4x8x1024xf32, #tpu.memory_space<hbm>>
    %dma_wait3A_592 = arith.constant 0 : i32
    %dma_wait3A_593 = arith.constant 0 : i32
    %dma_wait3A_594 = tpu.memref_slice %arg2[%dma_wait3A_592, %add3A_563, %dma_wait3A_593] : memref<4x4096x1024xf32, #tpu.memory_space<hbm>> -> memref<4x8x1024xf32, #tpu.memory_space<hbm>>
    tpu.wait_dma2 semaphore(%arg10 : memref<!tpu.dma_semaphore, #tpu.memory_space<semaphore_mem>>) src(%dma_wait3A_594 : memref<4x8x1024xf32, #tpu.memory_space<hbm>>) dst(%arg5 : memref<4x8x1024xf32, #tpu.memory_space<vmem>>)
    %parallel_loop3A_595 = arith.constant 0 : i32
    %parallel_loop3A_596 = arith.constant 512 : i32
    %parallel_loop3A_597 = arith.constant 1 : i32
    scf.for %parallel_loop3A_624 = %parallel_loop3A_595 to %parallel_loop3A_596 step %parallel_loop3A_597  : i32 {
      %parallel_loop3A_625 = arith.constant 6 : i32
      %parallel_loop3A_626 = arith.shrui %parallel_loop3A_624, %parallel_loop3A_625 : i32
      %parallel_loop3A_627 = arith.constant 63 : i32
      %parallel_loop3A_628 = arith.andi %parallel_loop3A_624, %parallel_loop3A_627 : i32
      %parallel_loop3A_629 = arith.constant 16 : i32
      %parallel_loop3A_630 = arith.muli %parallel_loop3A_628, %parallel_loop3A_629 : i32
      %parallel_loop3A_631 = tpu.assume_multiple %parallel_loop3A_630, 16 : i32
      %parallel_loop3A_632 = arith.index_cast %parallel_loop3A_626 : i32 to index
      %parallel_loop3A_633 = arith.index_cast %parallel_loop3A_631 : i32 to index
      %parallel_loop3A_634 = tpu.vector_load %arg9[%parallel_loop3A_632, %parallel_loop3A_633] {strides = array<i32>} : memref<8x1024xf32, #tpu.memory_space<vmem>>, vector<1x16xf32>,
      %parallel_loop3A_635 = vector.shape_cast %parallel_loop3A_634 : vector<1x16xf32> to vector<16xf32>
      %parallel_loop3A_636 = arith.constant 0 : i32
      %parallel_loop3A_637 = arith.index_cast %parallel_loop3A_636 : i32 to index
      %parallel_loop3A_638 = arith.index_cast %parallel_loop3A_626 : i32 to index
      %parallel_loop3A_639 = arith.index_cast %parallel_loop3A_631 : i32 to index
      %parallel_loop3A_640 = tpu.vector_load %arg5[%parallel_loop3A_637, %parallel_loop3A_638, %parallel_loop3A_639] {strides = array<i32>} : memref<4x8x1024xf32, #tpu.memory_space<vmem>>, vector<1x1x16xf32>,
      %parallel_loop3A_641 = vector.shape_cast %parallel_loop3A_640 : vector<1x1x16xf32> to vector<16xf32>
      %parallel_loop3A_642 = arith.addf %parallel_loop3A_641, %parallel_loop3A_635 : vector<16xf32>
      %parallel_loop3A_643 = arith.constant 0 : i32
      %parallel_loop3A_644 = arith.index_cast %parallel_loop3A_643 : i32 to index
      %parallel_loop3A_645 = arith.index_cast %parallel_loop3A_626 : i32 to index
      %parallel_loop3A_646 = arith.index_cast %parallel_loop3A_631 : i32 to index
      %parallel_loop3A_647 = tpu.vector_load %arg5[%parallel_loop3A_644, %parallel_loop3A_645, %parallel_loop3A_646] {strides = array<i32>} : memref<4x8x1024xf32, #tpu.memory_space<vmem>>, vector<1x1x16xf32>,
      %parallel_loop3A_648 = vector.shape_cast %parallel_loop3A_647 : vector<1x1x16xf32> to vector<16xf32>
      %parallel_loop3A_649 = vector.shape_cast %parallel_loop3A_642 : vector<16xf32> to vector<1x1x16xf32>
      tpu.vector_store %arg5[%parallel_loop3A_644, %parallel_loop3A_645, %parallel_loop3A_646], %parallel_loop3A_649 {strides = array<i32>} : memref<4x8x1024xf32, #tpu.memory_space<vmem>>, vector<1x1x16xf32>,
      %parallel_loop3A_650 = arith.constant 1 : i32
      %parallel_loop3A_651 = arith.index_cast %parallel_loop3A_650 : i32 to index
      %parallel_loop3A_652 = arith.index_cast %parallel_loop3A_626 : i32 to index
      %parallel_loop3A_653 = arith.index_cast %parallel_loop3A_631 : i32 to index
      %parallel_loop3A_654 = tpu.vector_load %arg5[%parallel_loop3A_651, %parallel_loop3A_652, %parallel_loop3A_653] {strides = array<i32>} : memref<4x8x1024xf32, #tpu.memory_space<vmem>>, vector<1x1x16xf32>,
      %parallel_loop3A_655 = vector.shape_cast %parallel_loop3A_654 : vector<1x1x16xf32> to vector<16xf32>
      %parallel_loop3A_656 = arith.addf %parallel_loop3A_655, %parallel_loop3A_635 : vector<16xf32>
      %parallel_loop3A_657 = arith.constant 1 : i32
      %parallel_loop3A_658 = arith.index_cast %parallel_loop3A_657 : i32 to index
      %parallel_loop3A_659 = arith.index_cast %parallel_loop3A_626 : i32 to index
      %parallel_loop3A_660 = arith.index_cast %parallel_loop3A_631 : i32 to index
      %parallel_loop3A_661 = tpu.vector_load %arg5[%parallel_loop3A_658, %parallel_loop3A_659, %parallel_loop3A_660] {strides = array<i32>} : memref<4x8x1024xf32, #tpu.memory_space<vmem>>, vector<1x1x16xf32>,
      %parallel_loop3A_662 = vector.shape_cast %parallel_loop3A_661 : vector<1x1x16xf32> to vector<16xf32>
      %parallel_loop3A_663 = vector.shape_cast %parallel_loop3A_656 : vector<16xf32> to vector<1x1x16xf32>
      tpu.vector_store %arg5[%parallel_loop3A_658, %parallel_loop3A_659, %parallel_loop3A_660], %parallel_loop3A_663 {strides = array<i32>} : memref<4x8x1024xf32, #tpu.memory_space<vmem>>, vector<1x1x16xf32>,
      %parallel_loop3A_664 = arith.constant 2 : i32
      %parallel_loop3A_665 = arith.index_cast %parallel_loop3A_664 : i32 to index
      %parallel_loop3A_666 = arith.index_cast %parallel_loop3A_626 : i32 to index
      %parallel_loop3A_667 = arith.index_cast %parallel_loop3A_631 : i32 to index
      %parallel_loop3A_668 = tpu.vector_load %arg5[%parallel_loop3A_665, %parallel_loop3A_666, %parallel_loop3A_667] {strides = array<i32>} : memref<4x8x1024xf32, #tpu.memory_space<vmem>>, vector<1x1x16xf32>,
      %parallel_loop3A_669 = vector.shape_cast %parallel_loop3A_668 : vector<1x1x16xf32> to vector<16xf32>
      %parallel_loop3A_670 = arith.addf %parallel_loop3A_669, %parallel_loop3A_635 : vector<16xf32>
      %parallel_loop3A_671 = arith.constant 2 : i32
      %parallel_loop3A_672 = arith.index_cast %parallel_loop3A_671 : i32 to index
      %parallel_loop3A_673 = arith.index_cast %parallel_loop3A_626 : i32 to index
      %parallel_loop3A_674 = arith.index_cast %parallel_loop3A_631 : i32 to index
      %parallel_loop3A_675 = tpu.vector_load %arg5[%parallel_loop3A_672, %parallel_loop3A_673, %parallel_loop3A_674] {strides = array<i32>} : memref<4x8x1024xf32, #tpu.memory_space<vmem>>, vector<1x1x16xf32>,
      %parallel_loop3A_676 = vector.shape_cast %parallel_loop3A_675 : vector<1x1x16xf32> to vector<16xf32>
      %parallel_loop3A_677 = vector.shape_cast %parallel_loop3A_670 : vector<16xf32> to vector<1x1x16xf32>
      tpu.vector_store %arg5[%parallel_loop3A_672, %parallel_loop3A_673, %parallel_loop3A_674], %parallel_loop3A_677 {strides = array<i32>} : memref<4x8x1024xf32, #tpu.memory_space<vmem>>, vector<1x1x16xf32>,
      %parallel_loop3A_678 = arith.constant 3 : i32
      %parallel_loop3A_679 = arith.index_cast %parallel_loop3A_678 : i32 to index
      %parallel_loop3A_680 = arith.index_cast %parallel_loop3A_626 : i32 to index
      %parallel_loop3A_681 = arith.index_cast %parallel_loop3A_631 : i32 to index
      %parallel_loop3A_682 = tpu.vector_load %arg5[%parallel_loop3A_679, %parallel_loop3A_680, %parallel_loop3A_681] {strides = array<i32>} : memref<4x8x1024xf32, #tpu.memory_space<vmem>>, vector<1x1x16xf32>,
      %parallel_loop3A_683 = vector.shape_cast %parallel_loop3A_682 : vector<1x1x16xf32> to vector<16xf32>
      %parallel_loop3A_684 = arith.addf %parallel_loop3A_683, %parallel_loop3A_635 : vector<16xf32>
      %parallel_loop3A_685 = arith.constant 3 : i32
      %parallel_loop3A_686 = arith.index_cast %parallel_loop3A_685 : i32 to index
      %parallel_loop3A_687 = arith.index_cast %parallel_loop3A_626 : i32 to index
      %parallel_loop3A_688 = arith.index_cast %parallel_loop3A_631 : i32 to index
      %parallel_loop3A_689 = tpu.vector_load %arg5[%parallel_loop3A_686, %parallel_loop3A_687, %parallel_loop3A_688] {strides = array<i32>} : memref<4x8x1024xf32, #tpu.memory_space<vmem>>, vector<1x1x16xf32>,
      %parallel_loop3A_690 = vector.shape_cast %parallel_loop3A_689 : vector<1x1x16xf32> to vector<16xf32>
      %parallel_loop3A_691 = vector.shape_cast %parallel_loop3A_684 : vector<16xf32> to vector<1x1x16xf32>
      tpu.vector_store %arg5[%parallel_loop3A_686, %parallel_loop3A_687, %parallel_loop3A_688], %parallel_loop3A_691 {strides = array<i32>} : memref<4x8x1024xf32, #tpu.memory_space<vmem>>, vector<1x1x16xf32>,
    } {sc.loop_unroll_factor = 4 : i64, sc.parallel_access}
    %add3A_598 = arith.constant 120 : i32
    %add3A_599 = arith.addi %mul3A_2, %add3A_598 : i32
    %dma_start3A_600 = arith.constant 0 : i32
    %dma_start3A_601 = arith.constant 0 : i32
    %dma_start3A_602 = tpu.memref_slice %arg4[%dma_start3A_600, %add3A_599, %dma_start3A_601] : memref<4x4096x1024xf32, #tpu.memory_space<hbm>> -> memref<4x8x1024xf32, #tpu.memory_space<hbm>>
    %dma_start3A_603 = arith.constant 0 : i32
    %dma_start3A_604 = arith.constant 0 : i32
    %dma_start3A_605 = tpu.memref_slice %arg4[%dma_start3A_603, %add3A_599, %dma_start3A_604] : memref<4x4096x1024xf32, #tpu.memory_space<hbm>> -> memref<4x8x1024xf32, #tpu.memory_space<hbm>>
    tpu.enqueue_dma source(%arg5 : memref<4x8x1024xf32, #tpu.memory_space<vmem>>) target(%dma_start3A_605 : memref<4x8x1024xf32, #tpu.memory_space<hbm>>) target_semaphore(%arg13 : memref<!tpu.dma_semaphore, #tpu.memory_space<semaphore_mem>>)
    %dma_wait3A_606 = arith.constant 0 : i32
    %dma_wait3A_607 = arith.constant 0 : i32
    %dma_wait3A_608 = tpu.memref_slice %arg4[%dma_wait3A_606, %add3A_539, %dma_wait3A_607] : memref<4x4096x1024xf32, #tpu.memory_space<hbm>> -> memref<4x8x1024xf32, #tpu.memory_space<hbm>>
    %dma_wait3A_609 = arith.constant 0 : i32
    %dma_wait3A_610 = arith.constant 0 : i32
    %dma_wait3A_611 = tpu.memref_slice %arg4[%dma_wait3A_609, %add3A_539, %dma_wait3A_610] : memref<4x4096x1024xf32, #tpu.memory_space<hbm>> -> memref<4x8x1024xf32, #tpu.memory_space<hbm>>
    tpu.wait_dma2 semaphore(%arg14 : memref<!tpu.dma_semaphore, #tpu.memory_space<semaphore_mem>>) src(%arg6 : memref<4x8x1024xf32, #tpu.memory_space<vmem>>) dst(%dma_wait3A_611 : memref<4x8x1024xf32, #tpu.memory_space<hbm>>)
    %dma_wait3A_612 = arith.constant 0 : i32
    %dma_wait3A_613 = arith.constant 0 : i32
    %dma_wait3A_614 = tpu.memref_slice %arg4[%dma_wait3A_612, %add3A_578, %dma_wait3A_613] : memref<4x4096x1024xf32, #tpu.memory_space<hbm>> -> memref<4x8x1024xf32, #tpu.memory_space<hbm>>
    %dma_wait3A_615 = arith.constant 0 : i32
    %dma_wait3A_616 = arith.constant 0 : i32
    %dma_wait3A_617 = tpu.memref_slice %arg4[%dma_wait3A_615, %add3A_578, %dma_wait3A_616] : memref<4x4096x1024xf32, #tpu.memory_space<hbm>> -> memref<4x8x1024xf32, #tpu.memory_space<hbm>>
    tpu.wait_dma2 semaphore(%arg15 : memref<!tpu.dma_semaphore, #tpu.memory_space<semaphore_mem>>) src(%arg7 : memref<4x8x1024xf32, #tpu.memory_space<vmem>>) dst(%dma_wait3A_617 : memref<4x8x1024xf32, #tpu.memory_space<hbm>>)
    %dma_wait3A_618 = arith.constant 0 : i32
    %dma_wait3A_619 = arith.constant 0 : i32
    %dma_wait3A_620 = tpu.memref_slice %arg4[%dma_wait3A_618, %add3A_599, %dma_wait3A_619] : memref<4x4096x1024xf32, #tpu.memory_space<hbm>> -> memref<4x8x1024xf32, #tpu.memory_space<hbm>>
    %dma_wait3A_621 = arith.constant 0 : i32
    %dma_wait3A_622 = arith.constant 0 : i32
    %dma_wait3A_623 = tpu.memref_slice %arg4[%dma_wait3A_621, %add3A_599, %dma_wait3A_622] : memref<4x4096x1024xf32, #tpu.memory_space<hbm>> -> memref<4x8x1024xf32, #tpu.memory_space<hbm>>
    tpu.wait_dma2 semaphore(%arg13 : memref<!tpu.dma_semaphore, #tpu.memory_space<semaphore_mem>>) src(%arg5 : memref<4x8x1024xf32, #tpu.memory_space<vmem>>) dst(%dma_wait3A_623 : memref<4x8x1024xf32, #tpu.memory_space<hbm>>)
    return
  }
}

</mosaic_0001>

<sc_bundles>
// kernel: kernel.3.cloned.1.call-start
scs
__scs_entry_jumppad:
0x0: {  	(pc) =	sbr.rel $0x88, $3  }
0x1: {  	(tag) =	ssettag $0x0;
	lr =	simm.s32 $0x1  }
0x2: {  	[smem:$0x3F9F] =	sst lr;
	_ =	strace $0xD0000000  }
0x3: {  	_ = 	snop  }
0x4: {  	_ = 	snop  }
0x5: {  	_ = 	snop  }
0x6: {  	_ = 	snop  }
0x7: {  	_ = 	snop  }
__scs_overlays_trampoline_lowered:
0x8: {  	[smem:$0x3FAE] =	sst s0  }
0x9: {  	[smem:$0x3FAF] =	sst s1  }
0xa: {  	[smem:$0x3FB0] =	sst s2  }
0xb: {  	[smem:$0x3FB1] =	sst s3  }
0xc: {  	[smem:$0x3FB2] =	sst s4  }
0xd: {  	[smem:$0x3FB3] =	sst s5  }
0xe: {  	[smem:$0x3FB4] =	sst s6  }
0xf: {  	[smem:$0x3FB5] =	sst s7  }
0x10: {  	[smem:$0x3FB6] =	sst s8  }
0x11: {  	[smem:$0x3FB7] =	sst s9;
	s0 =	simm.s32 @!p0 $0x0  }
0x12: {  	s1 =	sld [smem:$0x3F9D];
	s0 =	simm.s32 @p0 $0x1  }
0x13: {  	[smem:$0x3FB8] =	sst s0;
	s0 =	simm.s32 @!p1 $0x0  }
0x14: {  	s2 =	sld [smem:$0x3F9C];
	s0 =	simm.s32 @p1 $0x1  }
0x15: {  	[smem:$0x3FB9] =	sst s0;
	s0 =	simm.s32 @!p2 $0x0  }
0x16: {  	s3 =	sld [smem:$0x3FDB];
	s0 =	simm.s32 @p2 $0x1  }
0x17: {  	s4 =	simm.s32 $0x1BF5;
	[smem:$0x3FBB] =	sst s0  }
0x18: {  	s0 =	sld [smem:$0x3F9E];
	_ =	swait.ge [sflag:s4], $0x0  }
0x19: {  	s7 =	sld [smem:$0x3F9F]  }
0x1a: {  	s8 =	sadd.s32 $0xFFFFE003, lr  }
0x1b: {  	s9 =	sadd.s32 $0xFFFFFEF7, lr;
	s5 =	simm.s32 $0xFFFFFFFF;
	p2 =	slt.u32 s8, $0xFFFFF086  }
0x1c: {  	p1 =	slt.u32 s9, $0xF7A;
	s5 =	simm.s32 @!p2 $0x0  }
0x1d: {  	s5 =	simm.s32 @p1 $0x1;
	p0 =	seq.s32 s7, s2  }
0x1e: {  	s7 =	smul.u32 @!p0 $0xF7A, s2;
	p2 =	seq.s32 @!p0 s5, $0x0  }
0x1f: {  	s9 =	smul.u32 $0xF7A, s1;
	s8 =	simm.s32 @!p0 $0x1BF5;
	p2 =	por !p2, p0  }
0x20: {  	[sflag:s8] =	ssyncset.s32 @!p0 $0xFFFFF086;
	s6 =	sadd.s32 @!p0 s3, s7;
	s7 =	simm.s32 @!p0 $0x108  }
0x21: {  	s3 =	sadd.s32 s3, s9;
	s6 =	sadd.s32 @!p0 $0x88, s6;
	s7 =	simm.s32 @p2 $0x1082  }
0x22: {  	[simem:s7], [sflag:s8] =	dma.local @!p0 [hbm:s6], $0xF7A  }
0x23: {  	s9 =	sor.u32 $0xD0000000, s2;
	s6 =	simm.s32 $0x108;
	_ =	swait.ge @!p0 [sflag:s8], $0x0  }
0x24: {  	s3 =	sadd.s32 $0x88, s3;
	s6 =	simm.s32 @!p1 $0x1082;
	[sflag:s4] =	ssyncset.s32 $0xFFFFF086  }
0x25: {  	[simem:s6], [sflag:s4] =	dma.local [hbm:s3], $0xF7A  }
0x26: {  	[smem:$0x3F9F] =	sst s1;
	(tag) =	ssettag s2;
	_ =	strace s9  }
0x27: {  	s1 =	sld [smem:$0x3FAF]  }
0x28: {  	s2 =	sld [smem:$0x3FB0]  }
0x29: {  	s4 =	sld [smem:$0x3FB2]  }
0x2a: {  	p0 =	seq.s32 s5, $0x0;
	s5 =	sld [smem:$0x3FB3]  }
0x2b: {  	s6 =	sld [smem:$0x3FB4]  }
0x2c: {  	s7 =	sld [smem:$0x3FB5]  }
0x2d: {  	s3 =	simm.s32 $0x108;
	s8 =	sld [smem:$0x3FB6]  }
0x2e: {  	s3 =	simm.s32 @!p0 $0x1082;
	s9 =	sld [smem:$0x3FB7]  }
0x2f: {  	lr =	sadd.s32 s0, s3;
	s0 =	sld [smem:$0x3FAE]  }
0x30: {  	s3 =	sld [smem:$0x3FB1]  }
0x31: {  	[smem:$0x3FBA] =	sst s10  }
0x32: {  	s10 =	sld [smem:$0x3FB8];
	_ =	sdelay $0x3  }
0x33: {  	p0 =	seq.s32 s10, $0x1;
	s10 =	sld [smem:$0x3FBA];
	_ =	sdelay $0x3  }
0x34: {  	[smem:$0x3FBA] =	sst s10  }
0x35: {  	s10 =	sld [smem:$0x3FB9];
	_ =	sdelay $0x3  }
0x36: {  	p1 =	seq.s32 s10, $0x1;
	s10 =	sld [smem:$0x3FBA];
	_ =	sdelay $0x3  }
0x37: {  	[smem:$0x3FBA] =	sst s10  }
0x38: {  	s10 =	sld [smem:$0x3FBB]  }
0x39: {  	_ = 	snop;
	(pc) =	sbr.ind lr, $3  }
0x3a: {  	_ = 	snop  }
0x3b: {  	_ = 	snop  }
0x3c: {  	p2 =	seq.s32 s10, $0x1;
	s10 =	sld [smem:$0x3FBA]  }
0x3d: {  	_ =	shalt  }
0x3e: {  	_ =	shalt  }
0x3f: {  	_ =	shalt  }
0x40: {  	_ =	shalt  }
0x41: {  	_ =	shalt  }
0x42: {  	_ =	shalt  }
0x43: {  	_ =	shalt  }
0x44: {  	_ =	shalt  }
0x45: {  	_ =	shalt  }
0x46: {  	_ =	shalt  }
0x47: {  	_ =	shalt  }
0x48: {  	_ =	shalt  }
0x49: {  	_ =	shalt  }
0x4a: {  	_ =	shalt  }
0x4b: {  	_ =	shalt  }
0x4c: {  	_ =	shalt  }
0x4d: {  	_ =	shalt  }
0x4e: {  	_ =	shalt  }
0x4f: {  	_ =	shalt  }
0x50: {  	_ =	shalt  }
0x51: {  	_ =	shalt  }
0x52: {  	_ =	shalt  }
0x53: {  	_ =	shalt  }
0x54: {  	_ =	shalt  }
0x55: {  	_ =	shalt  }
0x56: {  	_ =	shalt  }
0x57: {  	_ =	shalt  }
0x58: {  	_ =	shalt  }
0x59: {  	_ =	shalt  }
0x5a: {  	_ =	shalt  }
0x5b: {  	_ =	shalt  }
0x5c: {  	_ =	shalt  }
0x5d: {  	_ =	shalt  }
0x5e: {  	_ =	shalt  }
0x5f: {  	_ =	shalt  }
0x60: {  	_ =	shalt  }
0x61: {  	_ =	shalt  }
0x62: {  	_ =	shalt  }
0x63: {  	_ =	shalt  }
0x64: {  	_ =	shalt  }
0x65: {  	_ =	shalt  }
0x66: {  	_ =	shalt  }
0x67: {  	_ =	shalt  }
0x68: {  	_ =	shalt  }
0x69: {  	_ =	shalt  }
0x6a: {  	_ =	shalt  }
0x6b: {  	_ =	shalt  }
0x6c: {  	_ =	shalt  }
0x6d: {  	_ =	shalt  }
0x6e: {  	_ =	shalt  }
0x6f: {  	_ =	shalt  }
0x70: {  	_ =	shalt  }
0x71: {  	_ =	shalt  }
0x72: {  	_ =	shalt  }
0x73: {  	_ =	shalt  }
0x74: {  	_ =	shalt  }
0x75: {  	_ =	shalt  }
0x76: {  	_ =	shalt  }
0x77: {  	_ =	shalt  }
0x78: {  	_ =	shalt  }
0x79: {  	_ =	shalt  }
0x7a: {  	_ =	shalt  }
0x7b: {  	_ =	shalt  }
0x7c: {  	_ =	shalt  }
0x7d: {  	_ =	shalt  }
0x7e: {  	_ =	shalt  }
0x7f: {  	_ =	shalt  }
0x80: {  	_ =	shalt  }
0x81: {  	_ =	shalt  }
0x82: {  	_ =	shalt  }
0x83: {  	_ =	shalt  }
0x84: {  	_ =	shalt  }
0x85: {  	_ =	shalt  }
0x86: {  	_ =	shalt  }
0x87: {  	_ =	shalt  }
.Lfunc_end0:
.L_simem_size_0:
called_computation_lowered:
.L_overlay_start_0:
0x88: {  	s2 =	sld [smem:$0x3FD9]  }
0x89: {  	s3 =	sld [smem:$0x3FFE];
	_ =	sdelay $0x1  }
0x8a: {  	s1 =	srdreg.scid  }
0x8b: {  	s0 =	sand.u32 $0x1, s1  }
0x8c: {  	s18 =	sshll.u32 s0, $0xA;
	s2 =	sadd.s32 s3, s2  }
0x8d: {  	s2 =	sadd.s32 s2, s18  }
0x8e: {  	[smem:$0x3FC6] =	sst s2  }
0x8f: {  	_ = 	snop  }
0x90: {  	s2 =	sld [smem:$0x3FC9]  }
0x91: {  	s19 =	sld [smem:$0x3FC8]  }
0x92: {  	s4 =	sld [smem:$0x3FD0];
	(tm) =	ssettm $0x1  }
0x93: {  	s5 =	sld [smem:$0x3FFB];
	_ =	sdelay $0x3  }
0x94: {  	_ =	strace s5  }
0x95: {  	s5 =	sld [smem:$0x3FFC];
	_ =	sdelay $0x3  }
0x96: {  	_ =	strace s5  }
0x97: {  	s5 =	sld [smem:$0x3FFD];
	_ =	sdelay $0x3  }
0x98: {  	_ =	strace s5  }
0x99: {  	_ =	strace $0x8FFFFFFF  }
0x9a: {  	s20 =	sld [smem:$0x3FDB];
	_ =	sdelay $0x1  }
0x9b: {  	s6 =	simm.s32 $_scs_section_size  }
0x9c: {  	s7 =	simm.s32 $_size__tile_overlayer_lowered;
	s8 =	simm.s32 $_tile_overlayer_lowered  }
0x9d: {  	s23 =	simm.s32 $0x1BFF;
	s22 =	sshll.u32 s8, $0x1;
	s5 =	sadd.s32 s6, s20  }
0x9e: {  	s9 =	simm.s32 $0x0;
	s21 =	sshll.u32 s7, $0x1;
	s7 =	sadd.s32 s22, s5  }
0x9f: {  	[timem:s9], [sflag:s23] =	dma.local [hbm:s7], s21  }
0xa0: {  	_ =	swait.ge [sflag:s23], s21  }
0xa1: {  	s6 =	ssub.s32 $0x0, s21;
	[sflag:s23] =	ssyncset.done $0x0  }
0xa2: {  	[sflag:s23] =	ssyncadd.s32 s6;
	_ =	sdelay $0x1  }
0xa3: {  	s24 =	simm.s32 $0x1B8B  }
0xa4: {  	_ =	swait.ge [sflag:s24], $0x1  }
0xa5: {  	[sflag:s24] =	ssyncset.done $0x0  }
0xa6: {  	s25 =	simm.s32 $0x1B8E;
	[sflag:s24] =	ssyncadd.s32 $0xFFFFFFFF  }
0xa7: {  	s26 =	simm.s32 $execute0_lowered;
	[smem:$0x3FD2] =	sst s25  }
0xa8: {  	s6 =	sshll.u32 s26, $0x1;
	_ =	strace $0x80000046;
	[dreg:$0x1] =	wrdreg $0xFFFFFFFF  }
0xa9: {  	s28 =	simm.s32 $_size_execute0_lowered;
	s5 =	sadd.s32 s5, s6;
	[dreg:$0x0] =	wrdreg $0x0  }
0xaa: {  	s6 =	sshll.u32 s28, $0x1;
	[dreg:$0x2] =	wrdreg s5  }
0xab: {  	[dreg:$0x3] =	wrdreg s6  }
0xac: {  	[dreg:$0x4] =	wrdreg $0xC0  }
0xad: {  	_ =	task [dreg:s9], $0x5FFFF  }
0xae: {  	[dreg:$0x1] =	wrdreg $0xFFFFFFFF  }
0xaf: {  	[dreg:$0x0] =	wrdreg $0x60  }
0xb0: {  	[dreg:$0x2] =	wrdreg s2  }
0xb1: {  	[dreg:$0x3] =	wrdreg s19  }
0xb2: {  	[dreg:$0x4] =	wrdreg s4  }
0xb3: {  	[dreg:$0x5] =	wrdreg $0x9  }
0xb4: {  	_ =	task.clear_ibuf [dreg:s9], $0x6FFFF;
	_ =	strace $0x90000046  }
0xb5: {  	s29 =	simm.s32 $0x9;
	_ =	strace $0x80000048  }
0xb6: {  	_ =	swait.ge [sflag:s29], $0x1  }
0xb7: {  	[sflag:s29] =	ssyncadd.s32 $0xFFFFFFFF  }
0xb8: {  	_ =	strace $0x90000048  }
0xb9: {  	_ =	sfence  }
0xba: {  	s30 =	sld [smem:$0x0];
	_ =	sdelay $0x2  }
0xbb: {  	s31 =	sshll.u32 s1, $0xD;
	s1 =	sshrl.u32 s1, $0x2  }
0xbc: {  	s3 =	sand.u32 $0x4000, s31;
	s1 =	sadd.s32 s1, s30  }
0xbd: {  	s0 =	sor.u32 s3, s0;
	s1 =	sshll.u32 s1, $0x11  }
0xbe: {  	s0 =	sor.u32 s1, s0  }
0xbf: {  	s0 =	sadd.s32 $0x8F2B, s0  }
0xc0: {  	[sflag:s0] =	ssyncadd.remote.s32 $0x1  }
0xc1: {  	_ =	sfence.sel $0xFFFF  }
0xc2: {  	[dreg:$0x0] =	wrdreg $0xFFFFFFFF;
	(pc) =	sbr.abs _section_cstart, $3  }
0xc3: {  	[dreg:$0x1] =	wrdreg $0xFFFFFFFF  }
0xc4: {  	_ =	task.clear_ibuf [dreg:s9], $0x2FFFF;
	_ =	strace $0x9FFFFFFF  }
0xc5: {  	(tm) =	ssettm $0x7FFFFFFF  }
tec
execute0_lowered:
.L_overlay_start_1:
0x0: {  	(tag) =	ssettag $0x1  }
0x1: {  	s1 =	srdreg.scid  }
0x2: {  	s4 =	stileid.u32;
	s3 =	sand.u32 $0x1, s1  }
0x3: {  	s0 =	rddreg [dreg:$0x0];
	s4 =	sshll.u32 s4, $0xF;
	s5 =	sshll.u32 s3, $0xE  }
0x4: {  	s2 =	rddreg [dreg:$0x1];
	s4 =	sor.u32 s5, s4  }
0x5: {  	s8 =	simm.s32 $0x0;
	s1 =	rddreg [dreg:$0x2];
	s6 =	sor.u32 $0x400, s4  }
0x6: {  	[smem:$0x7FF] =	sst s8;
	s28 =	sadd.s32 s2, s6  }
0x7: {  	s29 =	sor.u32 $0x800, s4;
	s7 =	sadd.s32 s0, s6;
	[smem:$0x7CD] =	sst s28  }
0x8: {  	s30 =	sadd.s32 s2, s29;
	[smem:$0x7CE] =	sst s7  }
0x9: {  	s9 =	sadd.s32 s0, s29;
	[smem:$0x7CF] =	sst s30  }
0xa: {  	s31 =	sor.u32 $0xC00, s4;
	s6 =	sadd.s32 s1, s6;
	[smem:$0x7D0] =	sst s9  }
0xb: {  	s10 =	sadd.s32 s0, s31;
	[smem:$0x7D1] =	sst s6  }
0xc: {  	s11 =	sor.u32 $0x1000, s4;
	s5 =	sadd.s32 s1, s29;
	[smem:$0x7D3] =	sst s10  }
0xd: {  	s12 =	sadd.s32 s2, s11;
	[smem:$0x7D4] =	sst s5  }
0xe: {  	s14 =	sor.u32 $0x1400, s4;
	s13 =	sadd.s32 s0, s11;
	[smem:$0x7D5] =	sst s12  }
0xf: {  	s15 =	sadd.s32 s2, s14;
	[smem:$0x7D6] =	sst s13  }
0x10: {  	s16 =	sor.u32 $0x1800, s4;
	s17 =	sadd.s32 s0, s14;
	[smem:$0x7D8] =	sst s15  }
0x11: {  	s18 =	sadd.s32 s2, s16;
	[smem:$0x7D9] =	sst s17  }
0x12: {  	s19 =	sadd.s32 s0, s16;
	[smem:$0x7DB] =	sst s18  }
0x13: {  	s3 =	ssub.s32 $0x2, s3;
	s20 =	sadd.s32 s1, s14;
	[smem:$0x7DC] =	sst s19  }
0x14: {  	s21 =	sor.u32 $0x1C00, s4;
	s22 =	sadd.s32 s1, s16;
	[smem:$0x7DD] =	sst s20  }
0x15: {  	s26 =	sshrl.u32 s3, $0x1;
	s23 =	sadd.s32 s2, s21;
	[smem:$0x7DE] =	sst s22  }
0x16: {  	s24 =	sor.u32 $0x2000, s4;
	s25 =	sadd.s32 s0, s21;
	[smem:$0x7DF] =	sst s23  }
0x17: {  	s3 =	ssub.s32 s3, s26;
	s26 =	sadd.s32 s2, s24;
	[smem:$0x7E0] =	sst s25  }
0x18: {  	s29 =	sadd.s32 s1, s24;
	[smem:$0x7E2] =	sst s26  }
0x19: {  	s9 =	sadd.s32 s2, s31;
	[smem:$0x7E4] =	sst s29  }
0x1a: {  	s7 =	sadd.s32 s1, s31;
	[smem:$0x7D2] =	sst s9  }
0x1b: {  	s5 =	sadd.s32 s1, s11;
	[smem:$0x7D7] =	sst s7  }
0x1c: {  	s28 =	sadd.s32 s0, s24;
	[smem:$0x7DA] =	sst s5  }
0x1d: {  	s22 =	sadd.s32 s2, s4;
	[smem:$0x7E3] =	sst s28  }
0x1e: {  	s23 =	sadd.s32 s0, s4;
	[smem:$0x7F4] =	sst s22  }
0x1f: {  	s24 =	sadd.s32 s1, s4;
	[smem:$0x7F5] =	sst s23  }
0x20: {  	s30 =	sor.u32 $0x2400, s4;
	s5 =	sadd.s32 s1, s21;
	[smem:$0x7F6] =	sst s24  }
0x21: {  	s31 =	sadd.s32 s2, s30;
	[smem:$0x7E1] =	sst s5  }
0x22: {  	s11 =	sor.u32 $0x2C00, s4;
	s7 =	sadd.s32 s0, s30;
	[smem:$0x7E5] =	sst s31  }
0x23: {  	s13 =	sadd.s32 s2, s11;
	[smem:$0x7E6] =	sst s7  }
0x24: {  	s15 =	sor.u32 $0x3000, s4;
	s14 =	sadd.s32 s0, s11;
	[smem:$0x7EB] =	sst s13  }
0x25: {  	s16 =	sadd.s32 s2, s15;
	[smem:$0x7EC] =	sst s14  }
0x26: {  	s18 =	sor.u32 $0x3400, s4;
	s17 =	sadd.s32 s0, s15;
	[smem:$0x7EE] =	sst s16  }
0x27: {  	s19 =	sadd.s32 s2, s18;
	[smem:$0x7EF] =	sst s17  }
0x28: {  	s20 =	sadd.s32 s0, s18;
	[smem:$0x7F1] =	sst s19  }
0x29: {  	s25 =	sor.u32 $0x3800, s4;
	s21 =	sadd.s32 s1, s18;
	[smem:$0x7F2] =	sst s20  }
0x2a: {  	s26 =	sadd.s32 s2, s25;
	[smem:$0x7F3] =	sst s21  }
0x2b: {  	s28 =	sadd.s32 s0, s25;
	[smem:$0x7F7] =	sst s26  }
0x2c: {  	s29 =	sadd.s32 s1, s25;
	[smem:$0x7F9] =	sst s28  }
0x2d: {  	s9 =	sor.u32 $0x2800, s4;
	s5 =	sadd.s32 s1, s30;
	[smem:$0x7FB] =	sst s29  }
0x2e: {  	s10 =	sadd.s32 s2, s9;
	[smem:$0x7E7] =	sst s5  }
0x2f: {  	s12 =	sadd.s32 s0, s9;
	[smem:$0x7E8] =	sst s10  }
0x30: {  	s4 =	sor.u32 $0x3C00, s4;
	s6 =	sadd.s32 s1, s9;
	[smem:$0x7E9] =	sst s12  }
0x31: {  	s2 =	sadd.s32 s2, s4;
	[smem:$0x7EA] =	sst s6  }
0x32: {  	s0 =	sadd.s32 s0, s4;
	[smem:$0x7F8] =	sst s2  }
0x33: {  	s30 =	sadd.s32 s1, s4;
	[smem:$0x7FA] =	sst s0  }
0x34: {  	s5 =	sadd.s32 s1, s11;
	[smem:$0x7FC] =	sst s30  }
0x35: {  	s31 =	smax.u32 s3, $0x1;
	[smem:$0x7ED] =	sst s5;
	s5 =	sadd.s32 s1, s15  }
0x36: {  	s3 =	simm.s32 $0x400000;
	s4 =	simm.s32 $0x0;
	[smem:$0x7F0] =	sst s5  }
0x37: {  	s2 =	simm.s32 $0x2000;
	_ =	strace $0x80000047;
	[smem:$0x7FD] =	sst s31  }
.LBB2_1:
0x38: {  	s0 =	sld [smem:$0x7F4];
	_ =	sdelay $0x1  }
0x39: {  	s1 =	simm.s32 $0x18000;
	s22 =	sld [smem:$0x7F5]  }
0x3a: {  	[tilespmem:s1], [sflag:$0x7] =	stream.linear.gather [hbm4b:s0+s8], $0x2000, $0x38;
	[tilespmem:$0x1C000] =	vst v63  }
0x3b: {  	[smem:$0x7CC] =	sst s4;
	s23 =	simm.s32 $0x7  }
0x3c: {  	[tilespmem:s8], [sflag:$0x1] =	stream.strided.gather [hbm4b:s22+s2], $0x8000, s3, s2, $0x38;
	[tilespmem:$0x1C000] =	vst v63  }
0x3d: {  	_ =	swait.ge [sflag:s23], $0x2000  }
0x3e: {  	[sflag:s23] =	ssyncset.done $0x0  }
0x3f: {  	s24 =	simm.s32 $0x1;
	[sflag:s23] =	ssyncadd.s32 $0xFFFFE000  }
0x40: {  	_ =	swait.ge [sflag:s24], $0x8000  }
0x41: {  	s26 =	simm.s32 $0x1A000;
	s25 =	sld [smem:$0x7CD]  }
0x42: {  	s31 =	sand.u32 $0x40, s8;
	s5 =	sand.u32 $0x1C00, s8;
	[sflag:s24] =	ssyncset.done $0x0  }
0x43: {  	s6 =	sand.u32 $0x380, s8;
	s29 =	sld [smem:$0x7CE];
	[sflag:s24] =	ssyncadd.s32 $0xFFFF8000  }
0x44: {  	[tilespmem:s26], [sflag:$0x8] =	stream.linear.gather [hbm4b:s25+s8], $0x2000, $0x38;
	[tilespmem:$0x1C000] =	vst v63  }
0x45: {  	s30 =	simm.s32 $0x8000;
	s5 =	sor.u32 s6, s5;
	s13 =	sor.u32 $0x30, s31  }
0x46: {  	[tilespmem:s30], [sflag:$0x2] =	stream.strided.gather [hbm4b:s29+s2], $0x8000, s3, s2, $0x38;
	[tilespmem:$0x1C000] =	vst v63  }
0x47: {  	s10 =	sor.u32 $0x6000, s5;
	s2 =	sor.u32 s13, s5  }
0x48: {  	s15 =	sor.u32 $0x2000, s5;
	s16 =	sor.u32 s13, s10;
	v0 =	vld [tilespmem:s2+$0x18000]  }
0x49: {  	s19 =	sor.u32 $0x4000, s5;
	s11 =	sor.u32 s31, s15;
	v5 =	vld [tilespmem:s16+$0x0]  }
0x4a: {  	s7 =	sor.u32 s31, s19;
	v1 =	vld [tilespmem:s11+$0x0]  }
0x4b: {  	s20 =	sor.u32 $0x10, s31;
	s8 =	sor.u32 s31, s10;
	v2 =	vld [tilespmem:s7+$0x0]  }
0x4c: {  	s18 =	sor.u32 s20, s15;
	v3 =	vld [tilespmem:s8+$0x0]  }
0x4d: {  	s6 =	sor.u32 s20, s19;
	v4 =	vld [tilespmem:s18+$0x0]  }
0x4e: {  	s21 =	sor.u32 $0x20, s31;
	s14 =	sor.u32 s20, s10;
	v9 =	vld [tilespmem:s6+$0x0]  }
0x4f: {  	s12 =	sor.u32 s21, s15;
	v7 =	vld [tilespmem:s14+$0x0]  }
0x50: {  	s9 =	sor.u32 s21, s19;
	v6 =	vld [tilespmem:s12+$0x0]  }
0x51: {  	s28 =	sor.u32 s13, s15;
	s26 =	sor.u32 s13, s19;
	s13 =	sor.u32 s31, s5;
	v8 =	vld [tilespmem:s9+$0x0]  }
0x52: {  	v11 =	vld [tilespmem:s13+$0x18000];
	v5 =	vadd.f32 v5, v0  }
0x53: {  	s15 =	sor.u32 s20, s5;
	v12 =	vld [tilespmem:s13+$0x0]  }
0x54: {  	v10 =	vld [tilespmem:s15+$0x18000];
	[tilespmem:s16+$0x0] =	vst v5  }
0x55: {  	v14 =	vld [tilespmem:s28+$0x0]  }
0x56: {  	s20 =	simm.s32 $0x40;
	s1 =	simm.s32 $0x0;
	s10 =	sor.u32 s21, s10;
	v13 =	vld [tilespmem:s26+$0x0]  }
0x57: {  	s19 =	simm.s32 $0x0;
	v5 =	vld [tilespmem:s10+$0x0];
	s16 =	sor.u32 s21, s5;
	s21 =	simm.s32 $0x0  }
.LBB2_2:
0x58: {  	_ = 	snop  }
0x59: {  	s1 =	sadd.s32 $0x8, s1;
	s21 =	sadd.s32 $0x200, s21  }
0x5a: {  	v15 =	vld [tilespmem:s15+$0x0];
	s31 =	sand.u32 $0x1C00, s21;
	s30 =	sand.u32 $0x380, s1  }
0x5b: {  	s5 =	sand.u32 $0x40, s20;
	v16 =	vld [tilespmem:s16+$0x18000];
	s30 =	sor.u32 s30, s31;
	v14 =	vadd.f32 v14, v0;
	v13 =	vadd.f32 v13, v0  }
0x5c: {  	v17 =	vld [tilespmem:s16+$0x0];
	s0 =	sor.u32 $0x30, s5;
	s3 =	sor.u32 $0x6000, s30;
	v1 =	vadd.f32 v1, v11;
	v2 =	vadd.f32 v2, v11  }
0x5d: {  	v12 =	vadd.f32 v12, v11;
	v3 =	vadd.f32 v3, v11;
	v11 =	vld [tilespmem:s2+$0x0];
	s25 =	sor.u32 s0, s3;
	[tilespmem:s28+$0x0] =	vst v14  }
0x5e: {  	s4 =	sor.u32 $0x10, s5;
	s31 =	sor.u32 s0, s30;
	v7 =	vadd.f32 v7, v10;
	[tilespmem:s26+$0x0] =	vst v13;
	v14 =	vld [tilespmem:s25+$0x0]  }
0x5f: {  	s22 =	sor.u32 s4, s3;
	[tilespmem:s8+$0x0] =	vst v3;
	s8 =	sor.u32 s5, s3;
	v13 =	vld [tilespmem:s31+$0x18000]  }
0x60: {  	s28 =	sor.u32 $0x2000, s30;
	[tilespmem:s14+$0x0] =	vst v7;
	s14 =	smov.u32 s22;
	v3 =	vld [tilespmem:s8+$0x0]  }
0x61: {  	v4 =	vadd.f32 v4, v10;
	s26 =	sor.u32 $0x4000, s30;
	[tilespmem:s11+$0x0] =	vst v1;
	s11 =	sor.u32 s5, s28;
	v7 =	vld [tilespmem:s14+$0x0]  }
0x62: {  	v9 =	vadd.f32 v9, v10;
	[tilespmem:s7+$0x0] =	vst v2;
	s7 =	sor.u32 s5, s26;
	v1 =	vld [tilespmem:s11+$0x0]  }
0x63: {  	[dreg:$0x4] =	wrdreg s2;
	s2 =	sor.u32 $0x20, s5;
	v5 =	vadd.f32 v5, v16;
	[tilespmem:s18+$0x0] =	vst v4;
	s24 =	sor.u32 s4, s28;
	v2 =	vld [tilespmem:s7+$0x0]  }
0x64: {  	v6 =	vadd.f32 v6, v16;
	s3 =	sor.u32 s2, s3;
	[tilespmem:s6+$0x0] =	vst v9;
	s29 =	sor.u32 s4, s26;
	v4 =	vld [tilespmem:s24+$0x0]  }
0x65: {  	v8 =	vadd.f32 v8, v16;
	s23 =	sor.u32 s2, s28;
	[tilespmem:s10+$0x0] =	vst v5;
	s10 =	smov.u32 s3;
	v9 =	vld [tilespmem:s29+$0x0]  }
0x66: {  	s17 =	sor.u32 s2, s26;
	[tilespmem:s12+$0x0] =	vst v6;
	s12 =	smov.u32 s23;
	v5 =	vld [tilespmem:s10+$0x0]  }
0x67: {  	s19 =	sadd.s32 $0x4, s19;
	v15 =	vadd.f32 v15, v10;
	s5 =	sor.u32 s5, s30;
	[tilespmem:s9+$0x0] =	vst v8;
	s9 =	smov.u32 s17;
	v6 =	vld [tilespmem:s12+$0x0]  }
0x68: {  	p0 =	slt.u32 s19, $0x1FC;
	v10 =	vadd.f32 v17, v16;
	[tilespmem:s13+$0x0] =	vst v12;
	s4 =	sor.u32 s4, s30;
	s13 =	smov.u32 s5;
	v8 =	vld [tilespmem:s9+$0x0]  }
.Ltmp0:
0x69: {  	[tilespmem:s15+$0x0] =	vst v15;
	s15 =	smov.u32 s4;
	v12 =	vld [tilespmem:s13+$0x0];
	(pc) =	sbr.rel @p0 .LBB2_2-.Ltmp0, $4  }
0x6a: {  	s26 =	sor.u32 s0, s26;
	[tilespmem:s16+$0x0] =	vst v10;
	v63 =	vadd.f32 v11, v0;
	v10 =	vld [tilespmem:s15+$0x18000];
	v0 =	vmov v13  }
0x6b: {  	s28 =	sor.u32 s0, s28;
	s2 =	sor.u32 s2, s30;
	s30 =	rddreg [dreg:$0x4];
	v13 =	vld [tilespmem:s26+$0x0];
	v11 =	vadd.f32 v14, v0  }
0x6c: {  	s20 =	sadd.s32 $0x40, s20;
	s18 =	smov.u32 s24;
	[tilespmem:s30+$0x0] =	vst v63;
	v14 =	vld [tilespmem:s28+$0x0]  }
0x6d: {  	s6 =	smov.u32 s29;
	s16 =	smov.u32 s2;
	s2 =	smov.u32 s31;
	[tilespmem:s25+$0x0] =	vst v11;
	v11 =	vld [tilespmem:s13+$0x18000]  }
0x6e: {  	_ =	sdelay $0x2  }
0x6f: {  	v14 =	vadd.f32 v14, v0  }
0x70: {  	v15 =	vld [tilespmem:s16+$0x18000];
	v13 =	vadd.f32 v13, v0  }
0x71: {  	v1 =	vadd.f32 v1, v11;
	[tilespmem:s28+$0x0] =	vst v14  }
0x72: {  	v2 =	vadd.f32 v2, v11;
	v14 =	vld [tilespmem:s2+$0x0];
	[tilespmem:s26+$0x0] =	vst v13  }
0x73: {  	v3 =	vadd.f32 v3, v11;
	[tilespmem:s11+$0x0] =	vst v1  }
0x74: {  	v1 =	vadd.f32 v4, v10;
	[tilespmem:s7+$0x0] =	vst v2  }
0x75: {  	v6 =	vadd.f32 v6, v15;
	[tilespmem:s8+$0x0] =	vst v3  }
0x76: {  	v4 =	vadd.f32 v9, v10;
	v2 =	vld [tilespmem:s15+$0x0];
	[tilespmem:s18+$0x0] =	vst v1  }
0x77: {  	v3 =	vadd.f32 v7, v10;
	v1 =	vld [tilespmem:s16+$0x0];
	[tilespmem:s12+$0x0] =	vst v6  }
0x78: {  	[tilespmem:s6+$0x0] =	vst v4;
	v4 =	vadd.f32 v8, v15  }
0x79: {  	[tilespmem:s14+$0x0] =	vst v3;
	v3 =	vadd.f32 v5, v15  }
0x7a: {  	v5 =	vadd.f32 v12, v11;
	[tilespmem:s9+$0x0] =	vst v4  }
0x7b: {  	v0 =	vadd.f32 v14, v0;
	[tilespmem:s10+$0x0] =	vst v3  }
0x7c: {  	v2 =	vadd.f32 v2, v10;
	[tilespmem:s13+$0x0] =	vst v5  }
0x7d: {  	v1 =	vadd.f32 v1, v15;
	[tilespmem:s2+$0x0] =	vst v0  }
0x7e: {  	[tilespmem:s15+$0x0] =	vst v2  }
0x7f: {  	[tilespmem:s16+$0x0] =	vst v1  }
0x80: {  	s0 =	sld [smem:$0x7F6]  }
0x81: {  	s3 =	simm.s32 $0x400000  }
0x82: {  	s7 =	simm.s32 $0x0;
	s15 =	simm.s32 $0x2000;
	s16 =	simm.s32 $0x8  }
0x83: {  	[hbm4b:s0+s15] =	stream.strided.scatter [tilespmem:s7], [sflag:$0x4], $0x8000, s3, s15, $0x38;
	[tilespmem:$0x1C000] =	vst v63  }
0x84: {  	_ =	swait.ge [sflag:s16], $0x2000  }
0x85: {  	[sflag:s16] =	ssyncset.done $0x0  }
0x86: {  	s17 =	simm.s32 $0x2;
	[sflag:s16] =	ssyncadd.s32 $0xFFFFE000  }
0x87: {  	_ =	swait.ge [sflag:s17], $0x8000  }
0x88: {  	s1 =	simm.s32 $0x18000;
	s18 =	sld [smem:$0x7CF]  }
0x89: {  	s21 =	sand.u32 $0x40, s7;
	s24 =	sand.u32 $0x1C00, s7;
	[sflag:s17] =	ssyncset.done $0x0  }
0x8a: {  	s25 =	sand.u32 $0x380, s7;
	s19 =	sld [smem:$0x7D0];
	[sflag:s17] =	ssyncadd.s32 $0xFFFF8000  }
0x8b: {  	[tilespmem:s1], [sflag:$0x7] =	stream.linear.gather [hbm4b:s18+s7], $0x2000, $0x38;
	[tilespmem:$0x1C000] =	vst v63  }
0x8c: {  	s26 =	sor.u32 $0x30, s21;
	s1 =	sor.u32 s25, s24  }
0x8d: {  	s20 =	simm.s32 $0x10000;
	s29 =	sor.u32 $0xE000, s1;
	s6 =	sor.u32 s26, s1  }
0x8e: {  	[tilespmem:s20], [sflag:$0x3] =	stream.strided.gather [hbm4b:s19+s15], $0x8000, s3, s15, $0x38;
	[tilespmem:$0x1C000] =	vst v63  }
0x8f: {  	s4 =	sor.u32 $0xA000, s1;
	s5 =	sor.u32 s26, s29;
	v0 =	vld [tilespmem:s6+$0x1A000]  }
0x90: {  	s30 =	sor.u32 $0xC000, s1;
	s12 =	sor.u32 s21, s4;
	v5 =	vld [tilespmem:s5+$0x0]  }
0x91: {  	s18 =	sor.u32 s21, s30;
	v1 =	vld [tilespmem:s12+$0x0]  }
0x92: {  	s31 =	sor.u32 $0x10, s21;
	s9 =	sor.u32 s21, s29;
	v2 =	vld [tilespmem:s18+$0x0]  }
0x93: {  	s23 =	sor.u32 s31, s4;
	v3 =	vld [tilespmem:s9+$0x0]  }
0x94: {  	s22 =	sor.u32 s31, s30;
	v4 =	vld [tilespmem:s23+$0x0]  }
0x95: {  	s17 =	sor.u32 $0x20, s21;
	s15 =	sor.u32 s31, s29;
	v9 =	vld [tilespmem:s22+$0x0]  }
0x96: {  	s13 =	sor.u32 s17, s4;
	v7 =	vld [tilespmem:s15+$0x0]  }
0x97: {  	s8 =	sor.u32 s17, s30;
	v6 =	vld [tilespmem:s13+$0x0]  }
0x98: {  	s14 =	sor.u32 s21, s1;
	v8 =	vld [tilespmem:s8+$0x0]  }
0x99: {  	v11 =	vld [tilespmem:s14+$0x1A000]  }
0x9a: {  	s16 =	sor.u32 s31, s1;
	v12 =	vld [tilespmem:s14+$0x8000];
	v5 =	vadd.f32 v5, v0  }
0x9b: {  	s11 =	sor.u32 s17, s29;
	v10 =	vld [tilespmem:s16+$0x1A000]  }
0x9c: {  	s28 =	sor.u32 s26, s4;
	[tilespmem:s5+$0x0] =	vst v5;
	v5 =	vld [tilespmem:s11+$0x0]  }
0x9d: {  	s26 =	sor.u32 s26, s30;
	s20 =	simm.s32 $0x0;
	v14 =	vld [tilespmem:s28+$0x0]  }
0x9e: {  	s17 =	sor.u32 s17, s1;
	s1 =	simm.s32 $0x40;
	s21 =	simm.s32 $0x0;
	v13 =	vld [tilespmem:s26+$0x0]  }
.LBB2_4:
0x9f: {  	_ =	sdelay $0x1  }
0xa0: {  	s7 =	sadd.s32 $0x8, s7;
	s21 =	sadd.s32 $0x200, s21  }
0xa1: {  	v15 =	vld [tilespmem:s16+$0x8000];
	s0 =	sand.u32 $0x1C00, s21;
	s2 =	sand.u32 $0x380, s7;
	v14 =	vadd.f32 v14, v0  }
0xa2: {  	s5 =	sand.u32 $0x40, s1;
	v16 =	vld [tilespmem:s17+$0x1A000];
	s0 =	sor.u32 s2, s0;
	v13 =	vadd.f32 v13, v0  }
0xa3: {  	v17 =	vld [tilespmem:s17+$0x8000];
	s2 =	sor.u32 $0x30, s5;
	s4 =	sor.u32 $0xE000, s0;
	v1 =	vadd.f32 v1, v11;
	v2 =	vadd.f32 v2, v11;
	[tilespmem:s28+$0x0] =	vst v14  }
0xa4: {  	v12 =	vadd.f32 v12, v11;
	v3 =	vadd.f32 v3, v11;
	v11 =	vld [tilespmem:s6+$0x8000];
	s24 =	sor.u32 s2, s4;
	[tilespmem:s26+$0x0] =	vst v13  }
0xa5: {  	[dreg:$0x5] =	wrdreg s8;
	s3 =	sor.u32 $0xA000, s0;
	s31 =	sor.u32 s2, s0;
	[tilespmem:s12+$0x0] =	vst v1;
	v14 =	vld [tilespmem:s24+$0x0]  }
0xa6: {  	s8 =	smov.u32 s22;
	s22 =	sor.u32 $0xC000, s0;
	v9 =	vadd.f32 v9, v10;
	s12 =	sor.u32 s5, s3;
	[tilespmem:s18+$0x0] =	vst v2;
	v13 =	vld [tilespmem:s31+$0x1A000]  }
0xa7: {  	v4 =	vadd.f32 v4, v10;
	s18 =	sor.u32 s5, s22;
	[tilespmem:s9+$0x0] =	vst v3;
	v1 =	vld [tilespmem:s12+$0x0]  }
0xa8: {  	v7 =	vadd.f32 v7, v10;
	s26 =	smov.u32 s23;
	s23 =	sor.u32 $0x10, s5;
	s9 =	sor.u32 s5, s4;
	[tilespmem:s8+$0x0] =	vst v9;
	v2 =	vld [tilespmem:s18+$0x0]  }
0xa9: {  	[dreg:$0x14] =	wrdreg s6;
	s25 =	sor.u32 $0x20, s5;
	v6 =	vadd.f32 v6, v16;
	s29 =	sor.u32 s23, s3;
	[tilespmem:s26+$0x0] =	vst v4;
	v3 =	vld [tilespmem:s9+$0x0]  }
0xaa: {  	s20 =	sadd.s32 $0x4, s20;
	s6 =	sor.u32 s25, s3;
	[tilespmem:s15+$0x0] =	vst v7;
	s30 =	sor.u32 s23, s22;
	v4 =	vld [tilespmem:s29+$0x0]  }
0xab: {  	p0 =	slt.u32 s20, $0x1FC;
	v5 =	vadd.f32 v5, v16;
	s10 =	sor.u32 s23, s4;
	[tilespmem:s13+$0x0] =	vst v6;
	s13 =	smov.u32 s6;
	v9 =	vld [tilespmem:s30+$0x0]  }
0xac: {  	v15 =	vadd.f32 v15, v10;
	s28 =	sor.u32 s2, s3;
	[tilespmem:s14+$0x8000] =	vst v12;
	s4 =	sor.u32 s25, s4;
	s15 =	smov.u32 s10;
	v6 =	vld [tilespmem:s13+$0x0]  }
0xad: {  	v10 =	vadd.f32 v17, v16;
	s26 =	sor.u32 s2, s22;
	s2 =	sor.u32 s5, s0;
	[tilespmem:s11+$0x0] =	vst v5;
	s11 =	smov.u32 s4;
	v7 =	vld [tilespmem:s15+$0x0]  }
0xae: {  	s19 =	sor.u32 s25, s22;
	v8 =	vadd.f32 v8, v16;
	s3 =	sor.u32 s23, s0;
	[tilespmem:s16+$0x8000] =	vst v15;
	s14 =	smov.u32 s2;
	v5 =	vld [tilespmem:s11+$0x0]  }
0xaf: {  	[tilespmem:s17+$0x8000] =	vst v10;
	s23 =	smov.u32 s29;
	s29 =	rddreg [dreg:$0x5];
	s16 =	smov.u32 s3;
	v12 =	vld [tilespmem:s14+$0x8000]  }
.Ltmp1:
0xb0: {  	s8 =	smov.u32 s19;
	[tilespmem:s29+$0x0] =	vst v8;
	v10 =	vld [tilespmem:s16+$0x1A000];
	(pc) =	sbr.rel @p0 .LBB2_4-.Ltmp1, $4  }
0xb1: {  	v63 =	vadd.f32 v11, v0;
	v8 =	vld [tilespmem:s8+$0x0];
	v0 =	vmov v13  }
0xb2: {  	s22 =	smov.u32 s30;
	s30 =	rddreg [dreg:$0x14];
	v13 =	vld [tilespmem:s26+$0x0];
	v11 =	vadd.f32 v14, v0  }
0xb3: {  	s0 =	sor.u32 s25, s0;
	[tilespmem:s30+$0x8000] =	vst v63;
	v14 =	vld [tilespmem:s28+$0x0]  }
0xb4: {  	s1 =	sadd.s32 $0x40, s1;
	s6 =	smov.u32 s31;
	s17 =	smov.u32 s0;
	[tilespmem:s24+$0x0] =	vst v11;
	v11 =	vld [tilespmem:s14+$0x1A000]  }
0xb5: {  	_ =	sdelay $0x2  }
0xb6: {  	v14 =	vadd.f32 v14, v0  }
0xb7: {  	v15 =	vld [tilespmem:s17+$0x1A000];
	v13 =	vadd.f32 v13, v0  }
0xb8: {  	v1 =	vadd.f32 v1, v11;
	[tilespmem:s28+$0x0] =	vst v14  }
0xb9: {  	v2 =	vadd.f32 v2, v11;
	v14 =	vld [tilespmem:s6+$0x8000];
	[tilespmem:s26+$0x0] =	vst v13  }
0xba: {  	v3 =	vadd.f32 v3, v11;
	[tilespmem:s12+$0x0] =	vst v1  }
0xbb: {  	v1 =	vadd.f32 v4, v10;
	[tilespmem:s18+$0x0] =	vst v2  }
0xbc: {  	v6 =	vadd.f32 v6, v15;
	[tilespmem:s9+$0x0] =	vst v3  }
0xbd: {  	v4 =	vadd.f32 v9, v10;
	v2 =	vld [tilespmem:s16+$0x8000];
	[tilespmem:s23+$0x0] =	vst v1  }
0xbe: {  	v3 =	vadd.f32 v7, v10;
	v1 =	vld [tilespmem:s17+$0x8000];
	[tilespmem:s13+$0x0] =	vst v6  }
0xbf: {  	[tilespmem:s22+$0x0] =	vst v4;
	v4 =	vadd.f32 v8, v15  }
0xc0: {  	[tilespmem:s15+$0x0] =	vst v3;
	v3 =	vadd.f32 v5, v15  }
0xc1: {  	v5 =	vadd.f32 v12, v11;
	[tilespmem:s8+$0x0] =	vst v4  }
0xc2: {  	v0 =	vadd.f32 v14, v0;
	[tilespmem:s11+$0x0] =	vst v3  }
0xc3: {  	v2 =	vadd.f32 v2, v10;
	[tilespmem:s14+$0x8000] =	vst v5  }
0xc4: {  	v1 =	vadd.f32 v1, v15;
	[tilespmem:s6+$0x8000] =	vst v0  }
0xc5: {  	[tilespmem:s16+$0x8000] =	vst v2  }
0xc6: {  	[tilespmem:s17+$0x8000] =	vst v1  }
0xc7: {  	s0 =	sld [smem:$0x7D1]  }
0xc8: {  	s1 =	simm.s32 $0x2000  }
0xc9: {  	s2 =	simm.s32 $0x400000;
	s3 =	simm.s32 $0x8000;
	s15 =	simm.s32 $0x7  }
0xca: {  	[hbm4b:s0+s1] =	stream.strided.scatter [tilespmem:s3], [sflag:$0x5], $0x8000, s2, s1, $0x38;
	[tilespmem:$0x1C000] =	vst v63  }
0xcb: {  	_ =	swait.ge [sflag:s15], $0x2000  }
0xcc: {  	[sflag:s15] =	ssyncset.done $0x0  }
0xcd: {  	s16 =	simm.s32 $0x3;
	[sflag:s15] =	ssyncadd.s32 $0xFFFFE000  }
0xce: {  	_ =	swait.ge [sflag:s16], $0x8000  }
0xcf: {  	[sflag:s16] =	ssyncset.done $0x0  }
0xd0: {  	s17 =	simm.s32 $0x4;
	[sflag:s16] =	ssyncadd.s32 $0xFFFF8000  }
0xd1: {  	_ =	swait.ge [sflag:s17], $0x8000  }
0xd2: {  	s18 =	sld [smem:$0x7D2]  }
0xd3: {  	s7 =	simm.s32 $0x0;
	[sflag:s17] =	ssyncset.done $0x0  }
0xd4: {  	s19 =	simm.s32 $0x1A000;
	s20 =	sld [smem:$0x7D3];
	[sflag:s17] =	ssyncadd.s32 $0xFFFF8000  }
0xd5: {  	[tilespmem:s19], [sflag:$0x8] =	stream.linear.gather [hbm4b:s18+s7], $0x2000, $0x38;
	[tilespmem:$0x1C000] =	vst v63  }
0xd6: {  	s21 =	sand.u32 $0x40, s7;
	s24 =	sand.u32 $0x380, s7;
	s23 =	sand.u32 $0x1C00, s7  }
0xd7: {  	[tilespmem:s7], [sflag:$0x1] =	stream.strided.gather [hbm4b:s20+s1], $0x8000, s2, s1, $0x38;
	[tilespmem:$0x1C000] =	vst v63  }
0xd8: {  	s25 =	sor.u32 $0x30, s21;
	s1 =	sor.u32 s24, s23  }
0xd9: {  	s6 =	sor.u32 s25, s1  }
0xda: {  	s14 =	sor.u32 s21, s1;
	v0 =	vld [tilespmem:s6+$0x18000]  }
0xdb: {  	s30 =	sor.u32 $0x10, s21;
	v11 =	vld [tilespmem:s14+$0x18000]  }
0xdc: {  	s26 =	sor.u32 $0x16000, s1;
	s16 =	sor.u32 s30, s1;
	v12 =	vld [tilespmem:s14+$0x10000]  }
0xdd: {  	s4 =	sor.u32 $0x12000, s1;
	s5 =	sor.u32 s25, s26;
	v10 =	vld [tilespmem:s16+$0x18000]  }
0xde: {  	s29 =	sor.u32 $0x14000, s1;
	s12 =	sor.u32 s21, s4;
	v5 =	vld [tilespmem:s5+$0x0]  }
0xdf: {  	s18 =	sor.u32 s21, s29;
	v1 =	vld [tilespmem:s12+$0x0]  }
0xe0: {  	s9 =	sor.u32 s21, s26;
	v2 =	vld [tilespmem:s18+$0x0]  }
0xe1: {  	s23 =	sor.u32 s30, s4;
	v3 =	vld [tilespmem:s9+$0x0]  }
0xe2: {  	s22 =	sor.u32 s30, s29;
	v4 =	vld [tilespmem:s23+$0x0]  }
0xe3: {  	s31 =	sor.u32 $0x20, s21;
	s15 =	sor.u32 s30, s26;
	v9 =	vld [tilespmem:s22+$0x0]  }
0xe4: {  	s13 =	sor.u32 s31, s4;
	v7 =	vld [tilespmem:s15+$0x0]  }
0xe5: {  	s8 =	sor.u32 s31, s29;
	v6 =	vld [tilespmem:s13+$0x0];
	v5 =	vadd.f32 v5, v0  }
0xe6: {  	s11 =	sor.u32 s31, s26;
	v8 =	vld [tilespmem:s8+$0x0]  }
0xe7: {  	s28 =	sor.u32 s25, s4;
	[tilespmem:s5+$0x0] =	vst v5;
	v5 =	vld [tilespmem:s11+$0x0]  }
0xe8: {  	s20 =	simm.s32 $0x0;
	s26 =	sor.u32 s25, s29;
	v14 =	vld [tilespmem:s28+$0x0]  }
0xe9: {  	s17 =	sor.u32 s31, s1;
	s1 =	simm.s32 $0x40;
	s21 =	simm.s32 $0x0;
	v13 =	vld [tilespmem:s26+$0x0]  }
.LBB2_6:
0xea: {  	_ =	sdelay $0x1  }
0xeb: {  	s7 =	sadd.s32 $0x8, s7;
	s21 =	sadd.s32 $0x200, s21  }
0xec: {  	v15 =	vld [tilespmem:s16+$0x10000];
	s0 =	sand.u32 $0x1C00, s21;
	s2 =	sand.u32 $0x380, s7;
	v14 =	vadd.f32 v14, v0  }
0xed: {  	s5 =	sand.u32 $0x40, s1;
	v16 =	vld [tilespmem:s17+$0x18000];
	s0 =	sor.u32 s2, s0;
	v13 =	vadd.f32 v13, v0  }
0xee: {  	v17 =	vld [tilespmem:s17+$0x10000];
	s2 =	sor.u32 $0x30, s5;
	s4 =	sor.u32 $0x16000, s0;
	v1 =	vadd.f32 v1, v11;
	v2 =	vadd.f32 v2, v11;
	[tilespmem:s28+$0x0] =	vst v14  }
0xef: {  	v12 =	vadd.f32 v12, v11;
	v3 =	vadd.f32 v3, v11;
	v11 =	vld [tilespmem:s6+$0x10000];
	s24 =	sor.u32 s2, s4;
	[tilespmem:s26+$0x0] =	vst v13  }
0xf0: {  	[dreg:$0x6] =	wrdreg s8;
	s3 =	sor.u32 $0x12000, s0;
	s31 =	sor.u32 s2, s0;
	[tilespmem:s12+$0x0] =	vst v1;
	v14 =	vld [tilespmem:s24+$0x0]  }
0xf1: {  	s8 =	smov.u32 s22;
	s22 =	sor.u32 $0x14000, s0;
	v9 =	vadd.f32 v9, v10;
	s12 =	sor.u32 s5, s3;
	[tilespmem:s18+$0x0] =	vst v2;
	v13 =	vld [tilespmem:s31+$0x18000]  }
0xf2: {  	v4 =	vadd.f32 v4, v10;
	s18 =	sor.u32 s5, s22;
	[tilespmem:s9+$0x0] =	vst v3;
	v1 =	vld [tilespmem:s12+$0x0]  }
0xf3: {  	v7 =	vadd.f32 v7, v10;
	s26 =	smov.u32 s23;
	s23 =	sor.u32 $0x10, s5;
	s9 =	sor.u32 s5, s4;
	[tilespmem:s8+$0x0] =	vst v9;
	v2 =	vld [tilespmem:s18+$0x0]  }
0xf4: {  	[dreg:$0x15] =	wrdreg s6;
	s25 =	sor.u32 $0x20, s5;
	v6 =	vadd.f32 v6, v16;
	s29 =	sor.u32 s23, s3;
	[tilespmem:s26+$0x0] =	vst v4;
	v3 =	vld [tilespmem:s9+$0x0]  }
0xf5: {  	s20 =	sadd.s32 $0x4, s20;
	s6 =	sor.u32 s25, s3;
	[tilespmem:s15+$0x0] =	vst v7;
	s30 =	sor.u32 s23, s22;
	v4 =	vld [tilespmem:s29+$0x0]  }
0xf6: {  	p0 =	slt.u32 s20, $0x1FC;
	v5 =	vadd.f32 v5, v16;
	s10 =	sor.u32 s23, s4;
	[tilespmem:s13+$0x0] =	vst v6;
	s13 =	smov.u32 s6;
	v9 =	vld [tilespmem:s30+$0x0]  }
0xf7: {  	v15 =	vadd.f32 v15, v10;
	s28 =	sor.u32 s2, s3;
	[tilespmem:s14+$0x10000] =	vst v12;
	s4 =	sor.u32 s25, s4;
	s15 =	smov.u32 s10;
	v6 =	vld [tilespmem:s13+$0x0]  }
0xf8: {  	v10 =	vadd.f32 v17, v16;
	s26 =	sor.u32 s2, s22;
	s2 =	sor.u32 s5, s0;
	[tilespmem:s11+$0x0] =	vst v5;
	s11 =	smov.u32 s4;
	v7 =	vld [tilespmem:s15+$0x0]  }
0xf9: {  	s19 =	sor.u32 s25, s22;
	v8 =	vadd.f32 v8, v16;
	s3 =	sor.u32 s23, s0;
	[tilespmem:s16+$0x10000] =	vst v15;
	s14 =	smov.u32 s2;
	v5 =	vld [tilespmem:s11+$0x0]  }
0xfa: {  	[tilespmem:s17+$0x10000] =	vst v10;
	s23 =	smov.u32 s29;
	s29 =	rddreg [dreg:$0x6];
	s16 =	smov.u32 s3;
	v12 =	vld [tilespmem:s14+$0x10000]  }
.Ltmp2:
0xfb: {  	s8 =	smov.u32 s19;
	[tilespmem:s29+$0x0] =	vst v8;
	v10 =	vld [tilespmem:s16+$0x18000];
	(pc) =	sbr.rel @p0 .LBB2_6-.Ltmp2, $4  }
0xfc: {  	v63 =	vadd.f32 v11, v0;
	v8 =	vld [tilespmem:s8+$0x0];
	v0 =	vmov v13  }
0xfd: {  	s22 =	smov.u32 s30;
	s30 =	rddreg [dreg:$0x15];
	v13 =	vld [tilespmem:s26+$0x0];
	v11 =	vadd.f32 v14, v0  }
0xfe: {  	s0 =	sor.u32 s25, s0;
	[tilespmem:s30+$0x10000] =	vst v63;
	v14 =	vld [tilespmem:s28+$0x0]  }
0xff: {  	s1 =	sadd.s32 $0x40, s1;
	s6 =	smov.u32 s31;
	s17 =	smov.u32 s0;
	[tilespmem:s24+$0x0] =	vst v11;
	v11 =	vld [tilespmem:s14+$0x18000]  }
0x100: {  	_ =	sdelay $0x2  }
0x101: {  	v14 =	vadd.f32 v14, v0  }
0x102: {  	v15 =	vld [tilespmem:s17+$0x18000];
	v13 =	vadd.f32 v13, v0  }
0x103: {  	v1 =	vadd.f32 v1, v11;
	[tilespmem:s28+$0x0] =	vst v14  }
0x104: {  	v2 =	vadd.f32 v2, v11;
	v14 =	vld [tilespmem:s6+$0x10000];
	[tilespmem:s26+$0x0] =	vst v13  }
0x105: {  	v3 =	vadd.f32 v3, v11;
	[tilespmem:s12+$0x0] =	vst v1  }
0x106: {  	v1 =	vadd.f32 v4, v10;
	[tilespmem:s18+$0x0] =	vst v2  }
0x107: {  	v6 =	vadd.f32 v6, v15;
	[tilespmem:s9+$0x0] =	vst v3  }
0x108: {  	v4 =	vadd.f32 v9, v10;
	v2 =	vld [tilespmem:s16+$0x10000];
	[tilespmem:s23+$0x0] =	vst v1  }
0x109: {  	v3 =	vadd.f32 v7, v10;
	v1 =	vld [tilespmem:s17+$0x10000];
	[tilespmem:s13+$0x0] =	vst v6  }
0x10a: {  	[tilespmem:s22+$0x0] =	vst v4;
	v4 =	vadd.f32 v8, v15  }
0x10b: {  	[tilespmem:s15+$0x0] =	vst v3;
	v3 =	vadd.f32 v5, v15  }
0x10c: {  	v5 =	vadd.f32 v12, v11;
	[tilespmem:s8+$0x0] =	vst v4  }
0x10d: {  	v0 =	vadd.f32 v14, v0;
	[tilespmem:s11+$0x0] =	vst v3  }
0x10e: {  	v2 =	vadd.f32 v2, v10;
	[tilespmem:s14+$0x10000] =	vst v5  }
0x10f: {  	v1 =	vadd.f32 v1, v15;
	[tilespmem:s6+$0x10000] =	vst v0  }
0x110: {  	[tilespmem:s16+$0x10000] =	vst v2  }
0x111: {  	[tilespmem:s17+$0x10000] =	vst v1  }
0x112: {  	s0 =	sld [smem:$0x7D4]  }
0x113: {  	s2 =	simm.s32 $0x2000  }
0x114: {  	s3 =	simm.s32 $0x400000;
	s1 =	simm.s32 $0x10000;
	s14 =	simm.s32 $0x8  }
0x115: {  	[hbm4b:s0+s2] =	stream.strided.scatter [tilespmem:s1], [sflag:$0x6], $0x8000, s3, s2, $0x38;
	[tilespmem:$0x1C000] =	vst v63  }
0x116: {  	_ =	swait.ge [sflag:s14], $0x2000  }
0x117: {  	[sflag:s14] =	ssyncset.done $0x0  }
0x118: {  	s15 =	simm.s32 $0x1;
	[sflag:s14] =	ssyncadd.s32 $0xFFFFE000  }
0x119: {  	_ =	swait.ge [sflag:s15], $0x8000  }
0x11a: {  	[sflag:s15] =	ssyncset.done $0x0  }
0x11b: {  	s7 =	simm.s32 $0x0;
	s16 =	simm.s32 $0x5;
	[sflag:s15] =	ssyncadd.s32 $0xFFFF8000  }
0x11c: {  	s21 =	sand.u32 $0x40, s7;
	_ =	swait.ge [sflag:s16], $0x8000  }
0x11d: {  	s24 =	sand.u32 $0x380, s7;
	s25 =	sor.u32 $0x30, s21;
	s17 =	sld [smem:$0x7D5]  }
0x11e: {  	s18 =	simm.s32 $0x18000;
	s23 =	sand.u32 $0x1C00, s7;
	[sflag:s16] =	ssyncset.done $0x0  }
0x11f: {  	s1 =	sor.u32 s24, s23;
	s19 =	sld [smem:$0x7D6];
	[sflag:s16] =	ssyncadd.s32 $0xFFFF8000  }
0x120: {  	[tilespmem:s18], [sflag:$0x7] =	stream.linear.gather [hbm4b:s17+s7], $0x2000, $0x38;
	[tilespmem:$0x1C000] =	vst v63  }
0x121: {  	s20 =	simm.s32 $0x8000;
	s26 =	sor.u32 $0x6000, s1;
	s6 =	sor.u32 s25, s1  }
0x122: {  	[tilespmem:s20], [sflag:$0x2] =	stream.strided.gather [hbm4b:s19+s2], $0x8000, s3, s2, $0x38;
	[tilespmem:$0x1C000] =	vst v63  }
0x123: {  	s4 =	sor.u32 $0x2000, s1;
	s5 =	sor.u32 s25, s26;
	v0 =	vld [tilespmem:s6+$0x1A000]  }
0x124: {  	s29 =	sor.u32 $0x4000, s1;
	s12 =	sor.u32 s21, s4;
	v5 =	vld [tilespmem:s5+$0x0]  }
0x125: {  	s18 =	sor.u32 s21, s29;
	v1 =	vld [tilespmem:s12+$0x0]  }
0x126: {  	s30 =	sor.u32 $0x10, s21;
	s9 =	sor.u32 s21, s26;
	v2 =	vld [tilespmem:s18+$0x0]  }
0x127: {  	s23 =	sor.u32 s30, s4;
	v3 =	vld [tilespmem:s9+$0x0]  }
0x128: {  	s22 =	sor.u32 s30, s29;
	v4 =	vld [tilespmem:s23+$0x0]  }
0x129: {  	s31 =	sor.u32 $0x20, s21;
	s15 =	sor.u32 s30, s26;
	v9 =	vld [tilespmem:s22+$0x0]  }
0x12a: {  	s13 =	sor.u32 s31, s4;
	v7 =	vld [tilespmem:s15+$0x0]  }
0x12b: {  	s8 =	sor.u32 s31, s29;
	v6 =	vld [tilespmem:s13+$0x0]  }
0x12c: {  	s14 =	sor.u32 s21, s1;
	v8 =	vld [tilespmem:s8+$0x0]  }
0x12d: {  	v11 =	vld [tilespmem:s14+$0x1A000]  }
0x12e: {  	s16 =	sor.u32 s30, s1;
	v12 =	vld [tilespmem:s14+$0x0];
	v5 =	vadd.f32 v5, v0  }
0x12f: {  	s11 =	sor.u32 s31, s26;
	v10 =	vld [tilespmem:s16+$0x1A000]  }
0x130: {  	s28 =	sor.u32 s25, s4;
	[tilespmem:s5+$0x0] =	vst v5;
	v5 =	vld [tilespmem:s11+$0x0]  }
0x131: {  	s26 =	sor.u32 s25, s29;
	s17 =	sor.u32 s31, s1;
	v14 =	vld [tilespmem:s28+$0x0]  }
0x132: {  	s1 =	simm.s32 $0x40;
	s21 =	simm.s32 $0x0;
	s20 =	simm.s32 $0x0;
	v13 =	vld [tilespmem:s26+$0x0]  }
.LBB2_8:
0x133: {  	_ =	sdelay $0x1  }
0x134: {  	s7 =	sadd.s32 $0x8, s7;
	s21 =	sadd.s32 $0x200, s21  }
0x135: {  	v15 =	vld [tilespmem:s16+$0x0];
	s0 =	sand.u32 $0x1C00, s21;
	s2 =	sand.u32 $0x380, s7;
	v14 =	vadd.f32 v14, v0  }
0x136: {  	s5 =	sand.u32 $0x40, s1;
	v16 =	vld [tilespmem:s17+$0x1A000];
	s0 =	sor.u32 s2, s0;
	v13 =	vadd.f32 v13, v0  }
0x137: {  	v17 =	vld [tilespmem:s17+$0x0];
	s2 =	sor.u32 $0x30, s5;
	s4 =	sor.u32 $0x6000, s0;
	v1 =	vadd.f32 v1, v11;
	v2 =	vadd.f32 v2, v11;
	[tilespmem:s28+$0x0] =	vst v14  }
0x138: {  	v12 =	vadd.f32 v12, v11;
	v3 =	vadd.f32 v3, v11;
	v11 =	vld [tilespmem:s6+$0x0];
	s24 =	sor.u32 s2, s4;
	[tilespmem:s26+$0x0] =	vst v13  }
0x139: {  	[dreg:$0x7] =	wrdreg s8;
	s3 =	sor.u32 $0x2000, s0;
	s31 =	sor.u32 s2, s0;
	[tilespmem:s12+$0x0] =	vst v1;
	v14 =	vld [tilespmem:s24+$0x0]  }
0x13a: {  	s8 =	smov.u32 s22;
	s22 =	sor.u32 $0x4000, s0;
	v9 =	vadd.f32 v9, v10;
	s12 =	sor.u32 s5, s3;
	[tilespmem:s18+$0x0] =	vst v2;
	v13 =	vld [tilespmem:s31+$0x1A000]  }
0x13b: {  	v4 =	vadd.f32 v4, v10;
	s18 =	sor.u32 s5, s22;
	[tilespmem:s9+$0x0] =	vst v3;
	v1 =	vld [tilespmem:s12+$0x0]  }
0x13c: {  	v7 =	vadd.f32 v7, v10;
	s26 =	smov.u32 s23;
	s23 =	sor.u32 $0x10, s5;
	s9 =	sor.u32 s5, s4;
	[tilespmem:s8+$0x0] =	vst v9;
	v2 =	vld [tilespmem:s18+$0x0]  }
0x13d: {  	[dreg:$0x16] =	wrdreg s6;
	s25 =	sor.u32 $0x20, s5;
	v6 =	vadd.f32 v6, v16;
	s29 =	sor.u32 s23, s3;
	[tilespmem:s26+$0x0] =	vst v4;
	v3 =	vld [tilespmem:s9+$0x0]  }
0x13e: {  	s20 =	sadd.s32 $0x4, s20;
	s6 =	sor.u32 s25, s3;
	[tilespmem:s15+$0x0] =	vst v7;
	s30 =	sor.u32 s23, s22;
	v4 =	vld [tilespmem:s29+$0x0]  }
0x13f: {  	p0 =	slt.u32 s20, $0x1FC;
	v5 =	vadd.f32 v5, v16;
	s10 =	sor.u32 s23, s4;
	[tilespmem:s13+$0x0] =	vst v6;
	s13 =	smov.u32 s6;
	v9 =	vld [tilespmem:s30+$0x0]  }
0x140: {  	v15 =	vadd.f32 v15, v10;
	s28 =	sor.u32 s2, s3;
	[tilespmem:s14+$0x0] =	vst v12;
	s4 =	sor.u32 s25, s4;
	s15 =	smov.u32 s10;
	v6 =	vld [tilespmem:s13+$0x0]  }
0x141: {  	v10 =	vadd.f32 v17, v16;
	s26 =	sor.u32 s2, s22;
	s2 =	sor.u32 s5, s0;
	[tilespmem:s11+$0x0] =	vst v5;
	s11 =	smov.u32 s4;
	v7 =	vld [tilespmem:s15+$0x0]  }
0x142: {  	s19 =	sor.u32 s25, s22;
	v8 =	vadd.f32 v8, v16;
	s3 =	sor.u32 s23, s0;
	[tilespmem:s16+$0x0] =	vst v15;
	s14 =	smov.u32 s2;
	v5 =	vld [tilespmem:s11+$0x0]  }
0x143: {  	[tilespmem:s17+$0x0] =	vst v10;
	s23 =	smov.u32 s29;
	s29 =	rddreg [dreg:$0x7];
	s16 =	smov.u32 s3;
	v12 =	vld [tilespmem:s14+$0x0]  }
.Ltmp3:
0x144: {  	s8 =	smov.u32 s19;
	[tilespmem:s29+$0x0] =	vst v8;
	v10 =	vld [tilespmem:s16+$0x1A000];
	(pc) =	sbr.rel @p0 .LBB2_8-.Ltmp3, $4  }
0x145: {  	v63 =	vadd.f32 v11, v0;
	v8 =	vld [tilespmem:s8+$0x0];
	v0 =	vmov v13  }
0x146: {  	s22 =	smov.u32 s30;
	s30 =	rddreg [dreg:$0x16];
	v13 =	vld [tilespmem:s26+$0x0];
	v11 =	vadd.f32 v14, v0  }
0x147: {  	s0 =	sor.u32 s25, s0;
	[tilespmem:s30+$0x0] =	vst v63;
	v14 =	vld [tilespmem:s28+$0x0]  }
0x148: {  	s1 =	sadd.s32 $0x40, s1;
	s6 =	smov.u32 s31;
	s17 =	smov.u32 s0;
	[tilespmem:s24+$0x0] =	vst v11;
	v11 =	vld [tilespmem:s14+$0x1A000]  }
0x149: {  	_ =	sdelay $0x2  }
0x14a: {  	v14 =	vadd.f32 v14, v0  }
0x14b: {  	v15 =	vld [tilespmem:s17+$0x1A000];
	v13 =	vadd.f32 v13, v0  }
0x14c: {  	v1 =	vadd.f32 v1, v11;
	[tilespmem:s28+$0x0] =	vst v14  }
0x14d: {  	v2 =	vadd.f32 v2, v11;
	v14 =	vld [tilespmem:s6+$0x0];
	[tilespmem:s26+$0x0] =	vst v13  }
0x14e: {  	v3 =	vadd.f32 v3, v11;
	[tilespmem:s12+$0x0] =	vst v1  }
0x14f: {  	v1 =	vadd.f32 v4, v10;
	[tilespmem:s18+$0x0] =	vst v2  }
0x150: {  	v6 =	vadd.f32 v6, v15;
	[tilespmem:s9+$0x0] =	vst v3  }
0x151: {  	v4 =	vadd.f32 v9, v10;
	v2 =	vld [tilespmem:s16+$0x0];
	[tilespmem:s23+$0x0] =	vst v1  }
0x152: {  	v3 =	vadd.f32 v7, v10;
	v1 =	vld [tilespmem:s17+$0x0];
	[tilespmem:s13+$0x0] =	vst v6  }
0x153: {  	[tilespmem:s22+$0x0] =	vst v4;
	v4 =	vadd.f32 v8, v15  }
0x154: {  	[tilespmem:s15+$0x0] =	vst v3;
	v3 =	vadd.f32 v5, v15  }
0x155: {  	v5 =	vadd.f32 v12, v11;
	[tilespmem:s8+$0x0] =	vst v4  }
0x156: {  	v0 =	vadd.f32 v14, v0;
	[tilespmem:s11+$0x0] =	vst v3  }
0x157: {  	v2 =	vadd.f32 v2, v10;
	[tilespmem:s14+$0x0] =	vst v5  }
0x158: {  	v1 =	vadd.f32 v1, v15;
	[tilespmem:s6+$0x0] =	vst v0  }
0x159: {  	[tilespmem:s16+$0x0] =	vst v2  }
0x15a: {  	[tilespmem:s17+$0x0] =	vst v1  }
0x15b: {  	s0 =	sld [smem:$0x7D7]  }
0x15c: {  	s7 =	simm.s32 $0x0  }
0x15d: {  	s1 =	simm.s32 $0x2000;
	s2 =	simm.s32 $0x400000;
	s15 =	simm.s32 $0x7  }
0x15e: {  	[hbm4b:s0+s1] =	stream.strided.scatter [tilespmem:s7], [sflag:$0x4], $0x8000, s2, s1, $0x38;
	[tilespmem:$0x1C000] =	vst v63  }
0x15f: {  	_ =	swait.ge [sflag:s15], $0x2000  }
0x160: {  	[sflag:s15] =	ssyncset.done $0x0  }
0x161: {  	s16 =	simm.s32 $0x2;
	[sflag:s15] =	ssyncadd.s32 $0xFFFFE000  }
0x162: {  	_ =	swait.ge [sflag:s16], $0x8000  }
0x163: {  	[sflag:s16] =	ssyncset.done $0x0  }
0x164: {  	s17 =	simm.s32 $0x6;
	[sflag:s16] =	ssyncadd.s32 $0xFFFF8000  }
0x165: {  	_ =	swait.ge [sflag:s17], $0x8000  }
0x166: {  	s18 =	sld [smem:$0x7D8]  }
0x167: {  	s3 =	simm.s32 $0x1A000;
	[sflag:s17] =	ssyncset.done $0x0  }
0x168: {  	s20 =	simm.s32 $0x10000;
	s19 =	sld [smem:$0x7D9];
	[sflag:s17] =	ssyncadd.s32 $0xFFFF8000  }
0x169: {  	[tilespmem:s3], [sflag:$0x8] =	stream.linear.gather [hbm4b:s18+s7], $0x2000, $0x38;
	[tilespmem:$0x1C000] =	vst v63  }
0x16a: {  	s21 =	sand.u32 $0x40, s7;
	s24 =	sand.u32 $0x380, s7;
	s23 =	sand.u32 $0x1C00, s7  }
0x16b: {  	[tilespmem:s20], [sflag:$0x3] =	stream.strided.gather [hbm4b:s19+s1], $0x8000, s2, s1, $0x38;
	[tilespmem:$0x1C000] =	vst v63  }
0x16c: {  	s25 =	sor.u32 $0x30, s21;
	s1 =	sor.u32 s24, s23  }
0x16d: {  	s6 =	sor.u32 s25, s1  }
0x16e: {  	s14 =	sor.u32 s21, s1;
	v0 =	vld [tilespmem:s6+$0x18000]  }
0x16f: {  	s30 =	sor.u32 $0x10, s21;
	v11 =	vld [tilespmem:s14+$0x18000]  }
0x170: {  	s26 =	sor.u32 $0xE000, s1;
	s16 =	sor.u32 s30, s1;
	v12 =	vld [tilespmem:s14+$0x8000]  }
0x171: {  	s4 =	sor.u32 $0xA000, s1;
	s5 =	sor.u32 s25, s26;
	v10 =	vld [tilespmem:s16+$0x18000]  }
0x172: {  	s29 =	sor.u32 $0xC000, s1;
	s12 =	sor.u32 s21, s4;
	v5 =	vld [tilespmem:s5+$0x0]  }
0x173: {  	s18 =	sor.u32 s21, s29;
	v1 =	vld [tilespmem:s12+$0x0]  }
0x174: {  	s9 =	sor.u32 s21, s26;
	v2 =	vld [tilespmem:s18+$0x0]  }
0x175: {  	s23 =	sor.u32 s30, s4;
	v3 =	vld [tilespmem:s9+$0x0]  }
0x176: {  	s22 =	sor.u32 s30, s29;
	v4 =	vld [tilespmem:s23+$0x0]  }
0x177: {  	s31 =	sor.u32 $0x20, s21;
	s15 =	sor.u32 s30, s26;
	v9 =	vld [tilespmem:s22+$0x0]  }
0x178: {  	s13 =	sor.u32 s31, s4;
	v7 =	vld [tilespmem:s15+$0x0]  }
0x179: {  	s8 =	sor.u32 s31, s29;
	v6 =	vld [tilespmem:s13+$0x0];
	v5 =	vadd.f32 v5, v0  }
0x17a: {  	s11 =	sor.u32 s31, s26;
	v8 =	vld [tilespmem:s8+$0x0]  }
0x17b: {  	s28 =	sor.u32 s25, s4;
	[tilespmem:s5+$0x0] =	vst v5;
	v5 =	vld [tilespmem:s11+$0x0]  }
0x17c: {  	s20 =	simm.s32 $0x0;
	s26 =	sor.u32 s25, s29;
	v14 =	vld [tilespmem:s28+$0x0]  }
0x17d: {  	s17 =	sor.u32 s31, s1;
	s1 =	simm.s32 $0x40;
	s21 =	simm.s32 $0x0;
	v13 =	vld [tilespmem:s26+$0x0]  }
.LBB2_10:
0x17e: {  	_ =	sdelay $0x1  }
0x17f: {  	s7 =	sadd.s32 $0x8, s7;
	s21 =	sadd.s32 $0x200, s21  }
0x180: {  	v15 =	vld [tilespmem:s16+$0x8000];
	s0 =	sand.u32 $0x1C00, s21;
	s2 =	sand.u32 $0x380, s7;
	v14 =	vadd.f32 v14, v0  }
0x181: {  	s5 =	sand.u32 $0x40, s1;
	v16 =	vld [tilespmem:s17+$0x18000];
	s0 =	sor.u32 s2, s0;
	v13 =	vadd.f32 v13, v0  }
0x182: {  	v17 =	vld [tilespmem:s17+$0x8000];
	s2 =	sor.u32 $0x30, s5;
	s4 =	sor.u32 $0xE000, s0;
	v1 =	vadd.f32 v1, v11;
	v2 =	vadd.f32 v2, v11;
	[tilespmem:s28+$0x0] =	vst v14  }
0x183: {  	v12 =	vadd.f32 v12, v11;
	v3 =	vadd.f32 v3, v11;
	v11 =	vld [tilespmem:s6+$0x8000];
	s24 =	sor.u32 s2, s4;
	[tilespmem:s26+$0x0] =	vst v13  }
0x184: {  	[dreg:$0x8] =	wrdreg s8;
	s3 =	sor.u32 $0xA000, s0;
	s31 =	sor.u32 s2, s0;
	[tilespmem:s12+$0x0] =	vst v1;
	v14 =	vld [tilespmem:s24+$0x0]  }
0x185: {  	s8 =	smov.u32 s22;
	s22 =	sor.u32 $0xC000, s0;
	v9 =	vadd.f32 v9, v10;
	s12 =	sor.u32 s5, s3;
	[tilespmem:s18+$0x0] =	vst v2;
	v13 =	vld [tilespmem:s31+$0x18000]  }
0x186: {  	v4 =	vadd.f32 v4, v10;
	s18 =	sor.u32 s5, s22;
	[tilespmem:s9+$0x0] =	vst v3;
	v1 =	vld [tilespmem:s12+$0x0]  }
0x187: {  	v7 =	vadd.f32 v7, v10;
	s26 =	smov.u32 s23;
	s23 =	sor.u32 $0x10, s5;
	s9 =	sor.u32 s5, s4;
	[tilespmem:s8+$0x0] =	vst v9;
	v2 =	vld [tilespmem:s18+$0x0]  }
0x188: {  	[dreg:$0x17] =	wrdreg s6;
	s25 =	sor.u32 $0x20, s5;
	v6 =	vadd.f32 v6, v16;
	s29 =	sor.u32 s23, s3;
	[tilespmem:s26+$0x0] =	vst v4;
	v3 =	vld [tilespmem:s9+$0x0]  }
0x189: {  	s20 =	sadd.s32 $0x4, s20;
	s6 =	sor.u32 s25, s3;
	[tilespmem:s15+$0x0] =	vst v7;
	s30 =	sor.u32 s23, s22;
	v4 =	vld [tilespmem:s29+$0x0]  }
0x18a: {  	p0 =	slt.u32 s20, $0x1FC;
	v5 =	vadd.f32 v5, v16;
	s10 =	sor.u32 s23, s4;
	[tilespmem:s13+$0x0] =	vst v6;
	s13 =	smov.u32 s6;
	v9 =	vld [tilespmem:s30+$0x0]  }
0x18b: {  	v15 =	vadd.f32 v15, v10;
	s28 =	sor.u32 s2, s3;
	[tilespmem:s14+$0x8000] =	vst v12;
	s4 =	sor.u32 s25, s4;
	s15 =	smov.u32 s10;
	v6 =	vld [tilespmem:s13+$0x0]  }
0x18c: {  	v10 =	vadd.f32 v17, v16;
	s26 =	sor.u32 s2, s22;
	s2 =	sor.u32 s5, s0;
	[tilespmem:s11+$0x0] =	vst v5;
	s11 =	smov.u32 s4;
	v7 =	vld [tilespmem:s15+$0x0]  }
0x18d: {  	s19 =	sor.u32 s25, s22;
	v8 =	vadd.f32 v8, v16;
	s3 =	sor.u32 s23, s0;
	[tilespmem:s16+$0x8000] =	vst v15;
	s14 =	smov.u32 s2;
	v5 =	vld [tilespmem:s11+$0x0]  }
0x18e: {  	[tilespmem:s17+$0x8000] =	vst v10;
	s23 =	smov.u32 s29;
	s29 =	rddreg [dreg:$0x8];
	s16 =	smov.u32 s3;
	v12 =	vld [tilespmem:s14+$0x8000]  }
.Ltmp4:
0x18f: {  	s8 =	smov.u32 s19;
	[tilespmem:s29+$0x0] =	vst v8;
	v10 =	vld [tilespmem:s16+$0x18000];
	(pc) =	sbr.rel @p0 .LBB2_10-.Ltmp4, $4  }
0x190: {  	v63 =	vadd.f32 v11, v0;
	v8 =	vld [tilespmem:s8+$0x0];
	v0 =	vmov v13  }
0x191: {  	s22 =	smov.u32 s30;
	s30 =	rddreg [dreg:$0x17];
	v13 =	vld [tilespmem:s26+$0x0];
	v11 =	vadd.f32 v14, v0  }
0x192: {  	s0 =	sor.u32 s25, s0;
	[tilespmem:s30+$0x8000] =	vst v63;
	v14 =	vld [tilespmem:s28+$0x0]  }
0x193: {  	s1 =	sadd.s32 $0x40, s1;
	s6 =	smov.u32 s31;
	s17 =	smov.u32 s0;
	[tilespmem:s24+$0x0] =	vst v11;
	v11 =	vld [tilespmem:s14+$0x18000]  }
0x194: {  	_ =	sdelay $0x2  }
0x195: {  	v14 =	vadd.f32 v14, v0  }
0x196: {  	v15 =	vld [tilespmem:s17+$0x18000];
	v13 =	vadd.f32 v13, v0  }
0x197: {  	v1 =	vadd.f32 v1, v11;
	[tilespmem:s28+$0x0] =	vst v14  }
0x198: {  	v2 =	vadd.f32 v2, v11;
	v14 =	vld [tilespmem:s6+$0x8000];
	[tilespmem:s26+$0x0] =	vst v13  }
0x199: {  	v3 =	vadd.f32 v3, v11;
	[tilespmem:s12+$0x0] =	vst v1  }
0x19a: {  	v1 =	vadd.f32 v4, v10;
	[tilespmem:s18+$0x0] =	vst v2  }
0x19b: {  	v6 =	vadd.f32 v6, v15;
	[tilespmem:s9+$0x0] =	vst v3  }
0x19c: {  	v4 =	vadd.f32 v9, v10;
	v2 =	vld [tilespmem:s16+$0x8000];
	[tilespmem:s23+$0x0] =	vst v1  }
0x19d: {  	v3 =	vadd.f32 v7, v10;
	v1 =	vld [tilespmem:s17+$0x8000];
	[tilespmem:s13+$0x0] =	vst v6  }
0x19e: {  	[tilespmem:s22+$0x0] =	vst v4;
	v4 =	vadd.f32 v8, v15  }
0x19f: {  	[tilespmem:s15+$0x0] =	vst v3;
	v3 =	vadd.f32 v5, v15  }
0x1a0: {  	v5 =	vadd.f32 v12, v11;
	[tilespmem:s8+$0x0] =	vst v4  }
0x1a1: {  	v0 =	vadd.f32 v14, v0;
	[tilespmem:s11+$0x0] =	vst v3  }
0x1a2: {  	v2 =	vadd.f32 v2, v10;
	[tilespmem:s14+$0x8000] =	vst v5  }
0x1a3: {  	v1 =	vadd.f32 v1, v15;
	[tilespmem:s6+$0x8000] =	vst v0  }
0x1a4: {  	[tilespmem:s16+$0x8000] =	vst v2  }
0x1a5: {  	[tilespmem:s17+$0x8000] =	vst v1  }
0x1a6: {  	s0 =	sld [smem:$0x7DA]  }
0x1a7: {  	s2 =	simm.s32 $0x2000  }
0x1a8: {  	s3 =	simm.s32 $0x400000;
	s1 =	simm.s32 $0x8000;
	s15 =	simm.s32 $0x8  }
0x1a9: {  	[hbm4b:s0+s2] =	stream.strided.scatter [tilespmem:s1], [sflag:$0x5], $0x8000, s3, s2, $0x38;
	[tilespmem:$0x1C000] =	vst v63  }
0x1aa: {  	_ =	swait.ge [sflag:s15], $0x2000  }
0x1ab: {  	[sflag:s15] =	ssyncset.done $0x0  }
0x1ac: {  	s16 =	simm.s32 $0x3;
	[sflag:s15] =	ssyncadd.s32 $0xFFFFE000  }
0x1ad: {  	_ =	swait.ge [sflag:s16], $0x8000  }
0x1ae: {  	[sflag:s16] =	ssyncset.done $0x0  }
0x1af: {  	s17 =	simm.s32 $0x4;
	[sflag:s16] =	ssyncadd.s32 $0xFFFF8000  }
0x1b0: {  	s7 =	simm.s32 $0x0;
	s19 =	simm.s32 $0x18000;
	_ =	swait.ge [sflag:s17], $0x8000  }
0x1b1: {  	s21 =	sand.u32 $0x40, s7;
	s24 =	sand.u32 $0x380, s7;
	s18 =	sld [smem:$0x7DB]  }
0x1b2: {  	s25 =	sor.u32 $0x30, s21;
	s23 =	sand.u32 $0x1C00, s7;
	[sflag:s17] =	ssyncset.done $0x0  }
0x1b3: {  	s1 =	sor.u32 s24, s23;
	s20 =	sld [smem:$0x7DC];
	[sflag:s17] =	ssyncadd.s32 $0xFFFF8000  }
0x1b4: {  	[tilespmem:s19], [sflag:$0x7] =	stream.linear.gather [hbm4b:s18+s7], $0x2000, $0x38;
	[tilespmem:$0x1C000] =	vst v63  }
0x1b5: {  	s26 =	sor.u32 $0x16000, s1;
	s6 =	sor.u32 s25, s1  }
0x1b6: {  	[tilespmem:s7], [sflag:$0x1] =	stream.strided.gather [hbm4b:s20+s2], $0x8000, s3, s2, $0x38;
	[tilespmem:$0x1C000] =	vst v63  }
0x1b7: {  	s4 =	sor.u32 $0x12000, s1;
	s5 =	sor.u32 s25, s26;
	v0 =	vld [tilespmem:s6+$0x1A000]  }
0x1b8: {  	s29 =	sor.u32 $0x14000, s1;
	s12 =	sor.u32 s21, s4;
	v5 =	vld [tilespmem:s5+$0x0]  }
0x1b9: {  	s18 =	sor.u32 s21, s29;
	v1 =	vld [tilespmem:s12+$0x0]  }
0x1ba: {  	s30 =	sor.u32 $0x10, s21;
	s9 =	sor.u32 s21, s26;
	v2 =	vld [tilespmem:s18+$0x0]  }
0x1bb: {  	s23 =	sor.u32 s30, s4;
	v3 =	vld [tilespmem:s9+$0x0]  }
0x1bc: {  	s22 =	sor.u32 s30, s29;
	v4 =	vld [tilespmem:s23+$0x0]  }
0x1bd: {  	s31 =	sor.u32 $0x20, s21;
	s15 =	sor.u32 s30, s26;
	v9 =	vld [tilespmem:s22+$0x0]  }
0x1be: {  	s13 =	sor.u32 s31, s4;
	v7 =	vld [tilespmem:s15+$0x0]  }
0x1bf: {  	s8 =	sor.u32 s31, s29;
	v6 =	vld [tilespmem:s13+$0x0]  }
0x1c0: {  	s14 =	sor.u32 s21, s1;
	v8 =	vld [tilespmem:s8+$0x0]  }
0x1c1: {  	v11 =	vld [tilespmem:s14+$0x1A000]  }
0x1c2: {  	s16 =	sor.u32 s30, s1;
	v12 =	vld [tilespmem:s14+$0x10000];
	v5 =	vadd.f32 v5, v0  }
0x1c3: {  	s11 =	sor.u32 s31, s26;
	v10 =	vld [tilespmem:s16+$0x1A000]  }
0x1c4: {  	s28 =	sor.u32 s25, s4;
	[tilespmem:s5+$0x0] =	vst v5;
	v5 =	vld [tilespmem:s11+$0x0]  }
0x1c5: {  	s26 =	sor.u32 s25, s29;
	s17 =	sor.u32 s31, s1;
	v14 =	vld [tilespmem:s28+$0x0]  }
0x1c6: {  	s1 =	simm.s32 $0x40;
	s21 =	simm.s32 $0x0;
	s20 =	simm.s32 $0x0;
	v13 =	vld [tilespmem:s26+$0x0]  }
.LBB2_12:
0x1c7: {  	_ =	sdelay $0x1  }
0x1c8: {  	s7 =	sadd.s32 $0x8, s7;
	s21 =	sadd.s32 $0x200, s21  }
0x1c9: {  	v15 =	vld [tilespmem:s16+$0x10000];
	s0 =	sand.u32 $0x1C00, s21;
	s2 =	sand.u32 $0x380, s7;
	v14 =	vadd.f32 v14, v0  }
0x1ca: {  	s5 =	sand.u32 $0x40, s1;
	v16 =	vld [tilespmem:s17+$0x1A000];
	s0 =	sor.u32 s2, s0;
	v13 =	vadd.f32 v13, v0  }
0x1cb: {  	v17 =	vld [tilespmem:s17+$0x10000];
	s2 =	sor.u32 $0x30, s5;
	s4 =	sor.u32 $0x16000, s0;
	v1 =	vadd.f32 v1, v11;
	v2 =	vadd.f32 v2, v11;
	[tilespmem:s28+$0x0] =	vst v14  }
0x1cc: {  	v12 =	vadd.f32 v12, v11;
	v3 =	vadd.f32 v3, v11;
	v11 =	vld [tilespmem:s6+$0x10000];
	s24 =	sor.u32 s2, s4;
	[tilespmem:s26+$0x0] =	vst v13  }
0x1cd: {  	[dreg:$0x9] =	wrdreg s8;
	s3 =	sor.u32 $0x12000, s0;
	s31 =	sor.u32 s2, s0;
	[tilespmem:s12+$0x0] =	vst v1;
	v14 =	vld [tilespmem:s24+$0x0]  }
0x1ce: {  	s8 =	smov.u32 s22;
	s22 =	sor.u32 $0x14000, s0;
	v9 =	vadd.f32 v9, v10;
	s12 =	sor.u32 s5, s3;
	[tilespmem:s18+$0x0] =	vst v2;
	v13 =	vld [tilespmem:s31+$0x1A000]  }
0x1cf: {  	v4 =	vadd.f32 v4, v10;
	s18 =	sor.u32 s5, s22;
	[tilespmem:s9+$0x0] =	vst v3;
	v1 =	vld [tilespmem:s12+$0x0]  }
0x1d0: {  	v7 =	vadd.f32 v7, v10;
	s26 =	smov.u32 s23;
	s23 =	sor.u32 $0x10, s5;
	s9 =	sor.u32 s5, s4;
	[tilespmem:s8+$0x0] =	vst v9;
	v2 =	vld [tilespmem:s18+$0x0]  }
0x1d1: {  	[dreg:$0x18] =	wrdreg s6;
	s25 =	sor.u32 $0x20, s5;
	v6 =	vadd.f32 v6, v16;
	s29 =	sor.u32 s23, s3;
	[tilespmem:s26+$0x0] =	vst v4;
	v3 =	vld [tilespmem:s9+$0x0]  }
0x1d2: {  	s20 =	sadd.s32 $0x4, s20;
	s6 =	sor.u32 s25, s3;
	[tilespmem:s15+$0x0] =	vst v7;
	s30 =	sor.u32 s23, s22;
	v4 =	vld [tilespmem:s29+$0x0]  }
0x1d3: {  	p0 =	slt.u32 s20, $0x1FC;
	v5 =	vadd.f32 v5, v16;
	s10 =	sor.u32 s23, s4;
	[tilespmem:s13+$0x0] =	vst v6;
	s13 =	smov.u32 s6;
	v9 =	vld [tilespmem:s30+$0x0]  }
0x1d4: {  	v15 =	vadd.f32 v15, v10;
	s28 =	sor.u32 s2, s3;
	[tilespmem:s14+$0x10000] =	vst v12;
	s4 =	sor.u32 s25, s4;
	s15 =	smov.u32 s10;
	v6 =	vld [tilespmem:s13+$0x0]  }
0x1d5: {  	v10 =	vadd.f32 v17, v16;
	s26 =	sor.u32 s2, s22;
	s2 =	sor.u32 s5, s0;
	[tilespmem:s11+$0x0] =	vst v5;
	s11 =	smov.u32 s4;
	v7 =	vld [tilespmem:s15+$0x0]  }
0x1d6: {  	s19 =	sor.u32 s25, s22;
	v8 =	vadd.f32 v8, v16;
	s3 =	sor.u32 s23, s0;
	[tilespmem:s16+$0x10000] =	vst v15;
	s14 =	smov.u32 s2;
	v5 =	vld [tilespmem:s11+$0x0]  }
0x1d7: {  	[tilespmem:s17+$0x10000] =	vst v10;
	s23 =	smov.u32 s29;
	s29 =	rddreg [dreg:$0x9];
	s16 =	smov.u32 s3;
	v12 =	vld [tilespmem:s14+$0x10000]  }
.Ltmp5:
0x1d8: {  	s8 =	smov.u32 s19;
	[tilespmem:s29+$0x0] =	vst v8;
	v10 =	vld [tilespmem:s16+$0x1A000];
	(pc) =	sbr.rel @p0 .LBB2_12-.Ltmp5, $4  }
0x1d9: {  	v63 =	vadd.f32 v11, v0;
	v8 =	vld [tilespmem:s8+$0x0];
	v0 =	vmov v13  }
0x1da: {  	s22 =	smov.u32 s30;
	s30 =	rddreg [dreg:$0x18];
	v13 =	vld [tilespmem:s26+$0x0];
	v11 =	vadd.f32 v14, v0  }
0x1db: {  	s0 =	sor.u32 s25, s0;
	[tilespmem:s30+$0x10000] =	vst v63;
	v14 =	vld [tilespmem:s28+$0x0]  }
0x1dc: {  	s1 =	sadd.s32 $0x40, s1;
	s6 =	smov.u32 s31;
	s17 =	smov.u32 s0;
	[tilespmem:s24+$0x0] =	vst v11;
	v11 =	vld [tilespmem:s14+$0x1A000]  }
0x1dd: {  	_ =	sdelay $0x2  }
0x1de: {  	v14 =	vadd.f32 v14, v0  }
0x1df: {  	v15 =	vld [tilespmem:s17+$0x1A000];
	v13 =	vadd.f32 v13, v0  }
0x1e0: {  	v1 =	vadd.f32 v1, v11;
	[tilespmem:s28+$0x0] =	vst v14  }
0x1e1: {  	v2 =	vadd.f32 v2, v11;
	v14 =	vld [tilespmem:s6+$0x10000];
	[tilespmem:s26+$0x0] =	vst v13  }
0x1e2: {  	v3 =	vadd.f32 v3, v11;
	[tilespmem:s12+$0x0] =	vst v1  }
0x1e3: {  	v1 =	vadd.f32 v4, v10;
	[tilespmem:s18+$0x0] =	vst v2  }
0x1e4: {  	v6 =	vadd.f32 v6, v15;
	[tilespmem:s9+$0x0] =	vst v3  }
0x1e5: {  	v4 =	vadd.f32 v9, v10;
	v2 =	vld [tilespmem:s16+$0x10000];
	[tilespmem:s23+$0x0] =	vst v1  }
0x1e6: {  	v3 =	vadd.f32 v7, v10;
	v1 =	vld [tilespmem:s17+$0x10000];
	[tilespmem:s13+$0x0] =	vst v6  }
0x1e7: {  	[tilespmem:s22+$0x0] =	vst v4;
	v4 =	vadd.f32 v8, v15  }
0x1e8: {  	[tilespmem:s15+$0x0] =	vst v3;
	v3 =	vadd.f32 v5, v15  }
0x1e9: {  	v5 =	vadd.f32 v12, v11;
	[tilespmem:s8+$0x0] =	vst v4  }
0x1ea: {  	v0 =	vadd.f32 v14, v0;
	[tilespmem:s11+$0x0] =	vst v3  }
0x1eb: {  	v2 =	vadd.f32 v2, v10;
	[tilespmem:s14+$0x10000] =	vst v5  }
0x1ec: {  	v1 =	vadd.f32 v1, v15;
	[tilespmem:s6+$0x10000] =	vst v0  }
0x1ed: {  	[tilespmem:s16+$0x10000] =	vst v2  }
0x1ee: {  	[tilespmem:s17+$0x10000] =	vst v1  }
0x1ef: {  	s0 =	sld [smem:$0x7DD]  }
0x1f0: {  	s1 =	simm.s32 $0x2000  }
0x1f1: {  	s2 =	simm.s32 $0x400000;
	s3 =	simm.s32 $0x10000;
	s14 =	simm.s32 $0x7  }
0x1f2: {  	[hbm4b:s0+s1] =	stream.strided.scatter [tilespmem:s3], [sflag:$0x6], $0x8000, s2, s1, $0x38;
	[tilespmem:$0x1C000] =	vst v63  }
0x1f3: {  	_ =	swait.ge [sflag:s14], $0x2000  }
0x1f4: {  	[sflag:s14] =	ssyncset.done $0x0  }
0x1f5: {  	s15 =	simm.s32 $0x1;
	[sflag:s14] =	ssyncadd.s32 $0xFFFFE000  }
0x1f6: {  	_ =	swait.ge [sflag:s15], $0x8000  }
0x1f7: {  	[sflag:s15] =	ssyncset.done $0x0  }
0x1f8: {  	s16 =	simm.s32 $0x5;
	[sflag:s15] =	ssyncadd.s32 $0xFFFF8000  }
0x1f9: {  	_ =	swait.ge [sflag:s16], $0x8000  }
0x1fa: {  	s17 =	sld [smem:$0x7DF]  }
0x1fb: {  	s7 =	simm.s32 $0x0;
	s20 =	simm.s32 $0x8000;
	[sflag:s16] =	ssyncset.done $0x0  }
0x1fc: {  	s18 =	simm.s32 $0x1A000;
	s19 =	sld [smem:$0x7E0];
	[sflag:s16] =	ssyncadd.s32 $0xFFFF8000  }
0x1fd: {  	[tilespmem:s18], [sflag:$0x8] =	stream.linear.gather [hbm4b:s17+s7], $0x2000, $0x38;
	[tilespmem:$0x1C000] =	vst v63  }
0x1fe: {  	s21 =	sand.u32 $0x40, s7;
	s24 =	sand.u32 $0x380, s7;
	s23 =	sand.u32 $0x1C00, s7  }
0x1ff: {  	[tilespmem:s20], [sflag:$0x2] =	stream.strided.gather [hbm4b:s19+s1], $0x8000, s2, s1, $0x38;
	[tilespmem:$0x1C000] =	vst v63  }
0x200: {  	s25 =	sor.u32 $0x30, s21;
	s1 =	sor.u32 s24, s23  }
0x201: {  	s6 =	sor.u32 s25, s1  }
0x202: {  	s14 =	sor.u32 s21, s1;
	v0 =	vld [tilespmem:s6+$0x18000]  }
0x203: {  	s30 =	sor.u32 $0x10, s21;
	v11 =	vld [tilespmem:s14+$0x18000]  }
0x204: {  	s26 =	sor.u32 $0x6000, s1;
	s16 =	sor.u32 s30, s1;
	v12 =	vld [tilespmem:s14+$0x0]  }
0x205: {  	s4 =	sor.u32 $0x2000, s1;
	s5 =	sor.u32 s25, s26;
	v10 =	vld [tilespmem:s16+$0x18000]  }
0x206: {  	s29 =	sor.u32 $0x4000, s1;
	s12 =	sor.u32 s21, s4;
	v5 =	vld [tilespmem:s5+$0x0]  }
0x207: {  	s18 =	sor.u32 s21, s29;
	v1 =	vld [tilespmem:s12+$0x0]  }
0x208: {  	s9 =	sor.u32 s21, s26;
	v2 =	vld [tilespmem:s18+$0x0]  }
0x209: {  	s23 =	sor.u32 s30, s4;
	v3 =	vld [tilespmem:s9+$0x0]  }
0x20a: {  	s22 =	sor.u32 s30, s29;
	v4 =	vld [tilespmem:s23+$0x0]  }
0x20b: {  	s31 =	sor.u32 $0x20, s21;
	s15 =	sor.u32 s30, s26;
	v9 =	vld [tilespmem:s22+$0x0]  }
0x20c: {  	s13 =	sor.u32 s31, s4;
	v7 =	vld [tilespmem:s15+$0x0]  }
0x20d: {  	s8 =	sor.u32 s31, s29;
	v6 =	vld [tilespmem:s13+$0x0];
	v5 =	vadd.f32 v5, v0  }
0x20e: {  	s11 =	sor.u32 s31, s26;
	v8 =	vld [tilespmem:s8+$0x0]  }
0x20f: {  	s28 =	sor.u32 s25, s4;
	[tilespmem:s5+$0x0] =	vst v5;
	v5 =	vld [tilespmem:s11+$0x0]  }
0x210: {  	s20 =	simm.s32 $0x0;
	s26 =	sor.u32 s25, s29;
	v14 =	vld [tilespmem:s28+$0x0]  }
0x211: {  	s17 =	sor.u32 s31, s1;
	s1 =	simm.s32 $0x40;
	s21 =	simm.s32 $0x0;
	v13 =	vld [tilespmem:s26+$0x0]  }
.LBB2_14:
0x212: {  	_ =	sdelay $0x1  }
0x213: {  	s7 =	sadd.s32 $0x8, s7;
	s21 =	sadd.s32 $0x200, s21  }
0x214: {  	v15 =	vld [tilespmem:s16+$0x0];
	s0 =	sand.u32 $0x1C00, s21;
	s2 =	sand.u32 $0x380, s7;
	v14 =	vadd.f32 v14, v0  }
0x215: {  	s5 =	sand.u32 $0x40, s1;
	v16 =	vld [tilespmem:s17+$0x18000];
	s0 =	sor.u32 s2, s0;
	v13 =	vadd.f32 v13, v0  }
0x216: {  	v17 =	vld [tilespmem:s17+$0x0];
	s2 =	sor.u32 $0x30, s5;
	s4 =	sor.u32 $0x6000, s0;
	v1 =	vadd.f32 v1, v11;
	v2 =	vadd.f32 v2, v11;
	[tilespmem:s28+$0x0] =	vst v14  }
0x217: {  	v12 =	vadd.f32 v12, v11;
	v3 =	vadd.f32 v3, v11;
	v11 =	vld [tilespmem:s6+$0x0];
	s24 =	sor.u32 s2, s4;
	[tilespmem:s26+$0x0] =	vst v13  }
0x218: {  	[dreg:$0xa] =	wrdreg s8;
	s3 =	sor.u32 $0x2000, s0;
	s31 =	sor.u32 s2, s0;
	[tilespmem:s12+$0x0] =	vst v1;
	v14 =	vld [tilespmem:s24+$0x0]  }
0x219: {  	s8 =	smov.u32 s22;
	s22 =	sor.u32 $0x4000, s0;
	v9 =	vadd.f32 v9, v10;
	s12 =	sor.u32 s5, s3;
	[tilespmem:s18+$0x0] =	vst v2;
	v13 =	vld [tilespmem:s31+$0x18000]  }
0x21a: {  	v4 =	vadd.f32 v4, v10;
	s18 =	sor.u32 s5, s22;
	[tilespmem:s9+$0x0] =	vst v3;
	v1 =	vld [tilespmem:s12+$0x0]  }
0x21b: {  	v7 =	vadd.f32 v7, v10;
	s26 =	smov.u32 s23;
	s23 =	sor.u32 $0x10, s5;
	s9 =	sor.u32 s5, s4;
	[tilespmem:s8+$0x0] =	vst v9;
	v2 =	vld [tilespmem:s18+$0x0]  }
0x21c: {  	[dreg:$0x19] =	wrdreg s6;
	s25 =	sor.u32 $0x20, s5;
	v6 =	vadd.f32 v6, v16;
	s29 =	sor.u32 s23, s3;
	[tilespmem:s26+$0x0] =	vst v4;
	v3 =	vld [tilespmem:s9+$0x0]  }
0x21d: {  	s20 =	sadd.s32 $0x4, s20;
	s6 =	sor.u32 s25, s3;
	[tilespmem:s15+$0x0] =	vst v7;
	s30 =	sor.u32 s23, s22;
	v4 =	vld [tilespmem:s29+$0x0]  }
0x21e: {  	p0 =	slt.u32 s20, $0x1FC;
	v5 =	vadd.f32 v5, v16;
	s10 =	sor.u32 s23, s4;
	[tilespmem:s13+$0x0] =	vst v6;
	s13 =	smov.u32 s6;
	v9 =	vld [tilespmem:s30+$0x0]  }
0x21f: {  	v15 =	vadd.f32 v15, v10;
	s28 =	sor.u32 s2, s3;
	[tilespmem:s14+$0x0] =	vst v12;
	s4 =	sor.u32 s25, s4;
	s15 =	smov.u32 s10;
	v6 =	vld [tilespmem:s13+$0x0]  }
0x220: {  	v10 =	vadd.f32 v17, v16;
	s26 =	sor.u32 s2, s22;
	s2 =	sor.u32 s5, s0;
	[tilespmem:s11+$0x0] =	vst v5;
	s11 =	smov.u32 s4;
	v7 =	vld [tilespmem:s15+$0x0]  }
0x221: {  	s19 =	sor.u32 s25, s22;
	v8 =	vadd.f32 v8, v16;
	s3 =	sor.u32 s23, s0;
	[tilespmem:s16+$0x0] =	vst v15;
	s14 =	smov.u32 s2;
	v5 =	vld [tilespmem:s11+$0x0]  }
0x222: {  	[tilespmem:s17+$0x0] =	vst v10;
	s23 =	smov.u32 s29;
	s29 =	rddreg [dreg:$0xa];
	s16 =	smov.u32 s3;
	v12 =	vld [tilespmem:s14+$0x0]  }
.Ltmp6:
0x223: {  	s8 =	smov.u32 s19;
	[tilespmem:s29+$0x0] =	vst v8;
	v10 =	vld [tilespmem:s16+$0x18000];
	(pc) =	sbr.rel @p0 .LBB2_14-.Ltmp6, $4  }
0x224: {  	v63 =	vadd.f32 v11, v0;
	v8 =	vld [tilespmem:s8+$0x0];
	v0 =	vmov v13  }
0x225: {  	s22 =	smov.u32 s30;
	s30 =	rddreg [dreg:$0x19];
	v13 =	vld [tilespmem:s26+$0x0];
	v11 =	vadd.f32 v14, v0  }
0x226: {  	s0 =	sor.u32 s25, s0;
	[tilespmem:s30+$0x0] =	vst v63;
	v14 =	vld [tilespmem:s28+$0x0]  }
0x227: {  	s1 =	sadd.s32 $0x40, s1;
	s6 =	smov.u32 s31;
	s17 =	smov.u32 s0;
	[tilespmem:s24+$0x0] =	vst v11;
	v11 =	vld [tilespmem:s14+$0x18000]  }
0x228: {  	_ =	sdelay $0x2  }
0x229: {  	v14 =	vadd.f32 v14, v0  }
0x22a: {  	v15 =	vld [tilespmem:s17+$0x18000];
	v13 =	vadd.f32 v13, v0  }
0x22b: {  	v1 =	vadd.f32 v1, v11;
	[tilespmem:s28+$0x0] =	vst v14  }
0x22c: {  	v2 =	vadd.f32 v2, v11;
	v14 =	vld [tilespmem:s6+$0x0];
	[tilespmem:s26+$0x0] =	vst v13  }
0x22d: {  	v3 =	vadd.f32 v3, v11;
	[tilespmem:s12+$0x0] =	vst v1  }
0x22e: {  	v1 =	vadd.f32 v4, v10;
	[tilespmem:s18+$0x0] =	vst v2  }
0x22f: {  	v6 =	vadd.f32 v6, v15;
	[tilespmem:s9+$0x0] =	vst v3  }
0x230: {  	v4 =	vadd.f32 v9, v10;
	v2 =	vld [tilespmem:s16+$0x0];
	[tilespmem:s23+$0x0] =	vst v1  }
0x231: {  	v3 =	vadd.f32 v7, v10;
	v1 =	vld [tilespmem:s17+$0x0];
	[tilespmem:s13+$0x0] =	vst v6  }
0x232: {  	[tilespmem:s22+$0x0] =	vst v4;
	v4 =	vadd.f32 v8, v15  }
0x233: {  	[tilespmem:s15+$0x0] =	vst v3;
	v3 =	vadd.f32 v5, v15  }
0x234: {  	v5 =	vadd.f32 v12, v11;
	[tilespmem:s8+$0x0] =	vst v4  }
0x235: {  	v0 =	vadd.f32 v14, v0;
	[tilespmem:s11+$0x0] =	vst v3  }
0x236: {  	v2 =	vadd.f32 v2, v10;
	[tilespmem:s14+$0x0] =	vst v5  }
0x237: {  	v1 =	vadd.f32 v1, v15;
	[tilespmem:s6+$0x0] =	vst v0  }
0x238: {  	[tilespmem:s16+$0x0] =	vst v2  }
0x239: {  	[tilespmem:s17+$0x0] =	vst v1  }
0x23a: {  	s0 =	sld [smem:$0x7DE]  }
0x23b: {  	s7 =	simm.s32 $0x0  }
0x23c: {  	s2 =	simm.s32 $0x2000;
	s3 =	simm.s32 $0x400000;
	s15 =	simm.s32 $0x8  }
0x23d: {  	[hbm4b:s0+s2] =	stream.strided.scatter [tilespmem:s7], [sflag:$0x4], $0x8000, s3, s2, $0x38;
	[tilespmem:$0x1C000] =	vst v63  }
0x23e: {  	_ =	swait.ge [sflag:s15], $0x2000  }
0x23f: {  	[sflag:s15] =	ssyncset.done $0x0  }
0x240: {  	s16 =	simm.s32 $0x2;
	[sflag:s15] =	ssyncadd.s32 $0xFFFFE000  }
0x241: {  	_ =	swait.ge [sflag:s16], $0x8000  }
0x242: {  	[sflag:s16] =	ssyncset.done $0x0  }
0x243: {  	s17 =	simm.s32 $0x6;
	[sflag:s16] =	ssyncadd.s32 $0xFFFF8000  }
0x244: {  	_ =	swait.ge [sflag:s17], $0x8000  }
0x245: {  	s1 =	simm.s32 $0x18000;
	s18 =	sld [smem:$0x7E2]  }
0x246: {  	s21 =	sand.u32 $0x40, s7;
	s24 =	sand.u32 $0x380, s7;
	[sflag:s17] =	ssyncset.done $0x0  }
0x247: {  	s23 =	sand.u32 $0x1C00, s7;
	s19 =	sld [smem:$0x7E3];
	[sflag:s17] =	ssyncadd.s32 $0xFFFF8000  }
0x248: {  	[tilespmem:s1], [sflag:$0x7] =	stream.linear.gather [hbm4b:s18+s7], $0x2000, $0x38;
	[tilespmem:$0x1C000] =	vst v63  }
0x249: {  	s25 =	sor.u32 $0x30, s21;
	s1 =	sor.u32 s24, s23  }
0x24a: {  	s20 =	simm.s32 $0x10000;
	s26 =	sor.u32 $0xE000, s1;
	s6 =	sor.u32 s25, s1  }
0x24b: {  	[tilespmem:s20], [sflag:$0x3] =	stream.strided.gather [hbm4b:s19+s2], $0x8000, s3, s2, $0x38;
	[tilespmem:$0x1C000] =	vst v63  }
0x24c: {  	s4 =	sor.u32 $0xA000, s1;
	s5 =	sor.u32 s25, s26;
	v0 =	vld [tilespmem:s6+$0x1A000]  }
0x24d: {  	s29 =	sor.u32 $0xC000, s1;
	s12 =	sor.u32 s21, s4;
	v5 =	vld [tilespmem:s5+$0x0]  }
0x24e: {  	s18 =	sor.u32 s21, s29;
	v1 =	vld [tilespmem:s12+$0x0]  }
0x24f: {  	s30 =	sor.u32 $0x10, s21;
	s9 =	sor.u32 s21, s26;
	v2 =	vld [tilespmem:s18+$0x0]  }
0x250: {  	s23 =	sor.u32 s30, s4;
	v3 =	vld [tilespmem:s9+$0x0]  }
0x251: {  	s22 =	sor.u32 s30, s29;
	v4 =	vld [tilespmem:s23+$0x0]  }
0x252: {  	s31 =	sor.u32 $0x20, s21;
	s15 =	sor.u32 s30, s26;
	v9 =	vld [tilespmem:s22+$0x0]  }
0x253: {  	s13 =	sor.u32 s31, s4;
	v7 =	vld [tilespmem:s15+$0x0]  }
0x254: {  	s8 =	sor.u32 s31, s29;
	v6 =	vld [tilespmem:s13+$0x0]  }
0x255: {  	s14 =	sor.u32 s21, s1;
	v8 =	vld [tilespmem:s8+$0x0]  }
0x256: {  	v11 =	vld [tilespmem:s14+$0x1A000]  }
0x257: {  	s16 =	sor.u32 s30, s1;
	v12 =	vld [tilespmem:s14+$0x8000];
	v5 =	vadd.f32 v5, v0  }
0x258: {  	s11 =	sor.u32 s31, s26;
	v10 =	vld [tilespmem:s16+$0x1A000]  }
0x259: {  	s28 =	sor.u32 s25, s4;
	[tilespmem:s5+$0x0] =	vst v5;
	v5 =	vld [tilespmem:s11+$0x0]  }
0x25a: {  	s17 =	sor.u32 s31, s1;
	s26 =	sor.u32 s25, s29;
	v14 =	vld [tilespmem:s28+$0x0]  }
0x25b: {  	s1 =	simm.s32 $0x40;
	s20 =	simm.s32 $0x0;
	s21 =	simm.s32 $0x0;
	v13 =	vld [tilespmem:s26+$0x0]  }
.LBB2_16:
0x25c: {  	_ =	sdelay $0x1  }
0x25d: {  	s7 =	sadd.s32 $0x8, s7;
	s21 =	sadd.s32 $0x200, s21  }
0x25e: {  	v15 =	vld [tilespmem:s16+$0x8000];
	s0 =	sand.u32 $0x1C00, s21;
	s2 =	sand.u32 $0x380, s7;
	v14 =	vadd.f32 v14, v0  }
0x25f: {  	s5 =	sand.u32 $0x40, s1;
	v16 =	vld [tilespmem:s17+$0x1A000];
	s0 =	sor.u32 s2, s0;
	v13 =	vadd.f32 v13, v0  }
0x260: {  	v17 =	vld [tilespmem:s17+$0x8000];
	s2 =	sor.u32 $0x30, s5;
	s4 =	sor.u32 $0xE000, s0;
	v1 =	vadd.f32 v1, v11;
	v2 =	vadd.f32 v2, v11;
	[tilespmem:s28+$0x0] =	vst v14  }
0x261: {  	v12 =	vadd.f32 v12, v11;
	v3 =	vadd.f32 v3, v11;
	v11 =	vld [tilespmem:s6+$0x8000];
	s24 =	sor.u32 s2, s4;
	[tilespmem:s26+$0x0] =	vst v13  }
0x262: {  	[dreg:$0xb] =	wrdreg s8;
	s3 =	sor.u32 $0xA000, s0;
	s31 =	sor.u32 s2, s0;
	[tilespmem:s12+$0x0] =	vst v1;
	v14 =	vld [tilespmem:s24+$0x0]  }
0x263: {  	s8 =	smov.u32 s22;
	s22 =	sor.u32 $0xC000, s0;
	v9 =	vadd.f32 v9, v10;
	s12 =	sor.u32 s5, s3;
	[tilespmem:s18+$0x0] =	vst v2;
	v13 =	vld [tilespmem:s31+$0x1A000]  }
0x264: {  	v4 =	vadd.f32 v4, v10;
	s18 =	sor.u32 s5, s22;
	[tilespmem:s9+$0x0] =	vst v3;
	v1 =	vld [tilespmem:s12+$0x0]  }
0x265: {  	v7 =	vadd.f32 v7, v10;
	s26 =	smov.u32 s23;
	s23 =	sor.u32 $0x10, s5;
	s9 =	sor.u32 s5, s4;
	[tilespmem:s8+$0x0] =	vst v9;
	v2 =	vld [tilespmem:s18+$0x0]  }
0x266: {  	[dreg:$0x1a] =	wrdreg s6;
	s25 =	sor.u32 $0x20, s5;
	v6 =	vadd.f32 v6, v16;
	s29 =	sor.u32 s23, s3;
	[tilespmem:s26+$0x0] =	vst v4;
	v3 =	vld [tilespmem:s9+$0x0]  }
0x267: {  	s20 =	sadd.s32 $0x4, s20;
	s6 =	sor.u32 s25, s3;
	[tilespmem:s15+$0x0] =	vst v7;
	s30 =	sor.u32 s23, s22;
	v4 =	vld [tilespmem:s29+$0x0]  }
0x268: {  	p0 =	slt.u32 s20, $0x1FC;
	v5 =	vadd.f32 v5, v16;
	s10 =	sor.u32 s23, s4;
	[tilespmem:s13+$0x0] =	vst v6;
	s13 =	smov.u32 s6;
	v9 =	vld [tilespmem:s30+$0x0]  }
0x269: {  	v15 =	vadd.f32 v15, v10;
	s28 =	sor.u32 s2, s3;
	[tilespmem:s14+$0x8000] =	vst v12;
	s4 =	sor.u32 s25, s4;
	s15 =	smov.u32 s10;
	v6 =	vld [tilespmem:s13+$0x0]  }
0x26a: {  	v10 =	vadd.f32 v17, v16;
	s26 =	sor.u32 s2, s22;
	s2 =	sor.u32 s5, s0;
	[tilespmem:s11+$0x0] =	vst v5;
	s11 =	smov.u32 s4;
	v7 =	vld [tilespmem:s15+$0x0]  }
0x26b: {  	s19 =	sor.u32 s25, s22;
	v8 =	vadd.f32 v8, v16;
	s3 =	sor.u32 s23, s0;
	[tilespmem:s16+$0x8000] =	vst v15;
	s14 =	smov.u32 s2;
	v5 =	vld [tilespmem:s11+$0x0]  }
0x26c: {  	[tilespmem:s17+$0x8000] =	vst v10;
	s23 =	smov.u32 s29;
	s29 =	rddreg [dreg:$0xb];
	s16 =	smov.u32 s3;
	v12 =	vld [tilespmem:s14+$0x8000]  }
.Ltmp7:
0x26d: {  	s8 =	smov.u32 s19;
	[tilespmem:s29+$0x0] =	vst v8;
	v10 =	vld [tilespmem:s16+$0x1A000];
	(pc) =	sbr.rel @p0 .LBB2_16-.Ltmp7, $4  }
0x26e: {  	v63 =	vadd.f32 v11, v0;
	v8 =	vld [tilespmem:s8+$0x0];
	v0 =	vmov v13  }
0x26f: {  	s22 =	smov.u32 s30;
	s30 =	rddreg [dreg:$0x1a];
	v13 =	vld [tilespmem:s26+$0x0];
	v11 =	vadd.f32 v14, v0  }
0x270: {  	s0 =	sor.u32 s25, s0;
	[tilespmem:s30+$0x8000] =	vst v63;
	v14 =	vld [tilespmem:s28+$0x0]  }
0x271: {  	s1 =	sadd.s32 $0x40, s1;
	s6 =	smov.u32 s31;
	s17 =	smov.u32 s0;
	[tilespmem:s24+$0x0] =	vst v11;
	v11 =	vld [tilespmem:s14+$0x1A000]  }
0x272: {  	_ =	sdelay $0x2  }
0x273: {  	v14 =	vadd.f32 v14, v0  }
0x274: {  	v15 =	vld [tilespmem:s17+$0x1A000];
	v13 =	vadd.f32 v13, v0  }
0x275: {  	v1 =	vadd.f32 v1, v11;
	[tilespmem:s28+$0x0] =	vst v14  }
0x276: {  	v2 =	vadd.f32 v2, v11;
	v14 =	vld [tilespmem:s6+$0x8000];
	[tilespmem:s26+$0x0] =	vst v13  }
0x277: {  	v3 =	vadd.f32 v3, v11;
	[tilespmem:s12+$0x0] =	vst v1  }
0x278: {  	v1 =	vadd.f32 v4, v10;
	[tilespmem:s18+$0x0] =	vst v2  }
0x279: {  	v6 =	vadd.f32 v6, v15;
	[tilespmem:s9+$0x0] =	vst v3  }
0x27a: {  	v4 =	vadd.f32 v9, v10;
	v2 =	vld [tilespmem:s16+$0x8000];
	[tilespmem:s23+$0x0] =	vst v1  }
0x27b: {  	v3 =	vadd.f32 v7, v10;
	v1 =	vld [tilespmem:s17+$0x8000];
	[tilespmem:s13+$0x0] =	vst v6  }
0x27c: {  	[tilespmem:s22+$0x0] =	vst v4;
	v4 =	vadd.f32 v8, v15  }
0x27d: {  	[tilespmem:s15+$0x0] =	vst v3;
	v3 =	vadd.f32 v5, v15  }
0x27e: {  	v5 =	vadd.f32 v12, v11;
	[tilespmem:s8+$0x0] =	vst v4  }
0x27f: {  	v0 =	vadd.f32 v14, v0;
	[tilespmem:s11+$0x0] =	vst v3  }
0x280: {  	v2 =	vadd.f32 v2, v10;
	[tilespmem:s14+$0x8000] =	vst v5  }
0x281: {  	v1 =	vadd.f32 v1, v15;
	[tilespmem:s6+$0x8000] =	vst v0  }
0x282: {  	[tilespmem:s16+$0x8000] =	vst v2  }
0x283: {  	[tilespmem:s17+$0x8000] =	vst v1  }
0x284: {  	s0 =	sld [smem:$0x7E1]  }
0x285: {  	s1 =	simm.s32 $0x2000  }
0x286: {  	s2 =	simm.s32 $0x400000;
	s3 =	simm.s32 $0x8000;
	s15 =	simm.s32 $0x7  }
0x287: {  	[hbm4b:s0+s1] =	stream.strided.scatter [tilespmem:s3], [sflag:$0x5], $0x8000, s2, s1, $0x38;
	[tilespmem:$0x1C000] =	vst v63  }
0x288: {  	_ =	swait.ge [sflag:s15], $0x2000  }
0x289: {  	[sflag:s15] =	ssyncset.done $0x0  }
0x28a: {  	s16 =	simm.s32 $0x3;
	[sflag:s15] =	ssyncadd.s32 $0xFFFFE000  }
0x28b: {  	_ =	swait.ge [sflag:s16], $0x8000  }
0x28c: {  	[sflag:s16] =	ssyncset.done $0x0  }
0x28d: {  	s17 =	simm.s32 $0x4;
	[sflag:s16] =	ssyncadd.s32 $0xFFFF8000  }
0x28e: {  	_ =	swait.ge [sflag:s17], $0x8000  }
0x28f: {  	s18 =	sld [smem:$0x7E5]  }
0x290: {  	s7 =	simm.s32 $0x0;
	[sflag:s17] =	ssyncset.done $0x0  }
0x291: {  	s19 =	simm.s32 $0x1A000;
	s20 =	sld [smem:$0x7E6];
	[sflag:s17] =	ssyncadd.s32 $0xFFFF8000  }
0x292: {  	[tilespmem:s19], [sflag:$0x8] =	stream.linear.gather [hbm4b:s18+s7], $0x2000, $0x38;
	[tilespmem:$0x1C000] =	vst v63  }
0x293: {  	s21 =	sand.u32 $0x40, s7;
	s24 =	sand.u32 $0x380, s7;
	s23 =	sand.u32 $0x1C00, s7  }
0x294: {  	[tilespmem:s7], [sflag:$0x1] =	stream.strided.gather [hbm4b:s20+s1], $0x8000, s2, s1, $0x38;
	[tilespmem:$0x1C000] =	vst v63  }
0x295: {  	s25 =	sor.u32 $0x30, s21;
	s1 =	sor.u32 s24, s23  }
0x296: {  	s6 =	sor.u32 s25, s1  }
0x297: {  	s14 =	sor.u32 s21, s1;
	v0 =	vld [tilespmem:s6+$0x18000]  }
0x298: {  	s30 =	sor.u32 $0x10, s21;
	v11 =	vld [tilespmem:s14+$0x18000]  }
0x299: {  	s26 =	sor.u32 $0x16000, s1;
	s16 =	sor.u32 s30, s1;
	v12 =	vld [tilespmem:s14+$0x10000]  }
0x29a: {  	s4 =	sor.u32 $0x12000, s1;
	s5 =	sor.u32 s25, s26;
	v10 =	vld [tilespmem:s16+$0x18000]  }
0x29b: {  	s29 =	sor.u32 $0x14000, s1;
	s12 =	sor.u32 s21, s4;
	v5 =	vld [tilespmem:s5+$0x0]  }
0x29c: {  	s18 =	sor.u32 s21, s29;
	v1 =	vld [tilespmem:s12+$0x0]  }
0x29d: {  	s9 =	sor.u32 s21, s26;
	v2 =	vld [tilespmem:s18+$0x0]  }
0x29e: {  	s23 =	sor.u32 s30, s4;
	v3 =	vld [tilespmem:s9+$0x0]  }
0x29f: {  	s22 =	sor.u32 s30, s29;
	v4 =	vld [tilespmem:s23+$0x0]  }
0x2a0: {  	s31 =	sor.u32 $0x20, s21;
	s15 =	sor.u32 s30, s26;
	v9 =	vld [tilespmem:s22+$0x0]  }
0x2a1: {  	s13 =	sor.u32 s31, s4;
	v7 =	vld [tilespmem:s15+$0x0]  }
0x2a2: {  	s8 =	sor.u32 s31, s29;
	v6 =	vld [tilespmem:s13+$0x0];
	v5 =	vadd.f32 v5, v0  }
0x2a3: {  	s11 =	sor.u32 s31, s26;
	v8 =	vld [tilespmem:s8+$0x0]  }
0x2a4: {  	s28 =	sor.u32 s25, s4;
	[tilespmem:s5+$0x0] =	vst v5;
	v5 =	vld [tilespmem:s11+$0x0]  }
0x2a5: {  	s20 =	simm.s32 $0x0;
	s26 =	sor.u32 s25, s29;
	v14 =	vld [tilespmem:s28+$0x0]  }
0x2a6: {  	s17 =	sor.u32 s31, s1;
	s1 =	simm.s32 $0x40;
	s21 =	simm.s32 $0x0;
	v13 =	vld [tilespmem:s26+$0x0]  }
.LBB2_18:
0x2a7: {  	_ =	sdelay $0x1  }
0x2a8: {  	s7 =	sadd.s32 $0x8, s7;
	s21 =	sadd.s32 $0x200, s21  }
0x2a9: {  	v15 =	vld [tilespmem:s16+$0x10000];
	s0 =	sand.u32 $0x1C00, s21;
	s2 =	sand.u32 $0x380, s7;
	v14 =	vadd.f32 v14, v0  }
0x2aa: {  	s5 =	sand.u32 $0x40, s1;
	v16 =	vld [tilespmem:s17+$0x18000];
	s0 =	sor.u32 s2, s0;
	v13 =	vadd.f32 v13, v0  }
0x2ab: {  	v17 =	vld [tilespmem:s17+$0x10000];
	s2 =	sor.u32 $0x30, s5;
	s4 =	sor.u32 $0x16000, s0;
	v1 =	vadd.f32 v1, v11;
	v2 =	vadd.f32 v2, v11;
	[tilespmem:s28+$0x0] =	vst v14  }
0x2ac: {  	v12 =	vadd.f32 v12, v11;
	v3 =	vadd.f32 v3, v11;
	v11 =	vld [tilespmem:s6+$0x10000];
	s24 =	sor.u32 s2, s4;
	[tilespmem:s26+$0x0] =	vst v13  }
0x2ad: {  	[dreg:$0xc] =	wrdreg s8;
	s3 =	sor.u32 $0x12000, s0;
	s31 =	sor.u32 s2, s0;
	[tilespmem:s12+$0x0] =	vst v1;
	v14 =	vld [tilespmem:s24+$0x0]  }
0x2ae: {  	s8 =	smov.u32 s22;
	s22 =	sor.u32 $0x14000, s0;
	v9 =	vadd.f32 v9, v10;
	s12 =	sor.u32 s5, s3;
	[tilespmem:s18+$0x0] =	vst v2;
	v13 =	vld [tilespmem:s31+$0x18000]  }
0x2af: {  	v4 =	vadd.f32 v4, v10;
	s18 =	sor.u32 s5, s22;
	[tilespmem:s9+$0x0] =	vst v3;
	v1 =	vld [tilespmem:s12+$0x0]  }
0x2b0: {  	v7 =	vadd.f32 v7, v10;
	s26 =	smov.u32 s23;
	s23 =	sor.u32 $0x10, s5;
	s9 =	sor.u32 s5, s4;
	[tilespmem:s8+$0x0] =	vst v9;
	v2 =	vld [tilespmem:s18+$0x0]  }
0x2b1: {  	[dreg:$0x1b] =	wrdreg s6;
	s25 =	sor.u32 $0x20, s5;
	v6 =	vadd.f32 v6, v16;
	s29 =	sor.u32 s23, s3;
	[tilespmem:s26+$0x0] =	vst v4;
	v3 =	vld [tilespmem:s9+$0x0]  }
0x2b2: {  	s20 =	sadd.s32 $0x4, s20;
	s6 =	sor.u32 s25, s3;
	[tilespmem:s15+$0x0] =	vst v7;
	s30 =	sor.u32 s23, s22;
	v4 =	vld [tilespmem:s29+$0x0]  }
0x2b3: {  	p0 =	slt.u32 s20, $0x1FC;
	v5 =	vadd.f32 v5, v16;
	s10 =	sor.u32 s23, s4;
	[tilespmem:s13+$0x0] =	vst v6;
	s13 =	smov.u32 s6;
	v9 =	vld [tilespmem:s30+$0x0]  }
0x2b4: {  	v15 =	vadd.f32 v15, v10;
	s28 =	sor.u32 s2, s3;
	[tilespmem:s14+$0x10000] =	vst v12;
	s4 =	sor.u32 s25, s4;
	s15 =	smov.u32 s10;
	v6 =	vld [tilespmem:s13+$0x0]  }
0x2b5: {  	v10 =	vadd.f32 v17, v16;
	s26 =	sor.u32 s2, s22;
	s2 =	sor.u32 s5, s0;
	[tilespmem:s11+$0x0] =	vst v5;
	s11 =	smov.u32 s4;
	v7 =	vld [tilespmem:s15+$0x0]  }
0x2b6: {  	s19 =	sor.u32 s25, s22;
	v8 =	vadd.f32 v8, v16;
	s3 =	sor.u32 s23, s0;
	[tilespmem:s16+$0x10000] =	vst v15;
	s14 =	smov.u32 s2;
	v5 =	vld [tilespmem:s11+$0x0]  }
0x2b7: {  	[tilespmem:s17+$0x10000] =	vst v10;
	s23 =	smov.u32 s29;
	s29 =	rddreg [dreg:$0xc];
	s16 =	smov.u32 s3;
	v12 =	vld [tilespmem:s14+$0x10000]  }
.Ltmp8:
0x2b8: {  	s8 =	smov.u32 s19;
	[tilespmem:s29+$0x0] =	vst v8;
	v10 =	vld [tilespmem:s16+$0x18000];
	(pc) =	sbr.rel @p0 .LBB2_18-.Ltmp8, $4  }
0x2b9: {  	v63 =	vadd.f32 v11, v0;
	v8 =	vld [tilespmem:s8+$0x0];
	v0 =	vmov v13  }
0x2ba: {  	s22 =	smov.u32 s30;
	s30 =	rddreg [dreg:$0x1b];
	v13 =	vld [tilespmem:s26+$0x0];
	v11 =	vadd.f32 v14, v0  }
0x2bb: {  	s0 =	sor.u32 s25, s0;
	[tilespmem:s30+$0x10000] =	vst v63;
	v14 =	vld [tilespmem:s28+$0x0]  }
0x2bc: {  	s1 =	sadd.s32 $0x40, s1;
	s6 =	smov.u32 s31;
	s17 =	smov.u32 s0;
	[tilespmem:s24+$0x0] =	vst v11;
	v11 =	vld [tilespmem:s14+$0x18000]  }
0x2bd: {  	_ =	sdelay $0x2  }
0x2be: {  	v14 =	vadd.f32 v14, v0  }
0x2bf: {  	v15 =	vld [tilespmem:s17+$0x18000];
	v13 =	vadd.f32 v13, v0  }
0x2c0: {  	v1 =	vadd.f32 v1, v11;
	[tilespmem:s28+$0x0] =	vst v14  }
0x2c1: {  	v2 =	vadd.f32 v2, v11;
	v14 =	vld [tilespmem:s6+$0x10000];
	[tilespmem:s26+$0x0] =	vst v13  }
0x2c2: {  	v3 =	vadd.f32 v3, v11;
	[tilespmem:s12+$0x0] =	vst v1  }
0x2c3: {  	v1 =	vadd.f32 v4, v10;
	[tilespmem:s18+$0x0] =	vst v2  }
0x2c4: {  	v6 =	vadd.f32 v6, v15;
	[tilespmem:s9+$0x0] =	vst v3  }
0x2c5: {  	v4 =	vadd.f32 v9, v10;
	v2 =	vld [tilespmem:s16+$0x10000];
	[tilespmem:s23+$0x0] =	vst v1  }
0x2c6: {  	v3 =	vadd.f32 v7, v10;
	v1 =	vld [tilespmem:s17+$0x10000];
	[tilespmem:s13+$0x0] =	vst v6  }
0x2c7: {  	[tilespmem:s22+$0x0] =	vst v4;
	v4 =	vadd.f32 v8, v15  }
0x2c8: {  	[tilespmem:s15+$0x0] =	vst v3;
	v3 =	vadd.f32 v5, v15  }
0x2c9: {  	v5 =	vadd.f32 v12, v11;
	[tilespmem:s8+$0x0] =	vst v4  }
0x2ca: {  	v0 =	vadd.f32 v14, v0;
	[tilespmem:s11+$0x0] =	vst v3  }
0x2cb: {  	v2 =	vadd.f32 v2, v10;
	[tilespmem:s14+$0x10000] =	vst v5  }
0x2cc: {  	v1 =	vadd.f32 v1, v15;
	[tilespmem:s6+$0x10000] =	vst v0  }
0x2cd: {  	[tilespmem:s16+$0x10000] =	vst v2  }
0x2ce: {  	[tilespmem:s17+$0x10000] =	vst v1  }
0x2cf: {  	s0 =	sld [smem:$0x7E4]  }
0x2d0: {  	s2 =	simm.s32 $0x2000  }
0x2d1: {  	s3 =	simm.s32 $0x400000;
	s1 =	simm.s32 $0x10000;
	s14 =	simm.s32 $0x8  }
0x2d2: {  	[hbm4b:s0+s2] =	stream.strided.scatter [tilespmem:s1], [sflag:$0x6], $0x8000, s3, s2, $0x38;
	[tilespmem:$0x1C000] =	vst v63  }
0x2d3: {  	_ =	swait.ge [sflag:s14], $0x2000  }
0x2d4: {  	[sflag:s14] =	ssyncset.done $0x0  }
0x2d5: {  	s15 =	simm.s32 $0x1;
	[sflag:s14] =	ssyncadd.s32 $0xFFFFE000  }
0x2d6: {  	_ =	swait.ge [sflag:s15], $0x8000  }
0x2d7: {  	[sflag:s15] =	ssyncset.done $0x0  }
0x2d8: {  	s7 =	simm.s32 $0x0;
	s16 =	simm.s32 $0x5;
	[sflag:s15] =	ssyncadd.s32 $0xFFFF8000  }
0x2d9: {  	s21 =	sand.u32 $0x40, s7;
	_ =	swait.ge [sflag:s16], $0x8000  }
0x2da: {  	s24 =	sand.u32 $0x380, s7;
	s25 =	sor.u32 $0x30, s21;
	s17 =	sld [smem:$0x7E8]  }
0x2db: {  	s18 =	simm.s32 $0x18000;
	s23 =	sand.u32 $0x1C00, s7;
	[sflag:s16] =	ssyncset.done $0x0  }
0x2dc: {  	s1 =	sor.u32 s24, s23;
	s19 =	sld [smem:$0x7E9];
	[sflag:s16] =	ssyncadd.s32 $0xFFFF8000  }
0x2dd: {  	[tilespmem:s18], [sflag:$0x7] =	stream.linear.gather [hbm4b:s17+s7], $0x2000, $0x38;
	[tilespmem:$0x1C000] =	vst v63  }
0x2de: {  	s20 =	simm.s32 $0x8000;
	s26 =	sor.u32 $0x6000, s1;
	s6 =	sor.u32 s25, s1  }
0x2df: {  	[tilespmem:s20], [sflag:$0x2] =	stream.strided.gather [hbm4b:s19+s2], $0x8000, s3, s2, $0x38;
	[tilespmem:$0x1C000] =	vst v63  }
0x2e0: {  	s4 =	sor.u32 $0x2000, s1;
	s5 =	sor.u32 s25, s26;
	v0 =	vld [tilespmem:s6+$0x1A000]  }
0x2e1: {  	s29 =	sor.u32 $0x4000, s1;
	s12 =	sor.u32 s21, s4;
	v5 =	vld [tilespmem:s5+$0x0]  }
0x2e2: {  	s18 =	sor.u32 s21, s29;
	v1 =	vld [tilespmem:s12+$0x0]  }
0x2e3: {  	s30 =	sor.u32 $0x10, s21;
	s9 =	sor.u32 s21, s26;
	v2 =	vld [tilespmem:s18+$0x0]  }
0x2e4: {  	s23 =	sor.u32 s30, s4;
	v3 =	vld [tilespmem:s9+$0x0]  }
0x2e5: {  	s22 =	sor.u32 s30, s29;
	v4 =	vld [tilespmem:s23+$0x0]  }
0x2e6: {  	s31 =	sor.u32 $0x20, s21;
	s15 =	sor.u32 s30, s26;
	v9 =	vld [tilespmem:s22+$0x0]  }
0x2e7: {  	s13 =	sor.u32 s31, s4;
	v7 =	vld [tilespmem:s15+$0x0]  }
0x2e8: {  	s8 =	sor.u32 s31, s29;
	v6 =	vld [tilespmem:s13+$0x0]  }
0x2e9: {  	s14 =	sor.u32 s21, s1;
	v8 =	vld [tilespmem:s8+$0x0]  }
0x2ea: {  	v11 =	vld [tilespmem:s14+$0x1A000]  }
0x2eb: {  	s16 =	sor.u32 s30, s1;
	v12 =	vld [tilespmem:s14+$0x0];
	v5 =	vadd.f32 v5, v0  }
0x2ec: {  	s11 =	sor.u32 s31, s26;
	v10 =	vld [tilespmem:s16+$0x1A000]  }
0x2ed: {  	s28 =	sor.u32 s25, s4;
	[tilespmem:s5+$0x0] =	vst v5;
	v5 =	vld [tilespmem:s11+$0x0]  }
0x2ee: {  	s26 =	sor.u32 s25, s29;
	s17 =	sor.u32 s31, s1;
	v14 =	vld [tilespmem:s28+$0x0]  }
0x2ef: {  	s1 =	simm.s32 $0x40;
	s21 =	simm.s32 $0x0;
	s20 =	simm.s32 $0x0;
	v13 =	vld [tilespmem:s26+$0x0]  }
.LBB2_20:
0x2f0: {  	_ =	sdelay $0x1  }
0x2f1: {  	s7 =	sadd.s32 $0x8, s7;
	s21 =	sadd.s32 $0x200, s21  }
0x2f2: {  	v15 =	vld [tilespmem:s16+$0x0];
	s0 =	sand.u32 $0x1C00, s21;
	s2 =	sand.u32 $0x380, s7;
	v14 =	vadd.f32 v14, v0  }
0x2f3: {  	s5 =	sand.u32 $0x40, s1;
	v16 =	vld [tilespmem:s17+$0x1A000];
	s0 =	sor.u32 s2, s0;
	v13 =	vadd.f32 v13, v0  }
0x2f4: {  	v17 =	vld [tilespmem:s17+$0x0];
	s2 =	sor.u32 $0x30, s5;
	s4 =	sor.u32 $0x6000, s0;
	v1 =	vadd.f32 v1, v11;
	v2 =	vadd.f32 v2, v11;
	[tilespmem:s28+$0x0] =	vst v14  }
0x2f5: {  	v12 =	vadd.f32 v12, v11;
	v3 =	vadd.f32 v3, v11;
	v11 =	vld [tilespmem:s6+$0x0];
	s24 =	sor.u32 s2, s4;
	[tilespmem:s26+$0x0] =	vst v13  }
0x2f6: {  	[dreg:$0xd] =	wrdreg s8;
	s3 =	sor.u32 $0x2000, s0;
	s31 =	sor.u32 s2, s0;
	[tilespmem:s12+$0x0] =	vst v1;
	v14 =	vld [tilespmem:s24+$0x0]  }
0x2f7: {  	s8 =	smov.u32 s22;
	s22 =	sor.u32 $0x4000, s0;
	v9 =	vadd.f32 v9, v10;
	s12 =	sor.u32 s5, s3;
	[tilespmem:s18+$0x0] =	vst v2;
	v13 =	vld [tilespmem:s31+$0x1A000]  }
0x2f8: {  	v4 =	vadd.f32 v4, v10;
	s18 =	sor.u32 s5, s22;
	[tilespmem:s9+$0x0] =	vst v3;
	v1 =	vld [tilespmem:s12+$0x0]  }
0x2f9: {  	v7 =	vadd.f32 v7, v10;
	s26 =	smov.u32 s23;
	s23 =	sor.u32 $0x10, s5;
	s9 =	sor.u32 s5, s4;
	[tilespmem:s8+$0x0] =	vst v9;
	v2 =	vld [tilespmem:s18+$0x0]  }
0x2fa: {  	[dreg:$0x1c] =	wrdreg s6;
	s25 =	sor.u32 $0x20, s5;
	v6 =	vadd.f32 v6, v16;
	s29 =	sor.u32 s23, s3;
	[tilespmem:s26+$0x0] =	vst v4;
	v3 =	vld [tilespmem:s9+$0x0]  }
0x2fb: {  	s20 =	sadd.s32 $0x4, s20;
	s6 =	sor.u32 s25, s3;
	[tilespmem:s15+$0x0] =	vst v7;
	s30 =	sor.u32 s23, s22;
	v4 =	vld [tilespmem:s29+$0x0]  }
0x2fc: {  	p0 =	slt.u32 s20, $0x1FC;
	v5 =	vadd.f32 v5, v16;
	s10 =	sor.u32 s23, s4;
	[tilespmem:s13+$0x0] =	vst v6;
	s13 =	smov.u32 s6;
	v9 =	vld [tilespmem:s30+$0x0]  }
0x2fd: {  	v15 =	vadd.f32 v15, v10;
	s28 =	sor.u32 s2, s3;
	[tilespmem:s14+$0x0] =	vst v12;
	s4 =	sor.u32 s25, s4;
	s15 =	smov.u32 s10;
	v6 =	vld [tilespmem:s13+$0x0]  }
0x2fe: {  	v10 =	vadd.f32 v17, v16;
	s26 =	sor.u32 s2, s22;
	s2 =	sor.u32 s5, s0;
	[tilespmem:s11+$0x0] =	vst v5;
	s11 =	smov.u32 s4;
	v7 =	vld [tilespmem:s15+$0x0]  }
0x2ff: {  	s19 =	sor.u32 s25, s22;
	v8 =	vadd.f32 v8, v16;
	s3 =	sor.u32 s23, s0;
	[tilespmem:s16+$0x0] =	vst v15;
	s14 =	smov.u32 s2;
	v5 =	vld [tilespmem:s11+$0x0]  }
0x300: {  	[tilespmem:s17+$0x0] =	vst v10;
	s23 =	smov.u32 s29;
	s29 =	rddreg [dreg:$0xd];
	s16 =	smov.u32 s3;
	v12 =	vld [tilespmem:s14+$0x0]  }
.Ltmp9:
0x301: {  	s8 =	smov.u32 s19;
	[tilespmem:s29+$0x0] =	vst v8;
	v10 =	vld [tilespmem:s16+$0x1A000];
	(pc) =	sbr.rel @p0 .LBB2_20-.Ltmp9, $4  }
0x302: {  	v63 =	vadd.f32 v11, v0;
	v8 =	vld [tilespmem:s8+$0x0];
	v0 =	vmov v13  }
0x303: {  	s22 =	smov.u32 s30;
	s30 =	rddreg [dreg:$0x1c];
	v13 =	vld [tilespmem:s26+$0x0];
	v11 =	vadd.f32 v14, v0  }
0x304: {  	s0 =	sor.u32 s25, s0;
	[tilespmem:s30+$0x0] =	vst v63;
	v14 =	vld [tilespmem:s28+$0x0]  }
0x305: {  	s1 =	sadd.s32 $0x40, s1;
	s6 =	smov.u32 s31;
	s17 =	smov.u32 s0;
	[tilespmem:s24+$0x0] =	vst v11;
	v11 =	vld [tilespmem:s14+$0x1A000]  }
0x306: {  	_ =	sdelay $0x2  }
0x307: {  	v14 =	vadd.f32 v14, v0  }
0x308: {  	v15 =	vld [tilespmem:s17+$0x1A000];
	v13 =	vadd.f32 v13, v0  }
0x309: {  	v1 =	vadd.f32 v1, v11;
	[tilespmem:s28+$0x0] =	vst v14  }
0x30a: {  	v2 =	vadd.f32 v2, v11;
	v14 =	vld [tilespmem:s6+$0x0];
	[tilespmem:s26+$0x0] =	vst v13  }
0x30b: {  	v3 =	vadd.f32 v3, v11;
	[tilespmem:s12+$0x0] =	vst v1  }
0x30c: {  	v1 =	vadd.f32 v4, v10;
	[tilespmem:s18+$0x0] =	vst v2  }
0x30d: {  	v6 =	vadd.f32 v6, v15;
	[tilespmem:s9+$0x0] =	vst v3  }
0x30e: {  	v4 =	vadd.f32 v9, v10;
	v2 =	vld [tilespmem:s16+$0x0];
	[tilespmem:s23+$0x0] =	vst v1  }
0x30f: {  	v3 =	vadd.f32 v7, v10;
	v1 =	vld [tilespmem:s17+$0x0];
	[tilespmem:s13+$0x0] =	vst v6  }
0x310: {  	[tilespmem:s22+$0x0] =	vst v4;
	v4 =	vadd.f32 v8, v15  }
0x311: {  	[tilespmem:s15+$0x0] =	vst v3;
	v3 =	vadd.f32 v5, v15  }
0x312: {  	v5 =	vadd.f32 v12, v11;
	[tilespmem:s8+$0x0] =	vst v4  }
0x313: {  	v0 =	vadd.f32 v14, v0;
	[tilespmem:s11+$0x0] =	vst v3  }
0x314: {  	v2 =	vadd.f32 v2, v10;
	[tilespmem:s14+$0x0] =	vst v5  }
0x315: {  	v1 =	vadd.f32 v1, v15;
	[tilespmem:s6+$0x0] =	vst v0  }
0x316: {  	[tilespmem:s16+$0x0] =	vst v2  }
0x317: {  	[tilespmem:s17+$0x0] =	vst v1  }
0x318: {  	s0 =	sld [smem:$0x7E7]  }
0x319: {  	s7 =	simm.s32 $0x0  }
0x31a: {  	s1 =	simm.s32 $0x2000;
	s2 =	simm.s32 $0x400000;
	s15 =	simm.s32 $0x7  }
0x31b: {  	[hbm4b:s0+s1] =	stream.strided.scatter [tilespmem:s7], [sflag:$0x4], $0x8000, s2, s1, $0x38;
	[tilespmem:$0x1C000] =	vst v63  }
0x31c: {  	_ =	swait.ge [sflag:s15], $0x2000  }
0x31d: {  	[sflag:s15] =	ssyncset.done $0x0  }
0x31e: {  	s16 =	simm.s32 $0x2;
	[sflag:s15] =	ssyncadd.s32 $0xFFFFE000  }
0x31f: {  	_ =	swait.ge [sflag:s16], $0x8000  }
0x320: {  	[sflag:s16] =	ssyncset.done $0x0  }
0x321: {  	s17 =	simm.s32 $0x6;
	[sflag:s16] =	ssyncadd.s32 $0xFFFF8000  }
0x322: {  	_ =	swait.ge [sflag:s17], $0x8000  }
0x323: {  	s18 =	sld [smem:$0x7EB]  }
0x324: {  	s3 =	simm.s32 $0x1A000;
	[sflag:s17] =	ssyncset.done $0x0  }
0x325: {  	s20 =	simm.s32 $0x10000;
	s19 =	sld [smem:$0x7EC];
	[sflag:s17] =	ssyncadd.s32 $0xFFFF8000  }
0x326: {  	[tilespmem:s3], [sflag:$0x8] =	stream.linear.gather [hbm4b:s18+s7], $0x2000, $0x38;
	[tilespmem:$0x1C000] =	vst v63  }
0x327: {  	s21 =	sand.u32 $0x40, s7;
	s24 =	sand.u32 $0x380, s7;
	s23 =	sand.u32 $0x1C00, s7  }
0x328: {  	[tilespmem:s20], [sflag:$0x3] =	stream.strided.gather [hbm4b:s19+s1], $0x8000, s2, s1, $0x38;
	[tilespmem:$0x1C000] =	vst v63  }
0x329: {  	s25 =	sor.u32 $0x30, s21;
	s1 =	sor.u32 s24, s23  }
0x32a: {  	s6 =	sor.u32 s25, s1  }
0x32b: {  	s14 =	sor.u32 s21, s1;
	v0 =	vld [tilespmem:s6+$0x18000]  }
0x32c: {  	s30 =	sor.u32 $0x10, s21;
	v11 =	vld [tilespmem:s14+$0x18000]  }
0x32d: {  	s26 =	sor.u32 $0xE000, s1;
	s16 =	sor.u32 s30, s1;
	v12 =	vld [tilespmem:s14+$0x8000]  }
0x32e: {  	s4 =	sor.u32 $0xA000, s1;
	s5 =	sor.u32 s25, s26;
	v10 =	vld [tilespmem:s16+$0x18000]  }
0x32f: {  	s29 =	sor.u32 $0xC000, s1;
	s12 =	sor.u32 s21, s4;
	v5 =	vld [tilespmem:s5+$0x0]  }
0x330: {  	s18 =	sor.u32 s21, s29;
	v1 =	vld [tilespmem:s12+$0x0]  }
0x331: {  	s9 =	sor.u32 s21, s26;
	v2 =	vld [tilespmem:s18+$0x0]  }
0x332: {  	s23 =	sor.u32 s30, s4;
	v3 =	vld [tilespmem:s9+$0x0]  }
0x333: {  	s22 =	sor.u32 s30, s29;
	v4 =	vld [tilespmem:s23+$0x0]  }
0x334: {  	s31 =	sor.u32 $0x20, s21;
	s15 =	sor.u32 s30, s26;
	v9 =	vld [tilespmem:s22+$0x0]  }
0x335: {  	s13 =	sor.u32 s31, s4;
	v7 =	vld [tilespmem:s15+$0x0]  }
0x336: {  	s8 =	sor.u32 s31, s29;
	v6 =	vld [tilespmem:s13+$0x0];
	v5 =	vadd.f32 v5, v0  }
0x337: {  	s11 =	sor.u32 s31, s26;
	v8 =	vld [tilespmem:s8+$0x0]  }
0x338: {  	s28 =	sor.u32 s25, s4;
	[tilespmem:s5+$0x0] =	vst v5;
	v5 =	vld [tilespmem:s11+$0x0]  }
0x339: {  	s20 =	simm.s32 $0x0;
	s26 =	sor.u32 s25, s29;
	v14 =	vld [tilespmem:s28+$0x0]  }
0x33a: {  	s17 =	sor.u32 s31, s1;
	s1 =	simm.s32 $0x40;
	s21 =	simm.s32 $0x0;
	v13 =	vld [tilespmem:s26+$0x0]  }
.LBB2_22:
0x33b: {  	_ =	sdelay $0x1  }
0x33c: {  	s7 =	sadd.s32 $0x8, s7;
	s21 =	sadd.s32 $0x200, s21  }
0x33d: {  	v15 =	vld [tilespmem:s16+$0x8000];
	s0 =	sand.u32 $0x1C00, s21;
	s2 =	sand.u32 $0x380, s7;
	v14 =	vadd.f32 v14, v0  }
0x33e: {  	s5 =	sand.u32 $0x40, s1;
	v16 =	vld [tilespmem:s17+$0x18000];
	s0 =	sor.u32 s2, s0;
	v13 =	vadd.f32 v13, v0  }
0x33f: {  	v17 =	vld [tilespmem:s17+$0x8000];
	s2 =	sor.u32 $0x30, s5;
	s4 =	sor.u32 $0xE000, s0;
	v1 =	vadd.f32 v1, v11;
	v2 =	vadd.f32 v2, v11;
	[tilespmem:s28+$0x0] =	vst v14  }
0x340: {  	v12 =	vadd.f32 v12, v11;
	v3 =	vadd.f32 v3, v11;
	v11 =	vld [tilespmem:s6+$0x8000];
	s24 =	sor.u32 s2, s4;
	[tilespmem:s26+$0x0] =	vst v13  }
0x341: {  	[dreg:$0xe] =	wrdreg s8;
	s3 =	sor.u32 $0xA000, s0;
	s31 =	sor.u32 s2, s0;
	[tilespmem:s12+$0x0] =	vst v1;
	v14 =	vld [tilespmem:s24+$0x0]  }
0x342: {  	s8 =	smov.u32 s22;
	s22 =	sor.u32 $0xC000, s0;
	v9 =	vadd.f32 v9, v10;
	s12 =	sor.u32 s5, s3;
	[tilespmem:s18+$0x0] =	vst v2;
	v13 =	vld [tilespmem:s31+$0x18000]  }
0x343: {  	v4 =	vadd.f32 v4, v10;
	s18 =	sor.u32 s5, s22;
	[tilespmem:s9+$0x0] =	vst v3;
	v1 =	vld [tilespmem:s12+$0x0]  }
0x344: {  	v7 =	vadd.f32 v7, v10;
	s26 =	smov.u32 s23;
	s23 =	sor.u32 $0x10, s5;
	s9 =	sor.u32 s5, s4;
	[tilespmem:s8+$0x0] =	vst v9;
	v2 =	vld [tilespmem:s18+$0x0]  }
0x345: {  	[dreg:$0x1d] =	wrdreg s6;
	s25 =	sor.u32 $0x20, s5;
	v6 =	vadd.f32 v6, v16;
	s29 =	sor.u32 s23, s3;
	[tilespmem:s26+$0x0] =	vst v4;
	v3 =	vld [tilespmem:s9+$0x0]  }
0x346: {  	s20 =	sadd.s32 $0x4, s20;
	s6 =	sor.u32 s25, s3;
	[tilespmem:s15+$0x0] =	vst v7;
	s30 =	sor.u32 s23, s22;
	v4 =	vld [tilespmem:s29+$0x0]  }
0x347: {  	p0 =	slt.u32 s20, $0x1FC;
	v5 =	vadd.f32 v5, v16;
	s10 =	sor.u32 s23, s4;
	[tilespmem:s13+$0x0] =	vst v6;
	s13 =	smov.u32 s6;
	v9 =	vld [tilespmem:s30+$0x0]  }
0x348: {  	v15 =	vadd.f32 v15, v10;
	s28 =	sor.u32 s2, s3;
	[tilespmem:s14+$0x8000] =	vst v12;
	s4 =	sor.u32 s25, s4;
	s15 =	smov.u32 s10;
	v6 =	vld [tilespmem:s13+$0x0]  }
0x349: {  	v10 =	vadd.f32 v17, v16;
	s26 =	sor.u32 s2, s22;
	s2 =	sor.u32 s5, s0;
	[tilespmem:s11+$0x0] =	vst v5;
	s11 =	smov.u32 s4;
	v7 =	vld [tilespmem:s15+$0x0]  }
0x34a: {  	s19 =	sor.u32 s25, s22;
	v8 =	vadd.f32 v8, v16;
	s3 =	sor.u32 s23, s0;
	[tilespmem:s16+$0x8000] =	vst v15;
	s14 =	smov.u32 s2;
	v5 =	vld [tilespmem:s11+$0x0]  }
0x34b: {  	[tilespmem:s17+$0x8000] =	vst v10;
	s23 =	smov.u32 s29;
	s29 =	rddreg [dreg:$0xe];
	s16 =	smov.u32 s3;
	v12 =	vld [tilespmem:s14+$0x8000]  }
.Ltmp10:
0x34c: {  	s8 =	smov.u32 s19;
	[tilespmem:s29+$0x0] =	vst v8;
	v10 =	vld [tilespmem:s16+$0x18000];
	(pc) =	sbr.rel @p0 .LBB2_22-.Ltmp10, $4  }
0x34d: {  	v63 =	vadd.f32 v11, v0;
	v8 =	vld [tilespmem:s8+$0x0];
	v0 =	vmov v13  }
0x34e: {  	s22 =	smov.u32 s30;
	s30 =	rddreg [dreg:$0x1d];
	v13 =	vld [tilespmem:s26+$0x0];
	v11 =	vadd.f32 v14, v0  }
0x34f: {  	s0 =	sor.u32 s25, s0;
	[tilespmem:s30+$0x8000] =	vst v63;
	v14 =	vld [tilespmem:s28+$0x0]  }
0x350: {  	s1 =	sadd.s32 $0x40, s1;
	s6 =	smov.u32 s31;
	s17 =	smov.u32 s0;
	[tilespmem:s24+$0x0] =	vst v11;
	v11 =	vld [tilespmem:s14+$0x18000]  }
0x351: {  	_ =	sdelay $0x2  }
0x352: {  	v14 =	vadd.f32 v14, v0  }
0x353: {  	v15 =	vld [tilespmem:s17+$0x18000];
	v13 =	vadd.f32 v13, v0  }
0x354: {  	v1 =	vadd.f32 v1, v11;
	[tilespmem:s28+$0x0] =	vst v14  }
0x355: {  	v2 =	vadd.f32 v2, v11;
	v14 =	vld [tilespmem:s6+$0x8000];
	[tilespmem:s26+$0x0] =	vst v13  }
0x356: {  	v3 =	vadd.f32 v3, v11;
	[tilespmem:s12+$0x0] =	vst v1  }
0x357: {  	v1 =	vadd.f32 v4, v10;
	[tilespmem:s18+$0x0] =	vst v2  }
0x358: {  	v6 =	vadd.f32 v6, v15;
	[tilespmem:s9+$0x0] =	vst v3  }
0x359: {  	v4 =	vadd.f32 v9, v10;
	v2 =	vld [tilespmem:s16+$0x8000];
	[tilespmem:s23+$0x0] =	vst v1  }
0x35a: {  	v3 =	vadd.f32 v7, v10;
	v1 =	vld [tilespmem:s17+$0x8000];
	[tilespmem:s13+$0x0] =	vst v6  }
0x35b: {  	[tilespmem:s22+$0x0] =	vst v4;
	v4 =	vadd.f32 v8, v15  }
0x35c: {  	[tilespmem:s15+$0x0] =	vst v3;
	v3 =	vadd.f32 v5, v15  }
0x35d: {  	v5 =	vadd.f32 v12, v11;
	[tilespmem:s8+$0x0] =	vst v4  }
0x35e: {  	v0 =	vadd.f32 v14, v0;
	[tilespmem:s11+$0x0] =	vst v3  }
0x35f: {  	v2 =	vadd.f32 v2, v10;
	[tilespmem:s14+$0x8000] =	vst v5  }
0x360: {  	v1 =	vadd.f32 v1, v15;
	[tilespmem:s6+$0x8000] =	vst v0  }
0x361: {  	[tilespmem:s16+$0x8000] =	vst v2  }
0x362: {  	[tilespmem:s17+$0x8000] =	vst v1  }
0x363: {  	s0 =	sld [smem:$0x7EA]  }
0x364: {  	s2 =	simm.s32 $0x2000  }
0x365: {  	s3 =	simm.s32 $0x400000;
	s1 =	simm.s32 $0x8000;
	s15 =	simm.s32 $0x8  }
0x366: {  	[hbm4b:s0+s2] =	stream.strided.scatter [tilespmem:s1], [sflag:$0x5], $0x8000, s3, s2, $0x38;
	[tilespmem:$0x1C000] =	vst v63  }
0x367: {  	_ =	swait.ge [sflag:s15], $0x2000  }
0x368: {  	[sflag:s15] =	ssyncset.done $0x0  }
0x369: {  	s16 =	simm.s32 $0x3;
	[sflag:s15] =	ssyncadd.s32 $0xFFFFE000  }
0x36a: {  	_ =	swait.ge [sflag:s16], $0x8000  }
0x36b: {  	[sflag:s16] =	ssyncset.done $0x0  }
0x36c: {  	s17 =	simm.s32 $0x4;
	[sflag:s16] =	ssyncadd.s32 $0xFFFF8000  }
0x36d: {  	s7 =	simm.s32 $0x0;
	s19 =	simm.s32 $0x18000;
	_ =	swait.ge [sflag:s17], $0x8000  }
0x36e: {  	s21 =	sand.u32 $0x40, s7;
	s24 =	sand.u32 $0x380, s7;
	s18 =	sld [smem:$0x7EE]  }
0x36f: {  	s25 =	sor.u32 $0x30, s21;
	s23 =	sand.u32 $0x1C00, s7;
	[sflag:s17] =	ssyncset.done $0x0  }
0x370: {  	s1 =	sor.u32 s24, s23;
	s20 =	sld [smem:$0x7EF];
	[sflag:s17] =	ssyncadd.s32 $0xFFFF8000  }
0x371: {  	[tilespmem:s19], [sflag:$0x7] =	stream.linear.gather [hbm4b:s18+s7], $0x2000, $0x38;
	[tilespmem:$0x1C000] =	vst v63  }
0x372: {  	s26 =	sor.u32 $0x16000, s1;
	s6 =	sor.u32 s25, s1  }
0x373: {  	[tilespmem:s7], [sflag:$0x1] =	stream.strided.gather [hbm4b:s20+s2], $0x8000, s3, s2, $0x38;
	[tilespmem:$0x1C000] =	vst v63  }
0x374: {  	s4 =	sor.u32 $0x12000, s1;
	s5 =	sor.u32 s25, s26;
	v0 =	vld [tilespmem:s6+$0x1A000]  }
0x375: {  	s29 =	sor.u32 $0x14000, s1;
	s12 =	sor.u32 s21, s4;
	v5 =	vld [tilespmem:s5+$0x0]  }
0x376: {  	s18 =	sor.u32 s21, s29;
	v1 =	vld [tilespmem:s12+$0x0]  }
0x377: {  	s30 =	sor.u32 $0x10, s21;
	s9 =	sor.u32 s21, s26;
	v2 =	vld [tilespmem:s18+$0x0]  }
0x378: {  	s23 =	sor.u32 s30, s4;
	v3 =	vld [tilespmem:s9+$0x0]  }
0x379: {  	s22 =	sor.u32 s30, s29;
	v4 =	vld [tilespmem:s23+$0x0]  }
0x37a: {  	s31 =	sor.u32 $0x20, s21;
	s15 =	sor.u32 s30, s26;
	v9 =	vld [tilespmem:s22+$0x0]  }
0x37b: {  	s13 =	sor.u32 s31, s4;
	v7 =	vld [tilespmem:s15+$0x0]  }
0x37c: {  	s8 =	sor.u32 s31, s29;
	v6 =	vld [tilespmem:s13+$0x0]  }
0x37d: {  	s14 =	sor.u32 s21, s1;
	v8 =	vld [tilespmem:s8+$0x0]  }
0x37e: {  	v11 =	vld [tilespmem:s14+$0x1A000]  }
0x37f: {  	s16 =	sor.u32 s30, s1;
	v12 =	vld [tilespmem:s14+$0x10000];
	v5 =	vadd.f32 v5, v0  }
0x380: {  	s11 =	sor.u32 s31, s26;
	v10 =	vld [tilespmem:s16+$0x1A000]  }
0x381: {  	s28 =	sor.u32 s25, s4;
	[tilespmem:s5+$0x0] =	vst v5;
	v5 =	vld [tilespmem:s11+$0x0]  }
0x382: {  	s26 =	sor.u32 s25, s29;
	s17 =	sor.u32 s31, s1;
	v14 =	vld [tilespmem:s28+$0x0]  }
0x383: {  	s1 =	simm.s32 $0x40;
	s21 =	simm.s32 $0x0;
	s20 =	simm.s32 $0x0;
	v13 =	vld [tilespmem:s26+$0x0]  }
.LBB2_24:
0x384: {  	_ =	sdelay $0x1  }
0x385: {  	s7 =	sadd.s32 $0x8, s7;
	s21 =	sadd.s32 $0x200, s21  }
0x386: {  	v15 =	vld [tilespmem:s16+$0x10000];
	s0 =	sand.u32 $0x1C00, s21;
	s2 =	sand.u32 $0x380, s7;
	v14 =	vadd.f32 v14, v0  }
0x387: {  	s5 =	sand.u32 $0x40, s1;
	v16 =	vld [tilespmem:s17+$0x1A000];
	s0 =	sor.u32 s2, s0;
	v13 =	vadd.f32 v13, v0  }
0x388: {  	v17 =	vld [tilespmem:s17+$0x10000];
	s2 =	sor.u32 $0x30, s5;
	s4 =	sor.u32 $0x16000, s0;
	v1 =	vadd.f32 v1, v11;
	v2 =	vadd.f32 v2, v11;
	[tilespmem:s28+$0x0] =	vst v14  }
0x389: {  	v12 =	vadd.f32 v12, v11;
	v3 =	vadd.f32 v3, v11;
	v11 =	vld [tilespmem:s6+$0x10000];
	s24 =	sor.u32 s2, s4;
	[tilespmem:s26+$0x0] =	vst v13  }
0x38a: {  	[dreg:$0xf] =	wrdreg s8;
	s3 =	sor.u32 $0x12000, s0;
	s31 =	sor.u32 s2, s0;
	[tilespmem:s12+$0x0] =	vst v1;
	v14 =	vld [tilespmem:s24+$0x0]  }
0x38b: {  	s8 =	smov.u32 s22;
	s22 =	sor.u32 $0x14000, s0;
	v9 =	vadd.f32 v9, v10;
	s12 =	sor.u32 s5, s3;
	[tilespmem:s18+$0x0] =	vst v2;
	v13 =	vld [tilespmem:s31+$0x1A000]  }
0x38c: {  	v4 =	vadd.f32 v4, v10;
	s18 =	sor.u32 s5, s22;
	[tilespmem:s9+$0x0] =	vst v3;
	v1 =	vld [tilespmem:s12+$0x0]  }
0x38d: {  	v7 =	vadd.f32 v7, v10;
	s26 =	smov.u32 s23;
	s23 =	sor.u32 $0x10, s5;
	s9 =	sor.u32 s5, s4;
	[tilespmem:s8+$0x0] =	vst v9;
	v2 =	vld [tilespmem:s18+$0x0]  }
0x38e: {  	[dreg:$0x1e] =	wrdreg s6;
	s25 =	sor.u32 $0x20, s5;
	v6 =	vadd.f32 v6, v16;
	s29 =	sor.u32 s23, s3;
	[tilespmem:s26+$0x0] =	vst v4;
	v3 =	vld [tilespmem:s9+$0x0]  }
0x38f: {  	s20 =	sadd.s32 $0x4, s20;
	s6 =	sor.u32 s25, s3;
	[tilespmem:s15+$0x0] =	vst v7;
	s30 =	sor.u32 s23, s22;
	v4 =	vld [tilespmem:s29+$0x0]  }
0x390: {  	p0 =	slt.u32 s20, $0x1FC;
	v5 =	vadd.f32 v5, v16;
	s10 =	sor.u32 s23, s4;
	[tilespmem:s13+$0x0] =	vst v6;
	s13 =	smov.u32 s6;
	v9 =	vld [tilespmem:s30+$0x0]  }
0x391: {  	v15 =	vadd.f32 v15, v10;
	s28 =	sor.u32 s2, s3;
	[tilespmem:s14+$0x10000] =	vst v12;
	s4 =	sor.u32 s25, s4;
	s15 =	smov.u32 s10;
	v6 =	vld [tilespmem:s13+$0x0]  }
0x392: {  	v10 =	vadd.f32 v17, v16;
	s26 =	sor.u32 s2, s22;
	s2 =	sor.u32 s5, s0;
	[tilespmem:s11+$0x0] =	vst v5;
	s11 =	smov.u32 s4;
	v7 =	vld [tilespmem:s15+$0x0]  }
0x393: {  	s19 =	sor.u32 s25, s22;
	v8 =	vadd.f32 v8, v16;
	s3 =	sor.u32 s23, s0;
	[tilespmem:s16+$0x10000] =	vst v15;
	s14 =	smov.u32 s2;
	v5 =	vld [tilespmem:s11+$0x0]  }
0x394: {  	[tilespmem:s17+$0x10000] =	vst v10;
	s23 =	smov.u32 s29;
	s29 =	rddreg [dreg:$0xf];
	s16 =	smov.u32 s3;
	v12 =	vld [tilespmem:s14+$0x10000]  }
.Ltmp11:
0x395: {  	s8 =	smov.u32 s19;
	[tilespmem:s29+$0x0] =	vst v8;
	v10 =	vld [tilespmem:s16+$0x1A000];
	(pc) =	sbr.rel @p0 .LBB2_24-.Ltmp11, $4  }
0x396: {  	v63 =	vadd.f32 v11, v0;
	v8 =	vld [tilespmem:s8+$0x0];
	v0 =	vmov v13  }
0x397: {  	s22 =	smov.u32 s30;
	s30 =	rddreg [dreg:$0x1e];
	v13 =	vld [tilespmem:s26+$0x0];
	v11 =	vadd.f32 v14, v0  }
0x398: {  	s0 =	sor.u32 s25, s0;
	[tilespmem:s30+$0x10000] =	vst v63;
	v14 =	vld [tilespmem:s28+$0x0]  }
0x399: {  	s1 =	sadd.s32 $0x40, s1;
	s6 =	smov.u32 s31;
	s17 =	smov.u32 s0;
	[tilespmem:s24+$0x0] =	vst v11;
	v11 =	vld [tilespmem:s14+$0x1A000]  }
0x39a: {  	_ =	sdelay $0x2  }
0x39b: {  	v14 =	vadd.f32 v14, v0  }
0x39c: {  	v15 =	vld [tilespmem:s17+$0x1A000];
	v13 =	vadd.f32 v13, v0  }
0x39d: {  	v1 =	vadd.f32 v1, v11;
	[tilespmem:s28+$0x0] =	vst v14  }
0x39e: {  	v2 =	vadd.f32 v2, v11;
	v14 =	vld [tilespmem:s6+$0x10000];
	[tilespmem:s26+$0x0] =	vst v13  }
0x39f: {  	v3 =	vadd.f32 v3, v11;
	[tilespmem:s12+$0x0] =	vst v1  }
0x3a0: {  	v1 =	vadd.f32 v4, v10;
	[tilespmem:s18+$0x0] =	vst v2  }
0x3a1: {  	v6 =	vadd.f32 v6, v15;
	[tilespmem:s9+$0x0] =	vst v3  }
0x3a2: {  	v4 =	vadd.f32 v9, v10;
	v2 =	vld [tilespmem:s16+$0x10000];
	[tilespmem:s23+$0x0] =	vst v1  }
0x3a3: {  	v3 =	vadd.f32 v7, v10;
	v1 =	vld [tilespmem:s17+$0x10000];
	[tilespmem:s13+$0x0] =	vst v6  }
0x3a4: {  	[tilespmem:s22+$0x0] =	vst v4;
	v4 =	vadd.f32 v8, v15  }
0x3a5: {  	[tilespmem:s15+$0x0] =	vst v3;
	v3 =	vadd.f32 v5, v15  }
0x3a6: {  	v5 =	vadd.f32 v12, v11;
	[tilespmem:s8+$0x0] =	vst v4  }
0x3a7: {  	v0 =	vadd.f32 v14, v0;
	[tilespmem:s11+$0x0] =	vst v3  }
0x3a8: {  	v2 =	vadd.f32 v2, v10;
	[tilespmem:s14+$0x10000] =	vst v5  }
0x3a9: {  	v1 =	vadd.f32 v1, v15;
	[tilespmem:s6+$0x10000] =	vst v0  }
0x3aa: {  	[tilespmem:s16+$0x10000] =	vst v2  }
0x3ab: {  	[tilespmem:s17+$0x10000] =	vst v1  }
0x3ac: {  	s0 =	sld [smem:$0x7ED]  }
0x3ad: {  	s1 =	simm.s32 $0x2000  }
0x3ae: {  	s2 =	simm.s32 $0x400000;
	s3 =	simm.s32 $0x10000;
	s14 =	simm.s32 $0x7  }
0x3af: {  	[hbm4b:s0+s1] =	stream.strided.scatter [tilespmem:s3], [sflag:$0x6], $0x8000, s2, s1, $0x38;
	[tilespmem:$0x1C000] =	vst v63  }
0x3b0: {  	_ =	swait.ge [sflag:s14], $0x2000  }
0x3b1: {  	[sflag:s14] =	ssyncset.done $0x0  }
0x3b2: {  	s15 =	simm.s32 $0x1;
	[sflag:s14] =	ssyncadd.s32 $0xFFFFE000  }
0x3b3: {  	_ =	swait.ge [sflag:s15], $0x8000  }
0x3b4: {  	[sflag:s15] =	ssyncset.done $0x0  }
0x3b5: {  	s16 =	simm.s32 $0x5;
	[sflag:s15] =	ssyncadd.s32 $0xFFFF8000  }
0x3b6: {  	_ =	swait.ge [sflag:s16], $0x8000  }
0x3b7: {  	s17 =	sld [smem:$0x7F1]  }
0x3b8: {  	s7 =	simm.s32 $0x0;
	s20 =	simm.s32 $0x8000;
	[sflag:s16] =	ssyncset.done $0x0  }
0x3b9: {  	s18 =	simm.s32 $0x1A000;
	s19 =	sld [smem:$0x7F2];
	[sflag:s16] =	ssyncadd.s32 $0xFFFF8000  }
0x3ba: {  	[tilespmem:s18], [sflag:$0x8] =	stream.linear.gather [hbm4b:s17+s7], $0x2000, $0x38;
	[tilespmem:$0x1C000] =	vst v63  }
0x3bb: {  	s21 =	sand.u32 $0x40, s7;
	s24 =	sand.u32 $0x380, s7;
	s23 =	sand.u32 $0x1C00, s7  }
0x3bc: {  	[tilespmem:s20], [sflag:$0x2] =	stream.strided.gather [hbm4b:s19+s1], $0x8000, s2, s1, $0x38;
	[tilespmem:$0x1C000] =	vst v63  }
0x3bd: {  	s25 =	sor.u32 $0x30, s21;
	s1 =	sor.u32 s24, s23  }
0x3be: {  	s6 =	sor.u32 s25, s1  }
0x3bf: {  	s14 =	sor.u32 s21, s1;
	v0 =	vld [tilespmem:s6+$0x18000]  }
0x3c0: {  	s30 =	sor.u32 $0x10, s21;
	v11 =	vld [tilespmem:s14+$0x18000]  }
0x3c1: {  	s26 =	sor.u32 $0x6000, s1;
	s16 =	sor.u32 s30, s1;
	v12 =	vld [tilespmem:s14+$0x0]  }
0x3c2: {  	s4 =	sor.u32 $0x2000, s1;
	s5 =	sor.u32 s25, s26;
	v10 =	vld [tilespmem:s16+$0x18000]  }
0x3c3: {  	s29 =	sor.u32 $0x4000, s1;
	s12 =	sor.u32 s21, s4;
	v5 =	vld [tilespmem:s5+$0x0]  }
0x3c4: {  	s18 =	sor.u32 s21, s29;
	v1 =	vld [tilespmem:s12+$0x0]  }
0x3c5: {  	s9 =	sor.u32 s21, s26;
	v2 =	vld [tilespmem:s18+$0x0]  }
0x3c6: {  	s23 =	sor.u32 s30, s4;
	v3 =	vld [tilespmem:s9+$0x0]  }
0x3c7: {  	s22 =	sor.u32 s30, s29;
	v4 =	vld [tilespmem:s23+$0x0]  }
0x3c8: {  	s31 =	sor.u32 $0x20, s21;
	s15 =	sor.u32 s30, s26;
	v9 =	vld [tilespmem:s22+$0x0]  }
0x3c9: {  	s13 =	sor.u32 s31, s4;
	v7 =	vld [tilespmem:s15+$0x0]  }
0x3ca: {  	s8 =	sor.u32 s31, s29;
	v6 =	vld [tilespmem:s13+$0x0];
	v5 =	vadd.f32 v5, v0  }
0x3cb: {  	s11 =	sor.u32 s31, s26;
	v8 =	vld [tilespmem:s8+$0x0]  }
0x3cc: {  	s28 =	sor.u32 s25, s4;
	[tilespmem:s5+$0x0] =	vst v5;
	v5 =	vld [tilespmem:s11+$0x0]  }
0x3cd: {  	s20 =	simm.s32 $0x0;
	s26 =	sor.u32 s25, s29;
	v14 =	vld [tilespmem:s28+$0x0]  }
0x3ce: {  	s17 =	sor.u32 s31, s1;
	s1 =	simm.s32 $0x40;
	s21 =	simm.s32 $0x0;
	v13 =	vld [tilespmem:s26+$0x0]  }
.LBB2_26:
0x3cf: {  	_ =	sdelay $0x1  }
0x3d0: {  	s7 =	sadd.s32 $0x8, s7;
	s21 =	sadd.s32 $0x200, s21  }
0x3d1: {  	v15 =	vld [tilespmem:s16+$0x0];
	s0 =	sand.u32 $0x1C00, s21;
	s2 =	sand.u32 $0x380, s7;
	v14 =	vadd.f32 v14, v0  }
0x3d2: {  	s5 =	sand.u32 $0x40, s1;
	v16 =	vld [tilespmem:s17+$0x18000];
	s0 =	sor.u32 s2, s0;
	v13 =	vadd.f32 v13, v0  }
0x3d3: {  	v17 =	vld [tilespmem:s17+$0x0];
	s2 =	sor.u32 $0x30, s5;
	s4 =	sor.u32 $0x6000, s0;
	v1 =	vadd.f32 v1, v11;
	v2 =	vadd.f32 v2, v11;
	[tilespmem:s28+$0x0] =	vst v14  }
0x3d4: {  	v12 =	vadd.f32 v12, v11;
	v3 =	vadd.f32 v3, v11;
	v11 =	vld [tilespmem:s6+$0x0];
	s24 =	sor.u32 s2, s4;
	[tilespmem:s26+$0x0] =	vst v13  }
0x3d5: {  	[dreg:$0x10] =	wrdreg s8;
	s3 =	sor.u32 $0x2000, s0;
	s31 =	sor.u32 s2, s0;
	[tilespmem:s12+$0x0] =	vst v1;
	v14 =	vld [tilespmem:s24+$0x0]  }
0x3d6: {  	s8 =	smov.u32 s22;
	s22 =	sor.u32 $0x4000, s0;
	v9 =	vadd.f32 v9, v10;
	s12 =	sor.u32 s5, s3;
	[tilespmem:s18+$0x0] =	vst v2;
	v13 =	vld [tilespmem:s31+$0x18000]  }
0x3d7: {  	v4 =	vadd.f32 v4, v10;
	s18 =	sor.u32 s5, s22;
	[tilespmem:s9+$0x0] =	vst v3;
	v1 =	vld [tilespmem:s12+$0x0]  }
0x3d8: {  	v7 =	vadd.f32 v7, v10;
	s26 =	smov.u32 s23;
	s23 =	sor.u32 $0x10, s5;
	s9 =	sor.u32 s5, s4;
	[tilespmem:s8+$0x0] =	vst v9;
	v2 =	vld [tilespmem:s18+$0x0]  }
0x3d9: {  	[dreg:$0x1f] =	wrdreg s6;
	s25 =	sor.u32 $0x20, s5;
	v6 =	vadd.f32 v6, v16;
	s29 =	sor.u32 s23, s3;
	[tilespmem:s26+$0x0] =	vst v4;
	v3 =	vld [tilespmem:s9+$0x0]  }
0x3da: {  	s20 =	sadd.s32 $0x4, s20;
	s6 =	sor.u32 s25, s3;
	[tilespmem:s15+$0x0] =	vst v7;
	s30 =	sor.u32 s23, s22;
	v4 =	vld [tilespmem:s29+$0x0]  }
0x3db: {  	p0 =	slt.u32 s20, $0x1FC;
	v5 =	vadd.f32 v5, v16;
	s10 =	sor.u32 s23, s4;
	[tilespmem:s13+$0x0] =	vst v6;
	s13 =	smov.u32 s6;
	v9 =	vld [tilespmem:s30+$0x0]  }
0x3dc: {  	v15 =	vadd.f32 v15, v10;
	s28 =	sor.u32 s2, s3;
	[tilespmem:s14+$0x0] =	vst v12;
	s4 =	sor.u32 s25, s4;
	s15 =	smov.u32 s10;
	v6 =	vld [tilespmem:s13+$0x0]  }
0x3dd: {  	v10 =	vadd.f32 v17, v16;
	s26 =	sor.u32 s2, s22;
	s2 =	sor.u32 s5, s0;
	[tilespmem:s11+$0x0] =	vst v5;
	s11 =	smov.u32 s4;
	v7 =	vld [tilespmem:s15+$0x0]  }
0x3de: {  	s19 =	sor.u32 s25, s22;
	v8 =	vadd.f32 v8, v16;
	s3 =	sor.u32 s23, s0;
	[tilespmem:s16+$0x0] =	vst v15;
	s14 =	smov.u32 s2;
	v5 =	vld [tilespmem:s11+$0x0]  }
0x3df: {  	[tilespmem:s17+$0x0] =	vst v10;
	s23 =	smov.u32 s29;
	s29 =	rddreg [dreg:$0x10];
	s16 =	smov.u32 s3;
	v12 =	vld [tilespmem:s14+$0x0]  }
.Ltmp12:
0x3e0: {  	s8 =	smov.u32 s19;
	[tilespmem:s29+$0x0] =	vst v8;
	v10 =	vld [tilespmem:s16+$0x18000];
	(pc) =	sbr.rel @p0 .LBB2_26-.Ltmp12, $4  }
0x3e1: {  	v63 =	vadd.f32 v11, v0;
	v8 =	vld [tilespmem:s8+$0x0];
	v0 =	vmov v13  }
0x3e2: {  	s22 =	smov.u32 s30;
	s30 =	rddreg [dreg:$0x1f];
	v13 =	vld [tilespmem:s26+$0x0];
	v11 =	vadd.f32 v14, v0  }
0x3e3: {  	s0 =	sor.u32 s25, s0;
	[tilespmem:s30+$0x0] =	vst v63;
	v14 =	vld [tilespmem:s28+$0x0]  }
0x3e4: {  	s1 =	sadd.s32 $0x40, s1;
	s6 =	smov.u32 s31;
	s17 =	smov.u32 s0;
	[tilespmem:s24+$0x0] =	vst v11;
	v11 =	vld [tilespmem:s14+$0x18000]  }
0x3e5: {  	_ =	sdelay $0x2  }
0x3e6: {  	v14 =	vadd.f32 v14, v0  }
0x3e7: {  	v15 =	vld [tilespmem:s17+$0x18000];
	v13 =	vadd.f32 v13, v0  }
0x3e8: {  	v1 =	vadd.f32 v1, v11;
	[tilespmem:s28+$0x0] =	vst v14  }
0x3e9: {  	v2 =	vadd.f32 v2, v11;
	v14 =	vld [tilespmem:s6+$0x0];
	[tilespmem:s26+$0x0] =	vst v13  }
0x3ea: {  	v3 =	vadd.f32 v3, v11;
	[tilespmem:s12+$0x0] =	vst v1  }
0x3eb: {  	v1 =	vadd.f32 v4, v10;
	[tilespmem:s18+$0x0] =	vst v2  }
0x3ec: {  	v6 =	vadd.f32 v6, v15;
	[tilespmem:s9+$0x0] =	vst v3  }
0x3ed: {  	v4 =	vadd.f32 v9, v10;
	v2 =	vld [tilespmem:s16+$0x0];
	[tilespmem:s23+$0x0] =	vst v1  }
0x3ee: {  	v3 =	vadd.f32 v7, v10;
	v1 =	vld [tilespmem:s17+$0x0];
	[tilespmem:s13+$0x0] =	vst v6  }
0x3ef: {  	[tilespmem:s22+$0x0] =	vst v4;
	v4 =	vadd.f32 v8, v15  }
0x3f0: {  	[tilespmem:s15+$0x0] =	vst v3;
	v3 =	vadd.f32 v5, v15  }
0x3f1: {  	v5 =	vadd.f32 v12, v11;
	[tilespmem:s8+$0x0] =	vst v4  }
0x3f2: {  	v0 =	vadd.f32 v14, v0;
	[tilespmem:s11+$0x0] =	vst v3  }
0x3f3: {  	v2 =	vadd.f32 v2, v10;
	[tilespmem:s14+$0x0] =	vst v5  }
0x3f4: {  	v1 =	vadd.f32 v1, v15;
	[tilespmem:s6+$0x0] =	vst v0  }
0x3f5: {  	[tilespmem:s16+$0x0] =	vst v2  }
0x3f6: {  	[tilespmem:s17+$0x0] =	vst v1  }
0x3f7: {  	s0 =	sld [smem:$0x7F0]  }
0x3f8: {  	s7 =	simm.s32 $0x0  }
0x3f9: {  	s2 =	simm.s32 $0x2000;
	s3 =	simm.s32 $0x400000;
	s15 =	simm.s32 $0x8  }
0x3fa: {  	[hbm4b:s0+s2] =	stream.strided.scatter [tilespmem:s7], [sflag:$0x4], $0x8000, s3, s2, $0x38;
	[tilespmem:$0x1C000] =	vst v63  }
0x3fb: {  	_ =	swait.ge [sflag:s15], $0x2000  }
0x3fc: {  	[sflag:s15] =	ssyncset.done $0x0  }
0x3fd: {  	s16 =	simm.s32 $0x2;
	[sflag:s15] =	ssyncadd.s32 $0xFFFFE000  }
0x3fe: {  	_ =	swait.ge [sflag:s16], $0x8000  }
0x3ff: {  	[sflag:s16] =	ssyncset.done $0x0  }
0x400: {  	s17 =	simm.s32 $0x6;
	[sflag:s16] =	ssyncadd.s32 $0xFFFF8000  }
0x401: {  	_ =	swait.ge [sflag:s17], $0x8000  }
0x402: {  	s1 =	simm.s32 $0x18000;
	s18 =	sld [smem:$0x7F7]  }
0x403: {  	s21 =	sand.u32 $0x40, s7;
	s24 =	sand.u32 $0x380, s7;
	[sflag:s17] =	ssyncset.done $0x0  }
0x404: {  	s23 =	sand.u32 $0x1C00, s7;
	s19 =	sld [smem:$0x7F9];
	[sflag:s17] =	ssyncadd.s32 $0xFFFF8000  }
0x405: {  	[tilespmem:s1], [sflag:$0x7] =	stream.linear.gather [hbm4b:s18+s7], $0x2000, $0x38;
	[tilespmem:$0x1C000] =	vst v63  }
0x406: {  	s25 =	sor.u32 $0x30, s21;
	s1 =	sor.u32 s24, s23  }
0x407: {  	s20 =	simm.s32 $0x10000;
	s26 =	sor.u32 $0xE000, s1;
	s6 =	sor.u32 s25, s1  }
0x408: {  	[tilespmem:s20], [sflag:$0x3] =	stream.strided.gather [hbm4b:s19+s2], $0x8000, s3, s2, $0x38;
	[tilespmem:$0x1C000] =	vst v63  }
0x409: {  	s4 =	sor.u32 $0xA000, s1;
	s5 =	sor.u32 s25, s26;
	v0 =	vld [tilespmem:s6+$0x1A000]  }
0x40a: {  	s29 =	sor.u32 $0xC000, s1;
	s12 =	sor.u32 s21, s4;
	v5 =	vld [tilespmem:s5+$0x0]  }
0x40b: {  	s18 =	sor.u32 s21, s29;
	v1 =	vld [tilespmem:s12+$0x0]  }
0x40c: {  	s30 =	sor.u32 $0x10, s21;
	s9 =	sor.u32 s21, s26;
	v2 =	vld [tilespmem:s18+$0x0]  }
0x40d: {  	s23 =	sor.u32 s30, s4;
	v3 =	vld [tilespmem:s9+$0x0]  }
0x40e: {  	s22 =	sor.u32 s30, s29;
	v4 =	vld [tilespmem:s23+$0x0]  }
0x40f: {  	s31 =	sor.u32 $0x20, s21;
	s15 =	sor.u32 s30, s26;
	v9 =	vld [tilespmem:s22+$0x0]  }
0x410: {  	s13 =	sor.u32 s31, s4;
	v7 =	vld [tilespmem:s15+$0x0]  }
0x411: {  	s8 =	sor.u32 s31, s29;
	v6 =	vld [tilespmem:s13+$0x0]  }
0x412: {  	s14 =	sor.u32 s21, s1;
	v8 =	vld [tilespmem:s8+$0x0]  }
0x413: {  	v11 =	vld [tilespmem:s14+$0x1A000]  }
0x414: {  	s16 =	sor.u32 s30, s1;
	v12 =	vld [tilespmem:s14+$0x8000];
	v5 =	vadd.f32 v5, v0  }
0x415: {  	s11 =	sor.u32 s31, s26;
	v10 =	vld [tilespmem:s16+$0x1A000]  }
0x416: {  	s28 =	sor.u32 s25, s4;
	[tilespmem:s5+$0x0] =	vst v5;
	v5 =	vld [tilespmem:s11+$0x0]  }
0x417: {  	s17 =	sor.u32 s31, s1;
	s26 =	sor.u32 s25, s29;
	v14 =	vld [tilespmem:s28+$0x0]  }
0x418: {  	s1 =	simm.s32 $0x40;
	s20 =	simm.s32 $0x0;
	s21 =	simm.s32 $0x0;
	v13 =	vld [tilespmem:s26+$0x0]  }
.LBB2_28:
0x419: {  	_ =	sdelay $0x1  }
0x41a: {  	s7 =	sadd.s32 $0x8, s7;
	s21 =	sadd.s32 $0x200, s21  }
0x41b: {  	v15 =	vld [tilespmem:s16+$0x8000];
	s0 =	sand.u32 $0x1C00, s21;
	s2 =	sand.u32 $0x380, s7;
	v14 =	vadd.f32 v14, v0  }
0x41c: {  	s5 =	sand.u32 $0x40, s1;
	v16 =	vld [tilespmem:s17+$0x1A000];
	s0 =	sor.u32 s2, s0;
	v13 =	vadd.f32 v13, v0  }
0x41d: {  	v17 =	vld [tilespmem:s17+$0x8000];
	s2 =	sor.u32 $0x30, s5;
	s4 =	sor.u32 $0xE000, s0;
	v1 =	vadd.f32 v1, v11;
	v2 =	vadd.f32 v2, v11;
	[tilespmem:s28+$0x0] =	vst v14  }
0x41e: {  	v12 =	vadd.f32 v12, v11;
	v3 =	vadd.f32 v3, v11;
	v11 =	vld [tilespmem:s6+$0x8000];
	s24 =	sor.u32 s2, s4;
	[tilespmem:s26+$0x0] =	vst v13  }
0x41f: {  	[dreg:$0x11] =	wrdreg s8;
	s3 =	sor.u32 $0xA000, s0;
	s31 =	sor.u32 s2, s0;
	[tilespmem:s12+$0x0] =	vst v1;
	v14 =	vld [tilespmem:s24+$0x0]  }
0x420: {  	s8 =	smov.u32 s22;
	s22 =	sor.u32 $0xC000, s0;
	v9 =	vadd.f32 v9, v10;
	s12 =	sor.u32 s5, s3;
	[tilespmem:s18+$0x0] =	vst v2;
	v13 =	vld [tilespmem:s31+$0x1A000]  }
0x421: {  	[smem:$0x7CB] =	sst s6;
	v4 =	vadd.f32 v4, v10;
	s18 =	sor.u32 s5, s22;
	[tilespmem:s9+$0x0] =	vst v3;
	v1 =	vld [tilespmem:s12+$0x0]  }
0x422: {  	v7 =	vadd.f32 v7, v10;
	s26 =	smov.u32 s23;
	s23 =	sor.u32 $0x10, s5;
	s9 =	sor.u32 s5, s4;
	[tilespmem:s8+$0x0] =	vst v9;
	v2 =	vld [tilespmem:s18+$0x0]  }
0x423: {  	s20 =	sadd.s32 $0x4, s20;
	s25 =	sor.u32 $0x20, s5;
	v6 =	vadd.f32 v6, v16;
	s29 =	sor.u32 s23, s3;
	[tilespmem:s26+$0x0] =	vst v4;
	v3 =	vld [tilespmem:s9+$0x0]  }
0x424: {  	p0 =	slt.u32 s20, $0x1FC;
	s6 =	sor.u32 s25, s3;
	[tilespmem:s15+$0x0] =	vst v7;
	s30 =	sor.u32 s23, s22;
	v4 =	vld [tilespmem:s29+$0x0]  }
0x425: {  	s19 =	sor.u32 s25, s22;
	v5 =	vadd.f32 v5, v16;
	s10 =	sor.u32 s23, s4;
	[tilespmem:s13+$0x0] =	vst v6;
	s13 =	smov.u32 s6;
	v9 =	vld [tilespmem:s30+$0x0]  }
0x426: {  	v15 =	vadd.f32 v15, v10;
	s28 =	sor.u32 s2, s3;
	[tilespmem:s14+$0x8000] =	vst v12;
	s4 =	sor.u32 s25, s4;
	s15 =	smov.u32 s10;
	v6 =	vld [tilespmem:s13+$0x0]  }
0x427: {  	v10 =	vadd.f32 v17, v16;
	s26 =	sor.u32 s2, s22;
	s2 =	sor.u32 s5, s0;
	[tilespmem:s11+$0x0] =	vst v5;
	s11 =	smov.u32 s4;
	v7 =	vld [tilespmem:s15+$0x0]  }
0x428: {  	v8 =	vadd.f32 v8, v16;
	s8 =	smov.u32 s19;
	s3 =	sor.u32 s23, s0;
	[tilespmem:s16+$0x8000] =	vst v15;
	s14 =	smov.u32 s2;
	v5 =	vld [tilespmem:s11+$0x0]  }
0x429: {  	[tilespmem:s17+$0x8000] =	vst v10;
	s23 =	smov.u32 s29;
	s29 =	rddreg [dreg:$0x11];
	s16 =	smov.u32 s3;
	v12 =	vld [tilespmem:s14+$0x8000]  }
.Ltmp13:
0x42a: {  	s22 =	smov.u32 s30;
	s30 =	sld [smem:$0x7CB];
	[tilespmem:s29+$0x0] =	vst v8;
	v10 =	vld [tilespmem:s16+$0x1A000];
	(pc) =	sbr.rel @p0 .LBB2_28-.Ltmp13, $4  }
0x42b: {  	v63 =	vadd.f32 v11, v0;
	v8 =	vld [tilespmem:s8+$0x0];
	v0 =	vmov v13  }
0x42c: {  	v13 =	vld [tilespmem:s26+$0x0];
	v11 =	vadd.f32 v14, v0  }
0x42d: {  	s0 =	sor.u32 s25, s0;
	[tilespmem:s30+$0x8000] =	vst v63;
	v14 =	vld [tilespmem:s28+$0x0]  }
0x42e: {  	s1 =	sadd.s32 $0x40, s1;
	s6 =	smov.u32 s31;
	s17 =	smov.u32 s0;
	[tilespmem:s24+$0x0] =	vst v11;
	v11 =	vld [tilespmem:s14+$0x1A000]  }
0x42f: {  	_ =	sdelay $0x2  }
0x430: {  	v14 =	vadd.f32 v14, v0  }
0x431: {  	v15 =	vld [tilespmem:s17+$0x1A000];
	v13 =	vadd.f32 v13, v0  }
0x432: {  	v1 =	vadd.f32 v1, v11;
	[tilespmem:s28+$0x0] =	vst v14  }
0x433: {  	v2 =	vadd.f32 v2, v11;
	v14 =	vld [tilespmem:s6+$0x8000];
	[tilespmem:s26+$0x0] =	vst v13  }
0x434: {  	v3 =	vadd.f32 v3, v11;
	[tilespmem:s12+$0x0] =	vst v1  }
0x435: {  	v1 =	vadd.f32 v4, v10;
	[tilespmem:s18+$0x0] =	vst v2  }
0x436: {  	v6 =	vadd.f32 v6, v15;
	[tilespmem:s9+$0x0] =	vst v3  }
0x437: {  	v4 =	vadd.f32 v9, v10;
	v2 =	vld [tilespmem:s16+$0x8000];
	[tilespmem:s23+$0x0] =	vst v1  }
0x438: {  	v3 =	vadd.f32 v7, v10;
	v1 =	vld [tilespmem:s17+$0x8000];
	[tilespmem:s13+$0x0] =	vst v6  }
0x439: {  	[tilespmem:s22+$0x0] =	vst v4;
	v4 =	vadd.f32 v8, v15  }
0x43a: {  	[tilespmem:s15+$0x0] =	vst v3;
	v3 =	vadd.f32 v5, v15  }
0x43b: {  	v5 =	vadd.f32 v12, v11;
	[tilespmem:s8+$0x0] =	vst v4  }
0x43c: {  	v0 =	vadd.f32 v14, v0;
	[tilespmem:s11+$0x0] =	vst v3  }
0x43d: {  	v2 =	vadd.f32 v2, v10;
	[tilespmem:s14+$0x8000] =	vst v5  }
0x43e: {  	v1 =	vadd.f32 v1, v15;
	[tilespmem:s6+$0x8000] =	vst v0  }
0x43f: {  	[tilespmem:s16+$0x8000] =	vst v2  }
0x440: {  	[tilespmem:s17+$0x8000] =	vst v1  }
0x441: {  	s0 =	sld [smem:$0x7F3]  }
0x442: {  	s1 =	simm.s32 $0x2000  }
0x443: {  	s2 =	simm.s32 $0x400000;
	s3 =	simm.s32 $0x8000;
	s15 =	simm.s32 $0x7  }
0x444: {  	[hbm4b:s0+s1] =	stream.strided.scatter [tilespmem:s3], [sflag:$0x5], $0x8000, s2, s1, $0x38;
	[tilespmem:$0x1C000] =	vst v63  }
0x445: {  	_ =	swait.ge [sflag:s15], $0x2000  }
0x446: {  	[sflag:s15] =	ssyncset.done $0x0  }
0x447: {  	s16 =	simm.s32 $0x3;
	[sflag:s15] =	ssyncadd.s32 $0xFFFFE000  }
0x448: {  	_ =	swait.ge [sflag:s16], $0x8000  }
0x449: {  	[sflag:s16] =	ssyncset.done $0x0  }
0x44a: {  	s17 =	simm.s32 $0x4;
	[sflag:s16] =	ssyncadd.s32 $0xFFFF8000  }
0x44b: {  	_ =	swait.ge [sflag:s17], $0x8000  }
0x44c: {  	s18 =	sld [smem:$0x7F8]  }
0x44d: {  	s7 =	simm.s32 $0x0;
	[sflag:s17] =	ssyncset.done $0x0  }
0x44e: {  	s19 =	simm.s32 $0x1A000;
	s20 =	sld [smem:$0x7FA];
	[sflag:s17] =	ssyncadd.s32 $0xFFFF8000  }
0x44f: {  	[tilespmem:s19], [sflag:$0x8] =	stream.linear.gather [hbm4b:s18+s7], $0x2000, $0x38;
	[tilespmem:$0x1C000] =	vst v63  }
0x450: {  	s21 =	sand.u32 $0x40, s7;
	s24 =	sand.u32 $0x380, s7;
	s23 =	sand.u32 $0x1C00, s7  }
0x451: {  	[tilespmem:s7], [sflag:$0x1] =	stream.strided.gather [hbm4b:s20+s1], $0x8000, s2, s1, $0x38;
	[tilespmem:$0x1C000] =	vst v63  }
0x452: {  	s25 =	sor.u32 $0x30, s21;
	s1 =	sor.u32 s24, s23  }
0x453: {  	s6 =	sor.u32 s25, s1  }
0x454: {  	s14 =	sor.u32 s21, s1;
	v0 =	vld [tilespmem:s6+$0x18000]  }
0x455: {  	s30 =	sor.u32 $0x10, s21;
	v11 =	vld [tilespmem:s14+$0x18000]  }
0x456: {  	s26 =	sor.u32 $0x16000, s1;
	s16 =	sor.u32 s30, s1;
	v12 =	vld [tilespmem:s14+$0x10000]  }
0x457: {  	s4 =	sor.u32 $0x12000, s1;
	s5 =	sor.u32 s25, s26;
	v10 =	vld [tilespmem:s16+$0x18000]  }
0x458: {  	s29 =	sor.u32 $0x14000, s1;
	s12 =	sor.u32 s21, s4;
	v5 =	vld [tilespmem:s5+$0x0]  }
0x459: {  	s18 =	sor.u32 s21, s29;
	v1 =	vld [tilespmem:s12+$0x0]  }
0x45a: {  	s9 =	sor.u32 s21, s26;
	v2 =	vld [tilespmem:s18+$0x0]  }
0x45b: {  	s23 =	sor.u32 s30, s4;
	v3 =	vld [tilespmem:s9+$0x0]  }
0x45c: {  	s22 =	sor.u32 s30, s29;
	v4 =	vld [tilespmem:s23+$0x0]  }
0x45d: {  	s31 =	sor.u32 $0x20, s21;
	s15 =	sor.u32 s30, s26;
	v9 =	vld [tilespmem:s22+$0x0]  }
0x45e: {  	s13 =	sor.u32 s31, s4;
	v7 =	vld [tilespmem:s15+$0x0]  }
0x45f: {  	s8 =	sor.u32 s31, s29;
	v6 =	vld [tilespmem:s13+$0x0];
	v5 =	vadd.f32 v5, v0  }
0x460: {  	s11 =	sor.u32 s31, s26;
	v8 =	vld [tilespmem:s8+$0x0]  }
0x461: {  	s28 =	sor.u32 s25, s4;
	[tilespmem:s5+$0x0] =	vst v5;
	v5 =	vld [tilespmem:s11+$0x0]  }
0x462: {  	s20 =	simm.s32 $0x0;
	s26 =	sor.u32 s25, s29;
	v14 =	vld [tilespmem:s28+$0x0]  }
0x463: {  	s17 =	sor.u32 s31, s1;
	s1 =	simm.s32 $0x40;
	s21 =	simm.s32 $0x0;
	v13 =	vld [tilespmem:s26+$0x0]  }
.LBB2_30:
0x464: {  	_ =	sdelay $0x1  }
0x465: {  	s7 =	sadd.s32 $0x8, s7;
	s21 =	sadd.s32 $0x200, s21  }
0x466: {  	v15 =	vld [tilespmem:s16+$0x10000];
	s0 =	sand.u32 $0x1C00, s21;
	s2 =	sand.u32 $0x380, s7;
	v14 =	vadd.f32 v14, v0  }
0x467: {  	s5 =	sand.u32 $0x40, s1;
	v16 =	vld [tilespmem:s17+$0x18000];
	s0 =	sor.u32 s2, s0;
	v13 =	vadd.f32 v13, v0  }
0x468: {  	v17 =	vld [tilespmem:s17+$0x10000];
	s2 =	sor.u32 $0x30, s5;
	s4 =	sor.u32 $0x16000, s0;
	v1 =	vadd.f32 v1, v11;
	v2 =	vadd.f32 v2, v11;
	[tilespmem:s28+$0x0] =	vst v14  }
0x469: {  	v12 =	vadd.f32 v12, v11;
	v3 =	vadd.f32 v3, v11;
	v11 =	vld [tilespmem:s6+$0x10000];
	s24 =	sor.u32 s2, s4;
	[tilespmem:s26+$0x0] =	vst v13  }
0x46a: {  	[dreg:$0x12] =	wrdreg s8;
	s3 =	sor.u32 $0x12000, s0;
	s31 =	sor.u32 s2, s0;
	[tilespmem:s12+$0x0] =	vst v1;
	v14 =	vld [tilespmem:s24+$0x0]  }
0x46b: {  	s8 =	smov.u32 s22;
	s22 =	sor.u32 $0x14000, s0;
	v9 =	vadd.f32 v9, v10;
	s12 =	sor.u32 s5, s3;
	[tilespmem:s18+$0x0] =	vst v2;
	v13 =	vld [tilespmem:s31+$0x18000]  }
0x46c: {  	[smem:$0x7CA] =	sst s6;
	v4 =	vadd.f32 v4, v10;
	s18 =	sor.u32 s5, s22;
	[tilespmem:s9+$0x0] =	vst v3;
	v1 =	vld [tilespmem:s12+$0x0]  }
0x46d: {  	v7 =	vadd.f32 v7, v10;
	s26 =	smov.u32 s23;
	s23 =	sor.u32 $0x10, s5;
	s9 =	sor.u32 s5, s4;
	[tilespmem:s8+$0x0] =	vst v9;
	v2 =	vld [tilespmem:s18+$0x0]  }
0x46e: {  	s20 =	sadd.s32 $0x4, s20;
	s25 =	sor.u32 $0x20, s5;
	v6 =	vadd.f32 v6, v16;
	s29 =	sor.u32 s23, s3;
	[tilespmem:s26+$0x0] =	vst v4;
	v3 =	vld [tilespmem:s9+$0x0]  }
0x46f: {  	p0 =	slt.u32 s20, $0x1FC;
	s6 =	sor.u32 s25, s3;
	[tilespmem:s15+$0x0] =	vst v7;
	s30 =	sor.u32 s23, s22;
	v4 =	vld [tilespmem:s29+$0x0]  }
0x470: {  	s19 =	sor.u32 s25, s22;
	v5 =	vadd.f32 v5, v16;
	s10 =	sor.u32 s23, s4;
	[tilespmem:s13+$0x0] =	vst v6;
	s13 =	smov.u32 s6;
	v9 =	vld [tilespmem:s30+$0x0]  }
0x471: {  	v15 =	vadd.f32 v15, v10;
	s28 =	sor.u32 s2, s3;
	[tilespmem:s14+$0x10000] =	vst v12;
	s4 =	sor.u32 s25, s4;
	s15 =	smov.u32 s10;
	v6 =	vld [tilespmem:s13+$0x0]  }
0x472: {  	v10 =	vadd.f32 v17, v16;
	s26 =	sor.u32 s2, s22;
	s2 =	sor.u32 s5, s0;
	[tilespmem:s11+$0x0] =	vst v5;
	s11 =	smov.u32 s4;
	v7 =	vld [tilespmem:s15+$0x0]  }
0x473: {  	v8 =	vadd.f32 v8, v16;
	s8 =	smov.u32 s19;
	s3 =	sor.u32 s23, s0;
	[tilespmem:s16+$0x10000] =	vst v15;
	s14 =	smov.u32 s2;
	v5 =	vld [tilespmem:s11+$0x0]  }
0x474: {  	[tilespmem:s17+$0x10000] =	vst v10;
	s23 =	smov.u32 s29;
	s29 =	rddreg [dreg:$0x12];
	s16 =	smov.u32 s3;
	v12 =	vld [tilespmem:s14+$0x10000]  }
.Ltmp14:
0x475: {  	s22 =	smov.u32 s30;
	s30 =	sld [smem:$0x7CA];
	[tilespmem:s29+$0x0] =	vst v8;
	v10 =	vld [tilespmem:s16+$0x18000];
	(pc) =	sbr.rel @p0 .LBB2_30-.Ltmp14, $4  }
0x476: {  	v63 =	vadd.f32 v11, v0;
	v8 =	vld [tilespmem:s8+$0x0];
	v0 =	vmov v13  }
0x477: {  	v13 =	vld [tilespmem:s26+$0x0];
	v11 =	vadd.f32 v14, v0  }
0x478: {  	s0 =	sor.u32 s25, s0;
	[tilespmem:s30+$0x10000] =	vst v63;
	v14 =	vld [tilespmem:s28+$0x0]  }
0x479: {  	s1 =	sadd.s32 $0x40, s1;
	s6 =	smov.u32 s31;
	s17 =	smov.u32 s0;
	[tilespmem:s24+$0x0] =	vst v11;
	v11 =	vld [tilespmem:s14+$0x18000]  }
0x47a: {  	_ =	sdelay $0x2  }
0x47b: {  	v14 =	vadd.f32 v14, v0  }
0x47c: {  	v15 =	vld [tilespmem:s17+$0x18000];
	v13 =	vadd.f32 v13, v0  }
0x47d: {  	v1 =	vadd.f32 v1, v11;
	[tilespmem:s28+$0x0] =	vst v14  }
0x47e: {  	v2 =	vadd.f32 v2, v11;
	v14 =	vld [tilespmem:s6+$0x10000];
	[tilespmem:s26+$0x0] =	vst v13  }
0x47f: {  	v3 =	vadd.f32 v3, v11;
	[tilespmem:s12+$0x0] =	vst v1  }
0x480: {  	v1 =	vadd.f32 v4, v10;
	[tilespmem:s18+$0x0] =	vst v2  }
0x481: {  	v6 =	vadd.f32 v6, v15;
	[tilespmem:s9+$0x0] =	vst v3  }
0x482: {  	v4 =	vadd.f32 v9, v10;
	v2 =	vld [tilespmem:s16+$0x10000];
	[tilespmem:s23+$0x0] =	vst v1  }
0x483: {  	v3 =	vadd.f32 v7, v10;
	v1 =	vld [tilespmem:s17+$0x10000];
	[tilespmem:s13+$0x0] =	vst v6  }
0x484: {  	[tilespmem:s22+$0x0] =	vst v4;
	v4 =	vadd.f32 v8, v15  }
0x485: {  	[tilespmem:s15+$0x0] =	vst v3;
	v3 =	vadd.f32 v5, v15  }
0x486: {  	v5 =	vadd.f32 v12, v11;
	[tilespmem:s8+$0x0] =	vst v4  }
0x487: {  	v0 =	vadd.f32 v14, v0;
	[tilespmem:s11+$0x0] =	vst v3  }
0x488: {  	v2 =	vadd.f32 v2, v10;
	[tilespmem:s14+$0x10000] =	vst v5  }
0x489: {  	v1 =	vadd.f32 v1, v15;
	[tilespmem:s6+$0x10000] =	vst v0  }
0x48a: {  	[tilespmem:s16+$0x10000] =	vst v2  }
0x48b: {  	[tilespmem:s17+$0x10000] =	vst v1  }
0x48c: {  	s0 =	sld [smem:$0x7FB]  }
0x48d: {  	s1 =	simm.s32 $0x2000  }
0x48e: {  	s2 =	simm.s32 $0x400000;
	s3 =	simm.s32 $0x10000;
	s19 =	simm.s32 $0x8  }
0x48f: {  	[hbm4b:s0+s1] =	stream.strided.scatter [tilespmem:s3], [sflag:$0x6], $0x8000, s2, s1, $0x38;
	[tilespmem:$0x1C000] =	vst v63  }
0x490: {  	_ =	swait.ge [sflag:s19], $0x2000  }
0x491: {  	s7 =	simm.s32 $0x0;
	[sflag:s19] =	ssyncset.done $0x0  }
0x492: {  	s20 =	simm.s32 $0x1;
	s21 =	sand.u32 $0x40, s7;
	[sflag:s19] =	ssyncadd.s32 $0xFFFFE000  }
0x493: {  	s24 =	sand.u32 $0x380, s7;
	s23 =	sand.u32 $0x1C00, s7;
	_ =	swait.ge [sflag:s20], $0x8000  }
0x494: {  	s25 =	sor.u32 $0x30, s21;
	s1 =	sor.u32 s24, s23;
	[sflag:s20] =	ssyncset.done $0x0  }
0x495: {  	s26 =	sor.u32 $0x6000, s1;
	s6 =	sor.u32 s25, s1;
	[sflag:s20] =	ssyncadd.s32 $0xFFFF8000  }
0x496: {  	s4 =	sor.u32 $0x2000, s1;
	s5 =	sor.u32 s25, s26;
	v0 =	vld [tilespmem:s6+$0x1A000]  }
0x497: {  	s29 =	sor.u32 $0x4000, s1;
	s12 =	sor.u32 s21, s4;
	v5 =	vld [tilespmem:s5+$0x0]  }
0x498: {  	s18 =	sor.u32 s21, s29;
	v1 =	vld [tilespmem:s12+$0x0]  }
0x499: {  	s30 =	sor.u32 $0x10, s21;
	s9 =	sor.u32 s21, s26;
	v2 =	vld [tilespmem:s18+$0x0]  }
0x49a: {  	s23 =	sor.u32 s30, s4;
	v3 =	vld [tilespmem:s9+$0x0]  }
0x49b: {  	s22 =	sor.u32 s30, s29;
	v4 =	vld [tilespmem:s23+$0x0]  }
0x49c: {  	s31 =	sor.u32 $0x20, s21;
	s15 =	sor.u32 s30, s26;
	v9 =	vld [tilespmem:s22+$0x0]  }
0x49d: {  	s13 =	sor.u32 s31, s4;
	v7 =	vld [tilespmem:s15+$0x0]  }
0x49e: {  	s8 =	sor.u32 s31, s29;
	v6 =	vld [tilespmem:s13+$0x0]  }
0x49f: {  	s14 =	sor.u32 s21, s1;
	v8 =	vld [tilespmem:s8+$0x0]  }
0x4a0: {  	v11 =	vld [tilespmem:s14+$0x1A000]  }
0x4a1: {  	s16 =	sor.u32 s30, s1;
	v12 =	vld [tilespmem:s14+$0x0];
	v5 =	vadd.f32 v5, v0  }
0x4a2: {  	s11 =	sor.u32 s31, s26;
	v10 =	vld [tilespmem:s16+$0x1A000]  }
0x4a3: {  	s28 =	sor.u32 s25, s4;
	[tilespmem:s5+$0x0] =	vst v5;
	v5 =	vld [tilespmem:s11+$0x0]  }
0x4a4: {  	s17 =	sor.u32 s31, s1;
	s26 =	sor.u32 s25, s29;
	v14 =	vld [tilespmem:s28+$0x0]  }
0x4a5: {  	s1 =	simm.s32 $0x40;
	s21 =	simm.s32 $0x0;
	s20 =	simm.s32 $0x0;
	v13 =	vld [tilespmem:s26+$0x0]  }
.LBB2_32:
0x4a6: {  	_ =	sdelay $0x1  }
0x4a7: {  	s7 =	sadd.s32 $0x8, s7;
	s21 =	sadd.s32 $0x200, s21  }
0x4a8: {  	v15 =	vld [tilespmem:s16+$0x0];
	s0 =	sand.u32 $0x1C00, s21;
	s2 =	sand.u32 $0x380, s7;
	v14 =	vadd.f32 v14, v0  }
0x4a9: {  	s5 =	sand.u32 $0x40, s1;
	v16 =	vld [tilespmem:s17+$0x1A000];
	s0 =	sor.u32 s2, s0;
	v13 =	vadd.f32 v13, v0  }
0x4aa: {  	v17 =	vld [tilespmem:s17+$0x0];
	s2 =	sor.u32 $0x30, s5;
	s4 =	sor.u32 $0x6000, s0;
	v1 =	vadd.f32 v1, v11;
	v2 =	vadd.f32 v2, v11;
	[tilespmem:s28+$0x0] =	vst v14  }
0x4ab: {  	v12 =	vadd.f32 v12, v11;
	v3 =	vadd.f32 v3, v11;
	v11 =	vld [tilespmem:s6+$0x0];
	s24 =	sor.u32 s2, s4;
	[tilespmem:s26+$0x0] =	vst v13  }
0x4ac: {  	[dreg:$0x13] =	wrdreg s8;
	s3 =	sor.u32 $0x2000, s0;
	s31 =	sor.u32 s2, s0;
	[tilespmem:s12+$0x0] =	vst v1;
	v14 =	vld [tilespmem:s24+$0x0]  }
0x4ad: {  	s8 =	smov.u32 s22;
	s22 =	sor.u32 $0x4000, s0;
	v9 =	vadd.f32 v9, v10;
	s12 =	sor.u32 s5, s3;
	[tilespmem:s18+$0x0] =	vst v2;
	v13 =	vld [tilespmem:s31+$0x1A000]  }
0x4ae: {  	[smem:$0x7C9] =	sst s6;
	v4 =	vadd.f32 v4, v10;
	s18 =	sor.u32 s5, s22;
	[tilespmem:s9+$0x0] =	vst v3;
	v1 =	vld [tilespmem:s12+$0x0]  }
0x4af: {  	v7 =	vadd.f32 v7, v10;
	s26 =	smov.u32 s23;
	s23 =	sor.u32 $0x10, s5;
	s9 =	sor.u32 s5, s4;
	[tilespmem:s8+$0x0] =	vst v9;
	v2 =	vld [tilespmem:s18+$0x0]  }
0x4b0: {  	s20 =	sadd.s32 $0x4, s20;
	s25 =	sor.u32 $0x20, s5;
	v6 =	vadd.f32 v6, v16;
	s29 =	sor.u32 s23, s3;
	[tilespmem:s26+$0x0] =	vst v4;
	v3 =	vld [tilespmem:s9+$0x0]  }
0x4b1: {  	p0 =	slt.u32 s20, $0x1FC;
	s6 =	sor.u32 s25, s3;
	[tilespmem:s15+$0x0] =	vst v7;
	s30 =	sor.u32 s23, s22;
	v4 =	vld [tilespmem:s29+$0x0]  }
0x4b2: {  	s19 =	sor.u32 s25, s22;
	v5 =	vadd.f32 v5, v16;
	s10 =	sor.u32 s23, s4;
	[tilespmem:s13+$0x0] =	vst v6;
	s13 =	smov.u32 s6;
	v9 =	vld [tilespmem:s30+$0x0]  }
0x4b3: {  	v15 =	vadd.f32 v15, v10;
	s28 =	sor.u32 s2, s3;
	[tilespmem:s14+$0x0] =	vst v12;
	s4 =	sor.u32 s25, s4;
	s15 =	smov.u32 s10;
	v6 =	vld [tilespmem:s13+$0x0]  }
0x4b4: {  	v10 =	vadd.f32 v17, v16;
	s26 =	sor.u32 s2, s22;
	s2 =	sor.u32 s5, s0;
	[tilespmem:s11+$0x0] =	vst v5;
	s11 =	smov.u32 s4;
	v7 =	vld [tilespmem:s15+$0x0]  }
0x4b5: {  	v8 =	vadd.f32 v8, v16;
	s8 =	smov.u32 s19;
	s3 =	sor.u32 s23, s0;
	[tilespmem:s16+$0x0] =	vst v15;
	s14 =	smov.u32 s2;
	v5 =	vld [tilespmem:s11+$0x0]  }
0x4b6: {  	[tilespmem:s17+$0x0] =	vst v10;
	s23 =	smov.u32 s29;
	s29 =	rddreg [dreg:$0x13];
	s16 =	smov.u32 s3;
	v12 =	vld [tilespmem:s14+$0x0]  }
.Ltmp15:
0x4b7: {  	s22 =	smov.u32 s30;
	s30 =	sld [smem:$0x7C9];
	[tilespmem:s29+$0x0] =	vst v8;
	v10 =	vld [tilespmem:s16+$0x1A000];
	(pc) =	sbr.rel @p0 .LBB2_32-.Ltmp15, $4  }
0x4b8: {  	v63 =	vadd.f32 v11, v0;
	v8 =	vld [tilespmem:s8+$0x0];
	v0 =	vmov v13  }
0x4b9: {  	v13 =	vld [tilespmem:s26+$0x0];
	v11 =	vadd.f32 v14, v0  }
0x4ba: {  	s0 =	sor.u32 s25, s0;
	[tilespmem:s30+$0x0] =	vst v63;
	v14 =	vld [tilespmem:s28+$0x0]  }
0x4bb: {  	s1 =	sadd.s32 $0x40, s1;
	s6 =	smov.u32 s31;
	s17 =	smov.u32 s0;
	[tilespmem:s24+$0x0] =	vst v11;
	v11 =	vld [tilespmem:s14+$0x1A000]  }
0x4bc: {  	v55 =	vadd.f32 v4, v10  }
0x4bd: {  	v15 =	vld [tilespmem:s17+$0x1A000];
	v57 =	vadd.f32 v9, v10  }
0x4be: {  	v56 =	vld [tilespmem:s16+$0x0];
	v58 =	vadd.f32 v7, v10;
	[tilespmem:s23+$0x0] =	vst v55  }
0x4bf: {  	v14 =	vadd.f32 v14, v0;
	[tilespmem:s22+$0x0] =	vst v57  }
0x4c0: {  	v13 =	vadd.f32 v13, v0;
	[tilespmem:s15+$0x0] =	vst v58  }
0x4c1: {  	v1 =	vadd.f32 v1, v11;
	[tilespmem:s28+$0x0] =	vst v14  }
0x4c2: {  	v2 =	vadd.f32 v2, v11;
	v14 =	vld [tilespmem:s6+$0x0];
	[tilespmem:s26+$0x0] =	vst v13  }
0x4c3: {  	v6 =	vadd.f32 v6, v15;
	[tilespmem:s12+$0x0] =	vst v1  }
0x4c4: {  	v59 =	vld [tilespmem:s17+$0x0];
	v3 =	vadd.f32 v3, v11;
	[tilespmem:s18+$0x0] =	vst v2  }
0x4c5: {  	v60 =	vadd.f32 v8, v15;
	[tilespmem:s13+$0x0] =	vst v6  }
0x4c6: {  	v61 =	vadd.f32 v5, v15;
	[tilespmem:s9+$0x0] =	vst v3  }
0x4c7: {  	v62 =	vadd.f32 v12, v11;
	[tilespmem:s8+$0x0] =	vst v60  }
0x4c8: {  	v2 =	vadd.f32 v56, v10;
	[tilespmem:s11+$0x0] =	vst v61  }
0x4c9: {  	v1 =	vadd.f32 v59, v15;
	[tilespmem:s14+$0x0] =	vst v62  }
0x4ca: {  	[tilespmem:s16+$0x0] =	vst v2;
	v63 =	vadd.f32 v14, v0  }
0x4cb: {  	[tilespmem:s17+$0x0] =	vst v1  }
0x4cc: {  	[tilespmem:s6+$0x0] =	vst v63  }
0x4cd: {  	s0 =	sld [smem:$0x7FC]  }
0x4ce: {  	s2 =	simm.s32 $0x2000  }
0x4cf: {  	s3 =	simm.s32 $0x400000;
	s29 =	simm.s32 $0x5;
	s8 =	simm.s32 $0x0  }
0x4d0: {  	[hbm4b:s0+s2] =	stream.strided.scatter [tilespmem:s8], [sflag:$0x4], $0x8000, s3, s2, $0x38;
	[tilespmem:$0x1C000] =	vst v63  }
0x4d1: {  	_ =	swait.ge [sflag:s29], $0x8000  }
0x4d2: {  	[sflag:s29] =	ssyncset.done $0x0  }
0x4d3: {  	s30 =	simm.s32 $0x6;
	[sflag:s29] =	ssyncadd.s32 $0xFFFF8000  }
0x4d4: {  	_ =	swait.ge [sflag:s30], $0x8000  }
0x4d5: {  	[sflag:s30] =	ssyncset.done $0x0  }
0x4d6: {  	s1 =	simm.s32 $0x4;
	[sflag:s30] =	ssyncadd.s32 $0xFFFF8000  }
0x4d7: {  	_ =	swait.ge [sflag:s1], $0x8000  }
0x4d8: {  	s4 =	sld [smem:$0x7CC]  }
0x4d9: {  	s31 =	sld [smem:$0x7FD];
	_ =	sdelay $0x1  }
0x4da: {  	s4 =	sadd.s32 $0x1, s4  }
0x4db: {  	p0 =	sne.s32 s4, s31  }
.Ltmp16:
0x4dc: {  	_ = 	snop;
	(pc) =	sbr.rel @p0 .LBB2_1-.Ltmp16, $3  }
0x4dd: {  	_ =	sdelay $0x1  }
0x4de: {  	[sflag:s1] =	ssyncset.done $0x0  }
0x4df: {  	[sflag:s1] =	ssyncadd.s32 $0xFFFF8000  }
0x4e0: {  	_ =	sfence.sel $0x180000  }
0x4e1: {  	[bflag:$0x0] =	sbarrier.arrive $0xFFFF  }
0x4e2: {  	_ =	strace $0x90000047  }
0x4e3: {  	s0 =	stileid.u32;
	[bflag:$0x2] =	sbarrier.arrive $0xFFFF  }
0x4e4: {  	p0 =	sne.s32 s0, $0x0;
	s0 =	rddreg [dreg:$0x3]  }
0x4e5: {  	s0 =	sadd.s32 @!p0 $0x100000, s0  }
0x4e6: {  	[sflag:s0] =	ssyncadd.tile.s32 @!p0 $0x1;
	_ =	shalt  }
.Lfunc_end2:
_tile_overlayer_lowered:
.L_overlay_start_2:
0x4e7: {  	(tag) =	ssettag $0x2  }
0x4e8: {  	s0 =	rddreg [dreg:$0x0];
	s2 =	stileid.u32  }
0x4e9: {  	s1 =	rddreg [dreg:$0x1];
	p0 =	sne.s32 s2, $0x0  }
0x4ea: {  	s3 =	rddreg [dreg:$0x2];
	[bflag:$0x3] =	sbarrier.arrive $0xFFFF;
	s2 =	simm.s32 @!p0 $0x1C09  }
0x4eb: {  	[timem:s3], [sflag:s2] =	dma.local @!p0 [hbm:s0], s1  }
0x4ec: {  	s0 =	simm.s32 @!p0 $0x9  }
0x4ed: {  	_ =	swait.ge @!p0 [sflag:s0], s1  }
0x4ee: {  	s1 =	ssub.s32 @!p0 $0x0, s1;
	[sflag:s0] =	ssyncset.done @!p0 $0x0  }
0x4ef: {  	[sflag:s0] =	ssyncadd.s32 @!p0 s1  }
0x4f0: {  	[bflag:$0x3] =	sbarrier.arrive $0xFFFF  }
0x4f1: {  	_ =	shalt  }

</sc_bundles>
